<compile_context>
chip_gen: v7x
topology: tpu7x:2x2x1
jax: 0.10.2.dev20260603
libtpu: 0.0.44.dev20260713+nightly
codegen_flags: <defaults>
</compile_context>

<pallas_src>
import functools

import jax
import jax.numpy as jnp
from jax import lax
from jax.experimental import pallas as pl
from jax.experimental.pallas import tpu as pltpu
from jax.experimental.pallas import tpu_sc as plsc

_N = 10000
_E = 160000
_D = 128
_DE = 16
_H = 16
_G = 64

_NC = 2
_NS = 16
_NW = _NC * _NS
_CHUNK = 128
_CPT = 40
_EPAD = _NW * _CPT * _CHUNK
_NROWS = 10112
_RPT = _NROWS // _NS
_EB = 4096


def _bf16_dot(a, b):
    return jnp.dot(a.astype(jnp.bfloat16), b.astype(jnp.bfloat16),
                   preferred_element_type=jnp.float32)


def _bround(a):
    return a.astype(jnp.bfloat16).astype(jnp.float32)



def _einsum_body(din, xg_ref, eat_ref, w_ref, b_ref, msg_ref):
    wt = _bround(_bf16_dot(w_ref[...], eat_ref[...]) + b_ref[:, 0:1])
    xt = _bround(jnp.transpose(xg_ref[...]))
    acc = xt[0:1, :] * wt[0:_H, :]
    for i in range(1, din):
        acc = acc + xt[i:i + 1, :] * wt[i * _H:(i + 1) * _H, :]
    msg_ref[...] = jnp.transpose(acc)


def _tc_einsum(din, xg, eat, lin_w, lin_b8):
    return pl.pallas_call(
        functools.partial(_einsum_body, din),
        grid=(_EPAD // _EB,),
        in_specs=[
            pl.BlockSpec((_EB, din), lambda i: (i, 0)),
            pl.BlockSpec((_DE, _EB), lambda i: (0, i)),
            pl.BlockSpec((din * _H, _DE), lambda i: (0, 0)),
            pl.BlockSpec((din * _H, 8), lambda i: (0, 0)),
        ],
        out_specs=pl.BlockSpec((_EB, _H), lambda i: (i, 0)),
        out_shape=jax.ShapeDtypeStruct((_EPAD, _H), jnp.float32),
    )(xg, eat, lin_w, lin_b8)



def _node_body(rnd, p_ref, h_ref, root_ref, b_ref, out_ref):
    h = jax.nn.relu(p_ref[0, :_N] + p_ref[1, :_N]
                    + _bf16_dot(h_ref[...], root_ref[...]) + b_ref[...])
    out_ref[...] = _bround(h) if rnd else h


def _tc_node(parts, h, root, bias, rnd):
    return pl.pallas_call(
        functools.partial(_node_body, rnd),
        out_shape=jax.ShapeDtypeStruct((_N, _H), jnp.float32),
    )(parts, h, root, bias)



def _final_body(h_ref, batch_ref,
                w1_ref, b1_ref, w2_ref, b2_ref, w3_ref, b3_ref, w4_ref, b4_ref,
                out_ref):
    seg = lax.broadcasted_iota(jnp.int32, (_G, _N), 0)
    onehot = (seg == batch_ref[0][None, :]).astype(jnp.float32)
    g = jnp.dot(onehot, h_ref[...], preferred_element_type=jnp.float32,
                precision=lax.Precision.HIGHEST)
    g = jax.nn.relu(_bf16_dot(g, w1_ref[...]) + b1_ref[...])
    g = jax.nn.relu(_bf16_dot(g, w2_ref[...]) + b2_ref[...])
    g = jax.nn.relu(_bf16_dot(g, w3_ref[...]) + b3_ref[...])
    out_ref[...] = _bf16_dot(g, w4_ref[...]) + b4_ref[...]


def _tc_final(h3, batch2d, w1, b1, w2, b2, w3, b3, w4, b4):
    return pl.pallas_call(
        _final_body,
        out_shape=jax.ShapeDtypeStruct((_G, 8), jnp.float32),
    )(h3, batch2d, w1, b1, w2, b2, w3, b3, w4, b4)



def _make_gather(dw):
    mesh = plsc.VectorSubcoreMesh(core_axis_name="c", subcore_axis_name="s")
    return functools.partial(
        pl.kernel,
        out_type=jax.ShapeDtypeStruct((_EPAD, dw), jnp.float32),
        mesh=mesh,
        scratch_types=[
            pltpu.VMEM((_CPT, _CHUNK), jnp.int32),
            pltpu.VMEM((_CHUNK, dw), jnp.float32),
            pltpu.VMEM((_CHUNK, dw), jnp.float32),
            pltpu.VMEM((_CHUNK, dw), jnp.float32),
            pltpu.VMEM((_CHUNK, dw), jnp.float32),
            pltpu.SemaphoreType.DMA,
            pltpu.SemaphoreType.DMA,
            pltpu.SemaphoreType.DMA,
            pltpu.SemaphoreType.DMA,
            pltpu.SemaphoreType.DMA,
            pltpu.SemaphoreType.DMA,
            pltpu.SemaphoreType.DMA,
            pltpu.SemaphoreType.DMA,
        ],
        compiler_params=pltpu.CompilerParams(use_tc_tiling_on_sc=False),
    )(_gather_body)


def _gather_body(tab_hbm, src_hbm, out_hbm, src_v,
                 r0, r1, r2, r3, g0, g1, g2, g3, w0, w1, w2, w3):
    cid = lax.axis_index("c")
    sid = lax.axis_index("s")
    wid = cid * _NS + sid
    pltpu.sync_copy(src_hbm.at[pl.ds(wid * _CPT, _CPT)], src_v)
    bufs = (r0, r1, r2, r3)
    gsems = (g0, g1, g2, g3)
    wsems = (w0, w1, w2, w3)

    def start(j, b):
        pltpu.async_copy(tab_hbm.at[src_v.at[j]], bufs[b], gsems[b])

    def wait_g(b):
        pltpu.make_async_copy(tab_hbm.at[src_v.at[0]], bufs[b],
                              gsems[b]).wait()

    def start_w(j, b):
        base_e = (wid * _CPT + j) * _CHUNK
        pltpu.async_copy(bufs[b], out_hbm.at[pl.ds(base_e, _CHUNK)], wsems[b])

    def wait_w(b):
        pltpu.make_async_copy(bufs[b], out_hbm.at[pl.ds(0, _CHUNK)],
                              wsems[b]).wait()

    for b in range(4):
        start(b, b)

    def body(jj, carry):
        j0 = 4 * jj
        for b in range(4):
            wait_g(b)
            start_w(j0 + b, b)

        @pl.when(jj < _CPT // 4 - 1)
        def _():
            for b in range(4):
                wait_w(b)
                start(j0 + 4 + b, b)

        return carry

    lax.fori_loop(0, _CPT // 4, body, 0)
    for b in range(4):
        wait_w(b)



def _make_scatter():
    mesh = plsc.VectorSubcoreMesh(core_axis_name="c", subcore_axis_name="s")
    return functools.partial(
        pl.kernel,
        out_type=jax.ShapeDtypeStruct((_NC, _NROWS, _H), jnp.float32),
        mesh=mesh,
        scratch_types=[
            pltpu.VMEM((_CPT, _CHUNK), jnp.int32),
            pltpu.VMEM((_CHUNK, _H), jnp.float32),
            pltpu.VMEM((_CHUNK, _H), jnp.float32),
            pltpu.VMEM((_RPT, _H), jnp.float32),
            pltpu.VMEM_SHARED((_NROWS, _H), jnp.float32),
            pltpu.SemaphoreType.DMA,
            pltpu.SemaphoreType.DMA,
            pltpu.SemaphoreType.DMA,
            pltpu.SemaphoreType.DMA,
        ],
        compiler_params=pltpu.CompilerParams(use_tc_tiling_on_sc=False),
    )(_scatter_body)


def _scatter_body(msg_hbm, dst_hbm, out_hbm,
                  dst_v, msg_a, msg_b, zb_v, acc_sh, ls_a, ls_b, ss_a, ss_b):
    cid = lax.axis_index("c")
    sid = lax.axis_index("s")
    wid = cid * _NS + sid
    pltpu.sync_copy(dst_hbm.at[pl.ds(wid * _CPT, _CPT)], dst_v)

    def start_l(j, msg, lsem):
        base_e = (wid * _CPT + j) * _CHUNK
        pltpu.async_copy(msg_hbm.at[pl.ds(base_e, _CHUNK)], msg, lsem)

    def wait_l(msg, lsem):
        pltpu.make_async_copy(msg_hbm.at[pl.ds(0, _CHUNK)], msg, lsem).wait()

    def start_s(j, msg, ssem):
        pltpu.async_copy(msg, acc_sh.at[dst_v.at[j]], ssem, add=True)

    def wait_s(msg, ssem):
        pltpu.make_async_copy(msg, acc_sh.at[dst_v.at[0]], ssem).wait()

    start_l(0, msg_a, ls_a)
    start_l(1, msg_b, ls_b)

    zeros16 = jnp.zeros((_H,), jnp.float32)

    def zinit(i, carry):
        zb_v[i, :] = zeros16
        return carry

    lax.fori_loop(0, _RPT, zinit, 0)
    pltpu.sync_copy(zb_v, acc_sh.at[pl.ds(sid * _RPT, _RPT)])
    plsc.subcore_barrier()

    def body(jj, carry):
        j0 = 2 * jj
        wait_l(msg_a, ls_a)
        start_s(j0, msg_a, ss_a)
        wait_l(msg_b, ls_b)
        start_s(j0 + 1, msg_b, ss_b)

        @pl.when(jj < _CPT // 2 - 1)
        def _():
            wait_s(msg_a, ss_a)
            start_l(j0 + 2, msg_a, ls_a)
            wait_s(msg_b, ss_b)
            start_l(j0 + 3, msg_b, ls_b)

        return carry

    lax.fori_loop(0, _CPT // 2, body, 0)
    wait_s(msg_a, ss_a)
    wait_s(msg_b, ss_b)
    plsc.subcore_barrier()
    pltpu.sync_copy(acc_sh.at[pl.ds(sid * _RPT, _RPT)], zb_v)
    pltpu.sync_copy(zb_v, out_hbm.at[cid, pl.ds(sid * _RPT, _RPT)])


@functools.cache
def _sc_kernels():
    return _make_gather(_D), _make_gather(_H), _make_scatter()



def kernel(x, edge_index, edge_attr, batch,
           lin1_w, lin1_b, root1, bias1,
           lin2_w, lin2_b, root2, bias2,
           lin3_w, lin3_b, root3, bias3,
           fc1_w, fc1_b, fc2_w, fc2_b, fc3_w, fc3_b, fc4_w, fc4_b):
    gather_x, gather_h, scatter = _sc_kernels()
    pad = _EPAD - _E
    src = jnp.concatenate([edge_index[0], jnp.zeros((pad,), jnp.int32)])
    src = src.reshape(_EPAD // _CHUNK, _CHUNK)
    dst = jnp.concatenate([edge_index[1], jnp.full((pad,), _N, jnp.int32)])
    dst = dst.reshape(_EPAD // _CHUNK, _CHUNK)
    eat = jnp.concatenate(
        [edge_attr, jnp.zeros((pad, _DE), jnp.float32)], axis=0).T

    def b8(b):
        return jnp.pad(b.reshape(-1, 1), ((0, 0), (0, 7)))

    hr = x
    h = x
    for lw, lb, rt, bs, din, last in (
            (lin1_w, lin1_b, root1, bias1, _D, False),
            (lin2_w, lin2_b, root2, bias2, _H, False),
            (lin3_w, lin3_b, root3, bias3, _H, True)):
        xg = (gather_x if din == _D else gather_h)(hr, src)
        msg = _tc_einsum(din, xg, eat, lw, b8(lb))
        parts = scatter(msg, dst)
        nxt = _tc_node(parts, h, rt, bs.reshape(1, _H), rnd=not last)
        hr, h = nxt, nxt
    out8 = _tc_final(h, batch.reshape(1, _N),
                     fc1_w.T, fc1_b.reshape(1, -1),
                     fc2_w.T, fc2_b.reshape(1, -1),
                     fc3_w.T, fc3_b.reshape(1, -1),
                     jnp.pad(fc4_w.T, ((0, 0), (0, 7))),
                     jnp.pad(fc4_b, (0, 7)).reshape(1, 8))
    return out8[:, 0]

# --- scband reference (transcript-rebuilt; emitter-appended) ---
"""Pipeline reference for scband-gcn-temp-16595753632119 (READ-ONLY COPY).

The authoritative reference and input builder live on the scoring server;
editing this copy changes nothing except your own understanding.
"""

import jax, jax.numpy as jnp
import numpy as np

N = 10000
E = 160000
D = 128
DE = 16
H1 = 16
H2 = 16
H3 = 16
F1 = 64
F2 = 32
F3 = 16
G = 64


def setup_inputs(seed: int = 0) -> dict:
    key = jax.random.key(seed)
    ks = jax.random.split(key, 32)
    s = 0.05
    inp = {}
    inp['x'] = jax.random.normal(ks[0], (N, D), dtype=jnp.float32)
    inp['edge_index'] = jax.random.randint(ks[1], (2, E), 0, N, dtype=jnp.int32)
    inp['edge_attr'] = jax.random.normal(ks[2], (E, DE), dtype=jnp.float32)
    inp['batch'] = jnp.sort(jax.random.randint(ks[3], (N,), 0, G, dtype=jnp.int32))
    # NNConv layer 1: edge nn Linear(DE -> D*H1), root weight [D,H1], bias [H1]
    inp['lin1_w'] = jax.random.normal(ks[4], (D * H1, DE), dtype=jnp.float32) * s
    inp['lin1_b'] = jax.random.normal(ks[5], (D * H1,), dtype=jnp.float32) * s
    inp['root1'] = jax.random.normal(ks[6], (D, H1), dtype=jnp.float32) * s
    inp['bias1'] = jax.random.normal(ks[7], (H1,), dtype=jnp.float32) * s
    # NNConv layer 2: Linear(DE -> H1*H2)
    inp['lin2_w'] = jax.random.normal(ks[8], (H1 * H2, DE), dtype=jnp.float32) * s
    inp['lin2_b'] = jax.random.normal(ks[9], (H1 * H2,), dtype=jnp.float32) * s
    inp['root2'] = jax.random.normal(ks[10], (H1, H2), dtype=jnp.float32) * s
    inp['bias2'] = jax.random.normal(ks[11], (H2,), dtype=jnp.float32) * s
    # NNConv layer 3: Linear(DE -> H2*H3)
    inp['lin3_w'] = jax.random.normal(ks[12], (H2 * H3, DE), dtype=jnp.float32) * s
    inp['lin3_b'] = jax.random.normal(ks[13], (H2 * H3,), dtype=jnp.float32) * s
    inp['root3'] = jax.random.normal(ks[14], (H2, H3), dtype=jnp.float32) * s
    inp['bias3'] = jax.random.normal(ks[15], (H3,), dtype=jnp.float32) * s
    # FCN head
    inp['fc1_w'] = jax.random.normal(ks[16], (F1, H3), dtype=jnp.float32) * s
    inp['fc1_b'] = jax.random.normal(ks[17], (F1,), dtype=jnp.float32) * s
    inp['fc2_w'] = jax.random.normal(ks[18], (F2, F1), dtype=jnp.float32) * s
    inp['fc2_b'] = jax.random.normal(ks[19], (F2,), dtype=jnp.float32) * s
    inp['fc3_w'] = jax.random.normal(ks[20], (F3, F2), dtype=jnp.float32) * s
    inp['fc3_b'] = jax.random.normal(ks[21], (F3,), dtype=jnp.float32) * s
    inp['fc4_w'] = jax.random.normal(ks[22], (1, F3), dtype=jnp.float32) * s
    inp['fc4_b'] = jax.random.normal(ks[23], (1,), dtype=jnp.float32) * s
    return inp


def _nnconv(x, src, dst, edge_attr, lin_w, lin_b, root, bias, din, dout):
    # PyG NNConv: out_i = x_i @ root + sum_{j in N(i)} x_j @ reshape(nn(e_ji), [din, dout]) + bias
    W = (edge_attr @ lin_w.T + lin_b).reshape(edge_attr.shape[0], din, dout)
    msg = jnp.einsum('ei,eio->eo', x[src], W)
    agg = jax.ops.segment_sum(msg, dst, num_segments=x.shape[0])
    return agg + x @ root + bias


def reference(x, edge_index, edge_attr, batch,
              lin1_w, lin1_b, root1, bias1,
              lin2_w, lin2_b, root2, bias2,
              lin3_w, lin3_b, root3, bias3,
              fc1_w, fc1_b, fc2_w, fc2_b, fc3_w, fc3_b, fc4_w, fc4_b):
    src = edge_index[0]
    dst = edge_index[1]
    h = jax.nn.relu(_nnconv(x, src, dst, edge_attr, lin1_w, lin1_b, root1, bias1, D, H1))
    # dropout is identity in eval mode
    h = jax.nn.relu(_nnconv(h, src, dst, edge_attr, lin2_w, lin2_b, root2, bias2, H1, H2))
    h = jax.nn.relu(_nnconv(h, src, dst, edge_attr, lin3_w, lin3_b, root3, bias3, H2, H3))
    g = jax.ops.segment_sum(h, batch, num_segments=G)  # SumAggregation readout
    g = jax.nn.relu(g @ fc1_w.T + fc1_b)
    g = jax.nn.relu(g @ fc2_w.T + fc2_b)
    g = jax.nn.relu(g @ fc3_w.T + fc3_b)
    out = g @ fc4_w.T + fc4_b
    return out.reshape(-1)

if __name__ == "__main__":
    import jax
    _d = setup_inputs()
    print(jax.jit(kernel)(*tuple(_d.values())))

</pallas_src>

<mosaic_0001>
#map = affine_map<(d0, d1) -> (0, 0)>
module attributes {stable_mosaic.version = 14 : i64} {
  func.func @_gather_body(%arg0: i32, %arg1: i32, %arg2: memref<10000x128xf32, #tpu.memory_space<hbm>>, %arg3: memref<1280x128xi32, #tpu.memory_space<hbm>>, %arg4: memref<163840x128xf32, #tpu.memory_space<hbm>>, %arg5: memref<40x128xi32, #tpu.memory_space<vmem>>, %arg6: memref<128x128xf32, #tpu.memory_space<vmem>>, %arg7: memref<128x128xf32, #tpu.memory_space<vmem>>, %arg8: memref<128x128xf32, #tpu.memory_space<vmem>>, %arg9: memref<128x128xf32, #tpu.memory_space<vmem>>, %arg10: memref<!tpu.dma_semaphore, #tpu.memory_space<semaphore_mem>>, %arg11: memref<!tpu.dma_semaphore, #tpu.memory_space<semaphore_mem>>, %arg12: memref<!tpu.dma_semaphore, #tpu.memory_space<semaphore_mem>>, %arg13: memref<!tpu.dma_semaphore, #tpu.memory_space<semaphore_mem>>, %arg14: memref<!tpu.dma_semaphore, #tpu.memory_space<semaphore_mem>>, %arg15: memref<!tpu.dma_semaphore, #tpu.memory_space<semaphore_mem>>, %arg16: memref<!tpu.dma_semaphore, #tpu.memory_space<semaphore_mem>>, %arg17: memref<!tpu.dma_semaphore, #tpu.memory_space<semaphore_mem>>) attributes {dimension_semantics = [#tpu.dimension_semantics<core_parallel>, #tpu.dimension_semantics<subcore_parallel>], iteration_bounds = array<i64: 2, 16>, scalar_prefetch = 0 : i64, scratch_operands = 13 : i64, tpu.core_type = #tpu.core_type<sc_vector_subcore>, window_params = [{transform_indices = #map}, {transform_indices = #map}, {transform_indices = #map}]} {
    %mul3A = arith.constant 16 : i32
    %mul3A_0 = arith.muli %arg0, %mul3A : i32
    %add3A = arith.addi %mul3A_0, %arg1 : i32
    %mul3A_1 = arith.constant 40 : i32
    %mul3A_2 = arith.muli %add3A, %mul3A_1 : i32
    "tpu.region"() ({
      %run_scoped3A = tpu.sem_alloc : memref<!tpu.dma_semaphore, #tpu.memory_space<semaphore_mem>>
      %dma_start3A_58 = arith.constant 0 : i32
      %dma_start3A_59 = tpu.memref_slice %arg3[%mul3A_2, %dma_start3A_58] : memref<1280x128xi32, #tpu.memory_space<hbm>> -> memref<40x128xi32, #tpu.memory_space<hbm>>
      %dma_start3A_60 = arith.constant 0 : i32
      %dma_start3A_61 = tpu.memref_slice %arg3[%mul3A_2, %dma_start3A_60] : memref<1280x128xi32, #tpu.memory_space<hbm>> -> memref<40x128xi32, #tpu.memory_space<hbm>>
      tpu.enqueue_dma source(%dma_start3A_61 : memref<40x128xi32, #tpu.memory_space<hbm>>) target(%arg5 : memref<40x128xi32, #tpu.memory_space<vmem>>) target_semaphore(%run_scoped3A : memref<!tpu.dma_semaphore, #tpu.memory_space<semaphore_mem>>)
      %dma_wait3A_62 = arith.constant 0 : i32
      %dma_wait3A_63 = tpu.memref_slice %arg3[%mul3A_2, %dma_wait3A_62] : memref<1280x128xi32, #tpu.memory_space<hbm>> -> memref<40x128xi32, #tpu.memory_space<hbm>>
      %dma_wait3A_64 = arith.constant 0 : i32
      %dma_wait3A_65 = tpu.memref_slice %arg3[%mul3A_2, %dma_wait3A_64] : memref<1280x128xi32, #tpu.memory_space<hbm>> -> memref<40x128xi32, #tpu.memory_space<hbm>>
      tpu.wait_dma2 semaphore(%run_scoped3A : memref<!tpu.dma_semaphore, #tpu.memory_space<semaphore_mem>>) src(%dma_wait3A_65 : memref<40x128xi32, #tpu.memory_space<hbm>>) dst(%arg5 : memref<40x128xi32, #tpu.memory_space<vmem>>)
      tpu.yield
    }) : () -> ()
    %dma_start3A = arith.constant 0 : i32
    %dma_start3A_3 = arith.constant 0 : i32
    %dma_start3A_4 = tpu.memref_slice %arg5[%dma_start3A, %dma_start3A_3] : memref<40x128xi32, #tpu.memory_space<vmem>> -> memref<1x128xi32, #tpu.memory_space<vmem>>
    %dma_start3A_5 = tpu.memref_squeeze %dma_start3A_4 : memref<1x128xi32, #tpu.memory_space<vmem>> -> memref<128xi32, #tpu.memory_space<vmem>>
    %dma_start3A_6 = arith.constant 0 : i32
    %dma_start3A_7 = arith.constant 0 : i32
    %dma_start3A_8 = tpu.memref_slice %arg2[%dma_start3A_6, %dma_start3A_7] : memref<10000x128xf32, #tpu.memory_space<hbm>> -> memref<10000x128xf32, #tpu.memory_space<hbm>>
    tpu.enqueue_indirect_dma source(%dma_start3A_8 : memref<10000x128xf32, #tpu.memory_space<hbm>>) target(%arg6 : memref<128x128xf32, #tpu.memory_space<vmem>>) offsets(%dma_start3A_5 : memref<128xi32, #tpu.memory_space<vmem>>) semaphore(%arg10 : memref<!tpu.dma_semaphore, #tpu.memory_space<semaphore_mem>>)
    %dma_start3A_9 = arith.constant 1 : i32
    %dma_start3A_10 = arith.constant 0 : i32
    %dma_start3A_11 = tpu.memref_slice %arg5[%dma_start3A_9, %dma_start3A_10] : memref<40x128xi32, #tpu.memory_space<vmem>> -> memref<1x128xi32, #tpu.memory_space<vmem>>
    %dma_start3A_12 = tpu.memref_squeeze %dma_start3A_11 : memref<1x128xi32, #tpu.memory_space<vmem>> -> memref<128xi32, #tpu.memory_space<vmem>>
    %dma_start3A_13 = arith.constant 0 : i32
    %dma_start3A_14 = arith.constant 0 : i32
    %dma_start3A_15 = tpu.memref_slice %arg2[%dma_start3A_13, %dma_start3A_14] : memref<10000x128xf32, #tpu.memory_space<hbm>> -> memref<10000x128xf32, #tpu.memory_space<hbm>>
    tpu.enqueue_indirect_dma source(%dma_start3A_15 : memref<10000x128xf32, #tpu.memory_space<hbm>>) target(%arg7 : memref<128x128xf32, #tpu.memory_space<vmem>>) offsets(%dma_start3A_12 : memref<128xi32, #tpu.memory_space<vmem>>) semaphore(%arg11 : memref<!tpu.dma_semaphore, #tpu.memory_space<semaphore_mem>>)
    %dma_start3A_16 = arith.constant 2 : i32
    %dma_start3A_17 = arith.constant 0 : i32
    %dma_start3A_18 = tpu.memref_slice %arg5[%dma_start3A_16, %dma_start3A_17] : memref<40x128xi32, #tpu.memory_space<vmem>> -> memref<1x128xi32, #tpu.memory_space<vmem>>
    %dma_start3A_19 = tpu.memref_squeeze %dma_start3A_18 : memref<1x128xi32, #tpu.memory_space<vmem>> -> memref<128xi32, #tpu.memory_space<vmem>>
    %dma_start3A_20 = arith.constant 0 : i32
    %dma_start3A_21 = arith.constant 0 : i32
    %dma_start3A_22 = tpu.memref_slice %arg2[%dma_start3A_20, %dma_start3A_21] : memref<10000x128xf32, #tpu.memory_space<hbm>> -> memref<10000x128xf32, #tpu.memory_space<hbm>>
    tpu.enqueue_indirect_dma source(%dma_start3A_22 : memref<10000x128xf32, #tpu.memory_space<hbm>>) target(%arg8 : memref<128x128xf32, #tpu.memory_space<vmem>>) offsets(%dma_start3A_19 : memref<128xi32, #tpu.memory_space<vmem>>) semaphore(%arg12 : memref<!tpu.dma_semaphore, #tpu.memory_space<semaphore_mem>>)
    %dma_start3A_23 = arith.constant 3 : i32
    %dma_start3A_24 = arith.constant 0 : i32
    %dma_start3A_25 = tpu.memref_slice %arg5[%dma_start3A_23, %dma_start3A_24] : memref<40x128xi32, #tpu.memory_space<vmem>> -> memref<1x128xi32, #tpu.memory_space<vmem>>
    %dma_start3A_26 = tpu.memref_squeeze %dma_start3A_25 : memref<1x128xi32, #tpu.memory_space<vmem>> -> memref<128xi32, #tpu.memory_space<vmem>>
    %dma_start3A_27 = arith.constant 0 : i32
    %dma_start3A_28 = arith.constant 0 : i32
    %dma_start3A_29 = tpu.memref_slice %arg2[%dma_start3A_27, %dma_start3A_28] : memref<10000x128xf32, #tpu.memory_space<hbm>> -> memref<10000x128xf32, #tpu.memory_space<hbm>>
    tpu.enqueue_indirect_dma source(%dma_start3A_29 : memref<10000x128xf32, #tpu.memory_space<hbm>>) target(%arg9 : memref<128x128xf32, #tpu.memory_space<vmem>>) offsets(%dma_start3A_26 : memref<128xi32, #tpu.memory_space<vmem>>) semaphore(%arg13 : memref<!tpu.dma_semaphore, #tpu.memory_space<semaphore_mem>>)
    %scan3A = arith.constant 0 : i32
    %scan3A_30 = arith.constant 0 : i32
    %scan3A_31 = arith.constant 10 : i32
    %scan3A_32 = arith.addi %scan3A_30, %scan3A_31 : i32
    %scan3A_33 = arith.constant 1 : i32
    scf.for %scan3A_58 = %scan3A_30 to %scan3A_32 step %scan3A_33  : i32 {
      %mul3A_59 = arith.constant 4 : i32
      %mul3A_60 = arith.muli %mul3A_59, %scan3A_58 : i32
      %dma_wait3A_61 = arith.constant 0 : i32
      %dma_wait3A_62 = arith.constant 0 : i32
      %dma_wait3A_63 = tpu.memref_slice %arg5[%dma_wait3A_61, %dma_wait3A_62] : memref<40x128xi32, #tpu.memory_space<vmem>> -> memref<1x128xi32, #tpu.memory_space<vmem>>
      %dma_wait3A_64 = tpu.memref_squeeze %dma_wait3A_63 : memref<1x128xi32, #tpu.memory_space<vmem>> -> memref<128xi32, #tpu.memory_space<vmem>>
      %dma_wait3A_65 = arith.constant 0 : i32
      %dma_wait3A_66 = arith.constant 0 : i32
      %dma_wait3A_67 = tpu.memref_slice %arg2[%dma_wait3A_65, %dma_wait3A_66] : memref<10000x128xf32, #tpu.memory_space<hbm>> -> memref<10000x128xf32, #tpu.memory_space<hbm>>
      tpu.wait_indirect_dma semaphore(%arg10 : memref<!tpu.dma_semaphore, #tpu.memory_space<semaphore_mem>>) src(%dma_wait3A_67 : memref<10000x128xf32, #tpu.memory_space<hbm>>) dst(%arg6 : memref<128x128xf32, #tpu.memory_space<vmem>>)
      %add3A_68 = arith.constant 0 : i32
      %add3A_69 = arith.addi %mul3A_60, %add3A_68 : i32
      %mul3A_70 = arith.constant 40 : i32
      %mul3A_71 = arith.muli %add3A, %mul3A_70 : i32
      %add3A_72 = arith.addi %mul3A_71, %add3A_69 : i32
      %mul3A_73 = arith.constant 128 : i32
      %mul3A_74 = arith.muli %add3A_72, %mul3A_73 : i32
      %dma_start3A_75 = arith.constant 0 : i32
      %dma_start3A_76 = tpu.memref_slice %arg4[%mul3A_74, %dma_start3A_75] : memref<163840x128xf32, #tpu.memory_space<hbm>> -> memref<128x128xf32, #tpu.memory_space<hbm>>
      %dma_start3A_77 = arith.constant 0 : i32
      %dma_start3A_78 = tpu.memref_slice %arg4[%mul3A_74, %dma_start3A_77] : memref<163840x128xf32, #tpu.memory_space<hbm>> -> memref<128x128xf32, #tpu.memory_space<hbm>>
      tpu.enqueue_dma source(%arg6 : memref<128x128xf32, #tpu.memory_space<vmem>>) target(%dma_start3A_78 : memref<128x128xf32, #tpu.memory_space<hbm>>) target_semaphore(%arg14 : memref<!tpu.dma_semaphore, #tpu.memory_space<semaphore_mem>>)
      %dma_wait3A_79 = arith.constant 0 : i32
      %dma_wait3A_80 = arith.constant 0 : i32
      %dma_wait3A_81 = tpu.memref_slice %arg5[%dma_wait3A_79, %dma_wait3A_80] : memref<40x128xi32, #tpu.memory_space<vmem>> -> memref<1x128xi32, #tpu.memory_space<vmem>>
      %dma_wait3A_82 = tpu.memref_squeeze %dma_wait3A_81 : memref<1x128xi32, #tpu.memory_space<vmem>> -> memref<128xi32, #tpu.memory_space<vmem>>
      %dma_wait3A_83 = arith.constant 0 : i32
      %dma_wait3A_84 = arith.constant 0 : i32
      %dma_wait3A_85 = tpu.memref_slice %arg2[%dma_wait3A_83, %dma_wait3A_84] : memref<10000x128xf32, #tpu.memory_space<hbm>> -> memref<10000x128xf32, #tpu.memory_space<hbm>>
      tpu.wait_indirect_dma semaphore(%arg11 : memref<!tpu.dma_semaphore, #tpu.memory_space<semaphore_mem>>) src(%dma_wait3A_85 : memref<10000x128xf32, #tpu.memory_space<hbm>>) dst(%arg7 : memref<128x128xf32, #tpu.memory_space<vmem>>)
      %add3A_86 = arith.constant 1 : i32
      %add3A_87 = arith.addi %mul3A_60, %add3A_86 : i32
      %mul3A_88 = arith.constant 40 : i32
      %mul3A_89 = arith.muli %add3A, %mul3A_88 : i32
      %add3A_90 = arith.addi %mul3A_89, %add3A_87 : i32
      %mul3A_91 = arith.constant 128 : i32
      %mul3A_92 = arith.muli %add3A_90, %mul3A_91 : i32
      %dma_start3A_93 = arith.constant 0 : i32
      %dma_start3A_94 = tpu.memref_slice %arg4[%mul3A_92, %dma_start3A_93] : memref<163840x128xf32, #tpu.memory_space<hbm>> -> memref<128x128xf32, #tpu.memory_space<hbm>>
      %dma_start3A_95 = arith.constant 0 : i32
      %dma_start3A_96 = tpu.memref_slice %arg4[%mul3A_92, %dma_start3A_95] : memref<163840x128xf32, #tpu.memory_space<hbm>> -> memref<128x128xf32, #tpu.memory_space<hbm>>
      tpu.enqueue_dma source(%arg7 : memref<128x128xf32, #tpu.memory_space<vmem>>) target(%dma_start3A_96 : memref<128x128xf32, #tpu.memory_space<hbm>>) target_semaphore(%arg15 : memref<!tpu.dma_semaphore, #tpu.memory_space<semaphore_mem>>)
      %dma_wait3A_97 = arith.constant 0 : i32
      %dma_wait3A_98 = arith.constant 0 : i32
      %dma_wait3A_99 = tpu.memref_slice %arg5[%dma_wait3A_97, %dma_wait3A_98] : memref<40x128xi32, #tpu.memory_space<vmem>> -> memref<1x128xi32, #tpu.memory_space<vmem>>
      %dma_wait3A_100 = tpu.memref_squeeze %dma_wait3A_99 : memref<1x128xi32, #tpu.memory_space<vmem>> -> memref<128xi32, #tpu.memory_space<vmem>>
      %dma_wait3A_101 = arith.constant 0 : i32
      %dma_wait3A_102 = arith.constant 0 : i32
      %dma_wait3A_103 = tpu.memref_slice %arg2[%dma_wait3A_101, %dma_wait3A_102] : memref<10000x128xf32, #tpu.memory_space<hbm>> -> memref<10000x128xf32, #tpu.memory_space<hbm>>
      tpu.wait_indirect_dma semaphore(%arg12 : memref<!tpu.dma_semaphore, #tpu.memory_space<semaphore_mem>>) src(%dma_wait3A_103 : memref<10000x128xf32, #tpu.memory_space<hbm>>) dst(%arg8 : memref<128x128xf32, #tpu.memory_space<vmem>>)
      %add3A_104 = arith.constant 2 : i32
      %add3A_105 = arith.addi %mul3A_60, %add3A_104 : i32
      %mul3A_106 = arith.constant 40 : i32
      %mul3A_107 = arith.muli %add3A, %mul3A_106 : i32
      %add3A_108 = arith.addi %mul3A_107, %add3A_105 : i32
      %mul3A_109 = arith.constant 128 : i32
      %mul3A_110 = arith.muli %add3A_108, %mul3A_109 : i32
      %dma_start3A_111 = arith.constant 0 : i32
      %dma_start3A_112 = tpu.memref_slice %arg4[%mul3A_110, %dma_start3A_111] : memref<163840x128xf32, #tpu.memory_space<hbm>> -> memref<128x128xf32, #tpu.memory_space<hbm>>
      %dma_start3A_113 = arith.constant 0 : i32
      %dma_start3A_114 = tpu.memref_slice %arg4[%mul3A_110, %dma_start3A_113] : memref<163840x128xf32, #tpu.memory_space<hbm>> -> memref<128x128xf32, #tpu.memory_space<hbm>>
      tpu.enqueue_dma source(%arg8 : memref<128x128xf32, #tpu.memory_space<vmem>>) target(%dma_start3A_114 : memref<128x128xf32, #tpu.memory_space<hbm>>) target_semaphore(%arg16 : memref<!tpu.dma_semaphore, #tpu.memory_space<semaphore_mem>>)
      %dma_wait3A_115 = arith.constant 0 : i32
      %dma_wait3A_116 = arith.constant 0 : i32
      %dma_wait3A_117 = tpu.memref_slice %arg5[%dma_wait3A_115, %dma_wait3A_116] : memref<40x128xi32, #tpu.memory_space<vmem>> -> memref<1x128xi32, #tpu.memory_space<vmem>>
      %dma_wait3A_118 = tpu.memref_squeeze %dma_wait3A_117 : memref<1x128xi32, #tpu.memory_space<vmem>> -> memref<128xi32, #tpu.memory_space<vmem>>
      %dma_wait3A_119 = arith.constant 0 : i32
      %dma_wait3A_120 = arith.constant 0 : i32
      %dma_wait3A_121 = tpu.memref_slice %arg2[%dma_wait3A_119, %dma_wait3A_120] : memref<10000x128xf32, #tpu.memory_space<hbm>> -> memref<10000x128xf32, #tpu.memory_space<hbm>>
      tpu.wait_indirect_dma semaphore(%arg13 : memref<!tpu.dma_semaphore, #tpu.memory_space<semaphore_mem>>) src(%dma_wait3A_121 : memref<10000x128xf32, #tpu.memory_space<hbm>>) dst(%arg9 : memref<128x128xf32, #tpu.memory_space<vmem>>)
      %add3A_122 = arith.constant 3 : i32
      %add3A_123 = arith.addi %mul3A_60, %add3A_122 : i32
      %mul3A_124 = arith.constant 40 : i32
      %mul3A_125 = arith.muli %add3A, %mul3A_124 : i32
      %add3A_126 = arith.addi %mul3A_125, %add3A_123 : i32
      %mul3A_127 = arith.constant 128 : i32
      %mul3A_128 = arith.muli %add3A_126, %mul3A_127 : i32
      %dma_start3A_129 = arith.constant 0 : i32
      %dma_start3A_130 = tpu.memref_slice %arg4[%mul3A_128, %dma_start3A_129] : memref<163840x128xf32, #tpu.memory_space<hbm>> -> memref<128x128xf32, #tpu.memory_space<hbm>>
      %dma_start3A_131 = arith.constant 0 : i32
      %dma_start3A_132 = tpu.memref_slice %arg4[%mul3A_128, %dma_start3A_131] : memref<163840x128xf32, #tpu.memory_space<hbm>> -> memref<128x128xf32, #tpu.memory_space<hbm>>
      tpu.enqueue_dma source(%arg9 : memref<128x128xf32, #tpu.memory_space<vmem>>) target(%dma_start3A_132 : memref<128x128xf32, #tpu.memory_space<hbm>>) target_semaphore(%arg17 : memref<!tpu.dma_semaphore, #tpu.memory_space<semaphore_mem>>)
      %lt3A = arith.constant 9 : i32
      %lt3A_133 = arith.cmpi slt, %scan3A_58, %lt3A : i32
      %convert_element_type3A = arith.extui %lt3A_133 : i1 to i32
      %cond3A = arith.constant 0 : i32
      %cond3A_134 = arith.cmpi ne, %convert_element_type3A, %cond3A : i32
      scf.if %cond3A_134 {
        %dma_wait3A_135 = arith.constant 0 : i32
        %dma_wait3A_136 = arith.constant 0 : i32
        %dma_wait3A_137 = tpu.memref_slice %arg4[%dma_wait3A_135, %dma_wait3A_136] : memref<163840x128xf32, #tpu.memory_space<hbm>> -> memref<128x128xf32, #tpu.memory_space<hbm>>
        %dma_wait3A_138 = arith.constant 0 : i32
        %dma_wait3A_139 = arith.constant 0 : i32
        %dma_wait3A_140 = tpu.memref_slice %arg4[%dma_wait3A_138, %dma_wait3A_139] : memref<163840x128xf32, #tpu.memory_space<hbm>> -> memref<128x128xf32, #tpu.memory_space<hbm>>
        tpu.wait_dma2 semaphore(%arg14 : memref<!tpu.dma_semaphore, #tpu.memory_space<semaphore_mem>>) src(%arg6 : memref<128x128xf32, #tpu.memory_space<vmem>>) dst(%dma_wait3A_140 : memref<128x128xf32, #tpu.memory_space<hbm>>)
        %add3A_141 = arith.constant 4 : i32
        %add3A_142 = arith.addi %mul3A_60, %add3A_141 : i32
        %add3A_143 = arith.constant 0 : i32
        %add3A_144 = arith.addi %add3A_142, %add3A_143 : i32
        %dma_start3A_145 = arith.constant 0 : i32
        %dma_start3A_146 = tpu.memref_slice %arg5[%add3A_144, %dma_start3A_145] : memref<40x128xi32, #tpu.memory_space<vmem>> -> memref<1x128xi32, #tpu.memory_space<vmem>>
        %dma_start3A_147 = tpu.memref_squeeze %dma_start3A_146 : memref<1x128xi32, #tpu.memory_space<vmem>> -> memref<128xi32, #tpu.memory_space<vmem>>
        %dma_start3A_148 = arith.constant 0 : i32
        %dma_start3A_149 = arith.constant 0 : i32
        %dma_start3A_150 = tpu.memref_slice %arg2[%dma_start3A_148, %dma_start3A_149] : memref<10000x128xf32, #tpu.memory_space<hbm>> -> memref<10000x128xf32, #tpu.memory_space<hbm>>
        tpu.enqueue_indirect_dma source(%dma_start3A_150 : memref<10000x128xf32, #tpu.memory_space<hbm>>) target(%arg6 : memref<128x128xf32, #tpu.memory_space<vmem>>) offsets(%dma_start3A_147 : memref<128xi32, #tpu.memory_space<vmem>>) semaphore(%arg10 : memref<!tpu.dma_semaphore, #tpu.memory_space<semaphore_mem>>)
        %dma_wait3A_151 = arith.constant 0 : i32
        %dma_wait3A_152 = arith.constant 0 : i32
        %dma_wait3A_153 = tpu.memref_slice %arg4[%dma_wait3A_151, %dma_wait3A_152] : memref<163840x128xf32, #tpu.memory_space<hbm>> -> memref<128x128xf32, #tpu.memory_space<hbm>>
        %dma_wait3A_154 = arith.constant 0 : i32
        %dma_wait3A_155 = arith.constant 0 : i32
        %dma_wait3A_156 = tpu.memref_slice %arg4[%dma_wait3A_154, %dma_wait3A_155] : memref<163840x128xf32, #tpu.memory_space<hbm>> -> memref<128x128xf32, #tpu.memory_space<hbm>>
        tpu.wait_dma2 semaphore(%arg15 : memref<!tpu.dma_semaphore, #tpu.memory_space<semaphore_mem>>) src(%arg7 : memref<128x128xf32, #tpu.memory_space<vmem>>) dst(%dma_wait3A_156 : memref<128x128xf32, #tpu.memory_space<hbm>>)
        %add3A_157 = arith.constant 4 : i32
        %add3A_158 = arith.addi %mul3A_60, %add3A_157 : i32
        %add3A_159 = arith.constant 1 : i32
        %add3A_160 = arith.addi %add3A_158, %add3A_159 : i32
        %dma_start3A_161 = arith.constant 0 : i32
        %dma_start3A_162 = tpu.memref_slice %arg5[%add3A_160, %dma_start3A_161] : memref<40x128xi32, #tpu.memory_space<vmem>> -> memref<1x128xi32, #tpu.memory_space<vmem>>
        %dma_start3A_163 = tpu.memref_squeeze %dma_start3A_162 : memref<1x128xi32, #tpu.memory_space<vmem>> -> memref<128xi32, #tpu.memory_space<vmem>>
        %dma_start3A_164 = arith.constant 0 : i32
        %dma_start3A_165 = arith.constant 0 : i32
        %dma_start3A_166 = tpu.memref_slice %arg2[%dma_start3A_164, %dma_start3A_165] : memref<10000x128xf32, #tpu.memory_space<hbm>> -> memref<10000x128xf32, #tpu.memory_space<hbm>>
        tpu.enqueue_indirect_dma source(%dma_start3A_166 : memref<10000x128xf32, #tpu.memory_space<hbm>>) target(%arg7 : memref<128x128xf32, #tpu.memory_space<vmem>>) offsets(%dma_start3A_163 : memref<128xi32, #tpu.memory_space<vmem>>) semaphore(%arg11 : memref<!tpu.dma_semaphore, #tpu.memory_space<semaphore_mem>>)
        %dma_wait3A_167 = arith.constant 0 : i32
        %dma_wait3A_168 = arith.constant 0 : i32
        %dma_wait3A_169 = tpu.memref_slice %arg4[%dma_wait3A_167, %dma_wait3A_168] : memref<163840x128xf32, #tpu.memory_space<hbm>> -> memref<128x128xf32, #tpu.memory_space<hbm>>
        %dma_wait3A_170 = arith.constant 0 : i32
        %dma_wait3A_171 = arith.constant 0 : i32
        %dma_wait3A_172 = tpu.memref_slice %arg4[%dma_wait3A_170, %dma_wait3A_171] : memref<163840x128xf32, #tpu.memory_space<hbm>> -> memref<128x128xf32, #tpu.memory_space<hbm>>
        tpu.wait_dma2 semaphore(%arg16 : memref<!tpu.dma_semaphore, #tpu.memory_space<semaphore_mem>>) src(%arg8 : memref<128x128xf32, #tpu.memory_space<vmem>>) dst(%dma_wait3A_172 : memref<128x128xf32, #tpu.memory_space<hbm>>)
        %add3A_173 = arith.constant 4 : i32
        %add3A_174 = arith.addi %mul3A_60, %add3A_173 : i32
        %add3A_175 = arith.constant 2 : i32
        %add3A_176 = arith.addi %add3A_174, %add3A_175 : i32
        %dma_start3A_177 = arith.constant 0 : i32
        %dma_start3A_178 = tpu.memref_slice %arg5[%add3A_176, %dma_start3A_177] : memref<40x128xi32, #tpu.memory_space<vmem>> -> memref<1x128xi32, #tpu.memory_space<vmem>>
        %dma_start3A_179 = tpu.memref_squeeze %dma_start3A_178 : memref<1x128xi32, #tpu.memory_space<vmem>> -> memref<128xi32, #tpu.memory_space<vmem>>
        %dma_start3A_180 = arith.constant 0 : i32
        %dma_start3A_181 = arith.constant 0 : i32
        %dma_start3A_182 = tpu.memref_slice %arg2[%dma_start3A_180, %dma_start3A_181] : memref<10000x128xf32, #tpu.memory_space<hbm>> -> memref<10000x128xf32, #tpu.memory_space<hbm>>
        tpu.enqueue_indirect_dma source(%dma_start3A_182 : memref<10000x128xf32, #tpu.memory_space<hbm>>) target(%arg8 : memref<128x128xf32, #tpu.memory_space<vmem>>) offsets(%dma_start3A_179 : memref<128xi32, #tpu.memory_space<vmem>>) semaphore(%arg12 : memref<!tpu.dma_semaphore, #tpu.memory_space<semaphore_mem>>)
        %dma_wait3A_183 = arith.constant 0 : i32
        %dma_wait3A_184 = arith.constant 0 : i32
        %dma_wait3A_185 = tpu.memref_slice %arg4[%dma_wait3A_183, %dma_wait3A_184] : memref<163840x128xf32, #tpu.memory_space<hbm>> -> memref<128x128xf32, #tpu.memory_space<hbm>>
        %dma_wait3A_186 = arith.constant 0 : i32
        %dma_wait3A_187 = arith.constant 0 : i32
        %dma_wait3A_188 = tpu.memref_slice %arg4[%dma_wait3A_186, %dma_wait3A_187] : memref<163840x128xf32, #tpu.memory_space<hbm>> -> memref<128x128xf32, #tpu.memory_space<hbm>>
        tpu.wait_dma2 semaphore(%arg17 : memref<!tpu.dma_semaphore, #tpu.memory_space<semaphore_mem>>) src(%arg9 : memref<128x128xf32, #tpu.memory_space<vmem>>) dst(%dma_wait3A_188 : memref<128x128xf32, #tpu.memory_space<hbm>>)
        %add3A_189 = arith.constant 4 : i32
        %add3A_190 = arith.addi %mul3A_60, %add3A_189 : i32
        %add3A_191 = arith.constant 3 : i32
        %add3A_192 = arith.addi %add3A_190, %add3A_191 : i32
        %dma_start3A_193 = arith.constant 0 : i32
        %dma_start3A_194 = tpu.memref_slice %arg5[%add3A_192, %dma_start3A_193] : memref<40x128xi32, #tpu.memory_space<vmem>> -> memref<1x128xi32, #tpu.memory_space<vmem>>
        %dma_start3A_195 = tpu.memref_squeeze %dma_start3A_194 : memref<1x128xi32, #tpu.memory_space<vmem>> -> memref<128xi32, #tpu.memory_space<vmem>>
        %dma_start3A_196 = arith.constant 0 : i32
        %dma_start3A_197 = arith.constant 0 : i32
        %dma_start3A_198 = tpu.memref_slice %arg2[%dma_start3A_196, %dma_start3A_197] : memref<10000x128xf32, #tpu.memory_space<hbm>> -> memref<10000x128xf32, #tpu.memory_space<hbm>>
        tpu.enqueue_indirect_dma source(%dma_start3A_198 : memref<10000x128xf32, #tpu.memory_space<hbm>>) target(%arg9 : memref<128x128xf32, #tpu.memory_space<vmem>>) offsets(%dma_start3A_195 : memref<128xi32, #tpu.memory_space<vmem>>) semaphore(%arg13 : memref<!tpu.dma_semaphore, #tpu.memory_space<semaphore_mem>>)
      } else {
      }
    }
    %scan3A_34 = arith.constant 10 : i32
    %dma_wait3A = arith.constant 0 : i32
    %dma_wait3A_35 = arith.constant 0 : i32
    %dma_wait3A_36 = tpu.memref_slice %arg4[%dma_wait3A, %dma_wait3A_35] : memref<163840x128xf32, #tpu.memory_space<hbm>> -> memref<128x128xf32, #tpu.memory_space<hbm>>
    %dma_wait3A_37 = arith.constant 0 : i32
    %dma_wait3A_38 = arith.constant 0 : i32
    %dma_wait3A_39 = tpu.memref_slice %arg4[%dma_wait3A_37, %dma_wait3A_38] : memref<163840x128xf32, #tpu.memory_space<hbm>> -> memref<128x128xf32, #tpu.memory_space<hbm>>
    tpu.wait_dma2 semaphore(%arg14 : memref<!tpu.dma_semaphore, #tpu.memory_space<semaphore_mem>>) src(%arg6 : memref<128x128xf32, #tpu.memory_space<vmem>>) dst(%dma_wait3A_39 : memref<128x128xf32, #tpu.memory_space<hbm>>)
    %dma_wait3A_40 = arith.constant 0 : i32
    %dma_wait3A_41 = arith.constant 0 : i32
    %dma_wait3A_42 = tpu.memref_slice %arg4[%dma_wait3A_40, %dma_wait3A_41] : memref<163840x128xf32, #tpu.memory_space<hbm>> -> memref<128x128xf32, #tpu.memory_space<hbm>>
    %dma_wait3A_43 = arith.constant 0 : i32
    %dma_wait3A_44 = arith.constant 0 : i32
    %dma_wait3A_45 = tpu.memref_slice %arg4[%dma_wait3A_43, %dma_wait3A_44] : memref<163840x128xf32, #tpu.memory_space<hbm>> -> memref<128x128xf32, #tpu.memory_space<hbm>>
    tpu.wait_dma2 semaphore(%arg15 : memref<!tpu.dma_semaphore, #tpu.memory_space<semaphore_mem>>) src(%arg7 : memref<128x128xf32, #tpu.memory_space<vmem>>) dst(%dma_wait3A_45 : memref<128x128xf32, #tpu.memory_space<hbm>>)
    %dma_wait3A_46 = arith.constant 0 : i32
    %dma_wait3A_47 = arith.constant 0 : i32
    %dma_wait3A_48 = tpu.memref_slice %arg4[%dma_wait3A_46, %dma_wait3A_47] : memref<163840x128xf32, #tpu.memory_space<hbm>> -> memref<128x128xf32, #tpu.memory_space<hbm>>
    %dma_wait3A_49 = arith.constant 0 : i32
    %dma_wait3A_50 = arith.constant 0 : i32
    %dma_wait3A_51 = tpu.memref_slice %arg4[%dma_wait3A_49, %dma_wait3A_50] : memref<163840x128xf32, #tpu.memory_space<hbm>> -> memref<128x128xf32, #tpu.memory_space<hbm>>
    tpu.wait_dma2 semaphore(%arg16 : memref<!tpu.dma_semaphore, #tpu.memory_space<semaphore_mem>>) src(%arg8 : memref<128x128xf32, #tpu.memory_space<vmem>>) dst(%dma_wait3A_51 : memref<128x128xf32, #tpu.memory_space<hbm>>)
    %dma_wait3A_52 = arith.constant 0 : i32
    %dma_wait3A_53 = arith.constant 0 : i32
    %dma_wait3A_54 = tpu.memref_slice %arg4[%dma_wait3A_52, %dma_wait3A_53] : memref<163840x128xf32, #tpu.memory_space<hbm>> -> memref<128x128xf32, #tpu.memory_space<hbm>>
    %dma_wait3A_55 = arith.constant 0 : i32
    %dma_wait3A_56 = arith.constant 0 : i32
    %dma_wait3A_57 = tpu.memref_slice %arg4[%dma_wait3A_55, %dma_wait3A_56] : memref<163840x128xf32, #tpu.memory_space<hbm>> -> memref<128x128xf32, #tpu.memory_space<hbm>>
    tpu.wait_dma2 semaphore(%arg17 : memref<!tpu.dma_semaphore, #tpu.memory_space<semaphore_mem>>) src(%arg9 : memref<128x128xf32, #tpu.memory_space<vmem>>) dst(%dma_wait3A_57 : memref<128x128xf32, #tpu.memory_space<hbm>>)
    return
  }
}

#map = affine_map<(d0, d1) -> (0, 0)>
#map1 = affine_map<(d0, d1) -> (0, 0, 0)>
module attributes {stable_mosaic.version = 14 : i64} {
  func.func @_scatter_body(%arg0: i32, %arg1: i32, %arg2: memref<163840x16xf32, #tpu.memory_space<hbm>>, %arg3: memref<1280x128xi32, #tpu.memory_space<hbm>>, %arg4: memref<2x10112x16xf32, #tpu.memory_space<hbm>>, %arg5: memref<40x128xi32, #tpu.memory_space<vmem>>, %arg6: memref<128x16xf32, #tpu.memory_space<vmem>>, %arg7: memref<128x16xf32, #tpu.memory_space<vmem>>, %arg8: memref<632x16xf32, #tpu.memory_space<vmem>>, %arg9: memref<10112x16xf32, #tpu.memory_space<vmem_shared>>, %arg10: memref<!tpu.dma_semaphore, #tpu.memory_space<semaphore_mem>>, %arg11: memref<!tpu.dma_semaphore, #tpu.memory_space<semaphore_mem>>, %arg12: memref<!tpu.dma_semaphore, #tpu.memory_space<semaphore_mem>>, %arg13: memref<!tpu.dma_semaphore, #tpu.memory_space<semaphore_mem>>) attributes {dimension_semantics = [#tpu.dimension_semantics<core_parallel>, #tpu.dimension_semantics<subcore_parallel>], iteration_bounds = array<i64: 2, 16>, scalar_prefetch = 0 : i64, scratch_operands = 9 : i64, tpu.core_type = #tpu.core_type<sc_vector_subcore>, window_params = [{transform_indices = #map}, {transform_indices = #map}, {transform_indices = #map1}]} {
    %mul3A = arith.constant 16 : i32
    %mul3A_0 = arith.muli %arg0, %mul3A : i32
    %add3A = arith.addi %mul3A_0, %arg1 : i32
    %mul3A_1 = arith.constant 40 : i32
    %mul3A_2 = arith.muli %add3A, %mul3A_1 : i32
    "tpu.region"() ({
      %run_scoped3A = tpu.sem_alloc : memref<!tpu.dma_semaphore, #tpu.memory_space<semaphore_mem>>
      %dma_start3A_54 = arith.constant 0 : i32
      %dma_start3A_55 = tpu.memref_slice %arg3[%mul3A_2, %dma_start3A_54] : memref<1280x128xi32, #tpu.memory_space<hbm>> -> memref<40x128xi32, #tpu.memory_space<hbm>>
      %dma_start3A_56 = arith.constant 0 : i32
      %dma_start3A_57 = tpu.memref_slice %arg3[%mul3A_2, %dma_start3A_56] : memref<1280x128xi32, #tpu.memory_space<hbm>> -> memref<40x128xi32, #tpu.memory_space<hbm>>
      tpu.enqueue_dma source(%dma_start3A_57 : memref<40x128xi32, #tpu.memory_space<hbm>>) target(%arg5 : memref<40x128xi32, #tpu.memory_space<vmem>>) target_semaphore(%run_scoped3A : memref<!tpu.dma_semaphore, #tpu.memory_space<semaphore_mem>>)
      %dma_wait3A_58 = arith.constant 0 : i32
      %dma_wait3A_59 = tpu.memref_slice %arg3[%mul3A_2, %dma_wait3A_58] : memref<1280x128xi32, #tpu.memory_space<hbm>> -> memref<40x128xi32, #tpu.memory_space<hbm>>
      %dma_wait3A_60 = arith.constant 0 : i32
      %dma_wait3A_61 = tpu.memref_slice %arg3[%mul3A_2, %dma_wait3A_60] : memref<1280x128xi32, #tpu.memory_space<hbm>> -> memref<40x128xi32, #tpu.memory_space<hbm>>
      tpu.wait_dma2 semaphore(%run_scoped3A : memref<!tpu.dma_semaphore, #tpu.memory_space<semaphore_mem>>) src(%dma_wait3A_61 : memref<40x128xi32, #tpu.memory_space<hbm>>) dst(%arg5 : memref<40x128xi32, #tpu.memory_space<vmem>>)
      tpu.yield
    }) : () -> ()
    %mul3A_3 = arith.constant 40 : i32
    %mul3A_4 = arith.muli %add3A, %mul3A_3 : i32
    %add3A_5 = arith.constant 0 : i32
    %add3A_6 = arith.addi %mul3A_4, %add3A_5 : i32
    %mul3A_7 = arith.constant 128 : i32
    %mul3A_8 = arith.muli %add3A_6, %mul3A_7 : i32
    %dma_start3A = arith.constant 0 : i32
    %dma_start3A_9 = tpu.memref_slice %arg2[%mul3A_8, %dma_start3A] : memref<163840x16xf32, #tpu.memory_space<hbm>> -> memref<128x16xf32, #tpu.memory_space<hbm>>
    %dma_start3A_10 = arith.constant 0 : i32
    %dma_start3A_11 = tpu.memref_slice %arg2[%mul3A_8, %dma_start3A_10] : memref<163840x16xf32, #tpu.memory_space<hbm>> -> memref<128x16xf32, #tpu.memory_space<hbm>>
    tpu.enqueue_dma source(%dma_start3A_11 : memref<128x16xf32, #tpu.memory_space<hbm>>) target(%arg6 : memref<128x16xf32, #tpu.memory_space<vmem>>) target_semaphore(%arg10 : memref<!tpu.dma_semaphore, #tpu.memory_space<semaphore_mem>>)
    %mul3A_12 = arith.constant 40 : i32
    %mul3A_13 = arith.muli %add3A, %mul3A_12 : i32
    %add3A_14 = arith.constant 1 : i32
    %add3A_15 = arith.addi %mul3A_13, %add3A_14 : i32
    %mul3A_16 = arith.constant 128 : i32
    %mul3A_17 = arith.muli %add3A_15, %mul3A_16 : i32
    %dma_start3A_18 = arith.constant 0 : i32
    %dma_start3A_19 = tpu.memref_slice %arg2[%mul3A_17, %dma_start3A_18] : memref<163840x16xf32, #tpu.memory_space<hbm>> -> memref<128x16xf32, #tpu.memory_space<hbm>>
    %dma_start3A_20 = arith.constant 0 : i32
    %dma_start3A_21 = tpu.memref_slice %arg2[%mul3A_17, %dma_start3A_20] : memref<163840x16xf32, #tpu.memory_space<hbm>> -> memref<128x16xf32, #tpu.memory_space<hbm>>
    tpu.enqueue_dma source(%dma_start3A_21 : memref<128x16xf32, #tpu.memory_space<hbm>>) target(%arg7 : memref<128x16xf32, #tpu.memory_space<vmem>>) target_semaphore(%arg11 : memref<!tpu.dma_semaphore, #tpu.memory_space<semaphore_mem>>)
    %broadcast_in_dim3A = arith.constant 0.000000e+00 : f32
    %broadcast_in_dim3A_22 = vector.broadcast %broadcast_in_dim3A : f32 to vector<16xf32>
    %scan3A = arith.constant 0 : i32
    %scan3A_23 = arith.constant 0 : i32
    %scan3A_24 = arith.constant 632 : i32
    %scan3A_25 = arith.addi %scan3A_23, %scan3A_24 : i32
    %scan3A_26 = arith.constant 1 : i32
    scf.for %scan3A_54 = %scan3A_23 to %scan3A_25 step %scan3A_26  : i32 {
      %swap3A = arith.index_cast %scan3A_54 : i32 to index
      %swap3A_55 = arith.constant 0 : index
      %swap3A_56 = tpu.vector_load %arg8[%swap3A, %swap3A_55] {strides = array<i32>} : memref<632x16xf32, #tpu.memory_space<vmem>>, vector<1x16xf32>,
      %swap3A_57 = vector.shape_cast %swap3A_56 : vector<1x16xf32> to vector<16xf32>
      %swap3A_58 = vector.shape_cast %broadcast_in_dim3A_22 : vector<16xf32> to vector<1x16xf32>
      tpu.vector_store %arg8[%swap3A, %swap3A_55], %swap3A_58 {strides = array<i32>} : memref<632x16xf32, #tpu.memory_space<vmem>>, vector<1x16xf32>,
    }
    %scan3A_27 = arith.constant 632 : i32
    %mul3A_28 = arith.constant 632 : i32
    %mul3A_29 = arith.muli %arg1, %mul3A_28 : i32
    "tpu.region"() ({
      %run_scoped3A = tpu.sem_alloc : memref<!tpu.dma_semaphore, #tpu.memory_space<semaphore_mem>>
      %dma_start3A_54 = arith.constant 0 : i32
      %dma_start3A_55 = tpu.memref_slice %arg9[%mul3A_29, %dma_start3A_54] : memref<10112x16xf32, #tpu.memory_space<vmem_shared>> -> memref<632x16xf32, #tpu.memory_space<vmem_shared>>
      %dma_start3A_56 = arith.constant 0 : i32
      %dma_start3A_57 = tpu.memref_slice %arg9[%mul3A_29, %dma_start3A_56] : memref<10112x16xf32, #tpu.memory_space<vmem_shared>> -> memref<632x16xf32, #tpu.memory_space<vmem_shared>>
      tpu.enqueue_dma source(%arg8 : memref<632x16xf32, #tpu.memory_space<vmem>>) target(%dma_start3A_57 : memref<632x16xf32, #tpu.memory_space<vmem_shared>>) target_semaphore(%run_scoped3A : memref<!tpu.dma_semaphore, #tpu.memory_space<semaphore_mem>>)
      %dma_wait3A_58 = arith.constant 0 : i32
      %dma_wait3A_59 = tpu.memref_slice %arg9[%mul3A_29, %dma_wait3A_58] : memref<10112x16xf32, #tpu.memory_space<vmem_shared>> -> memref<632x16xf32, #tpu.memory_space<vmem_shared>>
      %dma_wait3A_60 = arith.constant 0 : i32
      %dma_wait3A_61 = tpu.memref_slice %arg9[%mul3A_29, %dma_wait3A_60] : memref<10112x16xf32, #tpu.memory_space<vmem_shared>> -> memref<632x16xf32, #tpu.memory_space<vmem_shared>>
      tpu.wait_dma2 semaphore(%run_scoped3A : memref<!tpu.dma_semaphore, #tpu.memory_space<semaphore_mem>>) src(%arg8 : memref<632x16xf32, #tpu.memory_space<vmem>>) dst(%dma_wait3A_61 : memref<632x16xf32, #tpu.memory_space<vmem_shared>>)
      tpu.yield
    }) : () -> ()
    %barrier3A = arith.constant 0 : index
    tpu.barrier barrier_id(%barrier3A)
    %scan3A_30 = arith.constant 0 : i32
    %scan3A_31 = arith.constant 0 : i32
    %scan3A_32 = arith.constant 20 : i32
    %scan3A_33 = arith.addi %scan3A_31, %scan3A_32 : i32
    %scan3A_34 = arith.constant 1 : i32
    scf.for %scan3A_54 = %scan3A_31 to %scan3A_33 step %scan3A_34  : i32 {
      %mul3A_55 = arith.constant 2 : i32
      %mul3A_56 = arith.muli %mul3A_55, %scan3A_54 : i32
      %dma_wait3A_57 = arith.constant 0 : i32
      %dma_wait3A_58 = arith.constant 0 : i32
      %dma_wait3A_59 = tpu.memref_slice %arg2[%dma_wait3A_57, %dma_wait3A_58] : memref<163840x16xf32, #tpu.memory_space<hbm>> -> memref<128x16xf32, #tpu.memory_space<hbm>>
      %dma_wait3A_60 = arith.constant 0 : i32
      %dma_wait3A_61 = arith.constant 0 : i32
      %dma_wait3A_62 = tpu.memref_slice %arg2[%dma_wait3A_60, %dma_wait3A_61] : memref<163840x16xf32, #tpu.memory_space<hbm>> -> memref<128x16xf32, #tpu.memory_space<hbm>>
      tpu.wait_dma2 semaphore(%arg10 : memref<!tpu.dma_semaphore, #tpu.memory_space<semaphore_mem>>) src(%dma_wait3A_62 : memref<128x16xf32, #tpu.memory_space<hbm>>) dst(%arg6 : memref<128x16xf32, #tpu.memory_space<vmem>>)
      %dma_start3A_63 = arith.constant 0 : i32
      %dma_start3A_64 = tpu.memref_slice %arg5[%mul3A_56, %dma_start3A_63] : memref<40x128xi32, #tpu.memory_space<vmem>> -> memref<1x128xi32, #tpu.memory_space<vmem>>
      %dma_start3A_65 = tpu.memref_squeeze %dma_start3A_64 : memref<1x128xi32, #tpu.memory_space<vmem>> -> memref<128xi32, #tpu.memory_space<vmem>>
      %dma_start3A_66 = arith.constant 0 : i32
      %dma_start3A_67 = arith.constant 0 : i32
      %dma_start3A_68 = tpu.memref_slice %arg9[%dma_start3A_66, %dma_start3A_67] : memref<10112x16xf32, #tpu.memory_space<vmem_shared>> -> memref<10112x16xf32, #tpu.memory_space<vmem_shared>>
      tpu.enqueue_indirect_dma source(%arg6 : memref<128x16xf32, #tpu.memory_space<vmem>>) target(%dma_start3A_68 : memref<10112x16xf32, #tpu.memory_space<vmem_shared>>) offsets(%dma_start3A_65 : memref<128xi32, #tpu.memory_space<vmem>>) semaphore(%arg12 : memref<!tpu.dma_semaphore, #tpu.memory_space<semaphore_mem>>) {add = true}
      %dma_wait3A_69 = arith.constant 0 : i32
      %dma_wait3A_70 = arith.constant 0 : i32
      %dma_wait3A_71 = tpu.memref_slice %arg2[%dma_wait3A_69, %dma_wait3A_70] : memref<163840x16xf32, #tpu.memory_space<hbm>> -> memref<128x16xf32, #tpu.memory_space<hbm>>
      %dma_wait3A_72 = arith.constant 0 : i32
      %dma_wait3A_73 = arith.constant 0 : i32
      %dma_wait3A_74 = tpu.memref_slice %arg2[%dma_wait3A_72, %dma_wait3A_73] : memref<163840x16xf32, #tpu.memory_space<hbm>> -> memref<128x16xf32, #tpu.memory_space<hbm>>
      tpu.wait_dma2 semaphore(%arg11 : memref<!tpu.dma_semaphore, #tpu.memory_space<semaphore_mem>>) src(%dma_wait3A_74 : memref<128x16xf32, #tpu.memory_space<hbm>>) dst(%arg7 : memref<128x16xf32, #tpu.memory_space<vmem>>)
      %add3A_75 = arith.constant 1 : i32
      %add3A_76 = arith.addi %mul3A_56, %add3A_75 : i32
      %dma_start3A_77 = arith.constant 0 : i32
      %dma_start3A_78 = tpu.memref_slice %arg5[%add3A_76, %dma_start3A_77] : memref<40x128xi32, #tpu.memory_space<vmem>> -> memref<1x128xi32, #tpu.memory_space<vmem>>
      %dma_start3A_79 = tpu.memref_squeeze %dma_start3A_78 : memref<1x128xi32, #tpu.memory_space<vmem>> -> memref<128xi32, #tpu.memory_space<vmem>>
      %dma_start3A_80 = arith.constant 0 : i32
      %dma_start3A_81 = arith.constant 0 : i32
      %dma_start3A_82 = tpu.memref_slice %arg9[%dma_start3A_80, %dma_start3A_81] : memref<10112x16xf32, #tpu.memory_space<vmem_shared>> -> memref<10112x16xf32, #tpu.memory_space<vmem_shared>>
      tpu.enqueue_indirect_dma source(%arg7 : memref<128x16xf32, #tpu.memory_space<vmem>>) target(%dma_start3A_82 : memref<10112x16xf32, #tpu.memory_space<vmem_shared>>) offsets(%dma_start3A_79 : memref<128xi32, #tpu.memory_space<vmem>>) semaphore(%arg13 : memref<!tpu.dma_semaphore, #tpu.memory_space<semaphore_mem>>) {add = true}
      %lt3A = arith.constant 19 : i32
      %lt3A_83 = arith.cmpi slt, %scan3A_54, %lt3A : i32
      %convert_element_type3A = arith.extui %lt3A_83 : i1 to i32
      %cond3A = arith.constant 0 : i32
      %cond3A_84 = arith.cmpi ne, %convert_element_type3A, %cond3A : i32
      scf.if %cond3A_84 {
        %dma_wait3A_85 = arith.constant 0 : i32
        %dma_wait3A_86 = arith.constant 0 : i32
        %dma_wait3A_87 = tpu.memref_slice %arg5[%dma_wait3A_85, %dma_wait3A_86] : memref<40x128xi32, #tpu.memory_space<vmem>> -> memref<1x128xi32, #tpu.memory_space<vmem>>
        %dma_wait3A_88 = tpu.memref_squeeze %dma_wait3A_87 : memref<1x128xi32, #tpu.memory_space<vmem>> -> memref<128xi32, #tpu.memory_space<vmem>>
        %dma_wait3A_89 = arith.constant 0 : i32
        %dma_wait3A_90 = arith.constant 0 : i32
        %dma_wait3A_91 = tpu.memref_slice %arg9[%dma_wait3A_89, %dma_wait3A_90] : memref<10112x16xf32, #tpu.memory_space<vmem_shared>> -> memref<10112x16xf32, #tpu.memory_space<vmem_shared>>
        tpu.wait_indirect_dma semaphore(%arg12 : memref<!tpu.dma_semaphore, #tpu.memory_space<semaphore_mem>>) src(%arg6 : memref<128x16xf32, #tpu.memory_space<vmem>>) dst(%dma_wait3A_91 : memref<10112x16xf32, #tpu.memory_space<vmem_shared>>)
        %add3A_92 = arith.constant 2 : i32
        %add3A_93 = arith.addi %mul3A_56, %add3A_92 : i32
        %mul3A_94 = arith.constant 40 : i32
        %mul3A_95 = arith.muli %add3A, %mul3A_94 : i32
        %add3A_96 = arith.addi %mul3A_95, %add3A_93 : i32
        %mul3A_97 = arith.constant 128 : i32
        %mul3A_98 = arith.muli %add3A_96, %mul3A_97 : i32
        %dma_start3A_99 = arith.constant 0 : i32
        %dma_start3A_100 = tpu.memref_slice %arg2[%mul3A_98, %dma_start3A_99] : memref<163840x16xf32, #tpu.memory_space<hbm>> -> memref<128x16xf32, #tpu.memory_space<hbm>>
        %dma_start3A_101 = arith.constant 0 : i32
        %dma_start3A_102 = tpu.memref_slice %arg2[%mul3A_98, %dma_start3A_101] : memref<163840x16xf32, #tpu.memory_space<hbm>> -> memref<128x16xf32, #tpu.memory_space<hbm>>
        tpu.enqueue_dma source(%dma_start3A_102 : memref<128x16xf32, #tpu.memory_space<hbm>>) target(%arg6 : memref<128x16xf32, #tpu.memory_space<vmem>>) target_semaphore(%arg10 : memref<!tpu.dma_semaphore, #tpu.memory_space<semaphore_mem>>)
        %dma_wait3A_103 = arith.constant 0 : i32
        %dma_wait3A_104 = arith.constant 0 : i32
        %dma_wait3A_105 = tpu.memref_slice %arg5[%dma_wait3A_103, %dma_wait3A_104] : memref<40x128xi32, #tpu.memory_space<vmem>> -> memref<1x128xi32, #tpu.memory_space<vmem>>
        %dma_wait3A_106 = tpu.memref_squeeze %dma_wait3A_105 : memref<1x128xi32, #tpu.memory_space<vmem>> -> memref<128xi32, #tpu.memory_space<vmem>>
        %dma_wait3A_107 = arith.constant 0 : i32
        %dma_wait3A_108 = arith.constant 0 : i32
        %dma_wait3A_109 = tpu.memref_slice %arg9[%dma_wait3A_107, %dma_wait3A_108] : memref<10112x16xf32, #tpu.memory_space<vmem_shared>> -> memref<10112x16xf32, #tpu.memory_space<vmem_shared>>
        tpu.wait_indirect_dma semaphore(%arg13 : memref<!tpu.dma_semaphore, #tpu.memory_space<semaphore_mem>>) src(%arg7 : memref<128x16xf32, #tpu.memory_space<vmem>>) dst(%dma_wait3A_109 : memref<10112x16xf32, #tpu.memory_space<vmem_shared>>)
        %add3A_110 = arith.constant 3 : i32
        %add3A_111 = arith.addi %mul3A_56, %add3A_110 : i32
        %mul3A_112 = arith.constant 40 : i32
        %mul3A_113 = arith.muli %add3A, %mul3A_112 : i32
        %add3A_114 = arith.addi %mul3A_113, %add3A_111 : i32
        %mul3A_115 = arith.constant 128 : i32
        %mul3A_116 = arith.muli %add3A_114, %mul3A_115 : i32
        %dma_start3A_117 = arith.constant 0 : i32
        %dma_start3A_118 = tpu.memref_slice %arg2[%mul3A_116, %dma_start3A_117] : memref<163840x16xf32, #tpu.memory_space<hbm>> -> memref<128x16xf32, #tpu.memory_space<hbm>>
        %dma_start3A_119 = arith.constant 0 : i32
        %dma_start3A_120 = tpu.memref_slice %arg2[%mul3A_116, %dma_start3A_119] : memref<163840x16xf32, #tpu.memory_space<hbm>> -> memref<128x16xf32, #tpu.memory_space<hbm>>
        tpu.enqueue_dma source(%dma_start3A_120 : memref<128x16xf32, #tpu.memory_space<hbm>>) target(%arg7 : memref<128x16xf32, #tpu.memory_space<vmem>>) target_semaphore(%arg11 : memref<!tpu.dma_semaphore, #tpu.memory_space<semaphore_mem>>)
      } else {
      }
    }
    %scan3A_35 = arith.constant 20 : i32
    %dma_wait3A = arith.constant 0 : i32
    %dma_wait3A_36 = arith.constant 0 : i32
    %dma_wait3A_37 = tpu.memref_slice %arg5[%dma_wait3A, %dma_wait3A_36] : memref<40x128xi32, #tpu.memory_space<vmem>> -> memref<1x128xi32, #tpu.memory_space<vmem>>
    %dma_wait3A_38 = tpu.memref_squeeze %dma_wait3A_37 : memref<1x128xi32, #tpu.memory_space<vmem>> -> memref<128xi32, #tpu.memory_space<vmem>>
    %dma_wait3A_39 = arith.constant 0 : i32
    %dma_wait3A_40 = arith.constant 0 : i32
    %dma_wait3A_41 = tpu.memref_slice %arg9[%dma_wait3A_39, %dma_wait3A_40] : memref<10112x16xf32, #tpu.memory_space<vmem_shared>> -> memref<10112x16xf32, #tpu.memory_space<vmem_shared>>
    tpu.wait_indirect_dma semaphore(%arg12 : memref<!tpu.dma_semaphore, #tpu.memory_space<semaphore_mem>>) src(%arg6 : memref<128x16xf32, #tpu.memory_space<vmem>>) dst(%dma_wait3A_41 : memref<10112x16xf32, #tpu.memory_space<vmem_shared>>)
    %dma_wait3A_42 = arith.constant 0 : i32
    %dma_wait3A_43 = arith.constant 0 : i32
    %dma_wait3A_44 = tpu.memref_slice %arg5[%dma_wait3A_42, %dma_wait3A_43] : memref<40x128xi32, #tpu.memory_space<vmem>> -> memref<1x128xi32, #tpu.memory_space<vmem>>
    %dma_wait3A_45 = tpu.memref_squeeze %dma_wait3A_44 : memref<1x128xi32, #tpu.memory_space<vmem>> -> memref<128xi32, #tpu.memory_space<vmem>>
    %dma_wait3A_46 = arith.constant 0 : i32
    %dma_wait3A_47 = arith.constant 0 : i32
    %dma_wait3A_48 = tpu.memref_slice %arg9[%dma_wait3A_46, %dma_wait3A_47] : memref<10112x16xf32, #tpu.memory_space<vmem_shared>> -> memref<10112x16xf32, #tpu.memory_space<vmem_shared>>
    tpu.wait_indirect_dma semaphore(%arg13 : memref<!tpu.dma_semaphore, #tpu.memory_space<semaphore_mem>>) src(%arg7 : memref<128x16xf32, #tpu.memory_space<vmem>>) dst(%dma_wait3A_48 : memref<10112x16xf32, #tpu.memory_space<vmem_shared>>)
    %barrier3A_49 = arith.constant 0 : index
    tpu.barrier barrier_id(%barrier3A_49)
    %mul3A_50 = arith.constant 632 : i32
    %mul3A_51 = arith.muli %arg1, %mul3A_50 : i32
    "tpu.region"() ({
      %run_scoped3A = tpu.sem_alloc : memref<!tpu.dma_semaphore, #tpu.memory_space<semaphore_mem>>
      %dma_start3A_54 = arith.constant 0 : i32
      %dma_start3A_55 = tpu.memref_slice %arg9[%mul3A_51, %dma_start3A_54] : memref<10112x16xf32, #tpu.memory_space<vmem_shared>> -> memref<632x16xf32, #tpu.memory_space<vmem_shared>>
      %dma_start3A_56 = arith.constant 0 : i32
      %dma_start3A_57 = tpu.memref_slice %arg9[%mul3A_51, %dma_start3A_56] : memref<10112x16xf32, #tpu.memory_space<vmem_shared>> -> memref<632x16xf32, #tpu.memory_space<vmem_shared>>
      tpu.enqueue_dma source(%dma_start3A_57 : memref<632x16xf32, #tpu.memory_space<vmem_shared>>) target(%arg8 : memref<632x16xf32, #tpu.memory_space<vmem>>) target_semaphore(%run_scoped3A : memref<!tpu.dma_semaphore, #tpu.memory_space<semaphore_mem>>)
      %dma_wait3A_58 = arith.constant 0 : i32
      %dma_wait3A_59 = tpu.memref_slice %arg9[%mul3A_51, %dma_wait3A_58] : memref<10112x16xf32, #tpu.memory_space<vmem_shared>> -> memref<632x16xf32, #tpu.memory_space<vmem_shared>>
      %dma_wait3A_60 = arith.constant 0 : i32
      %dma_wait3A_61 = tpu.memref_slice %arg9[%mul3A_51, %dma_wait3A_60] : memref<10112x16xf32, #tpu.memory_space<vmem_shared>> -> memref<632x16xf32, #tpu.memory_space<vmem_shared>>
      tpu.wait_dma2 semaphore(%run_scoped3A : memref<!tpu.dma_semaphore, #tpu.memory_space<semaphore_mem>>) src(%dma_wait3A_61 : memref<632x16xf32, #tpu.memory_space<vmem_shared>>) dst(%arg8 : memref<632x16xf32, #tpu.memory_space<vmem>>)
      tpu.yield
    }) : () -> ()
    %mul3A_52 = arith.constant 632 : i32
    %mul3A_53 = arith.muli %arg1, %mul3A_52 : i32
    "tpu.region"() ({
      %run_scoped3A = tpu.sem_alloc : memref<!tpu.dma_semaphore, #tpu.memory_space<semaphore_mem>>
      %dma_start3A_54 = arith.constant 0 : i32
      %dma_start3A_55 = tpu.memref_slice %arg4[%arg0, %mul3A_53, %dma_start3A_54] : memref<2x10112x16xf32, #tpu.memory_space<hbm>> -> memref<1x632x16xf32, #tpu.memory_space<hbm>>
      %dma_start3A_56 = tpu.memref_squeeze %dma_start3A_55 : memref<1x632x16xf32, #tpu.memory_space<hbm>> -> memref<632x16xf32, #tpu.memory_space<hbm>>
      %dma_start3A_57 = arith.constant 0 : i32
      %dma_start3A_58 = tpu.memref_slice %arg4[%arg0, %mul3A_53, %dma_start3A_57] : memref<2x10112x16xf32, #tpu.memory_space<hbm>> -> memref<1x632x16xf32, #tpu.memory_space<hbm>>
      %dma_start3A_59 = tpu.memref_squeeze %dma_start3A_58 : memref<1x632x16xf32, #tpu.memory_space<hbm>> -> memref<632x16xf32, #tpu.memory_space<hbm>>
      tpu.enqueue_dma source(%arg8 : memref<632x16xf32, #tpu.memory_space<vmem>>) target(%dma_start3A_59 : memref<632x16xf32, #tpu.memory_space<hbm>>) target_semaphore(%run_scoped3A : memref<!tpu.dma_semaphore, #tpu.memory_space<semaphore_mem>>)
      %dma_wait3A_60 = arith.constant 0 : i32
      %dma_wait3A_61 = tpu.memref_slice %arg4[%arg0, %mul3A_53, %dma_wait3A_60] : memref<2x10112x16xf32, #tpu.memory_space<hbm>> -> memref<1x632x16xf32, #tpu.memory_space<hbm>>
      %dma_wait3A_62 = tpu.memref_squeeze %dma_wait3A_61 : memref<1x632x16xf32, #tpu.memory_space<hbm>> -> memref<632x16xf32, #tpu.memory_space<hbm>>
      %dma_wait3A_63 = arith.constant 0 : i32
      %dma_wait3A_64 = tpu.memref_slice %arg4[%arg0, %mul3A_53, %dma_wait3A_63] : memref<2x10112x16xf32, #tpu.memory_space<hbm>> -> memref<1x632x16xf32, #tpu.memory_space<hbm>>
      %dma_wait3A_65 = tpu.memref_squeeze %dma_wait3A_64 : memref<1x632x16xf32, #tpu.memory_space<hbm>> -> memref<632x16xf32, #tpu.memory_space<hbm>>
      tpu.wait_dma2 semaphore(%run_scoped3A : memref<!tpu.dma_semaphore, #tpu.memory_space<semaphore_mem>>) src(%arg8 : memref<632x16xf32, #tpu.memory_space<vmem>>) dst(%dma_wait3A_65 : memref<632x16xf32, #tpu.memory_space<hbm>>)
      tpu.yield
    }) : () -> ()
    return
  }
}

#map = affine_map<(d0, d1) -> (0, 0)>
module attributes {stable_mosaic.version = 14 : i64} {
  func.func @_gather_body(%arg0: i32, %arg1: i32, %arg2: memref<10000x16xf32, #tpu.memory_space<hbm>>, %arg3: memref<1280x128xi32, #tpu.memory_space<hbm>>, %arg4: memref<163840x16xf32, #tpu.memory_space<hbm>>, %arg5: memref<40x128xi32, #tpu.memory_space<vmem>>, %arg6: memref<128x16xf32, #tpu.memory_space<vmem>>, %arg7: memref<128x16xf32, #tpu.memory_space<vmem>>, %arg8: memref<128x16xf32, #tpu.memory_space<vmem>>, %arg9: memref<128x16xf32, #tpu.memory_space<vmem>>, %arg10: memref<!tpu.dma_semaphore, #tpu.memory_space<semaphore_mem>>, %arg11: memref<!tpu.dma_semaphore, #tpu.memory_space<semaphore_mem>>, %arg12: memref<!tpu.dma_semaphore, #tpu.memory_space<semaphore_mem>>, %arg13: memref<!tpu.dma_semaphore, #tpu.memory_space<semaphore_mem>>, %arg14: memref<!tpu.dma_semaphore, #tpu.memory_space<semaphore_mem>>, %arg15: memref<!tpu.dma_semaphore, #tpu.memory_space<semaphore_mem>>, %arg16: memref<!tpu.dma_semaphore, #tpu.memory_space<semaphore_mem>>, %arg17: memref<!tpu.dma_semaphore, #tpu.memory_space<semaphore_mem>>) attributes {dimension_semantics = [#tpu.dimension_semantics<core_parallel>, #tpu.dimension_semantics<subcore_parallel>], iteration_bounds = array<i64: 2, 16>, scalar_prefetch = 0 : i64, scratch_operands = 13 : i64, tpu.core_type = #tpu.core_type<sc_vector_subcore>, window_params = [{transform_indices = #map}, {transform_indices = #map}, {transform_indices = #map}]} {
    %mul3A = arith.constant 16 : i32
    %mul3A_0 = arith.muli %arg0, %mul3A : i32
    %add3A = arith.addi %mul3A_0, %arg1 : i32
    %mul3A_1 = arith.constant 40 : i32
    %mul3A_2 = arith.muli %add3A, %mul3A_1 : i32
    "tpu.region"() ({
      %run_scoped3A = tpu.sem_alloc : memref<!tpu.dma_semaphore, #tpu.memory_space<semaphore_mem>>
      %dma_start3A_58 = arith.constant 0 : i32
      %dma_start3A_59 = tpu.memref_slice %arg3[%mul3A_2, %dma_start3A_58] : memref<1280x128xi32, #tpu.memory_space<hbm>> -> memref<40x128xi32, #tpu.memory_space<hbm>>
      %dma_start3A_60 = arith.constant 0 : i32
      %dma_start3A_61 = tpu.memref_slice %arg3[%mul3A_2, %dma_start3A_60] : memref<1280x128xi32, #tpu.memory_space<hbm>> -> memref<40x128xi32, #tpu.memory_space<hbm>>
      tpu.enqueue_dma source(%dma_start3A_61 : memref<40x128xi32, #tpu.memory_space<hbm>>) target(%arg5 : memref<40x128xi32, #tpu.memory_space<vmem>>) target_semaphore(%run_scoped3A : memref<!tpu.dma_semaphore, #tpu.memory_space<semaphore_mem>>)
      %dma_wait3A_62 = arith.constant 0 : i32
      %dma_wait3A_63 = tpu.memref_slice %arg3[%mul3A_2, %dma_wait3A_62] : memref<1280x128xi32, #tpu.memory_space<hbm>> -> memref<40x128xi32, #tpu.memory_space<hbm>>
      %dma_wait3A_64 = arith.constant 0 : i32
      %dma_wait3A_65 = tpu.memref_slice %arg3[%mul3A_2, %dma_wait3A_64] : memref<1280x128xi32, #tpu.memory_space<hbm>> -> memref<40x128xi32, #tpu.memory_space<hbm>>
      tpu.wait_dma2 semaphore(%run_scoped3A : memref<!tpu.dma_semaphore, #tpu.memory_space<semaphore_mem>>) src(%dma_wait3A_65 : memref<40x128xi32, #tpu.memory_space<hbm>>) dst(%arg5 : memref<40x128xi32, #tpu.memory_space<vmem>>)
      tpu.yield
    }) : () -> ()
    %dma_start3A = arith.constant 0 : i32
    %dma_start3A_3 = arith.constant 0 : i32
    %dma_start3A_4 = tpu.memref_slice %arg5[%dma_start3A, %dma_start3A_3] : memref<40x128xi32, #tpu.memory_space<vmem>> -> memref<1x128xi32, #tpu.memory_space<vmem>>
    %dma_start3A_5 = tpu.memref_squeeze %dma_start3A_4 : memref<1x128xi32, #tpu.memory_space<vmem>> -> memref<128xi32, #tpu.memory_space<vmem>>
    %dma_start3A_6 = arith.constant 0 : i32
    %dma_start3A_7 = arith.constant 0 : i32
    %dma_start3A_8 = tpu.memref_slice %arg2[%dma_start3A_6, %dma_start3A_7] : memref<10000x16xf32, #tpu.memory_space<hbm>> -> memref<10000x16xf32, #tpu.memory_space<hbm>>
    tpu.enqueue_indirect_dma source(%dma_start3A_8 : memref<10000x16xf32, #tpu.memory_space<hbm>>) target(%arg6 : memref<128x16xf32, #tpu.memory_space<vmem>>) offsets(%dma_start3A_5 : memref<128xi32, #tpu.memory_space<vmem>>) semaphore(%arg10 : memref<!tpu.dma_semaphore, #tpu.memory_space<semaphore_mem>>)
    %dma_start3A_9 = arith.constant 1 : i32
    %dma_start3A_10 = arith.constant 0 : i32
    %dma_start3A_11 = tpu.memref_slice %arg5[%dma_start3A_9, %dma_start3A_10] : memref<40x128xi32, #tpu.memory_space<vmem>> -> memref<1x128xi32, #tpu.memory_space<vmem>>
    %dma_start3A_12 = tpu.memref_squeeze %dma_start3A_11 : memref<1x128xi32, #tpu.memory_space<vmem>> -> memref<128xi32, #tpu.memory_space<vmem>>
    %dma_start3A_13 = arith.constant 0 : i32
    %dma_start3A_14 = arith.constant 0 : i32
    %dma_start3A_15 = tpu.memref_slice %arg2[%dma_start3A_13, %dma_start3A_14] : memref<10000x16xf32, #tpu.memory_space<hbm>> -> memref<10000x16xf32, #tpu.memory_space<hbm>>
    tpu.enqueue_indirect_dma source(%dma_start3A_15 : memref<10000x16xf32, #tpu.memory_space<hbm>>) target(%arg7 : memref<128x16xf32, #tpu.memory_space<vmem>>) offsets(%dma_start3A_12 : memref<128xi32, #tpu.memory_space<vmem>>) semaphore(%arg11 : memref<!tpu.dma_semaphore, #tpu.memory_space<semaphore_mem>>)
    %dma_start3A_16 = arith.constant 2 : i32
    %dma_start3A_17 = arith.constant 0 : i32
    %dma_start3A_18 = tpu.memref_slice %arg5[%dma_start3A_16, %dma_start3A_17] : memref<40x128xi32, #tpu.memory_space<vmem>> -> memref<1x128xi32, #tpu.memory_space<vmem>>
    %dma_start3A_19 = tpu.memref_squeeze %dma_start3A_18 : memref<1x128xi32, #tpu.memory_space<vmem>> -> memref<128xi32, #tpu.memory_space<vmem>>
    %dma_start3A_20 = arith.constant 0 : i32
    %dma_start3A_21 = arith.constant 0 : i32
    %dma_start3A_22 = tpu.memref_slice %arg2[%dma_start3A_20, %dma_start3A_21] : memref<10000x16xf32, #tpu.memory_space<hbm>> -> memref<10000x16xf32, #tpu.memory_space<hbm>>
    tpu.enqueue_indirect_dma source(%dma_start3A_22 : memref<10000x16xf32, #tpu.memory_space<hbm>>) target(%arg8 : memref<128x16xf32, #tpu.memory_space<vmem>>) offsets(%dma_start3A_19 : memref<128xi32, #tpu.memory_space<vmem>>) semaphore(%arg12 : memref<!tpu.dma_semaphore, #tpu.memory_space<semaphore_mem>>)
    %dma_start3A_23 = arith.constant 3 : i32
    %dma_start3A_24 = arith.constant 0 : i32
    %dma_start3A_25 = tpu.memref_slice %arg5[%dma_start3A_23, %dma_start3A_24] : memref<40x128xi32, #tpu.memory_space<vmem>> -> memref<1x128xi32, #tpu.memory_space<vmem>>
    %dma_start3A_26 = tpu.memref_squeeze %dma_start3A_25 : memref<1x128xi32, #tpu.memory_space<vmem>> -> memref<128xi32, #tpu.memory_space<vmem>>
    %dma_start3A_27 = arith.constant 0 : i32
    %dma_start3A_28 = arith.constant 0 : i32
    %dma_start3A_29 = tpu.memref_slice %arg2[%dma_start3A_27, %dma_start3A_28] : memref<10000x16xf32, #tpu.memory_space<hbm>> -> memref<10000x16xf32, #tpu.memory_space<hbm>>
    tpu.enqueue_indirect_dma source(%dma_start3A_29 : memref<10000x16xf32, #tpu.memory_space<hbm>>) target(%arg9 : memref<128x16xf32, #tpu.memory_space<vmem>>) offsets(%dma_start3A_26 : memref<128xi32, #tpu.memory_space<vmem>>) semaphore(%arg13 : memref<!tpu.dma_semaphore, #tpu.memory_space<semaphore_mem>>)
    %scan3A = arith.constant 0 : i32
    %scan3A_30 = arith.constant 0 : i32
    %scan3A_31 = arith.constant 10 : i32
    %scan3A_32 = arith.addi %scan3A_30, %scan3A_31 : i32
    %scan3A_33 = arith.constant 1 : i32
    scf.for %scan3A_58 = %scan3A_30 to %scan3A_32 step %scan3A_33  : i32 {
      %mul3A_59 = arith.constant 4 : i32
      %mul3A_60 = arith.muli %mul3A_59, %scan3A_58 : i32
      %dma_wait3A_61 = arith.constant 0 : i32
      %dma_wait3A_62 = arith.constant 0 : i32
      %dma_wait3A_63 = tpu.memref_slice %arg5[%dma_wait3A_61, %dma_wait3A_62] : memref<40x128xi32, #tpu.memory_space<vmem>> -> memref<1x128xi32, #tpu.memory_space<vmem>>
      %dma_wait3A_64 = tpu.memref_squeeze %dma_wait3A_63 : memref<1x128xi32, #tpu.memory_space<vmem>> -> memref<128xi32, #tpu.memory_space<vmem>>
      %dma_wait3A_65 = arith.constant 0 : i32
      %dma_wait3A_66 = arith.constant 0 : i32
      %dma_wait3A_67 = tpu.memref_slice %arg2[%dma_wait3A_65, %dma_wait3A_66] : memref<10000x16xf32, #tpu.memory_space<hbm>> -> memref<10000x16xf32, #tpu.memory_space<hbm>>
      tpu.wait_indirect_dma semaphore(%arg10 : memref<!tpu.dma_semaphore, #tpu.memory_space<semaphore_mem>>) src(%dma_wait3A_67 : memref<10000x16xf32, #tpu.memory_space<hbm>>) dst(%arg6 : memref<128x16xf32, #tpu.memory_space<vmem>>)
      %add3A_68 = arith.constant 0 : i32
      %add3A_69 = arith.addi %mul3A_60, %add3A_68 : i32
      %mul3A_70 = arith.constant 40 : i32
      %mul3A_71 = arith.muli %add3A, %mul3A_70 : i32
      %add3A_72 = arith.addi %mul3A_71, %add3A_69 : i32
      %mul3A_73 = arith.constant 128 : i32
      %mul3A_74 = arith.muli %add3A_72, %mul3A_73 : i32
      %dma_start3A_75 = arith.constant 0 : i32
      %dma_start3A_76 = tpu.memref_slice %arg4[%mul3A_74, %dma_start3A_75] : memref<163840x16xf32, #tpu.memory_space<hbm>> -> memref<128x16xf32, #tpu.memory_space<hbm>>
      %dma_start3A_77 = arith.constant 0 : i32
      %dma_start3A_78 = tpu.memref_slice %arg4[%mul3A_74, %dma_start3A_77] : memref<163840x16xf32, #tpu.memory_space<hbm>> -> memref<128x16xf32, #tpu.memory_space<hbm>>
      tpu.enqueue_dma source(%arg6 : memref<128x16xf32, #tpu.memory_space<vmem>>) target(%dma_start3A_78 : memref<128x16xf32, #tpu.memory_space<hbm>>) target_semaphore(%arg14 : memref<!tpu.dma_semaphore, #tpu.memory_space<semaphore_mem>>)
      %dma_wait3A_79 = arith.constant 0 : i32
      %dma_wait3A_80 = arith.constant 0 : i32
      %dma_wait3A_81 = tpu.memref_slice %arg5[%dma_wait3A_79, %dma_wait3A_80] : memref<40x128xi32, #tpu.memory_space<vmem>> -> memref<1x128xi32, #tpu.memory_space<vmem>>
      %dma_wait3A_82 = tpu.memref_squeeze %dma_wait3A_81 : memref<1x128xi32, #tpu.memory_space<vmem>> -> memref<128xi32, #tpu.memory_space<vmem>>
      %dma_wait3A_83 = arith.constant 0 : i32
      %dma_wait3A_84 = arith.constant 0 : i32
      %dma_wait3A_85 = tpu.memref_slice %arg2[%dma_wait3A_83, %dma_wait3A_84] : memref<10000x16xf32, #tpu.memory_space<hbm>> -> memref<10000x16xf32, #tpu.memory_space<hbm>>
      tpu.wait_indirect_dma semaphore(%arg11 : memref<!tpu.dma_semaphore, #tpu.memory_space<semaphore_mem>>) src(%dma_wait3A_85 : memref<10000x16xf32, #tpu.memory_space<hbm>>) dst(%arg7 : memref<128x16xf32, #tpu.memory_space<vmem>>)
      %add3A_86 = arith.constant 1 : i32
      %add3A_87 = arith.addi %mul3A_60, %add3A_86 : i32
      %mul3A_88 = arith.constant 40 : i32
      %mul3A_89 = arith.muli %add3A, %mul3A_88 : i32
      %add3A_90 = arith.addi %mul3A_89, %add3A_87 : i32
      %mul3A_91 = arith.constant 128 : i32
      %mul3A_92 = arith.muli %add3A_90, %mul3A_91 : i32
      %dma_start3A_93 = arith.constant 0 : i32
      %dma_start3A_94 = tpu.memref_slice %arg4[%mul3A_92, %dma_start3A_93] : memref<163840x16xf32, #tpu.memory_space<hbm>> -> memref<128x16xf32, #tpu.memory_space<hbm>>
      %dma_start3A_95 = arith.constant 0 : i32
      %dma_start3A_96 = tpu.memref_slice %arg4[%mul3A_92, %dma_start3A_95] : memref<163840x16xf32, #tpu.memory_space<hbm>> -> memref<128x16xf32, #tpu.memory_space<hbm>>
      tpu.enqueue_dma source(%arg7 : memref<128x16xf32, #tpu.memory_space<vmem>>) target(%dma_start3A_96 : memref<128x16xf32, #tpu.memory_space<hbm>>) target_semaphore(%arg15 : memref<!tpu.dma_semaphore, #tpu.memory_space<semaphore_mem>>)
      %dma_wait3A_97 = arith.constant 0 : i32
      %dma_wait3A_98 = arith.constant 0 : i32
      %dma_wait3A_99 = tpu.memref_slice %arg5[%dma_wait3A_97, %dma_wait3A_98] : memref<40x128xi32, #tpu.memory_space<vmem>> -> memref<1x128xi32, #tpu.memory_space<vmem>>
      %dma_wait3A_100 = tpu.memref_squeeze %dma_wait3A_99 : memref<1x128xi32, #tpu.memory_space<vmem>> -> memref<128xi32, #tpu.memory_space<vmem>>
      %dma_wait3A_101 = arith.constant 0 : i32
      %dma_wait3A_102 = arith.constant 0 : i32
      %dma_wait3A_103 = tpu.memref_slice %arg2[%dma_wait3A_101, %dma_wait3A_102] : memref<10000x16xf32, #tpu.memory_space<hbm>> -> memref<10000x16xf32, #tpu.memory_space<hbm>>
      tpu.wait_indirect_dma semaphore(%arg12 : memref<!tpu.dma_semaphore, #tpu.memory_space<semaphore_mem>>) src(%dma_wait3A_103 : memref<10000x16xf32, #tpu.memory_space<hbm>>) dst(%arg8 : memref<128x16xf32, #tpu.memory_space<vmem>>)
      %add3A_104 = arith.constant 2 : i32
      %add3A_105 = arith.addi %mul3A_60, %add3A_104 : i32
      %mul3A_106 = arith.constant 40 : i32
      %mul3A_107 = arith.muli %add3A, %mul3A_106 : i32
      %add3A_108 = arith.addi %mul3A_107, %add3A_105 : i32
      %mul3A_109 = arith.constant 128 : i32
      %mul3A_110 = arith.muli %add3A_108, %mul3A_109 : i32
      %dma_start3A_111 = arith.constant 0 : i32
      %dma_start3A_112 = tpu.memref_slice %arg4[%mul3A_110, %dma_start3A_111] : memref<163840x16xf32, #tpu.memory_space<hbm>> -> memref<128x16xf32, #tpu.memory_space<hbm>>
      %dma_start3A_113 = arith.constant 0 : i32
      %dma_start3A_114 = tpu.memref_slice %arg4[%mul3A_110, %dma_start3A_113] : memref<163840x16xf32, #tpu.memory_space<hbm>> -> memref<128x16xf32, #tpu.memory_space<hbm>>
      tpu.enqueue_dma source(%arg8 : memref<128x16xf32, #tpu.memory_space<vmem>>) target(%dma_start3A_114 : memref<128x16xf32, #tpu.memory_space<hbm>>) target_semaphore(%arg16 : memref<!tpu.dma_semaphore, #tpu.memory_space<semaphore_mem>>)
      %dma_wait3A_115 = arith.constant 0 : i32
      %dma_wait3A_116 = arith.constant 0 : i32
      %dma_wait3A_117 = tpu.memref_slice %arg5[%dma_wait3A_115, %dma_wait3A_116] : memref<40x128xi32, #tpu.memory_space<vmem>> -> memref<1x128xi32, #tpu.memory_space<vmem>>
      %dma_wait3A_118 = tpu.memref_squeeze %dma_wait3A_117 : memref<1x128xi32, #tpu.memory_space<vmem>> -> memref<128xi32, #tpu.memory_space<vmem>>
      %dma_wait3A_119 = arith.constant 0 : i32
      %dma_wait3A_120 = arith.constant 0 : i32
      %dma_wait3A_121 = tpu.memref_slice %arg2[%dma_wait3A_119, %dma_wait3A_120] : memref<10000x16xf32, #tpu.memory_space<hbm>> -> memref<10000x16xf32, #tpu.memory_space<hbm>>
      tpu.wait_indirect_dma semaphore(%arg13 : memref<!tpu.dma_semaphore, #tpu.memory_space<semaphore_mem>>) src(%dma_wait3A_121 : memref<10000x16xf32, #tpu.memory_space<hbm>>) dst(%arg9 : memref<128x16xf32, #tpu.memory_space<vmem>>)
      %add3A_122 = arith.constant 3 : i32
      %add3A_123 = arith.addi %mul3A_60, %add3A_122 : i32
      %mul3A_124 = arith.constant 40 : i32
      %mul3A_125 = arith.muli %add3A, %mul3A_124 : i32
      %add3A_126 = arith.addi %mul3A_125, %add3A_123 : i32
      %mul3A_127 = arith.constant 128 : i32
      %mul3A_128 = arith.muli %add3A_126, %mul3A_127 : i32
      %dma_start3A_129 = arith.constant 0 : i32
      %dma_start3A_130 = tpu.memref_slice %arg4[%mul3A_128, %dma_start3A_129] : memref<163840x16xf32, #tpu.memory_space<hbm>> -> memref<128x16xf32, #tpu.memory_space<hbm>>
      %dma_start3A_131 = arith.constant 0 : i32
      %dma_start3A_132 = tpu.memref_slice %arg4[%mul3A_128, %dma_start3A_131] : memref<163840x16xf32, #tpu.memory_space<hbm>> -> memref<128x16xf32, #tpu.memory_space<hbm>>
      tpu.enqueue_dma source(%arg9 : memref<128x16xf32, #tpu.memory_space<vmem>>) target(%dma_start3A_132 : memref<128x16xf32, #tpu.memory_space<hbm>>) target_semaphore(%arg17 : memref<!tpu.dma_semaphore, #tpu.memory_space<semaphore_mem>>)
      %lt3A = arith.constant 9 : i32
      %lt3A_133 = arith.cmpi slt, %scan3A_58, %lt3A : i32
      %convert_element_type3A = arith.extui %lt3A_133 : i1 to i32
      %cond3A = arith.constant 0 : i32
      %cond3A_134 = arith.cmpi ne, %convert_element_type3A, %cond3A : i32
      scf.if %cond3A_134 {
        %dma_wait3A_135 = arith.constant 0 : i32
        %dma_wait3A_136 = arith.constant 0 : i32
        %dma_wait3A_137 = tpu.memref_slice %arg4[%dma_wait3A_135, %dma_wait3A_136] : memref<163840x16xf32, #tpu.memory_space<hbm>> -> memref<128x16xf32, #tpu.memory_space<hbm>>
        %dma_wait3A_138 = arith.constant 0 : i32
        %dma_wait3A_139 = arith.constant 0 : i32
        %dma_wait3A_140 = tpu.memref_slice %arg4[%dma_wait3A_138, %dma_wait3A_139] : memref<163840x16xf32, #tpu.memory_space<hbm>> -> memref<128x16xf32, #tpu.memory_space<hbm>>
        tpu.wait_dma2 semaphore(%arg14 : memref<!tpu.dma_semaphore, #tpu.memory_space<semaphore_mem>>) src(%arg6 : memref<128x16xf32, #tpu.memory_space<vmem>>) dst(%dma_wait3A_140 : memref<128x16xf32, #tpu.memory_space<hbm>>)
        %add3A_141 = arith.constant 4 : i32
        %add3A_142 = arith.addi %mul3A_60, %add3A_141 : i32
        %add3A_143 = arith.constant 0 : i32
        %add3A_144 = arith.addi %add3A_142, %add3A_143 : i32
        %dma_start3A_145 = arith.constant 0 : i32
        %dma_start3A_146 = tpu.memref_slice %arg5[%add3A_144, %dma_start3A_145] : memref<40x128xi32, #tpu.memory_space<vmem>> -> memref<1x128xi32, #tpu.memory_space<vmem>>
        %dma_start3A_147 = tpu.memref_squeeze %dma_start3A_146 : memref<1x128xi32, #tpu.memory_space<vmem>> -> memref<128xi32, #tpu.memory_space<vmem>>
        %dma_start3A_148 = arith.constant 0 : i32
        %dma_start3A_149 = arith.constant 0 : i32
        %dma_start3A_150 = tpu.memref_slice %arg2[%dma_start3A_148, %dma_start3A_149] : memref<10000x16xf32, #tpu.memory_space<hbm>> -> memref<10000x16xf32, #tpu.memory_space<hbm>>
        tpu.enqueue_indirect_dma source(%dma_start3A_150 : memref<10000x16xf32, #tpu.memory_space<hbm>>) target(%arg6 : memref<128x16xf32, #tpu.memory_space<vmem>>) offsets(%dma_start3A_147 : memref<128xi32, #tpu.memory_space<vmem>>) semaphore(%arg10 : memref<!tpu.dma_semaphore, #tpu.memory_space<semaphore_mem>>)
        %dma_wait3A_151 = arith.constant 0 : i32
        %dma_wait3A_152 = arith.constant 0 : i32
        %dma_wait3A_153 = tpu.memref_slice %arg4[%dma_wait3A_151, %dma_wait3A_152] : memref<163840x16xf32, #tpu.memory_space<hbm>> -> memref<128x16xf32, #tpu.memory_space<hbm>>
        %dma_wait3A_154 = arith.constant 0 : i32
        %dma_wait3A_155 = arith.constant 0 : i32
        %dma_wait3A_156 = tpu.memref_slice %arg4[%dma_wait3A_154, %dma_wait3A_155] : memref<163840x16xf32, #tpu.memory_space<hbm>> -> memref<128x16xf32, #tpu.memory_space<hbm>>
        tpu.wait_dma2 semaphore(%arg15 : memref<!tpu.dma_semaphore, #tpu.memory_space<semaphore_mem>>) src(%arg7 : memref<128x16xf32, #tpu.memory_space<vmem>>) dst(%dma_wait3A_156 : memref<128x16xf32, #tpu.memory_space<hbm>>)
        %add3A_157 = arith.constant 4 : i32
        %add3A_158 = arith.addi %mul3A_60, %add3A_157 : i32
        %add3A_159 = arith.constant 1 : i32
        %add3A_160 = arith.addi %add3A_158, %add3A_159 : i32
        %dma_start3A_161 = arith.constant 0 : i32
        %dma_start3A_162 = tpu.memref_slice %arg5[%add3A_160, %dma_start3A_161] : memref<40x128xi32, #tpu.memory_space<vmem>> -> memref<1x128xi32, #tpu.memory_space<vmem>>
        %dma_start3A_163 = tpu.memref_squeeze %dma_start3A_162 : memref<1x128xi32, #tpu.memory_space<vmem>> -> memref<128xi32, #tpu.memory_space<vmem>>
        %dma_start3A_164 = arith.constant 0 : i32
        %dma_start3A_165 = arith.constant 0 : i32
        %dma_start3A_166 = tpu.memref_slice %arg2[%dma_start3A_164, %dma_start3A_165] : memref<10000x16xf32, #tpu.memory_space<hbm>> -> memref<10000x16xf32, #tpu.memory_space<hbm>>
        tpu.enqueue_indirect_dma source(%dma_start3A_166 : memref<10000x16xf32, #tpu.memory_space<hbm>>) target(%arg7 : memref<128x16xf32, #tpu.memory_space<vmem>>) offsets(%dma_start3A_163 : memref<128xi32, #tpu.memory_space<vmem>>) semaphore(%arg11 : memref<!tpu.dma_semaphore, #tpu.memory_space<semaphore_mem>>)
        %dma_wait3A_167 = arith.constant 0 : i32
        %dma_wait3A_168 = arith.constant 0 : i32
        %dma_wait3A_169 = tpu.memref_slice %arg4[%dma_wait3A_167, %dma_wait3A_168] : memref<163840x16xf32, #tpu.memory_space<hbm>> -> memref<128x16xf32, #tpu.memory_space<hbm>>
        %dma_wait3A_170 = arith.constant 0 : i32
        %dma_wait3A_171 = arith.constant 0 : i32
        %dma_wait3A_172 = tpu.memref_slice %arg4[%dma_wait3A_170, %dma_wait3A_171] : memref<163840x16xf32, #tpu.memory_space<hbm>> -> memref<128x16xf32, #tpu.memory_space<hbm>>
        tpu.wait_dma2 semaphore(%arg16 : memref<!tpu.dma_semaphore, #tpu.memory_space<semaphore_mem>>) src(%arg8 : memref<128x16xf32, #tpu.memory_space<vmem>>) dst(%dma_wait3A_172 : memref<128x16xf32, #tpu.memory_space<hbm>>)
        %add3A_173 = arith.constant 4 : i32
        %add3A_174 = arith.addi %mul3A_60, %add3A_173 : i32
        %add3A_175 = arith.constant 2 : i32
        %add3A_176 = arith.addi %add3A_174, %add3A_175 : i32
        %dma_start3A_177 = arith.constant 0 : i32
        %dma_start3A_178 = tpu.memref_slice %arg5[%add3A_176, %dma_start3A_177] : memref<40x128xi32, #tpu.memory_space<vmem>> -> memref<1x128xi32, #tpu.memory_space<vmem>>
        %dma_start3A_179 = tpu.memref_squeeze %dma_start3A_178 : memref<1x128xi32, #tpu.memory_space<vmem>> -> memref<128xi32, #tpu.memory_space<vmem>>
        %dma_start3A_180 = arith.constant 0 : i32
        %dma_start3A_181 = arith.constant 0 : i32
        %dma_start3A_182 = tpu.memref_slice %arg2[%dma_start3A_180, %dma_start3A_181] : memref<10000x16xf32, #tpu.memory_space<hbm>> -> memref<10000x16xf32, #tpu.memory_space<hbm>>
        tpu.enqueue_indirect_dma source(%dma_start3A_182 : memref<10000x16xf32, #tpu.memory_space<hbm>>) target(%arg8 : memref<128x16xf32, #tpu.memory_space<vmem>>) offsets(%dma_start3A_179 : memref<128xi32, #tpu.memory_space<vmem>>) semaphore(%arg12 : memref<!tpu.dma_semaphore, #tpu.memory_space<semaphore_mem>>)
        %dma_wait3A_183 = arith.constant 0 : i32
        %dma_wait3A_184 = arith.constant 0 : i32
        %dma_wait3A_185 = tpu.memref_slice %arg4[%dma_wait3A_183, %dma_wait3A_184] : memref<163840x16xf32, #tpu.memory_space<hbm>> -> memref<128x16xf32, #tpu.memory_space<hbm>>
        %dma_wait3A_186 = arith.constant 0 : i32
        %dma_wait3A_187 = arith.constant 0 : i32
        %dma_wait3A_188 = tpu.memref_slice %arg4[%dma_wait3A_186, %dma_wait3A_187] : memref<163840x16xf32, #tpu.memory_space<hbm>> -> memref<128x16xf32, #tpu.memory_space<hbm>>
        tpu.wait_dma2 semaphore(%arg17 : memref<!tpu.dma_semaphore, #tpu.memory_space<semaphore_mem>>) src(%arg9 : memref<128x16xf32, #tpu.memory_space<vmem>>) dst(%dma_wait3A_188 : memref<128x16xf32, #tpu.memory_space<hbm>>)
        %add3A_189 = arith.constant 4 : i32
        %add3A_190 = arith.addi %mul3A_60, %add3A_189 : i32
        %add3A_191 = arith.constant 3 : i32
        %add3A_192 = arith.addi %add3A_190, %add3A_191 : i32
        %dma_start3A_193 = arith.constant 0 : i32
        %dma_start3A_194 = tpu.memref_slice %arg5[%add3A_192, %dma_start3A_193] : memref<40x128xi32, #tpu.memory_space<vmem>> -> memref<1x128xi32, #tpu.memory_space<vmem>>
        %dma_start3A_195 = tpu.memref_squeeze %dma_start3A_194 : memref<1x128xi32, #tpu.memory_space<vmem>> -> memref<128xi32, #tpu.memory_space<vmem>>
        %dma_start3A_196 = arith.constant 0 : i32
        %dma_start3A_197 = arith.constant 0 : i32
        %dma_start3A_198 = tpu.memref_slice %arg2[%dma_start3A_196, %dma_start3A_197] : memref<10000x16xf32, #tpu.memory_space<hbm>> -> memref<10000x16xf32, #tpu.memory_space<hbm>>
        tpu.enqueue_indirect_dma source(%dma_start3A_198 : memref<10000x16xf32, #tpu.memory_space<hbm>>) target(%arg9 : memref<128x16xf32, #tpu.memory_space<vmem>>) offsets(%dma_start3A_195 : memref<128xi32, #tpu.memory_space<vmem>>) semaphore(%arg13 : memref<!tpu.dma_semaphore, #tpu.memory_space<semaphore_mem>>)
      } else {
      }
    }
    %scan3A_34 = arith.constant 10 : i32
    %dma_wait3A = arith.constant 0 : i32
    %dma_wait3A_35 = arith.constant 0 : i32
    %dma_wait3A_36 = tpu.memref_slice %arg4[%dma_wait3A, %dma_wait3A_35] : memref<163840x16xf32, #tpu.memory_space<hbm>> -> memref<128x16xf32, #tpu.memory_space<hbm>>
    %dma_wait3A_37 = arith.constant 0 : i32
    %dma_wait3A_38 = arith.constant 0 : i32
    %dma_wait3A_39 = tpu.memref_slice %arg4[%dma_wait3A_37, %dma_wait3A_38] : memref<163840x16xf32, #tpu.memory_space<hbm>> -> memref<128x16xf32, #tpu.memory_space<hbm>>
    tpu.wait_dma2 semaphore(%arg14 : memref<!tpu.dma_semaphore, #tpu.memory_space<semaphore_mem>>) src(%arg6 : memref<128x16xf32, #tpu.memory_space<vmem>>) dst(%dma_wait3A_39 : memref<128x16xf32, #tpu.memory_space<hbm>>)
    %dma_wait3A_40 = arith.constant 0 : i32
    %dma_wait3A_41 = arith.constant 0 : i32
    %dma_wait3A_42 = tpu.memref_slice %arg4[%dma_wait3A_40, %dma_wait3A_41] : memref<163840x16xf32, #tpu.memory_space<hbm>> -> memref<128x16xf32, #tpu.memory_space<hbm>>
    %dma_wait3A_43 = arith.constant 0 : i32
    %dma_wait3A_44 = arith.constant 0 : i32
    %dma_wait3A_45 = tpu.memref_slice %arg4[%dma_wait3A_43, %dma_wait3A_44] : memref<163840x16xf32, #tpu.memory_space<hbm>> -> memref<128x16xf32, #tpu.memory_space<hbm>>
    tpu.wait_dma2 semaphore(%arg15 : memref<!tpu.dma_semaphore, #tpu.memory_space<semaphore_mem>>) src(%arg7 : memref<128x16xf32, #tpu.memory_space<vmem>>) dst(%dma_wait3A_45 : memref<128x16xf32, #tpu.memory_space<hbm>>)
    %dma_wait3A_46 = arith.constant 0 : i32
    %dma_wait3A_47 = arith.constant 0 : i32
    %dma_wait3A_48 = tpu.memref_slice %arg4[%dma_wait3A_46, %dma_wait3A_47] : memref<163840x16xf32, #tpu.memory_space<hbm>> -> memref<128x16xf32, #tpu.memory_space<hbm>>
    %dma_wait3A_49 = arith.constant 0 : i32
    %dma_wait3A_50 = arith.constant 0 : i32
    %dma_wait3A_51 = tpu.memref_slice %arg4[%dma_wait3A_49, %dma_wait3A_50] : memref<163840x16xf32, #tpu.memory_space<hbm>> -> memref<128x16xf32, #tpu.memory_space<hbm>>
    tpu.wait_dma2 semaphore(%arg16 : memref<!tpu.dma_semaphore, #tpu.memory_space<semaphore_mem>>) src(%arg8 : memref<128x16xf32, #tpu.memory_space<vmem>>) dst(%dma_wait3A_51 : memref<128x16xf32, #tpu.memory_space<hbm>>)
    %dma_wait3A_52 = arith.constant 0 : i32
    %dma_wait3A_53 = arith.constant 0 : i32
    %dma_wait3A_54 = tpu.memref_slice %arg4[%dma_wait3A_52, %dma_wait3A_53] : memref<163840x16xf32, #tpu.memory_space<hbm>> -> memref<128x16xf32, #tpu.memory_space<hbm>>
    %dma_wait3A_55 = arith.constant 0 : i32
    %dma_wait3A_56 = arith.constant 0 : i32
    %dma_wait3A_57 = tpu.memref_slice %arg4[%dma_wait3A_55, %dma_wait3A_56] : memref<163840x16xf32, #tpu.memory_space<hbm>> -> memref<128x16xf32, #tpu.memory_space<hbm>>
    tpu.wait_dma2 semaphore(%arg17 : memref<!tpu.dma_semaphore, #tpu.memory_space<semaphore_mem>>) src(%arg9 : memref<128x16xf32, #tpu.memory_space<vmem>>) dst(%dma_wait3A_57 : memref<128x16xf32, #tpu.memory_space<hbm>>)
    return
  }
}

#map = affine_map<(d0, d1) -> (0, 0)>
#map1 = affine_map<(d0, d1) -> (0, 0, 0)>
module attributes {stable_mosaic.version = 14 : i64} {
  func.func @_scatter_body(%arg0: i32, %arg1: i32, %arg2: memref<163840x16xf32, #tpu.memory_space<hbm>>, %arg3: memref<1280x128xi32, #tpu.memory_space<hbm>>, %arg4: memref<2x10112x16xf32, #tpu.memory_space<hbm>>, %arg5: memref<40x128xi32, #tpu.memory_space<vmem>>, %arg6: memref<128x16xf32, #tpu.memory_space<vmem>>, %arg7: memref<128x16xf32, #tpu.memory_space<vmem>>, %arg8: memref<632x16xf32, #tpu.memory_space<vmem>>, %arg9: memref<10112x16xf32, #tpu.memory_space<vmem_shared>>, %arg10: memref<!tpu.dma_semaphore, #tpu.memory_space<semaphore_mem>>, %arg11: memref<!tpu.dma_semaphore, #tpu.memory_space<semaphore_mem>>, %arg12: memref<!tpu.dma_semaphore, #tpu.memory_space<semaphore_mem>>, %arg13: memref<!tpu.dma_semaphore, #tpu.memory_space<semaphore_mem>>) attributes {dimension_semantics = [#tpu.dimension_semantics<core_parallel>, #tpu.dimension_semantics<subcore_parallel>], iteration_bounds = array<i64: 2, 16>, scalar_prefetch = 0 : i64, scratch_operands = 9 : i64, tpu.core_type = #tpu.core_type<sc_vector_subcore>, window_params = [{transform_indices = #map}, {transform_indices = #map}, {transform_indices = #map1}]} {
    %mul3A = arith.constant 16 : i32
    %mul3A_0 = arith.muli %arg0, %mul3A : i32
    %add3A = arith.addi %mul3A_0, %arg1 : i32
    %mul3A_1 = arith.constant 40 : i32
    %mul3A_2 = arith.muli %add3A, %mul3A_1 : i32
    "tpu.region"() ({
      %run_scoped3A = tpu.sem_alloc : memref<!tpu.dma_semaphore, #tpu.memory_space<semaphore_mem>>
      %dma_start3A_54 = arith.constant 0 : i32
      %dma_start3A_55 = tpu.memref_slice %arg3[%mul3A_2, %dma_start3A_54] : memref<1280x128xi32, #tpu.memory_space<hbm>> -> memref<40x128xi32, #tpu.memory_space<hbm>>
      %dma_start3A_56 = arith.constant 0 : i32
      %dma_start3A_57 = tpu.memref_slice %arg3[%mul3A_2, %dma_start3A_56] : memref<1280x128xi32, #tpu.memory_space<hbm>> -> memref<40x128xi32, #tpu.memory_space<hbm>>
      tpu.enqueue_dma source(%dma_start3A_57 : memref<40x128xi32, #tpu.memory_space<hbm>>) target(%arg5 : memref<40x128xi32, #tpu.memory_space<vmem>>) target_semaphore(%run_scoped3A : memref<!tpu.dma_semaphore, #tpu.memory_space<semaphore_mem>>)
      %dma_wait3A_58 = arith.constant 0 : i32
      %dma_wait3A_59 = tpu.memref_slice %arg3[%mul3A_2, %dma_wait3A_58] : memref<1280x128xi32, #tpu.memory_space<hbm>> -> memref<40x128xi32, #tpu.memory_space<hbm>>
      %dma_wait3A_60 = arith.constant 0 : i32
      %dma_wait3A_61 = tpu.memref_slice %arg3[%mul3A_2, %dma_wait3A_60] : memref<1280x128xi32, #tpu.memory_space<hbm>> -> memref<40x128xi32, #tpu.memory_space<hbm>>
      tpu.wait_dma2 semaphore(%run_scoped3A : memref<!tpu.dma_semaphore, #tpu.memory_space<semaphore_mem>>) src(%dma_wait3A_61 : memref<40x128xi32, #tpu.memory_space<hbm>>) dst(%arg5 : memref<40x128xi32, #tpu.memory_space<vmem>>)
      tpu.yield
    }) : () -> ()
    %mul3A_3 = arith.constant 40 : i32
    %mul3A_4 = arith.muli %add3A, %mul3A_3 : i32
    %add3A_5 = arith.constant 0 : i32
    %add3A_6 = arith.addi %mul3A_4, %add3A_5 : i32
    %mul3A_7 = arith.constant 128 : i32
    %mul3A_8 = arith.muli %add3A_6, %mul3A_7 : i32
    %dma_start3A = arith.constant 0 : i32
    %dma_start3A_9 = tpu.memref_slice %arg2[%mul3A_8, %dma_start3A] : memref<163840x16xf32, #tpu.memory_space<hbm>> -> memref<128x16xf32, #tpu.memory_space<hbm>>
    %dma_start3A_10 = arith.constant 0 : i32
    %dma_start3A_11 = tpu.memref_slice %arg2[%mul3A_8, %dma_start3A_10] : memref<163840x16xf32, #tpu.memory_space<hbm>> -> memref<128x16xf32, #tpu.memory_space<hbm>>
    tpu.enqueue_dma source(%dma_start3A_11 : memref<128x16xf32, #tpu.memory_space<hbm>>) target(%arg6 : memref<128x16xf32, #tpu.memory_space<vmem>>) target_semaphore(%arg10 : memref<!tpu.dma_semaphore, #tpu.memory_space<semaphore_mem>>)
    %mul3A_12 = arith.constant 40 : i32
    %mul3A_13 = arith.muli %add3A, %mul3A_12 : i32
    %add3A_14 = arith.constant 1 : i32
    %add3A_15 = arith.addi %mul3A_13, %add3A_14 : i32
    %mul3A_16 = arith.constant 128 : i32
    %mul3A_17 = arith.muli %add3A_15, %mul3A_16 : i32
    %dma_start3A_18 = arith.constant 0 : i32
    %dma_start3A_19 = tpu.memref_slice %arg2[%mul3A_17, %dma_start3A_18] : memref<163840x16xf32, #tpu.memory_space<hbm>> -> memref<128x16xf32, #tpu.memory_space<hbm>>
    %dma_start3A_20 = arith.constant 0 : i32
    %dma_start3A_21 = tpu.memref_slice %arg2[%mul3A_17, %dma_start3A_20] : memref<163840x16xf32, #tpu.memory_space<hbm>> -> memref<128x16xf32, #tpu.memory_space<hbm>>
    tpu.enqueue_dma source(%dma_start3A_21 : memref<128x16xf32, #tpu.memory_space<hbm>>) target(%arg7 : memref<128x16xf32, #tpu.memory_space<vmem>>) target_semaphore(%arg11 : memref<!tpu.dma_semaphore, #tpu.memory_space<semaphore_mem>>)
    %broadcast_in_dim3A = arith.constant 0.000000e+00 : f32
    %broadcast_in_dim3A_22 = vector.broadcast %broadcast_in_dim3A : f32 to vector<16xf32>
    %scan3A = arith.constant 0 : i32
    %scan3A_23 = arith.constant 0 : i32
    %scan3A_24 = arith.constant 632 : i32
    %scan3A_25 = arith.addi %scan3A_23, %scan3A_24 : i32
    %scan3A_26 = arith.constant 1 : i32
    scf.for %scan3A_54 = %scan3A_23 to %scan3A_25 step %scan3A_26  : i32 {
      %swap3A = arith.index_cast %scan3A_54 : i32 to index
      %swap3A_55 = arith.constant 0 : index
      %swap3A_56 = tpu.vector_load %arg8[%swap3A, %swap3A_55] {strides = array<i32>} : memref<632x16xf32, #tpu.memory_space<vmem>>, vector<1x16xf32>,
      %swap3A_57 = vector.shape_cast %swap3A_56 : vector<1x16xf32> to vector<16xf32>
      %swap3A_58 = vector.shape_cast %broadcast_in_dim3A_22 : vector<16xf32> to vector<1x16xf32>
      tpu.vector_store %arg8[%swap3A, %swap3A_55], %swap3A_58 {strides = array<i32>} : memref<632x16xf32, #tpu.memory_space<vmem>>, vector<1x16xf32>,
    }
    %scan3A_27 = arith.constant 632 : i32
    %mul3A_28 = arith.constant 632 : i32
    %mul3A_29 = arith.muli %arg1, %mul3A_28 : i32
    "tpu.region"() ({
      %run_scoped3A = tpu.sem_alloc : memref<!tpu.dma_semaphore, #tpu.memory_space<semaphore_mem>>
      %dma_start3A_54 = arith.constant 0 : i32
      %dma_start3A_55 = tpu.memref_slice %arg9[%mul3A_29, %dma_start3A_54] : memref<10112x16xf32, #tpu.memory_space<vmem_shared>> -> memref<632x16xf32, #tpu.memory_space<vmem_shared>>
      %dma_start3A_56 = arith.constant 0 : i32
      %dma_start3A_57 = tpu.memref_slice %arg9[%mul3A_29, %dma_start3A_56] : memref<10112x16xf32, #tpu.memory_space<vmem_shared>> -> memref<632x16xf32, #tpu.memory_space<vmem_shared>>
      tpu.enqueue_dma source(%arg8 : memref<632x16xf32, #tpu.memory_space<vmem>>) target(%dma_start3A_57 : memref<632x16xf32, #tpu.memory_space<vmem_shared>>) target_semaphore(%run_scoped3A : memref<!tpu.dma_semaphore, #tpu.memory_space<semaphore_mem>>)
      %dma_wait3A_58 = arith.constant 0 : i32
      %dma_wait3A_59 = tpu.memref_slice %arg9[%mul3A_29, %dma_wait3A_58] : memref<10112x16xf32, #tpu.memory_space<vmem_shared>> -> memref<632x16xf32, #tpu.memory_space<vmem_shared>>
      %dma_wait3A_60 = arith.constant 0 : i32
      %dma_wait3A_61 = tpu.memref_slice %arg9[%mul3A_29, %dma_wait3A_60] : memref<10112x16xf32, #tpu.memory_space<vmem_shared>> -> memref<632x16xf32, #tpu.memory_space<vmem_shared>>
      tpu.wait_dma2 semaphore(%run_scoped3A : memref<!tpu.dma_semaphore, #tpu.memory_space<semaphore_mem>>) src(%arg8 : memref<632x16xf32, #tpu.memory_space<vmem>>) dst(%dma_wait3A_61 : memref<632x16xf32, #tpu.memory_space<vmem_shared>>)
      tpu.yield
    }) : () -> ()
    %barrier3A = arith.constant 0 : index
    tpu.barrier barrier_id(%barrier3A)
    %scan3A_30 = arith.constant 0 : i32
    %scan3A_31 = arith.constant 0 : i32
    %scan3A_32 = arith.constant 20 : i32
    %scan3A_33 = arith.addi %scan3A_31, %scan3A_32 : i32
    %scan3A_34 = arith.constant 1 : i32
    scf.for %scan3A_54 = %scan3A_31 to %scan3A_33 step %scan3A_34  : i32 {
      %mul3A_55 = arith.constant 2 : i32
      %mul3A_56 = arith.muli %mul3A_55, %scan3A_54 : i32
      %dma_wait3A_57 = arith.constant 0 : i32
      %dma_wait3A_58 = arith.constant 0 : i32
      %dma_wait3A_59 = tpu.memref_slice %arg2[%dma_wait3A_57, %dma_wait3A_58] : memref<163840x16xf32, #tpu.memory_space<hbm>> -> memref<128x16xf32, #tpu.memory_space<hbm>>
      %dma_wait3A_60 = arith.constant 0 : i32
      %dma_wait3A_61 = arith.constant 0 : i32
      %dma_wait3A_62 = tpu.memref_slice %arg2[%dma_wait3A_60, %dma_wait3A_61] : memref<163840x16xf32, #tpu.memory_space<hbm>> -> memref<128x16xf32, #tpu.memory_space<hbm>>
      tpu.wait_dma2 semaphore(%arg10 : memref<!tpu.dma_semaphore, #tpu.memory_space<semaphore_mem>>) src(%dma_wait3A_62 : memref<128x16xf32, #tpu.memory_space<hbm>>) dst(%arg6 : memref<128x16xf32, #tpu.memory_space<vmem>>)
      %dma_start3A_63 = arith.constant 0 : i32
      %dma_start3A_64 = tpu.memref_slice %arg5[%mul3A_56, %dma_start3A_63] : memref<40x128xi32, #tpu.memory_space<vmem>> -> memref<1x128xi32, #tpu.memory_space<vmem>>
      %dma_start3A_65 = tpu.memref_squeeze %dma_start3A_64 : memref<1x128xi32, #tpu.memory_space<vmem>> -> memref<128xi32, #tpu.memory_space<vmem>>
      %dma_start3A_66 = arith.constant 0 : i32
      %dma_start3A_67 = arith.constant 0 : i32
      %dma_start3A_68 = tpu.memref_slice %arg9[%dma_start3A_66, %dma_start3A_67] : memref<10112x16xf32, #tpu.memory_space<vmem_shared>> -> memref<10112x16xf32, #tpu.memory_space<vmem_shared>>
      tpu.enqueue_indirect_dma source(%arg6 : memref<128x16xf32, #tpu.memory_space<vmem>>) target(%dma_start3A_68 : memref<10112x16xf32, #tpu.memory_space<vmem_shared>>) offsets(%dma_start3A_65 : memref<128xi32, #tpu.memory_space<vmem>>) semaphore(%arg12 : memref<!tpu.dma_semaphore, #tpu.memory_space<semaphore_mem>>) {add = true}
      %dma_wait3A_69 = arith.constant 0 : i32
      %dma_wait3A_70 = arith.constant 0 : i32
      %dma_wait3A_71 = tpu.memref_slice %arg2[%dma_wait3A_69, %dma_wait3A_70] : memref<163840x16xf32, #tpu.memory_space<hbm>> -> memref<128x16xf32, #tpu.memory_space<hbm>>
      %dma_wait3A_72 = arith.constant 0 : i32
      %dma_wait3A_73 = arith.constant 0 : i32
      %dma_wait3A_74 = tpu.memref_slice %arg2[%dma_wait3A_72, %dma_wait3A_73] : memref<163840x16xf32, #tpu.memory_space<hbm>> -> memref<128x16xf32, #tpu.memory_space<hbm>>
      tpu.wait_dma2 semaphore(%arg11 : memref<!tpu.dma_semaphore, #tpu.memory_space<semaphore_mem>>) src(%dma_wait3A_74 : memref<128x16xf32, #tpu.memory_space<hbm>>) dst(%arg7 : memref<128x16xf32, #tpu.memory_space<vmem>>)
      %add3A_75 = arith.constant 1 : i32
      %add3A_76 = arith.addi %mul3A_56, %add3A_75 : i32
      %dma_start3A_77 = arith.constant 0 : i32
      %dma_start3A_78 = tpu.memref_slice %arg5[%add3A_76, %dma_start3A_77] : memref<40x128xi32, #tpu.memory_space<vmem>> -> memref<1x128xi32, #tpu.memory_space<vmem>>
      %dma_start3A_79 = tpu.memref_squeeze %dma_start3A_78 : memref<1x128xi32, #tpu.memory_space<vmem>> -> memref<128xi32, #tpu.memory_space<vmem>>
      %dma_start3A_80 = arith.constant 0 : i32
      %dma_start3A_81 = arith.constant 0 : i32
      %dma_start3A_82 = tpu.memref_slice %arg9[%dma_start3A_80, %dma_start3A_81] : memref<10112x16xf32, #tpu.memory_space<vmem_shared>> -> memref<10112x16xf32, #tpu.memory_space<vmem_shared>>
      tpu.enqueue_indirect_dma source(%arg7 : memref<128x16xf32, #tpu.memory_space<vmem>>) target(%dma_start3A_82 : memref<10112x16xf32, #tpu.memory_space<vmem_shared>>) offsets(%dma_start3A_79 : memref<128xi32, #tpu.memory_space<vmem>>) semaphore(%arg13 : memref<!tpu.dma_semaphore, #tpu.memory_space<semaphore_mem>>) {add = true}
      %lt3A = arith.constant 19 : i32
      %lt3A_83 = arith.cmpi slt, %scan3A_54, %lt3A : i32
      %convert_element_type3A = arith.extui %lt3A_83 : i1 to i32
      %cond3A = arith.constant 0 : i32
      %cond3A_84 = arith.cmpi ne, %convert_element_type3A, %cond3A : i32
      scf.if %cond3A_84 {
        %dma_wait3A_85 = arith.constant 0 : i32
        %dma_wait3A_86 = arith.constant 0 : i32
        %dma_wait3A_87 = tpu.memref_slice %arg5[%dma_wait3A_85, %dma_wait3A_86] : memref<40x128xi32, #tpu.memory_space<vmem>> -> memref<1x128xi32, #tpu.memory_space<vmem>>
        %dma_wait3A_88 = tpu.memref_squeeze %dma_wait3A_87 : memref<1x128xi32, #tpu.memory_space<vmem>> -> memref<128xi32, #tpu.memory_space<vmem>>
        %dma_wait3A_89 = arith.constant 0 : i32
        %dma_wait3A_90 = arith.constant 0 : i32
        %dma_wait3A_91 = tpu.memref_slice %arg9[%dma_wait3A_89, %dma_wait3A_90] : memref<10112x16xf32, #tpu.memory_space<vmem_shared>> -> memref<10112x16xf32, #tpu.memory_space<vmem_shared>>
        tpu.wait_indirect_dma semaphore(%arg12 : memref<!tpu.dma_semaphore, #tpu.memory_space<semaphore_mem>>) src(%arg6 : memref<128x16xf32, #tpu.memory_space<vmem>>) dst(%dma_wait3A_91 : memref<10112x16xf32, #tpu.memory_space<vmem_shared>>)
        %add3A_92 = arith.constant 2 : i32
        %add3A_93 = arith.addi %mul3A_56, %add3A_92 : i32
        %mul3A_94 = arith.constant 40 : i32
        %mul3A_95 = arith.muli %add3A, %mul3A_94 : i32
        %add3A_96 = arith.addi %mul3A_95, %add3A_93 : i32
        %mul3A_97 = arith.constant 128 : i32
        %mul3A_98 = arith.muli %add3A_96, %mul3A_97 : i32
        %dma_start3A_99 = arith.constant 0 : i32
        %dma_start3A_100 = tpu.memref_slice %arg2[%mul3A_98, %dma_start3A_99] : memref<163840x16xf32, #tpu.memory_space<hbm>> -> memref<128x16xf32, #tpu.memory_space<hbm>>
        %dma_start3A_101 = arith.constant 0 : i32
        %dma_start3A_102 = tpu.memref_slice %arg2[%mul3A_98, %dma_start3A_101] : memref<163840x16xf32, #tpu.memory_space<hbm>> -> memref<128x16xf32, #tpu.memory_space<hbm>>
        tpu.enqueue_dma source(%dma_start3A_102 : memref<128x16xf32, #tpu.memory_space<hbm>>) target(%arg6 : memref<128x16xf32, #tpu.memory_space<vmem>>) target_semaphore(%arg10 : memref<!tpu.dma_semaphore, #tpu.memory_space<semaphore_mem>>)
        %dma_wait3A_103 = arith.constant 0 : i32
        %dma_wait3A_104 = arith.constant 0 : i32
        %dma_wait3A_105 = tpu.memref_slice %arg5[%dma_wait3A_103, %dma_wait3A_104] : memref<40x128xi32, #tpu.memory_space<vmem>> -> memref<1x128xi32, #tpu.memory_space<vmem>>
        %dma_wait3A_106 = tpu.memref_squeeze %dma_wait3A_105 : memref<1x128xi32, #tpu.memory_space<vmem>> -> memref<128xi32, #tpu.memory_space<vmem>>
        %dma_wait3A_107 = arith.constant 0 : i32
        %dma_wait3A_108 = arith.constant 0 : i32
        %dma_wait3A_109 = tpu.memref_slice %arg9[%dma_wait3A_107, %dma_wait3A_108] : memref<10112x16xf32, #tpu.memory_space<vmem_shared>> -> memref<10112x16xf32, #tpu.memory_space<vmem_shared>>
        tpu.wait_indirect_dma semaphore(%arg13 : memref<!tpu.dma_semaphore, #tpu.memory_space<semaphore_mem>>) src(%arg7 : memref<128x16xf32, #tpu.memory_space<vmem>>) dst(%dma_wait3A_109 : memref<10112x16xf32, #tpu.memory_space<vmem_shared>>)
        %add3A_110 = arith.constant 3 : i32
        %add3A_111 = arith.addi %mul3A_56, %add3A_110 : i32
        %mul3A_112 = arith.constant 40 : i32
        %mul3A_113 = arith.muli %add3A, %mul3A_112 : i32
        %add3A_114 = arith.addi %mul3A_113, %add3A_111 : i32
        %mul3A_115 = arith.constant 128 : i32
        %mul3A_116 = arith.muli %add3A_114, %mul3A_115 : i32
        %dma_start3A_117 = arith.constant 0 : i32
        %dma_start3A_118 = tpu.memref_slice %arg2[%mul3A_116, %dma_start3A_117] : memref<163840x16xf32, #tpu.memory_space<hbm>> -> memref<128x16xf32, #tpu.memory_space<hbm>>
        %dma_start3A_119 = arith.constant 0 : i32
        %dma_start3A_120 = tpu.memref_slice %arg2[%mul3A_116, %dma_start3A_119] : memref<163840x16xf32, #tpu.memory_space<hbm>> -> memref<128x16xf32, #tpu.memory_space<hbm>>
        tpu.enqueue_dma source(%dma_start3A_120 : memref<128x16xf32, #tpu.memory_space<hbm>>) target(%arg7 : memref<128x16xf32, #tpu.memory_space<vmem>>) target_semaphore(%arg11 : memref<!tpu.dma_semaphore, #tpu.memory_space<semaphore_mem>>)
      } else {
      }
    }
    %scan3A_35 = arith.constant 20 : i32
    %dma_wait3A = arith.constant 0 : i32
    %dma_wait3A_36 = arith.constant 0 : i32
    %dma_wait3A_37 = tpu.memref_slice %arg5[%dma_wait3A, %dma_wait3A_36] : memref<40x128xi32, #tpu.memory_space<vmem>> -> memref<1x128xi32, #tpu.memory_space<vmem>>
    %dma_wait3A_38 = tpu.memref_squeeze %dma_wait3A_37 : memref<1x128xi32, #tpu.memory_space<vmem>> -> memref<128xi32, #tpu.memory_space<vmem>>
    %dma_wait3A_39 = arith.constant 0 : i32
    %dma_wait3A_40 = arith.constant 0 : i32
    %dma_wait3A_41 = tpu.memref_slice %arg9[%dma_wait3A_39, %dma_wait3A_40] : memref<10112x16xf32, #tpu.memory_space<vmem_shared>> -> memref<10112x16xf32, #tpu.memory_space<vmem_shared>>
    tpu.wait_indirect_dma semaphore(%arg12 : memref<!tpu.dma_semaphore, #tpu.memory_space<semaphore_mem>>) src(%arg6 : memref<128x16xf32, #tpu.memory_space<vmem>>) dst(%dma_wait3A_41 : memref<10112x16xf32, #tpu.memory_space<vmem_shared>>)
    %dma_wait3A_42 = arith.constant 0 : i32
    %dma_wait3A_43 = arith.constant 0 : i32
    %dma_wait3A_44 = tpu.memref_slice %arg5[%dma_wait3A_42, %dma_wait3A_43] : memref<40x128xi32, #tpu.memory_space<vmem>> -> memref<1x128xi32, #tpu.memory_space<vmem>>
    %dma_wait3A_45 = tpu.memref_squeeze %dma_wait3A_44 : memref<1x128xi32, #tpu.memory_space<vmem>> -> memref<128xi32, #tpu.memory_space<vmem>>
    %dma_wait3A_46 = arith.constant 0 : i32
    %dma_wait3A_47 = arith.constant 0 : i32
    %dma_wait3A_48 = tpu.memref_slice %arg9[%dma_wait3A_46, %dma_wait3A_47] : memref<10112x16xf32, #tpu.memory_space<vmem_shared>> -> memref<10112x16xf32, #tpu.memory_space<vmem_shared>>
    tpu.wait_indirect_dma semaphore(%arg13 : memref<!tpu.dma_semaphore, #tpu.memory_space<semaphore_mem>>) src(%arg7 : memref<128x16xf32, #tpu.memory_space<vmem>>) dst(%dma_wait3A_48 : memref<10112x16xf32, #tpu.memory_space<vmem_shared>>)
    %barrier3A_49 = arith.constant 0 : index
    tpu.barrier barrier_id(%barrier3A_49)
    %mul3A_50 = arith.constant 632 : i32
    %mul3A_51 = arith.muli %arg1, %mul3A_50 : i32
    "tpu.region"() ({
      %run_scoped3A = tpu.sem_alloc : memref<!tpu.dma_semaphore, #tpu.memory_space<semaphore_mem>>
      %dma_start3A_54 = arith.constant 0 : i32
      %dma_start3A_55 = tpu.memref_slice %arg9[%mul3A_51, %dma_start3A_54] : memref<10112x16xf32, #tpu.memory_space<vmem_shared>> -> memref<632x16xf32, #tpu.memory_space<vmem_shared>>
      %dma_start3A_56 = arith.constant 0 : i32
      %dma_start3A_57 = tpu.memref_slice %arg9[%mul3A_51, %dma_start3A_56] : memref<10112x16xf32, #tpu.memory_space<vmem_shared>> -> memref<632x16xf32, #tpu.memory_space<vmem_shared>>
      tpu.enqueue_dma source(%dma_start3A_57 : memref<632x16xf32, #tpu.memory_space<vmem_shared>>) target(%arg8 : memref<632x16xf32, #tpu.memory_space<vmem>>) target_semaphore(%run_scoped3A : memref<!tpu.dma_semaphore, #tpu.memory_space<semaphore_mem>>)
      %dma_wait3A_58 = arith.constant 0 : i32
      %dma_wait3A_59 = tpu.memref_slice %arg9[%mul3A_51, %dma_wait3A_58] : memref<10112x16xf32, #tpu.memory_space<vmem_shared>> -> memref<632x16xf32, #tpu.memory_space<vmem_shared>>
      %dma_wait3A_60 = arith.constant 0 : i32
      %dma_wait3A_61 = tpu.memref_slice %arg9[%mul3A_51, %dma_wait3A_60] : memref<10112x16xf32, #tpu.memory_space<vmem_shared>> -> memref<632x16xf32, #tpu.memory_space<vmem_shared>>
      tpu.wait_dma2 semaphore(%run_scoped3A : memref<!tpu.dma_semaphore, #tpu.memory_space<semaphore_mem>>) src(%dma_wait3A_61 : memref<632x16xf32, #tpu.memory_space<vmem_shared>>) dst(%arg8 : memref<632x16xf32, #tpu.memory_space<vmem>>)
      tpu.yield
    }) : () -> ()
    %mul3A_52 = arith.constant 632 : i32
    %mul3A_53 = arith.muli %arg1, %mul3A_52 : i32
    "tpu.region"() ({
      %run_scoped3A = tpu.sem_alloc : memref<!tpu.dma_semaphore, #tpu.memory_space<semaphore_mem>>
      %dma_start3A_54 = arith.constant 0 : i32
      %dma_start3A_55 = tpu.memref_slice %arg4[%arg0, %mul3A_53, %dma_start3A_54] : memref<2x10112x16xf32, #tpu.memory_space<hbm>> -> memref<1x632x16xf32, #tpu.memory_space<hbm>>
      %dma_start3A_56 = tpu.memref_squeeze %dma_start3A_55 : memref<1x632x16xf32, #tpu.memory_space<hbm>> -> memref<632x16xf32, #tpu.memory_space<hbm>>
      %dma_start3A_57 = arith.constant 0 : i32
      %dma_start3A_58 = tpu.memref_slice %arg4[%arg0, %mul3A_53, %dma_start3A_57] : memref<2x10112x16xf32, #tpu.memory_space<hbm>> -> memref<1x632x16xf32, #tpu.memory_space<hbm>>
      %dma_start3A_59 = tpu.memref_squeeze %dma_start3A_58 : memref<1x632x16xf32, #tpu.memory_space<hbm>> -> memref<632x16xf32, #tpu.memory_space<hbm>>
      tpu.enqueue_dma source(%arg8 : memref<632x16xf32, #tpu.memory_space<vmem>>) target(%dma_start3A_59 : memref<632x16xf32, #tpu.memory_space<hbm>>) target_semaphore(%run_scoped3A : memref<!tpu.dma_semaphore, #tpu.memory_space<semaphore_mem>>)
      %dma_wait3A_60 = arith.constant 0 : i32
      %dma_wait3A_61 = tpu.memref_slice %arg4[%arg0, %mul3A_53, %dma_wait3A_60] : memref<2x10112x16xf32, #tpu.memory_space<hbm>> -> memref<1x632x16xf32, #tpu.memory_space<hbm>>
      %dma_wait3A_62 = tpu.memref_squeeze %dma_wait3A_61 : memref<1x632x16xf32, #tpu.memory_space<hbm>> -> memref<632x16xf32, #tpu.memory_space<hbm>>
      %dma_wait3A_63 = arith.constant 0 : i32
      %dma_wait3A_64 = tpu.memref_slice %arg4[%arg0, %mul3A_53, %dma_wait3A_63] : memref<2x10112x16xf32, #tpu.memory_space<hbm>> -> memref<1x632x16xf32, #tpu.memory_space<hbm>>
      %dma_wait3A_65 = tpu.memref_squeeze %dma_wait3A_64 : memref<1x632x16xf32, #tpu.memory_space<hbm>> -> memref<632x16xf32, #tpu.memory_space<hbm>>
      tpu.wait_dma2 semaphore(%run_scoped3A : memref<!tpu.dma_semaphore, #tpu.memory_space<semaphore_mem>>) src(%arg8 : memref<632x16xf32, #tpu.memory_space<vmem>>) dst(%dma_wait3A_65 : memref<632x16xf32, #tpu.memory_space<hbm>>)
      tpu.yield
    }) : () -> ()
    return
  }
}

#map = affine_map<(d0, d1) -> (0, 0)>
module attributes {stable_mosaic.version = 14 : i64} {
  func.func @_gather_body(%arg0: i32, %arg1: i32, %arg2: memref<10000x16xf32, #tpu.memory_space<hbm>>, %arg3: memref<1280x128xi32, #tpu.memory_space<hbm>>, %arg4: memref<163840x16xf32, #tpu.memory_space<hbm>>, %arg5: memref<40x128xi32, #tpu.memory_space<vmem>>, %arg6: memref<128x16xf32, #tpu.memory_space<vmem>>, %arg7: memref<128x16xf32, #tpu.memory_space<vmem>>, %arg8: memref<128x16xf32, #tpu.memory_space<vmem>>, %arg9: memref<128x16xf32, #tpu.memory_space<vmem>>, %arg10: memref<!tpu.dma_semaphore, #tpu.memory_space<semaphore_mem>>, %arg11: memref<!tpu.dma_semaphore, #tpu.memory_space<semaphore_mem>>, %arg12: memref<!tpu.dma_semaphore, #tpu.memory_space<semaphore_mem>>, %arg13: memref<!tpu.dma_semaphore, #tpu.memory_space<semaphore_mem>>, %arg14: memref<!tpu.dma_semaphore, #tpu.memory_space<semaphore_mem>>, %arg15: memref<!tpu.dma_semaphore, #tpu.memory_space<semaphore_mem>>, %arg16: memref<!tpu.dma_semaphore, #tpu.memory_space<semaphore_mem>>, %arg17: memref<!tpu.dma_semaphore, #tpu.memory_space<semaphore_mem>>) attributes {dimension_semantics = [#tpu.dimension_semantics<core_parallel>, #tpu.dimension_semantics<subcore_parallel>], iteration_bounds = array<i64: 2, 16>, scalar_prefetch = 0 : i64, scratch_operands = 13 : i64, tpu.core_type = #tpu.core_type<sc_vector_subcore>, window_params = [{transform_indices = #map}, {transform_indices = #map}, {transform_indices = #map}]} {
    %mul3A = arith.constant 16 : i32
    %mul3A_0 = arith.muli %arg0, %mul3A : i32
    %add3A = arith.addi %mul3A_0, %arg1 : i32
    %mul3A_1 = arith.constant 40 : i32
    %mul3A_2 = arith.muli %add3A, %mul3A_1 : i32
    "tpu.region"() ({
      %run_scoped3A = tpu.sem_alloc : memref<!tpu.dma_semaphore, #tpu.memory_space<semaphore_mem>>
      %dma_start3A_58 = arith.constant 0 : i32
      %dma_start3A_59 = tpu.memref_slice %arg3[%mul3A_2, %dma_start3A_58] : memref<1280x128xi32, #tpu.memory_space<hbm>> -> memref<40x128xi32, #tpu.memory_space<hbm>>
      %dma_start3A_60 = arith.constant 0 : i32
      %dma_start3A_61 = tpu.memref_slice %arg3[%mul3A_2, %dma_start3A_60] : memref<1280x128xi32, #tpu.memory_space<hbm>> -> memref<40x128xi32, #tpu.memory_space<hbm>>
      tpu.enqueue_dma source(%dma_start3A_61 : memref<40x128xi32, #tpu.memory_space<hbm>>) target(%arg5 : memref<40x128xi32, #tpu.memory_space<vmem>>) target_semaphore(%run_scoped3A : memref<!tpu.dma_semaphore, #tpu.memory_space<semaphore_mem>>)
      %dma_wait3A_62 = arith.constant 0 : i32
      %dma_wait3A_63 = tpu.memref_slice %arg3[%mul3A_2, %dma_wait3A_62] : memref<1280x128xi32, #tpu.memory_space<hbm>> -> memref<40x128xi32, #tpu.memory_space<hbm>>
      %dma_wait3A_64 = arith.constant 0 : i32
      %dma_wait3A_65 = tpu.memref_slice %arg3[%mul3A_2, %dma_wait3A_64] : memref<1280x128xi32, #tpu.memory_space<hbm>> -> memref<40x128xi32, #tpu.memory_space<hbm>>
      tpu.wait_dma2 semaphore(%run_scoped3A : memref<!tpu.dma_semaphore, #tpu.memory_space<semaphore_mem>>) src(%dma_wait3A_65 : memref<40x128xi32, #tpu.memory_space<hbm>>) dst(%arg5 : memref<40x128xi32, #tpu.memory_space<vmem>>)
      tpu.yield
    }) : () -> ()
    %dma_start3A = arith.constant 0 : i32
    %dma_start3A_3 = arith.constant 0 : i32
    %dma_start3A_4 = tpu.memref_slice %arg5[%dma_start3A, %dma_start3A_3] : memref<40x128xi32, #tpu.memory_space<vmem>> -> memref<1x128xi32, #tpu.memory_space<vmem>>
    %dma_start3A_5 = tpu.memref_squeeze %dma_start3A_4 : memref<1x128xi32, #tpu.memory_space<vmem>> -> memref<128xi32, #tpu.memory_space<vmem>>
    %dma_start3A_6 = arith.constant 0 : i32
    %dma_start3A_7 = arith.constant 0 : i32
    %dma_start3A_8 = tpu.memref_slice %arg2[%dma_start3A_6, %dma_start3A_7] : memref<10000x16xf32, #tpu.memory_space<hbm>> -> memref<10000x16xf32, #tpu.memory_space<hbm>>
    tpu.enqueue_indirect_dma source(%dma_start3A_8 : memref<10000x16xf32, #tpu.memory_space<hbm>>) target(%arg6 : memref<128x16xf32, #tpu.memory_space<vmem>>) offsets(%dma_start3A_5 : memref<128xi32, #tpu.memory_space<vmem>>) semaphore(%arg10 : memref<!tpu.dma_semaphore, #tpu.memory_space<semaphore_mem>>)
    %dma_start3A_9 = arith.constant 1 : i32
    %dma_start3A_10 = arith.constant 0 : i32
    %dma_start3A_11 = tpu.memref_slice %arg5[%dma_start3A_9, %dma_start3A_10] : memref<40x128xi32, #tpu.memory_space<vmem>> -> memref<1x128xi32, #tpu.memory_space<vmem>>
    %dma_start3A_12 = tpu.memref_squeeze %dma_start3A_11 : memref<1x128xi32, #tpu.memory_space<vmem>> -> memref<128xi32, #tpu.memory_space<vmem>>
    %dma_start3A_13 = arith.constant 0 : i32
    %dma_start3A_14 = arith.constant 0 : i32
    %dma_start3A_15 = tpu.memref_slice %arg2[%dma_start3A_13, %dma_start3A_14] : memref<10000x16xf32, #tpu.memory_space<hbm>> -> memref<10000x16xf32, #tpu.memory_space<hbm>>
    tpu.enqueue_indirect_dma source(%dma_start3A_15 : memref<10000x16xf32, #tpu.memory_space<hbm>>) target(%arg7 : memref<128x16xf32, #tpu.memory_space<vmem>>) offsets(%dma_start3A_12 : memref<128xi32, #tpu.memory_space<vmem>>) semaphore(%arg11 : memref<!tpu.dma_semaphore, #tpu.memory_space<semaphore_mem>>)
    %dma_start3A_16 = arith.constant 2 : i32
    %dma_start3A_17 = arith.constant 0 : i32
    %dma_start3A_18 = tpu.memref_slice %arg5[%dma_start3A_16, %dma_start3A_17] : memref<40x128xi32, #tpu.memory_space<vmem>> -> memref<1x128xi32, #tpu.memory_space<vmem>>
    %dma_start3A_19 = tpu.memref_squeeze %dma_start3A_18 : memref<1x128xi32, #tpu.memory_space<vmem>> -> memref<128xi32, #tpu.memory_space<vmem>>
    %dma_start3A_20 = arith.constant 0 : i32
    %dma_start3A_21 = arith.constant 0 : i32
    %dma_start3A_22 = tpu.memref_slice %arg2[%dma_start3A_20, %dma_start3A_21] : memref<10000x16xf32, #tpu.memory_space<hbm>> -> memref<10000x16xf32, #tpu.memory_space<hbm>>
    tpu.enqueue_indirect_dma source(%dma_start3A_22 : memref<10000x16xf32, #tpu.memory_space<hbm>>) target(%arg8 : memref<128x16xf32, #tpu.memory_space<vmem>>) offsets(%dma_start3A_19 : memref<128xi32, #tpu.memory_space<vmem>>) semaphore(%arg12 : memref<!tpu.dma_semaphore, #tpu.memory_space<semaphore_mem>>)
    %dma_start3A_23 = arith.constant 3 : i32
    %dma_start3A_24 = arith.constant 0 : i32
    %dma_start3A_25 = tpu.memref_slice %arg5[%dma_start3A_23, %dma_start3A_24] : memref<40x128xi32, #tpu.memory_space<vmem>> -> memref<1x128xi32, #tpu.memory_space<vmem>>
    %dma_start3A_26 = tpu.memref_squeeze %dma_start3A_25 : memref<1x128xi32, #tpu.memory_space<vmem>> -> memref<128xi32, #tpu.memory_space<vmem>>
    %dma_start3A_27 = arith.constant 0 : i32
    %dma_start3A_28 = arith.constant 0 : i32
    %dma_start3A_29 = tpu.memref_slice %arg2[%dma_start3A_27, %dma_start3A_28] : memref<10000x16xf32, #tpu.memory_space<hbm>> -> memref<10000x16xf32, #tpu.memory_space<hbm>>
    tpu.enqueue_indirect_dma source(%dma_start3A_29 : memref<10000x16xf32, #tpu.memory_space<hbm>>) target(%arg9 : memref<128x16xf32, #tpu.memory_space<vmem>>) offsets(%dma_start3A_26 : memref<128xi32, #tpu.memory_space<vmem>>) semaphore(%arg13 : memref<!tpu.dma_semaphore, #tpu.memory_space<semaphore_mem>>)
    %scan3A = arith.constant 0 : i32
    %scan3A_30 = arith.constant 0 : i32
    %scan3A_31 = arith.constant 10 : i32
    %scan3A_32 = arith.addi %scan3A_30, %scan3A_31 : i32
    %scan3A_33 = arith.constant 1 : i32
    scf.for %scan3A_58 = %scan3A_30 to %scan3A_32 step %scan3A_33  : i32 {
      %mul3A_59 = arith.constant 4 : i32
      %mul3A_60 = arith.muli %mul3A_59, %scan3A_58 : i32
      %dma_wait3A_61 = arith.constant 0 : i32
      %dma_wait3A_62 = arith.constant 0 : i32
      %dma_wait3A_63 = tpu.memref_slice %arg5[%dma_wait3A_61, %dma_wait3A_62] : memref<40x128xi32, #tpu.memory_space<vmem>> -> memref<1x128xi32, #tpu.memory_space<vmem>>
      %dma_wait3A_64 = tpu.memref_squeeze %dma_wait3A_63 : memref<1x128xi32, #tpu.memory_space<vmem>> -> memref<128xi32, #tpu.memory_space<vmem>>
      %dma_wait3A_65 = arith.constant 0 : i32
      %dma_wait3A_66 = arith.constant 0 : i32
      %dma_wait3A_67 = tpu.memref_slice %arg2[%dma_wait3A_65, %dma_wait3A_66] : memref<10000x16xf32, #tpu.memory_space<hbm>> -> memref<10000x16xf32, #tpu.memory_space<hbm>>
      tpu.wait_indirect_dma semaphore(%arg10 : memref<!tpu.dma_semaphore, #tpu.memory_space<semaphore_mem>>) src(%dma_wait3A_67 : memref<10000x16xf32, #tpu.memory_space<hbm>>) dst(%arg6 : memref<128x16xf32, #tpu.memory_space<vmem>>)
      %add3A_68 = arith.constant 0 : i32
      %add3A_69 = arith.addi %mul3A_60, %add3A_68 : i32
      %mul3A_70 = arith.constant 40 : i32
      %mul3A_71 = arith.muli %add3A, %mul3A_70 : i32
      %add3A_72 = arith.addi %mul3A_71, %add3A_69 : i32
      %mul3A_73 = arith.constant 128 : i32
      %mul3A_74 = arith.muli %add3A_72, %mul3A_73 : i32
      %dma_start3A_75 = arith.constant 0 : i32
      %dma_start3A_76 = tpu.memref_slice %arg4[%mul3A_74, %dma_start3A_75] : memref<163840x16xf32, #tpu.memory_space<hbm>> -> memref<128x16xf32, #tpu.memory_space<hbm>>
      %dma_start3A_77 = arith.constant 0 : i32
      %dma_start3A_78 = tpu.memref_slice %arg4[%mul3A_74, %dma_start3A_77] : memref<163840x16xf32, #tpu.memory_space<hbm>> -> memref<128x16xf32, #tpu.memory_space<hbm>>
      tpu.enqueue_dma source(%arg6 : memref<128x16xf32, #tpu.memory_space<vmem>>) target(%dma_start3A_78 : memref<128x16xf32, #tpu.memory_space<hbm>>) target_semaphore(%arg14 : memref<!tpu.dma_semaphore, #tpu.memory_space<semaphore_mem>>)
      %dma_wait3A_79 = arith.constant 0 : i32
      %dma_wait3A_80 = arith.constant 0 : i32
      %dma_wait3A_81 = tpu.memref_slice %arg5[%dma_wait3A_79, %dma_wait3A_80] : memref<40x128xi32, #tpu.memory_space<vmem>> -> memref<1x128xi32, #tpu.memory_space<vmem>>
      %dma_wait3A_82 = tpu.memref_squeeze %dma_wait3A_81 : memref<1x128xi32, #tpu.memory_space<vmem>> -> memref<128xi32, #tpu.memory_space<vmem>>
      %dma_wait3A_83 = arith.constant 0 : i32
      %dma_wait3A_84 = arith.constant 0 : i32
      %dma_wait3A_85 = tpu.memref_slice %arg2[%dma_wait3A_83, %dma_wait3A_84] : memref<10000x16xf32, #tpu.memory_space<hbm>> -> memref<10000x16xf32, #tpu.memory_space<hbm>>
      tpu.wait_indirect_dma semaphore(%arg11 : memref<!tpu.dma_semaphore, #tpu.memory_space<semaphore_mem>>) src(%dma_wait3A_85 : memref<10000x16xf32, #tpu.memory_space<hbm>>) dst(%arg7 : memref<128x16xf32, #tpu.memory_space<vmem>>)
      %add3A_86 = arith.constant 1 : i32
      %add3A_87 = arith.addi %mul3A_60, %add3A_86 : i32
      %mul3A_88 = arith.constant 40 : i32
      %mul3A_89 = arith.muli %add3A, %mul3A_88 : i32
      %add3A_90 = arith.addi %mul3A_89, %add3A_87 : i32
      %mul3A_91 = arith.constant 128 : i32
      %mul3A_92 = arith.muli %add3A_90, %mul3A_91 : i32
      %dma_start3A_93 = arith.constant 0 : i32
      %dma_start3A_94 = tpu.memref_slice %arg4[%mul3A_92, %dma_start3A_93] : memref<163840x16xf32, #tpu.memory_space<hbm>> -> memref<128x16xf32, #tpu.memory_space<hbm>>
      %dma_start3A_95 = arith.constant 0 : i32
      %dma_start3A_96 = tpu.memref_slice %arg4[%mul3A_92, %dma_start3A_95] : memref<163840x16xf32, #tpu.memory_space<hbm>> -> memref<128x16xf32, #tpu.memory_space<hbm>>
      tpu.enqueue_dma source(%arg7 : memref<128x16xf32, #tpu.memory_space<vmem>>) target(%dma_start3A_96 : memref<128x16xf32, #tpu.memory_space<hbm>>) target_semaphore(%arg15 : memref<!tpu.dma_semaphore, #tpu.memory_space<semaphore_mem>>)
      %dma_wait3A_97 = arith.constant 0 : i32
      %dma_wait3A_98 = arith.constant 0 : i32
      %dma_wait3A_99 = tpu.memref_slice %arg5[%dma_wait3A_97, %dma_wait3A_98] : memref<40x128xi32, #tpu.memory_space<vmem>> -> memref<1x128xi32, #tpu.memory_space<vmem>>
      %dma_wait3A_100 = tpu.memref_squeeze %dma_wait3A_99 : memref<1x128xi32, #tpu.memory_space<vmem>> -> memref<128xi32, #tpu.memory_space<vmem>>
      %dma_wait3A_101 = arith.constant 0 : i32
      %dma_wait3A_102 = arith.constant 0 : i32
      %dma_wait3A_103 = tpu.memref_slice %arg2[%dma_wait3A_101, %dma_wait3A_102] : memref<10000x16xf32, #tpu.memory_space<hbm>> -> memref<10000x16xf32, #tpu.memory_space<hbm>>
      tpu.wait_indirect_dma semaphore(%arg12 : memref<!tpu.dma_semaphore, #tpu.memory_space<semaphore_mem>>) src(%dma_wait3A_103 : memref<10000x16xf32, #tpu.memory_space<hbm>>) dst(%arg8 : memref<128x16xf32, #tpu.memory_space<vmem>>)
      %add3A_104 = arith.constant 2 : i32
      %add3A_105 = arith.addi %mul3A_60, %add3A_104 : i32
      %mul3A_106 = arith.constant 40 : i32
      %mul3A_107 = arith.muli %add3A, %mul3A_106 : i32
      %add3A_108 = arith.addi %mul3A_107, %add3A_105 : i32
      %mul3A_109 = arith.constant 128 : i32
      %mul3A_110 = arith.muli %add3A_108, %mul3A_109 : i32
      %dma_start3A_111 = arith.constant 0 : i32
      %dma_start3A_112 = tpu.memref_slice %arg4[%mul3A_110, %dma_start3A_111] : memref<163840x16xf32, #tpu.memory_space<hbm>> -> memref<128x16xf32, #tpu.memory_space<hbm>>
      %dma_start3A_113 = arith.constant 0 : i32
      %dma_start3A_114 = tpu.memref_slice %arg4[%mul3A_110, %dma_start3A_113] : memref<163840x16xf32, #tpu.memory_space<hbm>> -> memref<128x16xf32, #tpu.memory_space<hbm>>
      tpu.enqueue_dma source(%arg8 : memref<128x16xf32, #tpu.memory_space<vmem>>) target(%dma_start3A_114 : memref<128x16xf32, #tpu.memory_space<hbm>>) target_semaphore(%arg16 : memref<!tpu.dma_semaphore, #tpu.memory_space<semaphore_mem>>)
      %dma_wait3A_115 = arith.constant 0 : i32
      %dma_wait3A_116 = arith.constant 0 : i32
      %dma_wait3A_117 = tpu.memref_slice %arg5[%dma_wait3A_115, %dma_wait3A_116] : memref<40x128xi32, #tpu.memory_space<vmem>> -> memref<1x128xi32, #tpu.memory_space<vmem>>
      %dma_wait3A_118 = tpu.memref_squeeze %dma_wait3A_117 : memref<1x128xi32, #tpu.memory_space<vmem>> -> memref<128xi32, #tpu.memory_space<vmem>>
      %dma_wait3A_119 = arith.constant 0 : i32
      %dma_wait3A_120 = arith.constant 0 : i32
      %dma_wait3A_121 = tpu.memref_slice %arg2[%dma_wait3A_119, %dma_wait3A_120] : memref<10000x16xf32, #tpu.memory_space<hbm>> -> memref<10000x16xf32, #tpu.memory_space<hbm>>
      tpu.wait_indirect_dma semaphore(%arg13 : memref<!tpu.dma_semaphore, #tpu.memory_space<semaphore_mem>>) src(%dma_wait3A_121 : memref<10000x16xf32, #tpu.memory_space<hbm>>) dst(%arg9 : memref<128x16xf32, #tpu.memory_space<vmem>>)
      %add3A_122 = arith.constant 3 : i32
      %add3A_123 = arith.addi %mul3A_60, %add3A_122 : i32
      %mul3A_124 = arith.constant 40 : i32
      %mul3A_125 = arith.muli %add3A, %mul3A_124 : i32
      %add3A_126 = arith.addi %mul3A_125, %add3A_123 : i32
      %mul3A_127 = arith.constant 128 : i32
      %mul3A_128 = arith.muli %add3A_126, %mul3A_127 : i32
      %dma_start3A_129 = arith.constant 0 : i32
      %dma_start3A_130 = tpu.memref_slice %arg4[%mul3A_128, %dma_start3A_129] : memref<163840x16xf32, #tpu.memory_space<hbm>> -> memref<128x16xf32, #tpu.memory_space<hbm>>
      %dma_start3A_131 = arith.constant 0 : i32
      %dma_start3A_132 = tpu.memref_slice %arg4[%mul3A_128, %dma_start3A_131] : memref<163840x16xf32, #tpu.memory_space<hbm>> -> memref<128x16xf32, #tpu.memory_space<hbm>>
      tpu.enqueue_dma source(%arg9 : memref<128x16xf32, #tpu.memory_space<vmem>>) target(%dma_start3A_132 : memref<128x16xf32, #tpu.memory_space<hbm>>) target_semaphore(%arg17 : memref<!tpu.dma_semaphore, #tpu.memory_space<semaphore_mem>>)
      %lt3A = arith.constant 9 : i32
      %lt3A_133 = arith.cmpi slt, %scan3A_58, %lt3A : i32
      %convert_element_type3A = arith.extui %lt3A_133 : i1 to i32
      %cond3A = arith.constant 0 : i32
      %cond3A_134 = arith.cmpi ne, %convert_element_type3A, %cond3A : i32
      scf.if %cond3A_134 {
        %dma_wait3A_135 = arith.constant 0 : i32
        %dma_wait3A_136 = arith.constant 0 : i32
        %dma_wait3A_137 = tpu.memref_slice %arg4[%dma_wait3A_135, %dma_wait3A_136] : memref<163840x16xf32, #tpu.memory_space<hbm>> -> memref<128x16xf32, #tpu.memory_space<hbm>>
        %dma_wait3A_138 = arith.constant 0 : i32
        %dma_wait3A_139 = arith.constant 0 : i32
        %dma_wait3A_140 = tpu.memref_slice %arg4[%dma_wait3A_138, %dma_wait3A_139] : memref<163840x16xf32, #tpu.memory_space<hbm>> -> memref<128x16xf32, #tpu.memory_space<hbm>>
        tpu.wait_dma2 semaphore(%arg14 : memref<!tpu.dma_semaphore, #tpu.memory_space<semaphore_mem>>) src(%arg6 : memref<128x16xf32, #tpu.memory_space<vmem>>) dst(%dma_wait3A_140 : memref<128x16xf32, #tpu.memory_space<hbm>>)
        %add3A_141 = arith.constant 4 : i32
        %add3A_142 = arith.addi %mul3A_60, %add3A_141 : i32
        %add3A_143 = arith.constant 0 : i32
        %add3A_144 = arith.addi %add3A_142, %add3A_143 : i32
        %dma_start3A_145 = arith.constant 0 : i32
        %dma_start3A_146 = tpu.memref_slice %arg5[%add3A_144, %dma_start3A_145] : memref<40x128xi32, #tpu.memory_space<vmem>> -> memref<1x128xi32, #tpu.memory_space<vmem>>
        %dma_start3A_147 = tpu.memref_squeeze %dma_start3A_146 : memref<1x128xi32, #tpu.memory_space<vmem>> -> memref<128xi32, #tpu.memory_space<vmem>>
        %dma_start3A_148 = arith.constant 0 : i32
        %dma_start3A_149 = arith.constant 0 : i32
        %dma_start3A_150 = tpu.memref_slice %arg2[%dma_start3A_148, %dma_start3A_149] : memref<10000x16xf32, #tpu.memory_space<hbm>> -> memref<10000x16xf32, #tpu.memory_space<hbm>>
        tpu.enqueue_indirect_dma source(%dma_start3A_150 : memref<10000x16xf32, #tpu.memory_space<hbm>>) target(%arg6 : memref<128x16xf32, #tpu.memory_space<vmem>>) offsets(%dma_start3A_147 : memref<128xi32, #tpu.memory_space<vmem>>) semaphore(%arg10 : memref<!tpu.dma_semaphore, #tpu.memory_space<semaphore_mem>>)
        %dma_wait3A_151 = arith.constant 0 : i32
        %dma_wait3A_152 = arith.constant 0 : i32
        %dma_wait3A_153 = tpu.memref_slice %arg4[%dma_wait3A_151, %dma_wait3A_152] : memref<163840x16xf32, #tpu.memory_space<hbm>> -> memref<128x16xf32, #tpu.memory_space<hbm>>
        %dma_wait3A_154 = arith.constant 0 : i32
        %dma_wait3A_155 = arith.constant 0 : i32
        %dma_wait3A_156 = tpu.memref_slice %arg4[%dma_wait3A_154, %dma_wait3A_155] : memref<163840x16xf32, #tpu.memory_space<hbm>> -> memref<128x16xf32, #tpu.memory_space<hbm>>
        tpu.wait_dma2 semaphore(%arg15 : memref<!tpu.dma_semaphore, #tpu.memory_space<semaphore_mem>>) src(%arg7 : memref<128x16xf32, #tpu.memory_space<vmem>>) dst(%dma_wait3A_156 : memref<128x16xf32, #tpu.memory_space<hbm>>)
        %add3A_157 = arith.constant 4 : i32
        %add3A_158 = arith.addi %mul3A_60, %add3A_157 : i32
        %add3A_159 = arith.constant 1 : i32
        %add3A_160 = arith.addi %add3A_158, %add3A_159 : i32
        %dma_start3A_161 = arith.constant 0 : i32
        %dma_start3A_162 = tpu.memref_slice %arg5[%add3A_160, %dma_start3A_161] : memref<40x128xi32, #tpu.memory_space<vmem>> -> memref<1x128xi32, #tpu.memory_space<vmem>>
        %dma_start3A_163 = tpu.memref_squeeze %dma_start3A_162 : memref<1x128xi32, #tpu.memory_space<vmem>> -> memref<128xi32, #tpu.memory_space<vmem>>
        %dma_start3A_164 = arith.constant 0 : i32
        %dma_start3A_165 = arith.constant 0 : i32
        %dma_start3A_166 = tpu.memref_slice %arg2[%dma_start3A_164, %dma_start3A_165] : memref<10000x16xf32, #tpu.memory_space<hbm>> -> memref<10000x16xf32, #tpu.memory_space<hbm>>
        tpu.enqueue_indirect_dma source(%dma_start3A_166 : memref<10000x16xf32, #tpu.memory_space<hbm>>) target(%arg7 : memref<128x16xf32, #tpu.memory_space<vmem>>) offsets(%dma_start3A_163 : memref<128xi32, #tpu.memory_space<vmem>>) semaphore(%arg11 : memref<!tpu.dma_semaphore, #tpu.memory_space<semaphore_mem>>)
        %dma_wait3A_167 = arith.constant 0 : i32
        %dma_wait3A_168 = arith.constant 0 : i32
        %dma_wait3A_169 = tpu.memref_slice %arg4[%dma_wait3A_167, %dma_wait3A_168] : memref<163840x16xf32, #tpu.memory_space<hbm>> -> memref<128x16xf32, #tpu.memory_space<hbm>>
        %dma_wait3A_170 = arith.constant 0 : i32
        %dma_wait3A_171 = arith.constant 0 : i32
        %dma_wait3A_172 = tpu.memref_slice %arg4[%dma_wait3A_170, %dma_wait3A_171] : memref<163840x16xf32, #tpu.memory_space<hbm>> -> memref<128x16xf32, #tpu.memory_space<hbm>>
        tpu.wait_dma2 semaphore(%arg16 : memref<!tpu.dma_semaphore, #tpu.memory_space<semaphore_mem>>) src(%arg8 : memref<128x16xf32, #tpu.memory_space<vmem>>) dst(%dma_wait3A_172 : memref<128x16xf32, #tpu.memory_space<hbm>>)
        %add3A_173 = arith.constant 4 : i32
        %add3A_174 = arith.addi %mul3A_60, %add3A_173 : i32
        %add3A_175 = arith.constant 2 : i32
        %add3A_176 = arith.addi %add3A_174, %add3A_175 : i32
        %dma_start3A_177 = arith.constant 0 : i32
        %dma_start3A_178 = tpu.memref_slice %arg5[%add3A_176, %dma_start3A_177] : memref<40x128xi32, #tpu.memory_space<vmem>> -> memref<1x128xi32, #tpu.memory_space<vmem>>
        %dma_start3A_179 = tpu.memref_squeeze %dma_start3A_178 : memref<1x128xi32, #tpu.memory_space<vmem>> -> memref<128xi32, #tpu.memory_space<vmem>>
        %dma_start3A_180 = arith.constant 0 : i32
        %dma_start3A_181 = arith.constant 0 : i32
        %dma_start3A_182 = tpu.memref_slice %arg2[%dma_start3A_180, %dma_start3A_181] : memref<10000x16xf32, #tpu.memory_space<hbm>> -> memref<10000x16xf32, #tpu.memory_space<hbm>>
        tpu.enqueue_indirect_dma source(%dma_start3A_182 : memref<10000x16xf32, #tpu.memory_space<hbm>>) target(%arg8 : memref<128x16xf32, #tpu.memory_space<vmem>>) offsets(%dma_start3A_179 : memref<128xi32, #tpu.memory_space<vmem>>) semaphore(%arg12 : memref<!tpu.dma_semaphore, #tpu.memory_space<semaphore_mem>>)
        %dma_wait3A_183 = arith.constant 0 : i32
        %dma_wait3A_184 = arith.constant 0 : i32
        %dma_wait3A_185 = tpu.memref_slice %arg4[%dma_wait3A_183, %dma_wait3A_184] : memref<163840x16xf32, #tpu.memory_space<hbm>> -> memref<128x16xf32, #tpu.memory_space<hbm>>
        %dma_wait3A_186 = arith.constant 0 : i32
        %dma_wait3A_187 = arith.constant 0 : i32
        %dma_wait3A_188 = tpu.memref_slice %arg4[%dma_wait3A_186, %dma_wait3A_187] : memref<163840x16xf32, #tpu.memory_space<hbm>> -> memref<128x16xf32, #tpu.memory_space<hbm>>
        tpu.wait_dma2 semaphore(%arg17 : memref<!tpu.dma_semaphore, #tpu.memory_space<semaphore_mem>>) src(%arg9 : memref<128x16xf32, #tpu.memory_space<vmem>>) dst(%dma_wait3A_188 : memref<128x16xf32, #tpu.memory_space<hbm>>)
        %add3A_189 = arith.constant 4 : i32
        %add3A_190 = arith.addi %mul3A_60, %add3A_189 : i32
        %add3A_191 = arith.constant 3 : i32
        %add3A_192 = arith.addi %add3A_190, %add3A_191 : i32
        %dma_start3A_193 = arith.constant 0 : i32
        %dma_start3A_194 = tpu.memref_slice %arg5[%add3A_192, %dma_start3A_193] : memref<40x128xi32, #tpu.memory_space<vmem>> -> memref<1x128xi32, #tpu.memory_space<vmem>>
        %dma_start3A_195 = tpu.memref_squeeze %dma_start3A_194 : memref<1x128xi32, #tpu.memory_space<vmem>> -> memref<128xi32, #tpu.memory_space<vmem>>
        %dma_start3A_196 = arith.constant 0 : i32
        %dma_start3A_197 = arith.constant 0 : i32
        %dma_start3A_198 = tpu.memref_slice %arg2[%dma_start3A_196, %dma_start3A_197] : memref<10000x16xf32, #tpu.memory_space<hbm>> -> memref<10000x16xf32, #tpu.memory_space<hbm>>
        tpu.enqueue_indirect_dma source(%dma_start3A_198 : memref<10000x16xf32, #tpu.memory_space<hbm>>) target(%arg9 : memref<128x16xf32, #tpu.memory_space<vmem>>) offsets(%dma_start3A_195 : memref<128xi32, #tpu.memory_space<vmem>>) semaphore(%arg13 : memref<!tpu.dma_semaphore, #tpu.memory_space<semaphore_mem>>)
      } else {
      }
    }
    %scan3A_34 = arith.constant 10 : i32
    %dma_wait3A = arith.constant 0 : i32
    %dma_wait3A_35 = arith.constant 0 : i32
    %dma_wait3A_36 = tpu.memref_slice %arg4[%dma_wait3A, %dma_wait3A_35] : memref<163840x16xf32, #tpu.memory_space<hbm>> -> memref<128x16xf32, #tpu.memory_space<hbm>>
    %dma_wait3A_37 = arith.constant 0 : i32
    %dma_wait3A_38 = arith.constant 0 : i32
    %dma_wait3A_39 = tpu.memref_slice %arg4[%dma_wait3A_37, %dma_wait3A_38] : memref<163840x16xf32, #tpu.memory_space<hbm>> -> memref<128x16xf32, #tpu.memory_space<hbm>>
    tpu.wait_dma2 semaphore(%arg14 : memref<!tpu.dma_semaphore, #tpu.memory_space<semaphore_mem>>) src(%arg6 : memref<128x16xf32, #tpu.memory_space<vmem>>) dst(%dma_wait3A_39 : memref<128x16xf32, #tpu.memory_space<hbm>>)
    %dma_wait3A_40 = arith.constant 0 : i32
    %dma_wait3A_41 = arith.constant 0 : i32
    %dma_wait3A_42 = tpu.memref_slice %arg4[%dma_wait3A_40, %dma_wait3A_41] : memref<163840x16xf32, #tpu.memory_space<hbm>> -> memref<128x16xf32, #tpu.memory_space<hbm>>
    %dma_wait3A_43 = arith.constant 0 : i32
    %dma_wait3A_44 = arith.constant 0 : i32
    %dma_wait3A_45 = tpu.memref_slice %arg4[%dma_wait3A_43, %dma_wait3A_44] : memref<163840x16xf32, #tpu.memory_space<hbm>> -> memref<128x16xf32, #tpu.memory_space<hbm>>
    tpu.wait_dma2 semaphore(%arg15 : memref<!tpu.dma_semaphore, #tpu.memory_space<semaphore_mem>>) src(%arg7 : memref<128x16xf32, #tpu.memory_space<vmem>>) dst(%dma_wait3A_45 : memref<128x16xf32, #tpu.memory_space<hbm>>)
    %dma_wait3A_46 = arith.constant 0 : i32
    %dma_wait3A_47 = arith.constant 0 : i32
    %dma_wait3A_48 = tpu.memref_slice %arg4[%dma_wait3A_46, %dma_wait3A_47] : memref<163840x16xf32, #tpu.memory_space<hbm>> -> memref<128x16xf32, #tpu.memory_space<hbm>>
    %dma_wait3A_49 = arith.constant 0 : i32
    %dma_wait3A_50 = arith.constant 0 : i32
    %dma_wait3A_51 = tpu.memref_slice %arg4[%dma_wait3A_49, %dma_wait3A_50] : memref<163840x16xf32, #tpu.memory_space<hbm>> -> memref<128x16xf32, #tpu.memory_space<hbm>>
    tpu.wait_dma2 semaphore(%arg16 : memref<!tpu.dma_semaphore, #tpu.memory_space<semaphore_mem>>) src(%arg8 : memref<128x16xf32, #tpu.memory_space<vmem>>) dst(%dma_wait3A_51 : memref<128x16xf32, #tpu.memory_space<hbm>>)
    %dma_wait3A_52 = arith.constant 0 : i32
    %dma_wait3A_53 = arith.constant 0 : i32
    %dma_wait3A_54 = tpu.memref_slice %arg4[%dma_wait3A_52, %dma_wait3A_53] : memref<163840x16xf32, #tpu.memory_space<hbm>> -> memref<128x16xf32, #tpu.memory_space<hbm>>
    %dma_wait3A_55 = arith.constant 0 : i32
    %dma_wait3A_56 = arith.constant 0 : i32
    %dma_wait3A_57 = tpu.memref_slice %arg4[%dma_wait3A_55, %dma_wait3A_56] : memref<163840x16xf32, #tpu.memory_space<hbm>> -> memref<128x16xf32, #tpu.memory_space<hbm>>
    tpu.wait_dma2 semaphore(%arg17 : memref<!tpu.dma_semaphore, #tpu.memory_space<semaphore_mem>>) src(%arg9 : memref<128x16xf32, #tpu.memory_space<vmem>>) dst(%dma_wait3A_57 : memref<128x16xf32, #tpu.memory_space<hbm>>)
    return
  }
}

#map = affine_map<(d0, d1) -> (0, 0)>
#map1 = affine_map<(d0, d1) -> (0, 0, 0)>
module attributes {stable_mosaic.version = 14 : i64} {
  func.func @_scatter_body(%arg0: i32, %arg1: i32, %arg2: memref<163840x16xf32, #tpu.memory_space<hbm>>, %arg3: memref<1280x128xi32, #tpu.memory_space<hbm>>, %arg4: memref<2x10112x16xf32, #tpu.memory_space<hbm>>, %arg5: memref<40x128xi32, #tpu.memory_space<vmem>>, %arg6: memref<128x16xf32, #tpu.memory_space<vmem>>, %arg7: memref<128x16xf32, #tpu.memory_space<vmem>>, %arg8: memref<632x16xf32, #tpu.memory_space<vmem>>, %arg9: memref<10112x16xf32, #tpu.memory_space<vmem_shared>>, %arg10: memref<!tpu.dma_semaphore, #tpu.memory_space<semaphore_mem>>, %arg11: memref<!tpu.dma_semaphore, #tpu.memory_space<semaphore_mem>>, %arg12: memref<!tpu.dma_semaphore, #tpu.memory_space<semaphore_mem>>, %arg13: memref<!tpu.dma_semaphore, #tpu.memory_space<semaphore_mem>>) attributes {dimension_semantics = [#tpu.dimension_semantics<core_parallel>, #tpu.dimension_semantics<subcore_parallel>], iteration_bounds = array<i64: 2, 16>, scalar_prefetch = 0 : i64, scratch_operands = 9 : i64, tpu.core_type = #tpu.core_type<sc_vector_subcore>, window_params = [{transform_indices = #map}, {transform_indices = #map}, {transform_indices = #map1}]} {
    %mul3A = arith.constant 16 : i32
    %mul3A_0 = arith.muli %arg0, %mul3A : i32
    %add3A = arith.addi %mul3A_0, %arg1 : i32
    %mul3A_1 = arith.constant 40 : i32
    %mul3A_2 = arith.muli %add3A, %mul3A_1 : i32
    "tpu.region"() ({
      %run_scoped3A = tpu.sem_alloc : memref<!tpu.dma_semaphore, #tpu.memory_space<semaphore_mem>>
      %dma_start3A_54 = arith.constant 0 : i32
      %dma_start3A_55 = tpu.memref_slice %arg3[%mul3A_2, %dma_start3A_54] : memref<1280x128xi32, #tpu.memory_space<hbm>> -> memref<40x128xi32, #tpu.memory_space<hbm>>
      %dma_start3A_56 = arith.constant 0 : i32
      %dma_start3A_57 = tpu.memref_slice %arg3[%mul3A_2, %dma_start3A_56] : memref<1280x128xi32, #tpu.memory_space<hbm>> -> memref<40x128xi32, #tpu.memory_space<hbm>>
      tpu.enqueue_dma source(%dma_start3A_57 : memref<40x128xi32, #tpu.memory_space<hbm>>) target(%arg5 : memref<40x128xi32, #tpu.memory_space<vmem>>) target_semaphore(%run_scoped3A : memref<!tpu.dma_semaphore, #tpu.memory_space<semaphore_mem>>)
      %dma_wait3A_58 = arith.constant 0 : i32
      %dma_wait3A_59 = tpu.memref_slice %arg3[%mul3A_2, %dma_wait3A_58] : memref<1280x128xi32, #tpu.memory_space<hbm>> -> memref<40x128xi32, #tpu.memory_space<hbm>>
      %dma_wait3A_60 = arith.constant 0 : i32
      %dma_wait3A_61 = tpu.memref_slice %arg3[%mul3A_2, %dma_wait3A_60] : memref<1280x128xi32, #tpu.memory_space<hbm>> -> memref<40x128xi32, #tpu.memory_space<hbm>>
      tpu.wait_dma2 semaphore(%run_scoped3A : memref<!tpu.dma_semaphore, #tpu.memory_space<semaphore_mem>>) src(%dma_wait3A_61 : memref<40x128xi32, #tpu.memory_space<hbm>>) dst(%arg5 : memref<40x128xi32, #tpu.memory_space<vmem>>)
      tpu.yield
    }) : () -> ()
    %mul3A_3 = arith.constant 40 : i32
    %mul3A_4 = arith.muli %add3A, %mul3A_3 : i32
    %add3A_5 = arith.constant 0 : i32
    %add3A_6 = arith.addi %mul3A_4, %add3A_5 : i32
    %mul3A_7 = arith.constant 128 : i32
    %mul3A_8 = arith.muli %add3A_6, %mul3A_7 : i32
    %dma_start3A = arith.constant 0 : i32
    %dma_start3A_9 = tpu.memref_slice %arg2[%mul3A_8, %dma_start3A] : memref<163840x16xf32, #tpu.memory_space<hbm>> -> memref<128x16xf32, #tpu.memory_space<hbm>>
    %dma_start3A_10 = arith.constant 0 : i32
    %dma_start3A_11 = tpu.memref_slice %arg2[%mul3A_8, %dma_start3A_10] : memref<163840x16xf32, #tpu.memory_space<hbm>> -> memref<128x16xf32, #tpu.memory_space<hbm>>
    tpu.enqueue_dma source(%dma_start3A_11 : memref<128x16xf32, #tpu.memory_space<hbm>>) target(%arg6 : memref<128x16xf32, #tpu.memory_space<vmem>>) target_semaphore(%arg10 : memref<!tpu.dma_semaphore, #tpu.memory_space<semaphore_mem>>)
    %mul3A_12 = arith.constant 40 : i32
    %mul3A_13 = arith.muli %add3A, %mul3A_12 : i32
    %add3A_14 = arith.constant 1 : i32
    %add3A_15 = arith.addi %mul3A_13, %add3A_14 : i32
    %mul3A_16 = arith.constant 128 : i32
    %mul3A_17 = arith.muli %add3A_15, %mul3A_16 : i32
    %dma_start3A_18 = arith.constant 0 : i32
    %dma_start3A_19 = tpu.memref_slice %arg2[%mul3A_17, %dma_start3A_18] : memref<163840x16xf32, #tpu.memory_space<hbm>> -> memref<128x16xf32, #tpu.memory_space<hbm>>
    %dma_start3A_20 = arith.constant 0 : i32
    %dma_start3A_21 = tpu.memref_slice %arg2[%mul3A_17, %dma_start3A_20] : memref<163840x16xf32, #tpu.memory_space<hbm>> -> memref<128x16xf32, #tpu.memory_space<hbm>>
    tpu.enqueue_dma source(%dma_start3A_21 : memref<128x16xf32, #tpu.memory_space<hbm>>) target(%arg7 : memref<128x16xf32, #tpu.memory_space<vmem>>) target_semaphore(%arg11 : memref<!tpu.dma_semaphore, #tpu.memory_space<semaphore_mem>>)
    %broadcast_in_dim3A = arith.constant 0.000000e+00 : f32
    %broadcast_in_dim3A_22 = vector.broadcast %broadcast_in_dim3A : f32 to vector<16xf32>
    %scan3A = arith.constant 0 : i32
    %scan3A_23 = arith.constant 0 : i32
    %scan3A_24 = arith.constant 632 : i32
    %scan3A_25 = arith.addi %scan3A_23, %scan3A_24 : i32
    %scan3A_26 = arith.constant 1 : i32
    scf.for %scan3A_54 = %scan3A_23 to %scan3A_25 step %scan3A_26  : i32 {
      %swap3A = arith.index_cast %scan3A_54 : i32 to index
      %swap3A_55 = arith.constant 0 : index
      %swap3A_56 = tpu.vector_load %arg8[%swap3A, %swap3A_55] {strides = array<i32>} : memref<632x16xf32, #tpu.memory_space<vmem>>, vector<1x16xf32>,
      %swap3A_57 = vector.shape_cast %swap3A_56 : vector<1x16xf32> to vector<16xf32>
      %swap3A_58 = vector.shape_cast %broadcast_in_dim3A_22 : vector<16xf32> to vector<1x16xf32>
      tpu.vector_store %arg8[%swap3A, %swap3A_55], %swap3A_58 {strides = array<i32>} : memref<632x16xf32, #tpu.memory_space<vmem>>, vector<1x16xf32>,
    }
    %scan3A_27 = arith.constant 632 : i32
    %mul3A_28 = arith.constant 632 : i32
    %mul3A_29 = arith.muli %arg1, %mul3A_28 : i32
    "tpu.region"() ({
      %run_scoped3A = tpu.sem_alloc : memref<!tpu.dma_semaphore, #tpu.memory_space<semaphore_mem>>
      %dma_start3A_54 = arith.constant 0 : i32
      %dma_start3A_55 = tpu.memref_slice %arg9[%mul3A_29, %dma_start3A_54] : memref<10112x16xf32, #tpu.memory_space<vmem_shared>> -> memref<632x16xf32, #tpu.memory_space<vmem_shared>>
      %dma_start3A_56 = arith.constant 0 : i32
      %dma_start3A_57 = tpu.memref_slice %arg9[%mul3A_29, %dma_start3A_56] : memref<10112x16xf32, #tpu.memory_space<vmem_shared>> -> memref<632x16xf32, #tpu.memory_space<vmem_shared>>
      tpu.enqueue_dma source(%arg8 : memref<632x16xf32, #tpu.memory_space<vmem>>) target(%dma_start3A_57 : memref<632x16xf32, #tpu.memory_space<vmem_shared>>) target_semaphore(%run_scoped3A : memref<!tpu.dma_semaphore, #tpu.memory_space<semaphore_mem>>)
      %dma_wait3A_58 = arith.constant 0 : i32
      %dma_wait3A_59 = tpu.memref_slice %arg9[%mul3A_29, %dma_wait3A_58] : memref<10112x16xf32, #tpu.memory_space<vmem_shared>> -> memref<632x16xf32, #tpu.memory_space<vmem_shared>>
      %dma_wait3A_60 = arith.constant 0 : i32
      %dma_wait3A_61 = tpu.memref_slice %arg9[%mul3A_29, %dma_wait3A_60] : memref<10112x16xf32, #tpu.memory_space<vmem_shared>> -> memref<632x16xf32, #tpu.memory_space<vmem_shared>>
      tpu.wait_dma2 semaphore(%run_scoped3A : memref<!tpu.dma_semaphore, #tpu.memory_space<semaphore_mem>>) src(%arg8 : memref<632x16xf32, #tpu.memory_space<vmem>>) dst(%dma_wait3A_61 : memref<632x16xf32, #tpu.memory_space<vmem_shared>>)
      tpu.yield
    }) : () -> ()
    %barrier3A = arith.constant 0 : index
    tpu.barrier barrier_id(%barrier3A)
    %scan3A_30 = arith.constant 0 : i32
    %scan3A_31 = arith.constant 0 : i32
    %scan3A_32 = arith.constant 20 : i32
    %scan3A_33 = arith.addi %scan3A_31, %scan3A_32 : i32
    %scan3A_34 = arith.constant 1 : i32
    scf.for %scan3A_54 = %scan3A_31 to %scan3A_33 step %scan3A_34  : i32 {
      %mul3A_55 = arith.constant 2 : i32
      %mul3A_56 = arith.muli %mul3A_55, %scan3A_54 : i32
      %dma_wait3A_57 = arith.constant 0 : i32
      %dma_wait3A_58 = arith.constant 0 : i32
      %dma_wait3A_59 = tpu.memref_slice %arg2[%dma_wait3A_57, %dma_wait3A_58] : memref<163840x16xf32, #tpu.memory_space<hbm>> -> memref<128x16xf32, #tpu.memory_space<hbm>>
      %dma_wait3A_60 = arith.constant 0 : i32
      %dma_wait3A_61 = arith.constant 0 : i32
      %dma_wait3A_62 = tpu.memref_slice %arg2[%dma_wait3A_60, %dma_wait3A_61] : memref<163840x16xf32, #tpu.memory_space<hbm>> -> memref<128x16xf32, #tpu.memory_space<hbm>>
      tpu.wait_dma2 semaphore(%arg10 : memref<!tpu.dma_semaphore, #tpu.memory_space<semaphore_mem>>) src(%dma_wait3A_62 : memref<128x16xf32, #tpu.memory_space<hbm>>) dst(%arg6 : memref<128x16xf32, #tpu.memory_space<vmem>>)
      %dma_start3A_63 = arith.constant 0 : i32
      %dma_start3A_64 = tpu.memref_slice %arg5[%mul3A_56, %dma_start3A_63] : memref<40x128xi32, #tpu.memory_space<vmem>> -> memref<1x128xi32, #tpu.memory_space<vmem>>
      %dma_start3A_65 = tpu.memref_squeeze %dma_start3A_64 : memref<1x128xi32, #tpu.memory_space<vmem>> -> memref<128xi32, #tpu.memory_space<vmem>>
      %dma_start3A_66 = arith.constant 0 : i32
      %dma_start3A_67 = arith.constant 0 : i32
      %dma_start3A_68 = tpu.memref_slice %arg9[%dma_start3A_66, %dma_start3A_67] : memref<10112x16xf32, #tpu.memory_space<vmem_shared>> -> memref<10112x16xf32, #tpu.memory_space<vmem_shared>>
      tpu.enqueue_indirect_dma source(%arg6 : memref<128x16xf32, #tpu.memory_space<vmem>>) target(%dma_start3A_68 : memref<10112x16xf32, #tpu.memory_space<vmem_shared>>) offsets(%dma_start3A_65 : memref<128xi32, #tpu.memory_space<vmem>>) semaphore(%arg12 : memref<!tpu.dma_semaphore, #tpu.memory_space<semaphore_mem>>) {add = true}
      %dma_wait3A_69 = arith.constant 0 : i32
      %dma_wait3A_70 = arith.constant 0 : i32
      %dma_wait3A_71 = tpu.memref_slice %arg2[%dma_wait3A_69, %dma_wait3A_70] : memref<163840x16xf32, #tpu.memory_space<hbm>> -> memref<128x16xf32, #tpu.memory_space<hbm>>
      %dma_wait3A_72 = arith.constant 0 : i32
      %dma_wait3A_73 = arith.constant 0 : i32
      %dma_wait3A_74 = tpu.memref_slice %arg2[%dma_wait3A_72, %dma_wait3A_73] : memref<163840x16xf32, #tpu.memory_space<hbm>> -> memref<128x16xf32, #tpu.memory_space<hbm>>
      tpu.wait_dma2 semaphore(%arg11 : memref<!tpu.dma_semaphore, #tpu.memory_space<semaphore_mem>>) src(%dma_wait3A_74 : memref<128x16xf32, #tpu.memory_space<hbm>>) dst(%arg7 : memref<128x16xf32, #tpu.memory_space<vmem>>)
      %add3A_75 = arith.constant 1 : i32
      %add3A_76 = arith.addi %mul3A_56, %add3A_75 : i32
      %dma_start3A_77 = arith.constant 0 : i32
      %dma_start3A_78 = tpu.memref_slice %arg5[%add3A_76, %dma_start3A_77] : memref<40x128xi32, #tpu.memory_space<vmem>> -> memref<1x128xi32, #tpu.memory_space<vmem>>
      %dma_start3A_79 = tpu.memref_squeeze %dma_start3A_78 : memref<1x128xi32, #tpu.memory_space<vmem>> -> memref<128xi32, #tpu.memory_space<vmem>>
      %dma_start3A_80 = arith.constant 0 : i32
      %dma_start3A_81 = arith.constant 0 : i32
      %dma_start3A_82 = tpu.memref_slice %arg9[%dma_start3A_80, %dma_start3A_81] : memref<10112x16xf32, #tpu.memory_space<vmem_shared>> -> memref<10112x16xf32, #tpu.memory_space<vmem_shared>>
      tpu.enqueue_indirect_dma source(%arg7 : memref<128x16xf32, #tpu.memory_space<vmem>>) target(%dma_start3A_82 : memref<10112x16xf32, #tpu.memory_space<vmem_shared>>) offsets(%dma_start3A_79 : memref<128xi32, #tpu.memory_space<vmem>>) semaphore(%arg13 : memref<!tpu.dma_semaphore, #tpu.memory_space<semaphore_mem>>) {add = true}
      %lt3A = arith.constant 19 : i32
      %lt3A_83 = arith.cmpi slt, %scan3A_54, %lt3A : i32
      %convert_element_type3A = arith.extui %lt3A_83 : i1 to i32
      %cond3A = arith.constant 0 : i32
      %cond3A_84 = arith.cmpi ne, %convert_element_type3A, %cond3A : i32
      scf.if %cond3A_84 {
        %dma_wait3A_85 = arith.constant 0 : i32
        %dma_wait3A_86 = arith.constant 0 : i32
        %dma_wait3A_87 = tpu.memref_slice %arg5[%dma_wait3A_85, %dma_wait3A_86] : memref<40x128xi32, #tpu.memory_space<vmem>> -> memref<1x128xi32, #tpu.memory_space<vmem>>
        %dma_wait3A_88 = tpu.memref_squeeze %dma_wait3A_87 : memref<1x128xi32, #tpu.memory_space<vmem>> -> memref<128xi32, #tpu.memory_space<vmem>>
        %dma_wait3A_89 = arith.constant 0 : i32
        %dma_wait3A_90 = arith.constant 0 : i32
        %dma_wait3A_91 = tpu.memref_slice %arg9[%dma_wait3A_89, %dma_wait3A_90] : memref<10112x16xf32, #tpu.memory_space<vmem_shared>> -> memref<10112x16xf32, #tpu.memory_space<vmem_shared>>
        tpu.wait_indirect_dma semaphore(%arg12 : memref<!tpu.dma_semaphore, #tpu.memory_space<semaphore_mem>>) src(%arg6 : memref<128x16xf32, #tpu.memory_space<vmem>>) dst(%dma_wait3A_91 : memref<10112x16xf32, #tpu.memory_space<vmem_shared>>)
        %add3A_92 = arith.constant 2 : i32
        %add3A_93 = arith.addi %mul3A_56, %add3A_92 : i32
        %mul3A_94 = arith.constant 40 : i32
        %mul3A_95 = arith.muli %add3A, %mul3A_94 : i32
        %add3A_96 = arith.addi %mul3A_95, %add3A_93 : i32
        %mul3A_97 = arith.constant 128 : i32
        %mul3A_98 = arith.muli %add3A_96, %mul3A_97 : i32
        %dma_start3A_99 = arith.constant 0 : i32
        %dma_start3A_100 = tpu.memref_slice %arg2[%mul3A_98, %dma_start3A_99] : memref<163840x16xf32, #tpu.memory_space<hbm>> -> memref<128x16xf32, #tpu.memory_space<hbm>>
        %dma_start3A_101 = arith.constant 0 : i32
        %dma_start3A_102 = tpu.memref_slice %arg2[%mul3A_98, %dma_start3A_101] : memref<163840x16xf32, #tpu.memory_space<hbm>> -> memref<128x16xf32, #tpu.memory_space<hbm>>
        tpu.enqueue_dma source(%dma_start3A_102 : memref<128x16xf32, #tpu.memory_space<hbm>>) target(%arg6 : memref<128x16xf32, #tpu.memory_space<vmem>>) target_semaphore(%arg10 : memref<!tpu.dma_semaphore, #tpu.memory_space<semaphore_mem>>)
        %dma_wait3A_103 = arith.constant 0 : i32
        %dma_wait3A_104 = arith.constant 0 : i32
        %dma_wait3A_105 = tpu.memref_slice %arg5[%dma_wait3A_103, %dma_wait3A_104] : memref<40x128xi32, #tpu.memory_space<vmem>> -> memref<1x128xi32, #tpu.memory_space<vmem>>
        %dma_wait3A_106 = tpu.memref_squeeze %dma_wait3A_105 : memref<1x128xi32, #tpu.memory_space<vmem>> -> memref<128xi32, #tpu.memory_space<vmem>>
        %dma_wait3A_107 = arith.constant 0 : i32
        %dma_wait3A_108 = arith.constant 0 : i32
        %dma_wait3A_109 = tpu.memref_slice %arg9[%dma_wait3A_107, %dma_wait3A_108] : memref<10112x16xf32, #tpu.memory_space<vmem_shared>> -> memref<10112x16xf32, #tpu.memory_space<vmem_shared>>
        tpu.wait_indirect_dma semaphore(%arg13 : memref<!tpu.dma_semaphore, #tpu.memory_space<semaphore_mem>>) src(%arg7 : memref<128x16xf32, #tpu.memory_space<vmem>>) dst(%dma_wait3A_109 : memref<10112x16xf32, #tpu.memory_space<vmem_shared>>)
        %add3A_110 = arith.constant 3 : i32
        %add3A_111 = arith.addi %mul3A_56, %add3A_110 : i32
        %mul3A_112 = arith.constant 40 : i32
        %mul3A_113 = arith.muli %add3A, %mul3A_112 : i32
        %add3A_114 = arith.addi %mul3A_113, %add3A_111 : i32
        %mul3A_115 = arith.constant 128 : i32
        %mul3A_116 = arith.muli %add3A_114, %mul3A_115 : i32
        %dma_start3A_117 = arith.constant 0 : i32
        %dma_start3A_118 = tpu.memref_slice %arg2[%mul3A_116, %dma_start3A_117] : memref<163840x16xf32, #tpu.memory_space<hbm>> -> memref<128x16xf32, #tpu.memory_space<hbm>>
        %dma_start3A_119 = arith.constant 0 : i32
        %dma_start3A_120 = tpu.memref_slice %arg2[%mul3A_116, %dma_start3A_119] : memref<163840x16xf32, #tpu.memory_space<hbm>> -> memref<128x16xf32, #tpu.memory_space<hbm>>
        tpu.enqueue_dma source(%dma_start3A_120 : memref<128x16xf32, #tpu.memory_space<hbm>>) target(%arg7 : memref<128x16xf32, #tpu.memory_space<vmem>>) target_semaphore(%arg11 : memref<!tpu.dma_semaphore, #tpu.memory_space<semaphore_mem>>)
      } else {
      }
    }
    %scan3A_35 = arith.constant 20 : i32
    %dma_wait3A = arith.constant 0 : i32
    %dma_wait3A_36 = arith.constant 0 : i32
    %dma_wait3A_37 = tpu.memref_slice %arg5[%dma_wait3A, %dma_wait3A_36] : memref<40x128xi32, #tpu.memory_space<vmem>> -> memref<1x128xi32, #tpu.memory_space<vmem>>
    %dma_wait3A_38 = tpu.memref_squeeze %dma_wait3A_37 : memref<1x128xi32, #tpu.memory_space<vmem>> -> memref<128xi32, #tpu.memory_space<vmem>>
    %dma_wait3A_39 = arith.constant 0 : i32
    %dma_wait3A_40 = arith.constant 0 : i32
    %dma_wait3A_41 = tpu.memref_slice %arg9[%dma_wait3A_39, %dma_wait3A_40] : memref<10112x16xf32, #tpu.memory_space<vmem_shared>> -> memref<10112x16xf32, #tpu.memory_space<vmem_shared>>
    tpu.wait_indirect_dma semaphore(%arg12 : memref<!tpu.dma_semaphore, #tpu.memory_space<semaphore_mem>>) src(%arg6 : memref<128x16xf32, #tpu.memory_space<vmem>>) dst(%dma_wait3A_41 : memref<10112x16xf32, #tpu.memory_space<vmem_shared>>)
    %dma_wait3A_42 = arith.constant 0 : i32
    %dma_wait3A_43 = arith.constant 0 : i32
    %dma_wait3A_44 = tpu.memref_slice %arg5[%dma_wait3A_42, %dma_wait3A_43] : memref<40x128xi32, #tpu.memory_space<vmem>> -> memref<1x128xi32, #tpu.memory_space<vmem>>
    %dma_wait3A_45 = tpu.memref_squeeze %dma_wait3A_44 : memref<1x128xi32, #tpu.memory_space<vmem>> -> memref<128xi32, #tpu.memory_space<vmem>>
    %dma_wait3A_46 = arith.constant 0 : i32
    %dma_wait3A_47 = arith.constant 0 : i32
    %dma_wait3A_48 = tpu.memref_slice %arg9[%dma_wait3A_46, %dma_wait3A_47] : memref<10112x16xf32, #tpu.memory_space<vmem_shared>> -> memref<10112x16xf32, #tpu.memory_space<vmem_shared>>
    tpu.wait_indirect_dma semaphore(%arg13 : memref<!tpu.dma_semaphore, #tpu.memory_space<semaphore_mem>>) src(%arg7 : memref<128x16xf32, #tpu.memory_space<vmem>>) dst(%dma_wait3A_48 : memref<10112x16xf32, #tpu.memory_space<vmem_shared>>)
    %barrier3A_49 = arith.constant 0 : index
    tpu.barrier barrier_id(%barrier3A_49)
    %mul3A_50 = arith.constant 632 : i32
    %mul3A_51 = arith.muli %arg1, %mul3A_50 : i32
    "tpu.region"() ({
      %run_scoped3A = tpu.sem_alloc : memref<!tpu.dma_semaphore, #tpu.memory_space<semaphore_mem>>
      %dma_start3A_54 = arith.constant 0 : i32
      %dma_start3A_55 = tpu.memref_slice %arg9[%mul3A_51, %dma_start3A_54] : memref<10112x16xf32, #tpu.memory_space<vmem_shared>> -> memref<632x16xf32, #tpu.memory_space<vmem_shared>>
      %dma_start3A_56 = arith.constant 0 : i32
      %dma_start3A_57 = tpu.memref_slice %arg9[%mul3A_51, %dma_start3A_56] : memref<10112x16xf32, #tpu.memory_space<vmem_shared>> -> memref<632x16xf32, #tpu.memory_space<vmem_shared>>
      tpu.enqueue_dma source(%dma_start3A_57 : memref<632x16xf32, #tpu.memory_space<vmem_shared>>) target(%arg8 : memref<632x16xf32, #tpu.memory_space<vmem>>) target_semaphore(%run_scoped3A : memref<!tpu.dma_semaphore, #tpu.memory_space<semaphore_mem>>)
      %dma_wait3A_58 = arith.constant 0 : i32
      %dma_wait3A_59 = tpu.memref_slice %arg9[%mul3A_51, %dma_wait3A_58] : memref<10112x16xf32, #tpu.memory_space<vmem_shared>> -> memref<632x16xf32, #tpu.memory_space<vmem_shared>>
      %dma_wait3A_60 = arith.constant 0 : i32
      %dma_wait3A_61 = tpu.memref_slice %arg9[%mul3A_51, %dma_wait3A_60] : memref<10112x16xf32, #tpu.memory_space<vmem_shared>> -> memref<632x16xf32, #tpu.memory_space<vmem_shared>>
      tpu.wait_dma2 semaphore(%run_scoped3A : memref<!tpu.dma_semaphore, #tpu.memory_space<semaphore_mem>>) src(%dma_wait3A_61 : memref<632x16xf32, #tpu.memory_space<vmem_shared>>) dst(%arg8 : memref<632x16xf32, #tpu.memory_space<vmem>>)
      tpu.yield
    }) : () -> ()
    %mul3A_52 = arith.constant 632 : i32
    %mul3A_53 = arith.muli %arg1, %mul3A_52 : i32
    "tpu.region"() ({
      %run_scoped3A = tpu.sem_alloc : memref<!tpu.dma_semaphore, #tpu.memory_space<semaphore_mem>>
      %dma_start3A_54 = arith.constant 0 : i32
      %dma_start3A_55 = tpu.memref_slice %arg4[%arg0, %mul3A_53, %dma_start3A_54] : memref<2x10112x16xf32, #tpu.memory_space<hbm>> -> memref<1x632x16xf32, #tpu.memory_space<hbm>>
      %dma_start3A_56 = tpu.memref_squeeze %dma_start3A_55 : memref<1x632x16xf32, #tpu.memory_space<hbm>> -> memref<632x16xf32, #tpu.memory_space<hbm>>
      %dma_start3A_57 = arith.constant 0 : i32
      %dma_start3A_58 = tpu.memref_slice %arg4[%arg0, %mul3A_53, %dma_start3A_57] : memref<2x10112x16xf32, #tpu.memory_space<hbm>> -> memref<1x632x16xf32, #tpu.memory_space<hbm>>
      %dma_start3A_59 = tpu.memref_squeeze %dma_start3A_58 : memref<1x632x16xf32, #tpu.memory_space<hbm>> -> memref<632x16xf32, #tpu.memory_space<hbm>>
      tpu.enqueue_dma source(%arg8 : memref<632x16xf32, #tpu.memory_space<vmem>>) target(%dma_start3A_59 : memref<632x16xf32, #tpu.memory_space<hbm>>) target_semaphore(%run_scoped3A : memref<!tpu.dma_semaphore, #tpu.memory_space<semaphore_mem>>)
      %dma_wait3A_60 = arith.constant 0 : i32
      %dma_wait3A_61 = tpu.memref_slice %arg4[%arg0, %mul3A_53, %dma_wait3A_60] : memref<2x10112x16xf32, #tpu.memory_space<hbm>> -> memref<1x632x16xf32, #tpu.memory_space<hbm>>
      %dma_wait3A_62 = tpu.memref_squeeze %dma_wait3A_61 : memref<1x632x16xf32, #tpu.memory_space<hbm>> -> memref<632x16xf32, #tpu.memory_space<hbm>>
      %dma_wait3A_63 = arith.constant 0 : i32
      %dma_wait3A_64 = tpu.memref_slice %arg4[%arg0, %mul3A_53, %dma_wait3A_63] : memref<2x10112x16xf32, #tpu.memory_space<hbm>> -> memref<1x632x16xf32, #tpu.memory_space<hbm>>
      %dma_wait3A_65 = tpu.memref_squeeze %dma_wait3A_64 : memref<1x632x16xf32, #tpu.memory_space<hbm>> -> memref<632x16xf32, #tpu.memory_space<hbm>>
      tpu.wait_dma2 semaphore(%run_scoped3A : memref<!tpu.dma_semaphore, #tpu.memory_space<semaphore_mem>>) src(%arg8 : memref<632x16xf32, #tpu.memory_space<vmem>>) dst(%dma_wait3A_65 : memref<632x16xf32, #tpu.memory_space<hbm>>)
      tpu.yield
    }) : () -> ()
    return
  }
}

module attributes {stable_mosaic.version = 14 : i64} {
  func.func @_einsum_body(%arg0: i32, %arg1: memref<4096x128xf32, #tpu.memory_space<vmem>>, %arg2: memref<16x4096xf32, #tpu.memory_space<vmem>>, %arg3: memref<2048x16xf32, #tpu.memory_space<vmem>>, %arg4: memref<2048x8xf32, #tpu.memory_space<vmem>>, %arg5: memref<4096x16xf32, #tpu.memory_space<vmem>>) attributes {dimension_semantics = [#tpu.dimension_semantics<arbitrary>], iteration_bounds = array<i64: 40>, scalar_prefetch = 0 : i64, scratch_operands = 0 : i64, tpu.core_type = #tpu.core_type<tc>, window_params = [{transform_indices = @transform_0, window_bounds = array<i64: 4096, 128>}, {transform_indices = @transform_1, window_bounds = array<i64: 16, 4096>}, {pipeline_mode = #tpu.pipeline_mode<synchronous>, transform_indices = @transform_2, window_bounds = array<i64: 2048, 16>}, {pipeline_mode = #tpu.pipeline_mode<synchronous>, transform_indices = @transform_3, window_bounds = array<i64: 2048, 8>}, {transform_indices = @transform_4, window_bounds = array<i64: 4096, 16>}]} {
    %get3A = arith.constant 0 : index
    %get3A_0 = arith.constant 0 : index
    %get3A_1 = vector.load %arg3[%get3A, %get3A_0] : memref<2048x16xf32, #tpu.memory_space<vmem>>, vector<2048x16xf32>
    %get3A_2 = arith.constant 0 : index
    %get3A_3 = arith.constant 0 : index
    %get3A_4 = vector.load %arg2[%get3A_2, %get3A_3] : memref<16x4096xf32, #tpu.memory_space<vmem>>, vector<16x4096xf32>
    %convert_element_type3A = arith.truncf %get3A_1 : vector<2048x16xf32> to vector<2048x16xbf16>
    %convert_element_type3A_5 = arith.truncf %get3A_4 : vector<16x4096xf32> to vector<16x4096xbf16>
    %dot_general3A = arith.constant dense<0.000000e+00> : vector<2048x4096xf32>
    %dot_general3A_6 = tpu.matmul %convert_element_type3A, %convert_element_type3A_5, %dot_general3A {dimension_numbers = #tpu.dot_dimension_numbers<[1], [0], [0], [1], [0, 0, 1, 1], [], []>, transpose_lhs_hint = false} : vector<2048x16xbf16>, vector<16x4096xbf16>, vector<2048x4096xf32> -> vector<2048x4096xf32>
    %get3A_7 = arith.constant 0 : index
    %get3A_8 = arith.constant 0 : index
    %get3A_9 = vector.load %arg4[%get3A_7, %get3A_8] : memref<2048x8xf32, #tpu.memory_space<vmem>>, vector<2048x1xf32>
    %add3A = vector.broadcast %get3A_9 : vector<2048x1xf32> to vector<2048x4096xf32>
    %add3A_10 = arith.addf %dot_general3A_6, %add3A : vector<2048x4096xf32>
    %convert_element_type3A_11 = arith.truncf %add3A_10 : vector<2048x4096xf32> to vector<2048x4096xbf16>
    %convert_element_type3A_12 = arith.extf %convert_element_type3A_11 : vector<2048x4096xbf16> to vector<2048x4096xf32>
    %get3A_13 = arith.constant 0 : index
    %get3A_14 = arith.constant 0 : index
    %get3A_15 = vector.load %arg1[%get3A_13, %get3A_14] : memref<4096x128xf32, #tpu.memory_space<vmem>>, vector<4096x128xf32>
    %transpose3A = tpu.transpose %get3A_15, [1, 0] : vector<4096x128xf32> -> vector<128x4096xf32>
    %convert_element_type3A_16 = arith.truncf %transpose3A : vector<128x4096xf32> to vector<128x4096xbf16>
    %convert_element_type3A_17 = arith.extf %convert_element_type3A_16 : vector<128x4096xbf16> to vector<128x4096xf32>
    %slice3A = vector.extract_strided_slice %convert_element_type3A_17 {offsets = [0, 0], sizes = [1, 4096], strides = [1, 1]} : vector<128x4096xf32> to vector<1x4096xf32>
    %slice3A_18 = vector.extract_strided_slice %convert_element_type3A_12 {offsets = [0, 0], sizes = [16, 4096], strides = [1, 1]} : vector<2048x4096xf32> to vector<16x4096xf32>
    %mul3A = vector.broadcast %slice3A : vector<1x4096xf32> to vector<16x4096xf32>
    %mul3A_19 = arith.mulf %mul3A, %slice3A_18 : vector<16x4096xf32>
    %slice3A_20 = vector.extract_strided_slice %convert_element_type3A_17 {offsets = [1, 0], sizes = [1, 4096], strides = [1, 1]} : vector<128x4096xf32> to vector<1x4096xf32>
    %slice3A_21 = vector.extract_strided_slice %convert_element_type3A_12 {offsets = [16, 0], sizes = [16, 4096], strides = [1, 1]} : vector<2048x4096xf32> to vector<16x4096xf32>
    %mul3A_22 = vector.broadcast %slice3A_20 : vector<1x4096xf32> to vector<16x4096xf32>
    %mul3A_23 = arith.mulf %mul3A_22, %slice3A_21 : vector<16x4096xf32>
    %add3A_24 = arith.addf %mul3A_19, %mul3A_23 : vector<16x4096xf32>
    %slice3A_25 = vector.extract_strided_slice %convert_element_type3A_17 {offsets = [2, 0], sizes = [1, 4096], strides = [1, 1]} : vector<128x4096xf32> to vector<1x4096xf32>
    %slice3A_26 = vector.extract_strided_slice %convert_element_type3A_12 {offsets = [32, 0], sizes = [16, 4096], strides = [1, 1]} : vector<2048x4096xf32> to vector<16x4096xf32>
    %mul3A_27 = vector.broadcast %slice3A_25 : vector<1x4096xf32> to vector<16x4096xf32>
    %mul3A_28 = arith.mulf %mul3A_27, %slice3A_26 : vector<16x4096xf32>
    %add3A_29 = arith.addf %add3A_24, %mul3A_28 : vector<16x4096xf32>
    %slice3A_30 = vector.extract_strided_slice %convert_element_type3A_17 {offsets = [3, 0], sizes = [1, 4096], strides = [1, 1]} : vector<128x4096xf32> to vector<1x4096xf32>
    %slice3A_31 = vector.extract_strided_slice %convert_element_type3A_12 {offsets = [48, 0], sizes = [16, 4096], strides = [1, 1]} : vector<2048x4096xf32> to vector<16x4096xf32>
    %mul3A_32 = vector.broadcast %slice3A_30 : vector<1x4096xf32> to vector<16x4096xf32>
    %mul3A_33 = arith.mulf %mul3A_32, %slice3A_31 : vector<16x4096xf32>
    %add3A_34 = arith.addf %add3A_29, %mul3A_33 : vector<16x4096xf32>
    %slice3A_35 = vector.extract_strided_slice %convert_element_type3A_17 {offsets = [4, 0], sizes = [1, 4096], strides = [1, 1]} : vector<128x4096xf32> to vector<1x4096xf32>
    %slice3A_36 = vector.extract_strided_slice %convert_element_type3A_12 {offsets = [64, 0], sizes = [16, 4096], strides = [1, 1]} : vector<2048x4096xf32> to vector<16x4096xf32>
    %mul3A_37 = vector.broadcast %slice3A_35 : vector<1x4096xf32> to vector<16x4096xf32>
    %mul3A_38 = arith.mulf %mul3A_37, %slice3A_36 : vector<16x4096xf32>
    %add3A_39 = arith.addf %add3A_34, %mul3A_38 : vector<16x4096xf32>
    %slice3A_40 = vector.extract_strided_slice %convert_element_type3A_17 {offsets = [5, 0], sizes = [1, 4096], strides = [1, 1]} : vector<128x4096xf32> to vector<1x4096xf32>
    %slice3A_41 = vector.extract_strided_slice %convert_element_type3A_12 {offsets = [80, 0], sizes = [16, 4096], strides = [1, 1]} : vector<2048x4096xf32> to vector<16x4096xf32>
    %mul3A_42 = vector.broadcast %slice3A_40 : vector<1x4096xf32> to vector<16x4096xf32>
    %mul3A_43 = arith.mulf %mul3A_42, %slice3A_41 : vector<16x4096xf32>
    %add3A_44 = arith.addf %add3A_39, %mul3A_43 : vector<16x4096xf32>
    %slice3A_45 = vector.extract_strided_slice %convert_element_type3A_17 {offsets = [6, 0], sizes = [1, 4096], strides = [1, 1]} : vector<128x4096xf32> to vector<1x4096xf32>
    %slice3A_46 = vector.extract_strided_slice %convert_element_type3A_12 {offsets = [96, 0], sizes = [16, 4096], strides = [1, 1]} : vector<2048x4096xf32> to vector<16x4096xf32>
    %mul3A_47 = vector.broadcast %slice3A_45 : vector<1x4096xf32> to vector<16x4096xf32>
    %mul3A_48 = arith.mulf %mul3A_47, %slice3A_46 : vector<16x4096xf32>
    %add3A_49 = arith.addf %add3A_44, %mul3A_48 : vector<16x4096xf32>
    %slice3A_50 = vector.extract_strided_slice %convert_element_type3A_17 {offsets = [7, 0], sizes = [1, 4096], strides = [1, 1]} : vector<128x4096xf32> to vector<1x4096xf32>
    %slice3A_51 = vector.extract_strided_slice %convert_element_type3A_12 {offsets = [112, 0], sizes = [16, 4096], strides = [1, 1]} : vector<2048x4096xf32> to vector<16x4096xf32>
    %mul3A_52 = vector.broadcast %slice3A_50 : vector<1x4096xf32> to vector<16x4096xf32>
    %mul3A_53 = arith.mulf %mul3A_52, %slice3A_51 : vector<16x4096xf32>
    %add3A_54 = arith.addf %add3A_49, %mul3A_53 : vector<16x4096xf32>
    %slice3A_55 = vector.extract_strided_slice %convert_element_type3A_17 {offsets = [8, 0], sizes = [1, 4096], strides = [1, 1]} : vector<128x4096xf32> to vector<1x4096xf32>
    %slice3A_56 = vector.extract_strided_slice %convert_element_type3A_12 {offsets = [128, 0], sizes = [16, 4096], strides = [1, 1]} : vector<2048x4096xf32> to vector<16x4096xf32>
    %mul3A_57 = vector.broadcast %slice3A_55 : vector<1x4096xf32> to vector<16x4096xf32>
    %mul3A_58 = arith.mulf %mul3A_57, %slice3A_56 : vector<16x4096xf32>
    %add3A_59 = arith.addf %add3A_54, %mul3A_58 : vector<16x4096xf32>
    %slice3A_60 = vector.extract_strided_slice %convert_element_type3A_17 {offsets = [9, 0], sizes = [1, 4096], strides = [1, 1]} : vector<128x4096xf32> to vector<1x4096xf32>
    %slice3A_61 = vector.extract_strided_slice %convert_element_type3A_12 {offsets = [144, 0], sizes = [16, 4096], strides = [1, 1]} : vector<2048x4096xf32> to vector<16x4096xf32>
    %mul3A_62 = vector.broadcast %slice3A_60 : vector<1x4096xf32> to vector<16x4096xf32>
    %mul3A_63 = arith.mulf %mul3A_62, %slice3A_61 : vector<16x4096xf32>
    %add3A_64 = arith.addf %add3A_59, %mul3A_63 : vector<16x4096xf32>
    %slice3A_65 = vector.extract_strided_slice %convert_element_type3A_17 {offsets = [10, 0], sizes = [1, 4096], strides = [1, 1]} : vector<128x4096xf32> to vector<1x4096xf32>
    %slice3A_66 = vector.extract_strided_slice %convert_element_type3A_12 {offsets = [160, 0], sizes = [16, 4096], strides = [1, 1]} : vector<2048x4096xf32> to vector<16x4096xf32>
    %mul3A_67 = vector.broadcast %slice3A_65 : vector<1x4096xf32> to vector<16x4096xf32>
    %mul3A_68 = arith.mulf %mul3A_67, %slice3A_66 : vector<16x4096xf32>
    %add3A_69 = arith.addf %add3A_64, %mul3A_68 : vector<16x4096xf32>
    %slice3A_70 = vector.extract_strided_slice %convert_element_type3A_17 {offsets = [11, 0], sizes = [1, 4096], strides = [1, 1]} : vector<128x4096xf32> to vector<1x4096xf32>
    %slice3A_71 = vector.extract_strided_slice %convert_element_type3A_12 {offsets = [176, 0], sizes = [16, 4096], strides = [1, 1]} : vector<2048x4096xf32> to vector<16x4096xf32>
    %mul3A_72 = vector.broadcast %slice3A_70 : vector<1x4096xf32> to vector<16x4096xf32>
    %mul3A_73 = arith.mulf %mul3A_72, %slice3A_71 : vector<16x4096xf32>
    %add3A_74 = arith.addf %add3A_69, %mul3A_73 : vector<16x4096xf32>
    %slice3A_75 = vector.extract_strided_slice %convert_element_type3A_17 {offsets = [12, 0], sizes = [1, 4096], strides = [1, 1]} : vector<128x4096xf32> to vector<1x4096xf32>
    %slice3A_76 = vector.extract_strided_slice %convert_element_type3A_12 {offsets = [192, 0], sizes = [16, 4096], strides = [1, 1]} : vector<2048x4096xf32> to vector<16x4096xf32>
    %mul3A_77 = vector.broadcast %slice3A_75 : vector<1x4096xf32> to vector<16x4096xf32>
    %mul3A_78 = arith.mulf %mul3A_77, %slice3A_76 : vector<16x4096xf32>
    %add3A_79 = arith.addf %add3A_74, %mul3A_78 : vector<16x4096xf32>
    %slice3A_80 = vector.extract_strided_slice %convert_element_type3A_17 {offsets = [13, 0], sizes = [1, 4096], strides = [1, 1]} : vector<128x4096xf32> to vector<1x4096xf32>
    %slice3A_81 = vector.extract_strided_slice %convert_element_type3A_12 {offsets = [208, 0], sizes = [16, 4096], strides = [1, 1]} : vector<2048x4096xf32> to vector<16x4096xf32>
    %mul3A_82 = vector.broadcast %slice3A_80 : vector<1x4096xf32> to vector<16x4096xf32>
    %mul3A_83 = arith.mulf %mul3A_82, %slice3A_81 : vector<16x4096xf32>
    %add3A_84 = arith.addf %add3A_79, %mul3A_83 : vector<16x4096xf32>
    %slice3A_85 = vector.extract_strided_slice %convert_element_type3A_17 {offsets = [14, 0], sizes = [1, 4096], strides = [1, 1]} : vector<128x4096xf32> to vector<1x4096xf32>
    %slice3A_86 = vector.extract_strided_slice %convert_element_type3A_12 {offsets = [224, 0], sizes = [16, 4096], strides = [1, 1]} : vector<2048x4096xf32> to vector<16x4096xf32>
    %mul3A_87 = vector.broadcast %slice3A_85 : vector<1x4096xf32> to vector<16x4096xf32>
    %mul3A_88 = arith.mulf %mul3A_87, %slice3A_86 : vector<16x4096xf32>
    %add3A_89 = arith.addf %add3A_84, %mul3A_88 : vector<16x4096xf32>
    %slice3A_90 = vector.extract_strided_slice %convert_element_type3A_17 {offsets = [15, 0], sizes = [1, 4096], strides = [1, 1]} : vector<128x4096xf32> to vector<1x4096xf32>
    %slice3A_91 = vector.extract_strided_slice %convert_element_type3A_12 {offsets = [240, 0], sizes = [16, 4096], strides = [1, 1]} : vector<2048x4096xf32> to vector<16x4096xf32>
    %mul3A_92 = vector.broadcast %slice3A_90 : vector<1x4096xf32> to vector<16x4096xf32>
    %mul3A_93 = arith.mulf %mul3A_92, %slice3A_91 : vector<16x4096xf32>
    %add3A_94 = arith.addf %add3A_89, %mul3A_93 : vector<16x4096xf32>
    %slice3A_95 = vector.extract_strided_slice %convert_element_type3A_17 {offsets = [16, 0], sizes = [1, 4096], strides = [1, 1]} : vector<128x4096xf32> to vector<1x4096xf32>
    %slice3A_96 = vector.extract_strided_slice %convert_element_type3A_12 {offsets = [256, 0], sizes = [16, 4096], strides = [1, 1]} : vector<2048x4096xf32> to vector<16x4096xf32>
    %mul3A_97 = vector.broadcast %slice3A_95 : vector<1x4096xf32> to vector<16x4096xf32>
    %mul3A_98 = arith.mulf %mul3A_97, %slice3A_96 : vector<16x4096xf32>
    %add3A_99 = arith.addf %add3A_94, %mul3A_98 : vector<16x4096xf32>
    %slice3A_100 = vector.extract_strided_slice %convert_element_type3A_17 {offsets = [17, 0], sizes = [1, 4096], strides = [1, 1]} : vector<128x4096xf32> to vector<1x4096xf32>
    %slice3A_101 = vector.extract_strided_slice %convert_element_type3A_12 {offsets = [272, 0], sizes = [16, 4096], strides = [1, 1]} : vector<2048x4096xf32> to vector<16x4096xf32>
    %mul3A_102 = vector.broadcast %slice3A_100 : vector<1x4096xf32> to vector<16x4096xf32>
    %mul3A_103 = arith.mulf %mul3A_102, %slice3A_101 : vector<16x4096xf32>
    %add3A_104 = arith.addf %add3A_99, %mul3A_103 : vector<16x4096xf32>
    %slice3A_105 = vector.extract_strided_slice %convert_element_type3A_17 {offsets = [18, 0], sizes = [1, 4096], strides = [1, 1]} : vector<128x4096xf32> to vector<1x4096xf32>
    %slice3A_106 = vector.extract_strided_slice %convert_element_type3A_12 {offsets = [288, 0], sizes = [16, 4096], strides = [1, 1]} : vector<2048x4096xf32> to vector<16x4096xf32>
    %mul3A_107 = vector.broadcast %slice3A_105 : vector<1x4096xf32> to vector<16x4096xf32>
    %mul3A_108 = arith.mulf %mul3A_107, %slice3A_106 : vector<16x4096xf32>
    %add3A_109 = arith.addf %add3A_104, %mul3A_108 : vector<16x4096xf32>
    %slice3A_110 = vector.extract_strided_slice %convert_element_type3A_17 {offsets = [19, 0], sizes = [1, 4096], strides = [1, 1]} : vector<128x4096xf32> to vector<1x4096xf32>
    %slice3A_111 = vector.extract_strided_slice %convert_element_type3A_12 {offsets = [304, 0], sizes = [16, 4096], strides = [1, 1]} : vector<2048x4096xf32> to vector<16x4096xf32>
    %mul3A_112 = vector.broadcast %slice3A_110 : vector<1x4096xf32> to vector<16x4096xf32>
    %mul3A_113 = arith.mulf %mul3A_112, %slice3A_111 : vector<16x4096xf32>
    %add3A_114 = arith.addf %add3A_109, %mul3A_113 : vector<16x4096xf32>
    %slice3A_115 = vector.extract_strided_slice %convert_element_type3A_17 {offsets = [20, 0], sizes = [1, 4096], strides = [1, 1]} : vector<128x4096xf32> to vector<1x4096xf32>
    %slice3A_116 = vector.extract_strided_slice %convert_element_type3A_12 {offsets = [320, 0], sizes = [16, 4096], strides = [1, 1]} : vector<2048x4096xf32> to vector<16x4096xf32>
    %mul3A_117 = vector.broadcast %slice3A_115 : vector<1x4096xf32> to vector<16x4096xf32>
    %mul3A_118 = arith.mulf %mul3A_117, %slice3A_116 : vector<16x4096xf32>
    %add3A_119 = arith.addf %add3A_114, %mul3A_118 : vector<16x4096xf32>
    %slice3A_120 = vector.extract_strided_slice %convert_element_type3A_17 {offsets = [21, 0], sizes = [1, 4096], strides = [1, 1]} : vector<128x4096xf32> to vector<1x4096xf32>
    %slice3A_121 = vector.extract_strided_slice %convert_element_type3A_12 {offsets = [336, 0], sizes = [16, 4096], strides = [1, 1]} : vector<2048x4096xf32> to vector<16x4096xf32>
    %mul3A_122 = vector.broadcast %slice3A_120 : vector<1x4096xf32> to vector<16x4096xf32>
    %mul3A_123 = arith.mulf %mul3A_122, %slice3A_121 : vector<16x4096xf32>
    %add3A_124 = arith.addf %add3A_119, %mul3A_123 : vector<16x4096xf32>
    %slice3A_125 = vector.extract_strided_slice %convert_element_type3A_17 {offsets = [22, 0], sizes = [1, 4096], strides = [1, 1]} : vector<128x4096xf32> to vector<1x4096xf32>
    %slice3A_126 = vector.extract_strided_slice %convert_element_type3A_12 {offsets = [352, 0], sizes = [16, 4096], strides = [1, 1]} : vector<2048x4096xf32> to vector<16x4096xf32>
    %mul3A_127 = vector.broadcast %slice3A_125 : vector<1x4096xf32> to vector<16x4096xf32>
    %mul3A_128 = arith.mulf %mul3A_127, %slice3A_126 : vector<16x4096xf32>
    %add3A_129 = arith.addf %add3A_124, %mul3A_128 : vector<16x4096xf32>
    %slice3A_130 = vector.extract_strided_slice %convert_element_type3A_17 {offsets = [23, 0], sizes = [1, 4096], strides = [1, 1]} : vector<128x4096xf32> to vector<1x4096xf32>
    %slice3A_131 = vector.extract_strided_slice %convert_element_type3A_12 {offsets = [368, 0], sizes = [16, 4096], strides = [1, 1]} : vector<2048x4096xf32> to vector<16x4096xf32>
    %mul3A_132 = vector.broadcast %slice3A_130 : vector<1x4096xf32> to vector<16x4096xf32>
    %mul3A_133 = arith.mulf %mul3A_132, %slice3A_131 : vector<16x4096xf32>
    %add3A_134 = arith.addf %add3A_129, %mul3A_133 : vector<16x4096xf32>
    %slice3A_135 = vector.extract_strided_slice %convert_element_type3A_17 {offsets = [24, 0], sizes = [1, 4096], strides = [1, 1]} : vector<128x4096xf32> to vector<1x4096xf32>
    %slice3A_136 = vector.extract_strided_slice %convert_element_type3A_12 {offsets = [384, 0], sizes = [16, 4096], strides = [1, 1]} : vector<2048x4096xf32> to vector<16x4096xf32>
    %mul3A_137 = vector.broadcast %slice3A_135 : vector<1x4096xf32> to vector<16x4096xf32>
    %mul3A_138 = arith.mulf %mul3A_137, %slice3A_136 : vector<16x4096xf32>
    %add3A_139 = arith.addf %add3A_134, %mul3A_138 : vector<16x4096xf32>
    %slice3A_140 = vector.extract_strided_slice %convert_element_type3A_17 {offsets = [25, 0], sizes = [1, 4096], strides = [1, 1]} : vector<128x4096xf32> to vector<1x4096xf32>
    %slice3A_141 = vector.extract_strided_slice %convert_element_type3A_12 {offsets = [400, 0], sizes = [16, 4096], strides = [1, 1]} : vector<2048x4096xf32> to vector<16x4096xf32>
    %mul3A_142 = vector.broadcast %slice3A_140 : vector<1x4096xf32> to vector<16x4096xf32>
    %mul3A_143 = arith.mulf %mul3A_142, %slice3A_141 : vector<16x4096xf32>
    %add3A_144 = arith.addf %add3A_139, %mul3A_143 : vector<16x4096xf32>
    %slice3A_145 = vector.extract_strided_slice %convert_element_type3A_17 {offsets = [26, 0], sizes = [1, 4096], strides = [1, 1]} : vector<128x4096xf32> to vector<1x4096xf32>
    %slice3A_146 = vector.extract_strided_slice %convert_element_type3A_12 {offsets = [416, 0], sizes = [16, 4096], strides = [1, 1]} : vector<2048x4096xf32> to vector<16x4096xf32>
    %mul3A_147 = vector.broadcast %slice3A_145 : vector<1x4096xf32> to vector<16x4096xf32>
    %mul3A_148 = arith.mulf %mul3A_147, %slice3A_146 : vector<16x4096xf32>
    %add3A_149 = arith.addf %add3A_144, %mul3A_148 : vector<16x4096xf32>
    %slice3A_150 = vector.extract_strided_slice %convert_element_type3A_17 {offsets = [27, 0], sizes = [1, 4096], strides = [1, 1]} : vector<128x4096xf32> to vector<1x4096xf32>
    %slice3A_151 = vector.extract_strided_slice %convert_element_type3A_12 {offsets = [432, 0], sizes = [16, 4096], strides = [1, 1]} : vector<2048x4096xf32> to vector<16x4096xf32>
    %mul3A_152 = vector.broadcast %slice3A_150 : vector<1x4096xf32> to vector<16x4096xf32>
    %mul3A_153 = arith.mulf %mul3A_152, %slice3A_151 : vector<16x4096xf32>
    %add3A_154 = arith.addf %add3A_149, %mul3A_153 : vector<16x4096xf32>
    %slice3A_155 = vector.extract_strided_slice %convert_element_type3A_17 {offsets = [28, 0], sizes = [1, 4096], strides = [1, 1]} : vector<128x4096xf32> to vector<1x4096xf32>
    %slice3A_156 = vector.extract_strided_slice %convert_element_type3A_12 {offsets = [448, 0], sizes = [16, 4096], strides = [1, 1]} : vector<2048x4096xf32> to vector<16x4096xf32>
    %mul3A_157 = vector.broadcast %slice3A_155 : vector<1x4096xf32> to vector<16x4096xf32>
    %mul3A_158 = arith.mulf %mul3A_157, %slice3A_156 : vector<16x4096xf32>
    %add3A_159 = arith.addf %add3A_154, %mul3A_158 : vector<16x4096xf32>
    %slice3A_160 = vector.extract_strided_slice %convert_element_type3A_17 {offsets = [29, 0], sizes = [1, 4096], strides = [1, 1]} : vector<128x4096xf32> to vector<1x4096xf32>
    %slice3A_161 = vector.extract_strided_slice %convert_element_type3A_12 {offsets = [464, 0], sizes = [16, 4096], strides = [1, 1]} : vector<2048x4096xf32> to vector<16x4096xf32>
    %mul3A_162 = vector.broadcast %slice3A_160 : vector<1x4096xf32> to vector<16x4096xf32>
    %mul3A_163 = arith.mulf %mul3A_162, %slice3A_161 : vector<16x4096xf32>
    %add3A_164 = arith.addf %add3A_159, %mul3A_163 : vector<16x4096xf32>
    %slice3A_165 = vector.extract_strided_slice %convert_element_type3A_17 {offsets = [30, 0], sizes = [1, 4096], strides = [1, 1]} : vector<128x4096xf32> to vector<1x4096xf32>
    %slice3A_166 = vector.extract_strided_slice %convert_element_type3A_12 {offsets = [480, 0], sizes = [16, 4096], strides = [1, 1]} : vector<2048x4096xf32> to vector<16x4096xf32>
    %mul3A_167 = vector.broadcast %slice3A_165 : vector<1x4096xf32> to vector<16x4096xf32>
    %mul3A_168 = arith.mulf %mul3A_167, %slice3A_166 : vector<16x4096xf32>
    %add3A_169 = arith.addf %add3A_164, %mul3A_168 : vector<16x4096xf32>
    %slice3A_170 = vector.extract_strided_slice %convert_element_type3A_17 {offsets = [31, 0], sizes = [1, 4096], strides = [1, 1]} : vector<128x4096xf32> to vector<1x4096xf32>
    %slice3A_171 = vector.extract_strided_slice %convert_element_type3A_12 {offsets = [496, 0], sizes = [16, 4096], strides = [1, 1]} : vector<2048x4096xf32> to vector<16x4096xf32>
    %mul3A_172 = vector.broadcast %slice3A_170 : vector<1x4096xf32> to vector<16x4096xf32>
    %mul3A_173 = arith.mulf %mul3A_172, %slice3A_171 : vector<16x4096xf32>
    %add3A_174 = arith.addf %add3A_169, %mul3A_173 : vector<16x4096xf32>
    %slice3A_175 = vector.extract_strided_slice %convert_element_type3A_17 {offsets = [32, 0], sizes = [1, 4096], strides = [1, 1]} : vector<128x4096xf32> to vector<1x4096xf32>
    %slice3A_176 = vector.extract_strided_slice %convert_element_type3A_12 {offsets = [512, 0], sizes = [16, 4096], strides = [1, 1]} : vector<2048x4096xf32> to vector<16x4096xf32>
    %mul3A_177 = vector.broadcast %slice3A_175 : vector<1x4096xf32> to vector<16x4096xf32>
    %mul3A_178 = arith.mulf %mul3A_177, %slice3A_176 : vector<16x4096xf32>
    %add3A_179 = arith.addf %add3A_174, %mul3A_178 : vector<16x4096xf32>
    %slice3A_180 = vector.extract_strided_slice %convert_element_type3A_17 {offsets = [33, 0], sizes = [1, 4096], strides = [1, 1]} : vector<128x4096xf32> to vector<1x4096xf32>
    %slice3A_181 = vector.extract_strided_slice %convert_element_type3A_12 {offsets = [528, 0], sizes = [16, 4096], strides = [1, 1]} : vector<2048x4096xf32> to vector<16x4096xf32>
    %mul3A_182 = vector.broadcast %slice3A_180 : vector<1x4096xf32> to vector<16x4096xf32>
    %mul3A_183 = arith.mulf %mul3A_182, %slice3A_181 : vector<16x4096xf32>
    %add3A_184 = arith.addf %add3A_179, %mul3A_183 : vector<16x4096xf32>
    %slice3A_185 = vector.extract_strided_slice %convert_element_type3A_17 {offsets = [34, 0], sizes = [1, 4096], strides = [1, 1]} : vector<128x4096xf32> to vector<1x4096xf32>
    %slice3A_186 = vector.extract_strided_slice %convert_element_type3A_12 {offsets = [544, 0], sizes = [16, 4096], strides = [1, 1]} : vector<2048x4096xf32> to vector<16x4096xf32>
    %mul3A_187 = vector.broadcast %slice3A_185 : vector<1x4096xf32> to vector<16x4096xf32>
    %mul3A_188 = arith.mulf %mul3A_187, %slice3A_186 : vector<16x4096xf32>
    %add3A_189 = arith.addf %add3A_184, %mul3A_188 : vector<16x4096xf32>
    %slice3A_190 = vector.extract_strided_slice %convert_element_type3A_17 {offsets = [35, 0], sizes = [1, 4096], strides = [1, 1]} : vector<128x4096xf32> to vector<1x4096xf32>
    %slice3A_191 = vector.extract_strided_slice %convert_element_type3A_12 {offsets = [560, 0], sizes = [16, 4096], strides = [1, 1]} : vector<2048x4096xf32> to vector<16x4096xf32>
    %mul3A_192 = vector.broadcast %slice3A_190 : vector<1x4096xf32> to vector<16x4096xf32>
    %mul3A_193 = arith.mulf %mul3A_192, %slice3A_191 : vector<16x4096xf32>
    %add3A_194 = arith.addf %add3A_189, %mul3A_193 : vector<16x4096xf32>
    %slice3A_195 = vector.extract_strided_slice %convert_element_type3A_17 {offsets = [36, 0], sizes = [1, 4096], strides = [1, 1]} : vector<128x4096xf32> to vector<1x4096xf32>
    %slice3A_196 = vector.extract_strided_slice %convert_element_type3A_12 {offsets = [576, 0], sizes = [16, 4096], strides = [1, 1]} : vector<2048x4096xf32> to vector<16x4096xf32>
    %mul3A_197 = vector.broadcast %slice3A_195 : vector<1x4096xf32> to vector<16x4096xf32>
    %mul3A_198 = arith.mulf %mul3A_197, %slice3A_196 : vector<16x4096xf32>
    %add3A_199 = arith.addf %add3A_194, %mul3A_198 : vector<16x4096xf32>
    %slice3A_200 = vector.extract_strided_slice %convert_element_type3A_17 {offsets = [37, 0], sizes = [1, 4096], strides = [1, 1]} : vector<128x4096xf32> to vector<1x4096xf32>
    %slice3A_201 = vector.extract_strided_slice %convert_element_type3A_12 {offsets = [592, 0], sizes = [16, 4096], strides = [1, 1]} : vector<2048x4096xf32> to vector<16x4096xf32>
    %mul3A_202 = vector.broadcast %slice3A_200 : vector<1x4096xf32> to vector<16x4096xf32>
    %mul3A_203 = arith.mulf %mul3A_202, %slice3A_201 : vector<16x4096xf32>
    %add3A_204 = arith.addf %add3A_199, %mul3A_203 : vector<16x4096xf32>
    %slice3A_205 = vector.extract_strided_slice %convert_element_type3A_17 {offsets = [38, 0], sizes = [1, 4096], strides = [1, 1]} : vector<128x4096xf32> to vector<1x4096xf32>
    %slice3A_206 = vector.extract_strided_slice %convert_element_type3A_12 {offsets = [608, 0], sizes = [16, 4096], strides = [1, 1]} : vector<2048x4096xf32> to vector<16x4096xf32>
    %mul3A_207 = vector.broadcast %slice3A_205 : vector<1x4096xf32> to vector<16x4096xf32>
    %mul3A_208 = arith.mulf %mul3A_207, %slice3A_206 : vector<16x4096xf32>
    %add3A_209 = arith.addf %add3A_204, %mul3A_208 : vector<16x4096xf32>
    %slice3A_210 = vector.extract_strided_slice %convert_element_type3A_17 {offsets = [39, 0], sizes = [1, 4096], strides = [1, 1]} : vector<128x4096xf32> to vector<1x4096xf32>
    %slice3A_211 = vector.extract_strided_slice %convert_element_type3A_12 {offsets = [624, 0], sizes = [16, 4096], strides = [1, 1]} : vector<2048x4096xf32> to vector<16x4096xf32>
    %mul3A_212 = vector.broadcast %slice3A_210 : vector<1x4096xf32> to vector<16x4096xf32>
    %mul3A_213 = arith.mulf %mul3A_212, %slice3A_211 : vector<16x4096xf32>
    %add3A_214 = arith.addf %add3A_209, %mul3A_213 : vector<16x4096xf32>
    %slice3A_215 = vector.extract_strided_slice %convert_element_type3A_17 {offsets = [40, 0], sizes = [1, 4096], strides = [1, 1]} : vector<128x4096xf32> to vector<1x4096xf32>
    %slice3A_216 = vector.extract_strided_slice %convert_element_type3A_12 {offsets = [640, 0], sizes = [16, 4096], strides = [1, 1]} : vector<2048x4096xf32> to vector<16x4096xf32>
    %mul3A_217 = vector.broadcast %slice3A_215 : vector<1x4096xf32> to vector<16x4096xf32>
    %mul3A_218 = arith.mulf %mul3A_217, %slice3A_216 : vector<16x4096xf32>
    %add3A_219 = arith.addf %add3A_214, %mul3A_218 : vector<16x4096xf32>
    %slice3A_220 = vector.extract_strided_slice %convert_element_type3A_17 {offsets = [41, 0], sizes = [1, 4096], strides = [1, 1]} : vector<128x4096xf32> to vector<1x4096xf32>
    %slice3A_221 = vector.extract_strided_slice %convert_element_type3A_12 {offsets = [656, 0], sizes = [16, 4096], strides = [1, 1]} : vector<2048x4096xf32> to vector<16x4096xf32>
    %mul3A_222 = vector.broadcast %slice3A_220 : vector<1x4096xf32> to vector<16x4096xf32>
    %mul3A_223 = arith.mulf %mul3A_222, %slice3A_221 : vector<16x4096xf32>
    %add3A_224 = arith.addf %add3A_219, %mul3A_223 : vector<16x4096xf32>
    %slice3A_225 = vector.extract_strided_slice %convert_element_type3A_17 {offsets = [42, 0], sizes = [1, 4096], strides = [1, 1]} : vector<128x4096xf32> to vector<1x4096xf32>
    %slice3A_226 = vector.extract_strided_slice %convert_element_type3A_12 {offsets = [672, 0], sizes = [16, 4096], strides = [1, 1]} : vector<2048x4096xf32> to vector<16x4096xf32>
    %mul3A_227 = vector.broadcast %slice3A_225 : vector<1x4096xf32> to vector<16x4096xf32>
    %mul3A_228 = arith.mulf %mul3A_227, %slice3A_226 : vector<16x4096xf32>
    %add3A_229 = arith.addf %add3A_224, %mul3A_228 : vector<16x4096xf32>
    %slice3A_230 = vector.extract_strided_slice %convert_element_type3A_17 {offsets = [43, 0], sizes = [1, 4096], strides = [1, 1]} : vector<128x4096xf32> to vector<1x4096xf32>
    %slice3A_231 = vector.extract_strided_slice %convert_element_type3A_12 {offsets = [688, 0], sizes = [16, 4096], strides = [1, 1]} : vector<2048x4096xf32> to vector<16x4096xf32>
    %mul3A_232 = vector.broadcast %slice3A_230 : vector<1x4096xf32> to vector<16x4096xf32>
    %mul3A_233 = arith.mulf %mul3A_232, %slice3A_231 : vector<16x4096xf32>
    %add3A_234 = arith.addf %add3A_229, %mul3A_233 : vector<16x4096xf32>
    %slice3A_235 = vector.extract_strided_slice %convert_element_type3A_17 {offsets = [44, 0], sizes = [1, 4096], strides = [1, 1]} : vector<128x4096xf32> to vector<1x4096xf32>
    %slice3A_236 = vector.extract_strided_slice %convert_element_type3A_12 {offsets = [704, 0], sizes = [16, 4096], strides = [1, 1]} : vector<2048x4096xf32> to vector<16x4096xf32>
    %mul3A_237 = vector.broadcast %slice3A_235 : vector<1x4096xf32> to vector<16x4096xf32>
    %mul3A_238 = arith.mulf %mul3A_237, %slice3A_236 : vector<16x4096xf32>
    %add3A_239 = arith.addf %add3A_234, %mul3A_238 : vector<16x4096xf32>
    %slice3A_240 = vector.extract_strided_slice %convert_element_type3A_17 {offsets = [45, 0], sizes = [1, 4096], strides = [1, 1]} : vector<128x4096xf32> to vector<1x4096xf32>
    %slice3A_241 = vector.extract_strided_slice %convert_element_type3A_12 {offsets = [720, 0], sizes = [16, 4096], strides = [1, 1]} : vector<2048x4096xf32> to vector<16x4096xf32>
    %mul3A_242 = vector.broadcast %slice3A_240 : vector<1x4096xf32> to vector<16x4096xf32>
    %mul3A_243 = arith.mulf %mul3A_242, %slice3A_241 : vector<16x4096xf32>
    %add3A_244 = arith.addf %add3A_239, %mul3A_243 : vector<16x4096xf32>
    %slice3A_245 = vector.extract_strided_slice %convert_element_type3A_17 {offsets = [46, 0], sizes = [1, 4096], strides = [1, 1]} : vector<128x4096xf32> to vector<1x4096xf32>
    %slice3A_246 = vector.extract_strided_slice %convert_element_type3A_12 {offsets = [736, 0], sizes = [16, 4096], strides = [1, 1]} : vector<2048x4096xf32> to vector<16x4096xf32>
    %mul3A_247 = vector.broadcast %slice3A_245 : vector<1x4096xf32> to vector<16x4096xf32>
    %mul3A_248 = arith.mulf %mul3A_247, %slice3A_246 : vector<16x4096xf32>
    %add3A_249 = arith.addf %add3A_244, %mul3A_248 : vector<16x4096xf32>
    %slice3A_250 = vector.extract_strided_slice %convert_element_type3A_17 {offsets = [47, 0], sizes = [1, 4096], strides = [1, 1]} : vector<128x4096xf32> to vector<1x4096xf32>
    %slice3A_251 = vector.extract_strided_slice %convert_element_type3A_12 {offsets = [752, 0], sizes = [16, 4096], strides = [1, 1]} : vector<2048x4096xf32> to vector<16x4096xf32>
    %mul3A_252 = vector.broadcast %slice3A_250 : vector<1x4096xf32> to vector<16x4096xf32>
    %mul3A_253 = arith.mulf %mul3A_252, %slice3A_251 : vector<16x4096xf32>
    %add3A_254 = arith.addf %add3A_249, %mul3A_253 : vector<16x4096xf32>
    %slice3A_255 = vector.extract_strided_slice %convert_element_type3A_17 {offsets = [48, 0], sizes = [1, 4096], strides = [1, 1]} : vector<128x4096xf32> to vector<1x4096xf32>
    %slice3A_256 = vector.extract_strided_slice %convert_element_type3A_12 {offsets = [768, 0], sizes = [16, 4096], strides = [1, 1]} : vector<2048x4096xf32> to vector<16x4096xf32>
    %mul3A_257 = vector.broadcast %slice3A_255 : vector<1x4096xf32> to vector<16x4096xf32>
    %mul3A_258 = arith.mulf %mul3A_257, %slice3A_256 : vector<16x4096xf32>
    %add3A_259 = arith.addf %add3A_254, %mul3A_258 : vector<16x4096xf32>
    %slice3A_260 = vector.extract_strided_slice %convert_element_type3A_17 {offsets = [49, 0], sizes = [1, 4096], strides = [1, 1]} : vector<128x4096xf32> to vector<1x4096xf32>
    %slice3A_261 = vector.extract_strided_slice %convert_element_type3A_12 {offsets = [784, 0], sizes = [16, 4096], strides = [1, 1]} : vector<2048x4096xf32> to vector<16x4096xf32>
    %mul3A_262 = vector.broadcast %slice3A_260 : vector<1x4096xf32> to vector<16x4096xf32>
    %mul3A_263 = arith.mulf %mul3A_262, %slice3A_261 : vector<16x4096xf32>
    %add3A_264 = arith.addf %add3A_259, %mul3A_263 : vector<16x4096xf32>
    %slice3A_265 = vector.extract_strided_slice %convert_element_type3A_17 {offsets = [50, 0], sizes = [1, 4096], strides = [1, 1]} : vector<128x4096xf32> to vector<1x4096xf32>
    %slice3A_266 = vector.extract_strided_slice %convert_element_type3A_12 {offsets = [800, 0], sizes = [16, 4096], strides = [1, 1]} : vector<2048x4096xf32> to vector<16x4096xf32>
    %mul3A_267 = vector.broadcast %slice3A_265 : vector<1x4096xf32> to vector<16x4096xf32>
    %mul3A_268 = arith.mulf %mul3A_267, %slice3A_266 : vector<16x4096xf32>
    %add3A_269 = arith.addf %add3A_264, %mul3A_268 : vector<16x4096xf32>
    %slice3A_270 = vector.extract_strided_slice %convert_element_type3A_17 {offsets = [51, 0], sizes = [1, 4096], strides = [1, 1]} : vector<128x4096xf32> to vector<1x4096xf32>
    %slice3A_271 = vector.extract_strided_slice %convert_element_type3A_12 {offsets = [816, 0], sizes = [16, 4096], strides = [1, 1]} : vector<2048x4096xf32> to vector<16x4096xf32>
    %mul3A_272 = vector.broadcast %slice3A_270 : vector<1x4096xf32> to vector<16x4096xf32>
    %mul3A_273 = arith.mulf %mul3A_272, %slice3A_271 : vector<16x4096xf32>
    %add3A_274 = arith.addf %add3A_269, %mul3A_273 : vector<16x4096xf32>
    %slice3A_275 = vector.extract_strided_slice %convert_element_type3A_17 {offsets = [52, 0], sizes = [1, 4096], strides = [1, 1]} : vector<128x4096xf32> to vector<1x4096xf32>
    %slice3A_276 = vector.extract_strided_slice %convert_element_type3A_12 {offsets = [832, 0], sizes = [16, 4096], strides = [1, 1]} : vector<2048x4096xf32> to vector<16x4096xf32>
    %mul3A_277 = vector.broadcast %slice3A_275 : vector<1x4096xf32> to vector<16x4096xf32>
    %mul3A_278 = arith.mulf %mul3A_277, %slice3A_276 : vector<16x4096xf32>
    %add3A_279 = arith.addf %add3A_274, %mul3A_278 : vector<16x4096xf32>
    %slice3A_280 = vector.extract_strided_slice %convert_element_type3A_17 {offsets = [53, 0], sizes = [1, 4096], strides = [1, 1]} : vector<128x4096xf32> to vector<1x4096xf32>
    %slice3A_281 = vector.extract_strided_slice %convert_element_type3A_12 {offsets = [848, 0], sizes = [16, 4096], strides = [1, 1]} : vector<2048x4096xf32> to vector<16x4096xf32>
    %mul3A_282 = vector.broadcast %slice3A_280 : vector<1x4096xf32> to vector<16x4096xf32>
    %mul3A_283 = arith.mulf %mul3A_282, %slice3A_281 : vector<16x4096xf32>
    %add3A_284 = arith.addf %add3A_279, %mul3A_283 : vector<16x4096xf32>
    %slice3A_285 = vector.extract_strided_slice %convert_element_type3A_17 {offsets = [54, 0], sizes = [1, 4096], strides = [1, 1]} : vector<128x4096xf32> to vector<1x4096xf32>
    %slice3A_286 = vector.extract_strided_slice %convert_element_type3A_12 {offsets = [864, 0], sizes = [16, 4096], strides = [1, 1]} : vector<2048x4096xf32> to vector<16x4096xf32>
    %mul3A_287 = vector.broadcast %slice3A_285 : vector<1x4096xf32> to vector<16x4096xf32>
    %mul3A_288 = arith.mulf %mul3A_287, %slice3A_286 : vector<16x4096xf32>
    %add3A_289 = arith.addf %add3A_284, %mul3A_288 : vector<16x4096xf32>
    %slice3A_290 = vector.extract_strided_slice %convert_element_type3A_17 {offsets = [55, 0], sizes = [1, 4096], strides = [1, 1]} : vector<128x4096xf32> to vector<1x4096xf32>
    %slice3A_291 = vector.extract_strided_slice %convert_element_type3A_12 {offsets = [880, 0], sizes = [16, 4096], strides = [1, 1]} : vector<2048x4096xf32> to vector<16x4096xf32>
    %mul3A_292 = vector.broadcast %slice3A_290 : vector<1x4096xf32> to vector<16x4096xf32>
    %mul3A_293 = arith.mulf %mul3A_292, %slice3A_291 : vector<16x4096xf32>
    %add3A_294 = arith.addf %add3A_289, %mul3A_293 : vector<16x4096xf32>
    %slice3A_295 = vector.extract_strided_slice %convert_element_type3A_17 {offsets = [56, 0], sizes = [1, 4096], strides = [1, 1]} : vector<128x4096xf32> to vector<1x4096xf32>
    %slice3A_296 = vector.extract_strided_slice %convert_element_type3A_12 {offsets = [896, 0], sizes = [16, 4096], strides = [1, 1]} : vector<2048x4096xf32> to vector<16x4096xf32>
    %mul3A_297 = vector.broadcast %slice3A_295 : vector<1x4096xf32> to vector<16x4096xf32>
    %mul3A_298 = arith.mulf %mul3A_297, %slice3A_296 : vector<16x4096xf32>
    %add3A_299 = arith.addf %add3A_294, %mul3A_298 : vector<16x4096xf32>
    %slice3A_300 = vector.extract_strided_slice %convert_element_type3A_17 {offsets = [57, 0], sizes = [1, 4096], strides = [1, 1]} : vector<128x4096xf32> to vector<1x4096xf32>
    %slice3A_301 = vector.extract_strided_slice %convert_element_type3A_12 {offsets = [912, 0], sizes = [16, 4096], strides = [1, 1]} : vector<2048x4096xf32> to vector<16x4096xf32>
    %mul3A_302 = vector.broadcast %slice3A_300 : vector<1x4096xf32> to vector<16x4096xf32>
    %mul3A_303 = arith.mulf %mul3A_302, %slice3A_301 : vector<16x4096xf32>
    %add3A_304 = arith.addf %add3A_299, %mul3A_303 : vector<16x4096xf32>
    %slice3A_305 = vector.extract_strided_slice %convert_element_type3A_17 {offsets = [58, 0], sizes = [1, 4096], strides = [1, 1]} : vector<128x4096xf32> to vector<1x4096xf32>
    %slice3A_306 = vector.extract_strided_slice %convert_element_type3A_12 {offsets = [928, 0], sizes = [16, 4096], strides = [1, 1]} : vector<2048x4096xf32> to vector<16x4096xf32>
    %mul3A_307 = vector.broadcast %slice3A_305 : vector<1x4096xf32> to vector<16x4096xf32>
    %mul3A_308 = arith.mulf %mul3A_307, %slice3A_306 : vector<16x4096xf32>
    %add3A_309 = arith.addf %add3A_304, %mul3A_308 : vector<16x4096xf32>
    %slice3A_310 = vector.extract_strided_slice %convert_element_type3A_17 {offsets = [59, 0], sizes = [1, 4096], strides = [1, 1]} : vector<128x4096xf32> to vector<1x4096xf32>
    %slice3A_311 = vector.extract_strided_slice %convert_element_type3A_12 {offsets = [944, 0], sizes = [16, 4096], strides = [1, 1]} : vector<2048x4096xf32> to vector<16x4096xf32>
    %mul3A_312 = vector.broadcast %slice3A_310 : vector<1x4096xf32> to vector<16x4096xf32>
    %mul3A_313 = arith.mulf %mul3A_312, %slice3A_311 : vector<16x4096xf32>
    %add3A_314 = arith.addf %add3A_309, %mul3A_313 : vector<16x4096xf32>
    %slice3A_315 = vector.extract_strided_slice %convert_element_type3A_17 {offsets = [60, 0], sizes = [1, 4096], strides = [1, 1]} : vector<128x4096xf32> to vector<1x4096xf32>
    %slice3A_316 = vector.extract_strided_slice %convert_element_type3A_12 {offsets = [960, 0], sizes = [16, 4096], strides = [1, 1]} : vector<2048x4096xf32> to vector<16x4096xf32>
    %mul3A_317 = vector.broadcast %slice3A_315 : vector<1x4096xf32> to vector<16x4096xf32>
    %mul3A_318 = arith.mulf %mul3A_317, %slice3A_316 : vector<16x4096xf32>
    %add3A_319 = arith.addf %add3A_314, %mul3A_318 : vector<16x4096xf32>
    %slice3A_320 = vector.extract_strided_slice %convert_element_type3A_17 {offsets = [61, 0], sizes = [1, 4096], strides = [1, 1]} : vector<128x4096xf32> to vector<1x4096xf32>
    %slice3A_321 = vector.extract_strided_slice %convert_element_type3A_12 {offsets = [976, 0], sizes = [16, 4096], strides = [1, 1]} : vector<2048x4096xf32> to vector<16x4096xf32>
    %mul3A_322 = vector.broadcast %slice3A_320 : vector<1x4096xf32> to vector<16x4096xf32>
    %mul3A_323 = arith.mulf %mul3A_322, %slice3A_321 : vector<16x4096xf32>
    %add3A_324 = arith.addf %add3A_319, %mul3A_323 : vector<16x4096xf32>
    %slice3A_325 = vector.extract_strided_slice %convert_element_type3A_17 {offsets = [62, 0], sizes = [1, 4096], strides = [1, 1]} : vector<128x4096xf32> to vector<1x4096xf32>
    %slice3A_326 = vector.extract_strided_slice %convert_element_type3A_12 {offsets = [992, 0], sizes = [16, 4096], strides = [1, 1]} : vector<2048x4096xf32> to vector<16x4096xf32>
    %mul3A_327 = vector.broadcast %slice3A_325 : vector<1x4096xf32> to vector<16x4096xf32>
    %mul3A_328 = arith.mulf %mul3A_327, %slice3A_326 : vector<16x4096xf32>
    %add3A_329 = arith.addf %add3A_324, %mul3A_328 : vector<16x4096xf32>
    %slice3A_330 = vector.extract_strided_slice %convert_element_type3A_17 {offsets = [63, 0], sizes = [1, 4096], strides = [1, 1]} : vector<128x4096xf32> to vector<1x4096xf32>
    %slice3A_331 = vector.extract_strided_slice %convert_element_type3A_12 {offsets = [1008, 0], sizes = [16, 4096], strides = [1, 1]} : vector<2048x4096xf32> to vector<16x4096xf32>
    %mul3A_332 = vector.broadcast %slice3A_330 : vector<1x4096xf32> to vector<16x4096xf32>
    %mul3A_333 = arith.mulf %mul3A_332, %slice3A_331 : vector<16x4096xf32>
    %add3A_334 = arith.addf %add3A_329, %mul3A_333 : vector<16x4096xf32>
    %slice3A_335 = vector.extract_strided_slice %convert_element_type3A_17 {offsets = [64, 0], sizes = [1, 4096], strides = [1, 1]} : vector<128x4096xf32> to vector<1x4096xf32>
    %slice3A_336 = vector.extract_strided_slice %convert_element_type3A_12 {offsets = [1024, 0], sizes = [16, 4096], strides = [1, 1]} : vector<2048x4096xf32> to vector<16x4096xf32>
    %mul3A_337 = vector.broadcast %slice3A_335 : vector<1x4096xf32> to vector<16x4096xf32>
    %mul3A_338 = arith.mulf %mul3A_337, %slice3A_336 : vector<16x4096xf32>
    %add3A_339 = arith.addf %add3A_334, %mul3A_338 : vector<16x4096xf32>
    %slice3A_340 = vector.extract_strided_slice %convert_element_type3A_17 {offsets = [65, 0], sizes = [1, 4096], strides = [1, 1]} : vector<128x4096xf32> to vector<1x4096xf32>
    %slice3A_341 = vector.extract_strided_slice %convert_element_type3A_12 {offsets = [1040, 0], sizes = [16, 4096], strides = [1, 1]} : vector<2048x4096xf32> to vector<16x4096xf32>
    %mul3A_342 = vector.broadcast %slice3A_340 : vector<1x4096xf32> to vector<16x4096xf32>
    %mul3A_343 = arith.mulf %mul3A_342, %slice3A_341 : vector<16x4096xf32>
    %add3A_344 = arith.addf %add3A_339, %mul3A_343 : vector<16x4096xf32>
    %slice3A_345 = vector.extract_strided_slice %convert_element_type3A_17 {offsets = [66, 0], sizes = [1, 4096], strides = [1, 1]} : vector<128x4096xf32> to vector<1x4096xf32>
    %slice3A_346 = vector.extract_strided_slice %convert_element_type3A_12 {offsets = [1056, 0], sizes = [16, 4096], strides = [1, 1]} : vector<2048x4096xf32> to vector<16x4096xf32>
    %mul3A_347 = vector.broadcast %slice3A_345 : vector<1x4096xf32> to vector<16x4096xf32>
    %mul3A_348 = arith.mulf %mul3A_347, %slice3A_346 : vector<16x4096xf32>
    %add3A_349 = arith.addf %add3A_344, %mul3A_348 : vector<16x4096xf32>
    %slice3A_350 = vector.extract_strided_slice %convert_element_type3A_17 {offsets = [67, 0], sizes = [1, 4096], strides = [1, 1]} : vector<128x4096xf32> to vector<1x4096xf32>
    %slice3A_351 = vector.extract_strided_slice %convert_element_type3A_12 {offsets = [1072, 0], sizes = [16, 4096], strides = [1, 1]} : vector<2048x4096xf32> to vector<16x4096xf32>
    %mul3A_352 = vector.broadcast %slice3A_350 : vector<1x4096xf32> to vector<16x4096xf32>
    %mul3A_353 = arith.mulf %mul3A_352, %slice3A_351 : vector<16x4096xf32>
    %add3A_354 = arith.addf %add3A_349, %mul3A_353 : vector<16x4096xf32>
    %slice3A_355 = vector.extract_strided_slice %convert_element_type3A_17 {offsets = [68, 0], sizes = [1, 4096], strides = [1, 1]} : vector<128x4096xf32> to vector<1x4096xf32>
    %slice3A_356 = vector.extract_strided_slice %convert_element_type3A_12 {offsets = [1088, 0], sizes = [16, 4096], strides = [1, 1]} : vector<2048x4096xf32> to vector<16x4096xf32>
    %mul3A_357 = vector.broadcast %slice3A_355 : vector<1x4096xf32> to vector<16x4096xf32>
    %mul3A_358 = arith.mulf %mul3A_357, %slice3A_356 : vector<16x4096xf32>
    %add3A_359 = arith.addf %add3A_354, %mul3A_358 : vector<16x4096xf32>
    %slice3A_360 = vector.extract_strided_slice %convert_element_type3A_17 {offsets = [69, 0], sizes = [1, 4096], strides = [1, 1]} : vector<128x4096xf32> to vector<1x4096xf32>
    %slice3A_361 = vector.extract_strided_slice %convert_element_type3A_12 {offsets = [1104, 0], sizes = [16, 4096], strides = [1, 1]} : vector<2048x4096xf32> to vector<16x4096xf32>
    %mul3A_362 = vector.broadcast %slice3A_360 : vector<1x4096xf32> to vector<16x4096xf32>
    %mul3A_363 = arith.mulf %mul3A_362, %slice3A_361 : vector<16x4096xf32>
    %add3A_364 = arith.addf %add3A_359, %mul3A_363 : vector<16x4096xf32>
    %slice3A_365 = vector.extract_strided_slice %convert_element_type3A_17 {offsets = [70, 0], sizes = [1, 4096], strides = [1, 1]} : vector<128x4096xf32> to vector<1x4096xf32>
    %slice3A_366 = vector.extract_strided_slice %convert_element_type3A_12 {offsets = [1120, 0], sizes = [16, 4096], strides = [1, 1]} : vector<2048x4096xf32> to vector<16x4096xf32>
    %mul3A_367 = vector.broadcast %slice3A_365 : vector<1x4096xf32> to vector<16x4096xf32>
    %mul3A_368 = arith.mulf %mul3A_367, %slice3A_366 : vector<16x4096xf32>
    %add3A_369 = arith.addf %add3A_364, %mul3A_368 : vector<16x4096xf32>
    %slice3A_370 = vector.extract_strided_slice %convert_element_type3A_17 {offsets = [71, 0], sizes = [1, 4096], strides = [1, 1]} : vector<128x4096xf32> to vector<1x4096xf32>
    %slice3A_371 = vector.extract_strided_slice %convert_element_type3A_12 {offsets = [1136, 0], sizes = [16, 4096], strides = [1, 1]} : vector<2048x4096xf32> to vector<16x4096xf32>
    %mul3A_372 = vector.broadcast %slice3A_370 : vector<1x4096xf32> to vector<16x4096xf32>
    %mul3A_373 = arith.mulf %mul3A_372, %slice3A_371 : vector<16x4096xf32>
    %add3A_374 = arith.addf %add3A_369, %mul3A_373 : vector<16x4096xf32>
    %slice3A_375 = vector.extract_strided_slice %convert_element_type3A_17 {offsets = [72, 0], sizes = [1, 4096], strides = [1, 1]} : vector<128x4096xf32> to vector<1x4096xf32>
    %slice3A_376 = vector.extract_strided_slice %convert_element_type3A_12 {offsets = [1152, 0], sizes = [16, 4096], strides = [1, 1]} : vector<2048x4096xf32> to vector<16x4096xf32>
    %mul3A_377 = vector.broadcast %slice3A_375 : vector<1x4096xf32> to vector<16x4096xf32>
    %mul3A_378 = arith.mulf %mul3A_377, %slice3A_376 : vector<16x4096xf32>
    %add3A_379 = arith.addf %add3A_374, %mul3A_378 : vector<16x4096xf32>
    %slice3A_380 = vector.extract_strided_slice %convert_element_type3A_17 {offsets = [73, 0], sizes = [1, 4096], strides = [1, 1]} : vector<128x4096xf32> to vector<1x4096xf32>
    %slice3A_381 = vector.extract_strided_slice %convert_element_type3A_12 {offsets = [1168, 0], sizes = [16, 4096], strides = [1, 1]} : vector<2048x4096xf32> to vector<16x4096xf32>
    %mul3A_382 = vector.broadcast %slice3A_380 : vector<1x4096xf32> to vector<16x4096xf32>
    %mul3A_383 = arith.mulf %mul3A_382, %slice3A_381 : vector<16x4096xf32>
    %add3A_384 = arith.addf %add3A_379, %mul3A_383 : vector<16x4096xf32>
    %slice3A_385 = vector.extract_strided_slice %convert_element_type3A_17 {offsets = [74, 0], sizes = [1, 4096], strides = [1, 1]} : vector<128x4096xf32> to vector<1x4096xf32>
    %slice3A_386 = vector.extract_strided_slice %convert_element_type3A_12 {offsets = [1184, 0], sizes = [16, 4096], strides = [1, 1]} : vector<2048x4096xf32> to vector<16x4096xf32>
    %mul3A_387 = vector.broadcast %slice3A_385 : vector<1x4096xf32> to vector<16x4096xf32>
    %mul3A_388 = arith.mulf %mul3A_387, %slice3A_386 : vector<16x4096xf32>
    %add3A_389 = arith.addf %add3A_384, %mul3A_388 : vector<16x4096xf32>
    %slice3A_390 = vector.extract_strided_slice %convert_element_type3A_17 {offsets = [75, 0], sizes = [1, 4096], strides = [1, 1]} : vector<128x4096xf32> to vector<1x4096xf32>
    %slice3A_391 = vector.extract_strided_slice %convert_element_type3A_12 {offsets = [1200, 0], sizes = [16, 4096], strides = [1, 1]} : vector<2048x4096xf32> to vector<16x4096xf32>
    %mul3A_392 = vector.broadcast %slice3A_390 : vector<1x4096xf32> to vector<16x4096xf32>
    %mul3A_393 = arith.mulf %mul3A_392, %slice3A_391 : vector<16x4096xf32>
    %add3A_394 = arith.addf %add3A_389, %mul3A_393 : vector<16x4096xf32>
    %slice3A_395 = vector.extract_strided_slice %convert_element_type3A_17 {offsets = [76, 0], sizes = [1, 4096], strides = [1, 1]} : vector<128x4096xf32> to vector<1x4096xf32>
    %slice3A_396 = vector.extract_strided_slice %convert_element_type3A_12 {offsets = [1216, 0], sizes = [16, 4096], strides = [1, 1]} : vector<2048x4096xf32> to vector<16x4096xf32>
    %mul3A_397 = vector.broadcast %slice3A_395 : vector<1x4096xf32> to vector<16x4096xf32>
    %mul3A_398 = arith.mulf %mul3A_397, %slice3A_396 : vector<16x4096xf32>
    %add3A_399 = arith.addf %add3A_394, %mul3A_398 : vector<16x4096xf32>
    %slice3A_400 = vector.extract_strided_slice %convert_element_type3A_17 {offsets = [77, 0], sizes = [1, 4096], strides = [1, 1]} : vector<128x4096xf32> to vector<1x4096xf32>
    %slice3A_401 = vector.extract_strided_slice %convert_element_type3A_12 {offsets = [1232, 0], sizes = [16, 4096], strides = [1, 1]} : vector<2048x4096xf32> to vector<16x4096xf32>
    %mul3A_402 = vector.broadcast %slice3A_400 : vector<1x4096xf32> to vector<16x4096xf32>
    %mul3A_403 = arith.mulf %mul3A_402, %slice3A_401 : vector<16x4096xf32>
    %add3A_404 = arith.addf %add3A_399, %mul3A_403 : vector<16x4096xf32>
    %slice3A_405 = vector.extract_strided_slice %convert_element_type3A_17 {offsets = [78, 0], sizes = [1, 4096], strides = [1, 1]} : vector<128x4096xf32> to vector<1x4096xf32>
    %slice3A_406 = vector.extract_strided_slice %convert_element_type3A_12 {offsets = [1248, 0], sizes = [16, 4096], strides = [1, 1]} : vector<2048x4096xf32> to vector<16x4096xf32>
    %mul3A_407 = vector.broadcast %slice3A_405 : vector<1x4096xf32> to vector<16x4096xf32>
    %mul3A_408 = arith.mulf %mul3A_407, %slice3A_406 : vector<16x4096xf32>
    %add3A_409 = arith.addf %add3A_404, %mul3A_408 : vector<16x4096xf32>
    %slice3A_410 = vector.extract_strided_slice %convert_element_type3A_17 {offsets = [79, 0], sizes = [1, 4096], strides = [1, 1]} : vector<128x4096xf32> to vector<1x4096xf32>
    %slice3A_411 = vector.extract_strided_slice %convert_element_type3A_12 {offsets = [1264, 0], sizes = [16, 4096], strides = [1, 1]} : vector<2048x4096xf32> to vector<16x4096xf32>
    %mul3A_412 = vector.broadcast %slice3A_410 : vector<1x4096xf32> to vector<16x4096xf32>
    %mul3A_413 = arith.mulf %mul3A_412, %slice3A_411 : vector<16x4096xf32>
    %add3A_414 = arith.addf %add3A_409, %mul3A_413 : vector<16x4096xf32>
    %slice3A_415 = vector.extract_strided_slice %convert_element_type3A_17 {offsets = [80, 0], sizes = [1, 4096], strides = [1, 1]} : vector<128x4096xf32> to vector<1x4096xf32>
    %slice3A_416 = vector.extract_strided_slice %convert_element_type3A_12 {offsets = [1280, 0], sizes = [16, 4096], strides = [1, 1]} : vector<2048x4096xf32> to vector<16x4096xf32>
    %mul3A_417 = vector.broadcast %slice3A_415 : vector<1x4096xf32> to vector<16x4096xf32>
    %mul3A_418 = arith.mulf %mul3A_417, %slice3A_416 : vector<16x4096xf32>
    %add3A_419 = arith.addf %add3A_414, %mul3A_418 : vector<16x4096xf32>
    %slice3A_420 = vector.extract_strided_slice %convert_element_type3A_17 {offsets = [81, 0], sizes = [1, 4096], strides = [1, 1]} : vector<128x4096xf32> to vector<1x4096xf32>
    %slice3A_421 = vector.extract_strided_slice %convert_element_type3A_12 {offsets = [1296, 0], sizes = [16, 4096], strides = [1, 1]} : vector<2048x4096xf32> to vector<16x4096xf32>
    %mul3A_422 = vector.broadcast %slice3A_420 : vector<1x4096xf32> to vector<16x4096xf32>
    %mul3A_423 = arith.mulf %mul3A_422, %slice3A_421 : vector<16x4096xf32>
    %add3A_424 = arith.addf %add3A_419, %mul3A_423 : vector<16x4096xf32>
    %slice3A_425 = vector.extract_strided_slice %convert_element_type3A_17 {offsets = [82, 0], sizes = [1, 4096], strides = [1, 1]} : vector<128x4096xf32> to vector<1x4096xf32>
    %slice3A_426 = vector.extract_strided_slice %convert_element_type3A_12 {offsets = [1312, 0], sizes = [16, 4096], strides = [1, 1]} : vector<2048x4096xf32> to vector<16x4096xf32>
    %mul3A_427 = vector.broadcast %slice3A_425 : vector<1x4096xf32> to vector<16x4096xf32>
    %mul3A_428 = arith.mulf %mul3A_427, %slice3A_426 : vector<16x4096xf32>
    %add3A_429 = arith.addf %add3A_424, %mul3A_428 : vector<16x4096xf32>
    %slice3A_430 = vector.extract_strided_slice %convert_element_type3A_17 {offsets = [83, 0], sizes = [1, 4096], strides = [1, 1]} : vector<128x4096xf32> to vector<1x4096xf32>
    %slice3A_431 = vector.extract_strided_slice %convert_element_type3A_12 {offsets = [1328, 0], sizes = [16, 4096], strides = [1, 1]} : vector<2048x4096xf32> to vector<16x4096xf32>
    %mul3A_432 = vector.broadcast %slice3A_430 : vector<1x4096xf32> to vector<16x4096xf32>
    %mul3A_433 = arith.mulf %mul3A_432, %slice3A_431 : vector<16x4096xf32>
    %add3A_434 = arith.addf %add3A_429, %mul3A_433 : vector<16x4096xf32>
    %slice3A_435 = vector.extract_strided_slice %convert_element_type3A_17 {offsets = [84, 0], sizes = [1, 4096], strides = [1, 1]} : vector<128x4096xf32> to vector<1x4096xf32>
    %slice3A_436 = vector.extract_strided_slice %convert_element_type3A_12 {offsets = [1344, 0], sizes = [16, 4096], strides = [1, 1]} : vector<2048x4096xf32> to vector<16x4096xf32>
    %mul3A_437 = vector.broadcast %slice3A_435 : vector<1x4096xf32> to vector<16x4096xf32>
    %mul3A_438 = arith.mulf %mul3A_437, %slice3A_436 : vector<16x4096xf32>
    %add3A_439 = arith.addf %add3A_434, %mul3A_438 : vector<16x4096xf32>
    %slice3A_440 = vector.extract_strided_slice %convert_element_type3A_17 {offsets = [85, 0], sizes = [1, 4096], strides = [1, 1]} : vector<128x4096xf32> to vector<1x4096xf32>
    %slice3A_441 = vector.extract_strided_slice %convert_element_type3A_12 {offsets = [1360, 0], sizes = [16, 4096], strides = [1, 1]} : vector<2048x4096xf32> to vector<16x4096xf32>
    %mul3A_442 = vector.broadcast %slice3A_440 : vector<1x4096xf32> to vector<16x4096xf32>
    %mul3A_443 = arith.mulf %mul3A_442, %slice3A_441 : vector<16x4096xf32>
    %add3A_444 = arith.addf %add3A_439, %mul3A_443 : vector<16x4096xf32>
    %slice3A_445 = vector.extract_strided_slice %convert_element_type3A_17 {offsets = [86, 0], sizes = [1, 4096], strides = [1, 1]} : vector<128x4096xf32> to vector<1x4096xf32>
    %slice3A_446 = vector.extract_strided_slice %convert_element_type3A_12 {offsets = [1376, 0], sizes = [16, 4096], strides = [1, 1]} : vector<2048x4096xf32> to vector<16x4096xf32>
    %mul3A_447 = vector.broadcast %slice3A_445 : vector<1x4096xf32> to vector<16x4096xf32>
    %mul3A_448 = arith.mulf %mul3A_447, %slice3A_446 : vector<16x4096xf32>
    %add3A_449 = arith.addf %add3A_444, %mul3A_448 : vector<16x4096xf32>
    %slice3A_450 = vector.extract_strided_slice %convert_element_type3A_17 {offsets = [87, 0], sizes = [1, 4096], strides = [1, 1]} : vector<128x4096xf32> to vector<1x4096xf32>
    %slice3A_451 = vector.extract_strided_slice %convert_element_type3A_12 {offsets = [1392, 0], sizes = [16, 4096], strides = [1, 1]} : vector<2048x4096xf32> to vector<16x4096xf32>
    %mul3A_452 = vector.broadcast %slice3A_450 : vector<1x4096xf32> to vector<16x4096xf32>
    %mul3A_453 = arith.mulf %mul3A_452, %slice3A_451 : vector<16x4096xf32>
    %add3A_454 = arith.addf %add3A_449, %mul3A_453 : vector<16x4096xf32>
    %slice3A_455 = vector.extract_strided_slice %convert_element_type3A_17 {offsets = [88, 0], sizes = [1, 4096], strides = [1, 1]} : vector<128x4096xf32> to vector<1x4096xf32>
    %slice3A_456 = vector.extract_strided_slice %convert_element_type3A_12 {offsets = [1408, 0], sizes = [16, 4096], strides = [1, 1]} : vector<2048x4096xf32> to vector<16x4096xf32>
    %mul3A_457 = vector.broadcast %slice3A_455 : vector<1x4096xf32> to vector<16x4096xf32>
    %mul3A_458 = arith.mulf %mul3A_457, %slice3A_456 : vector<16x4096xf32>
    %add3A_459 = arith.addf %add3A_454, %mul3A_458 : vector<16x4096xf32>
    %slice3A_460 = vector.extract_strided_slice %convert_element_type3A_17 {offsets = [89, 0], sizes = [1, 4096], strides = [1, 1]} : vector<128x4096xf32> to vector<1x4096xf32>
    %slice3A_461 = vector.extract_strided_slice %convert_element_type3A_12 {offsets = [1424, 0], sizes = [16, 4096], strides = [1, 1]} : vector<2048x4096xf32> to vector<16x4096xf32>
    %mul3A_462 = vector.broadcast %slice3A_460 : vector<1x4096xf32> to vector<16x4096xf32>
    %mul3A_463 = arith.mulf %mul3A_462, %slice3A_461 : vector<16x4096xf32>
    %add3A_464 = arith.addf %add3A_459, %mul3A_463 : vector<16x4096xf32>
    %slice3A_465 = vector.extract_strided_slice %convert_element_type3A_17 {offsets = [90, 0], sizes = [1, 4096], strides = [1, 1]} : vector<128x4096xf32> to vector<1x4096xf32>
    %slice3A_466 = vector.extract_strided_slice %convert_element_type3A_12 {offsets = [1440, 0], sizes = [16, 4096], strides = [1, 1]} : vector<2048x4096xf32> to vector<16x4096xf32>
    %mul3A_467 = vector.broadcast %slice3A_465 : vector<1x4096xf32> to vector<16x4096xf32>
    %mul3A_468 = arith.mulf %mul3A_467, %slice3A_466 : vector<16x4096xf32>
    %add3A_469 = arith.addf %add3A_464, %mul3A_468 : vector<16x4096xf32>
    %slice3A_470 = vector.extract_strided_slice %convert_element_type3A_17 {offsets = [91, 0], sizes = [1, 4096], strides = [1, 1]} : vector<128x4096xf32> to vector<1x4096xf32>
    %slice3A_471 = vector.extract_strided_slice %convert_element_type3A_12 {offsets = [1456, 0], sizes = [16, 4096], strides = [1, 1]} : vector<2048x4096xf32> to vector<16x4096xf32>
    %mul3A_472 = vector.broadcast %slice3A_470 : vector<1x4096xf32> to vector<16x4096xf32>
    %mul3A_473 = arith.mulf %mul3A_472, %slice3A_471 : vector<16x4096xf32>
    %add3A_474 = arith.addf %add3A_469, %mul3A_473 : vector<16x4096xf32>
    %slice3A_475 = vector.extract_strided_slice %convert_element_type3A_17 {offsets = [92, 0], sizes = [1, 4096], strides = [1, 1]} : vector<128x4096xf32> to vector<1x4096xf32>
    %slice3A_476 = vector.extract_strided_slice %convert_element_type3A_12 {offsets = [1472, 0], sizes = [16, 4096], strides = [1, 1]} : vector<2048x4096xf32> to vector<16x4096xf32>
    %mul3A_477 = vector.broadcast %slice3A_475 : vector<1x4096xf32> to vector<16x4096xf32>
    %mul3A_478 = arith.mulf %mul3A_477, %slice3A_476 : vector<16x4096xf32>
    %add3A_479 = arith.addf %add3A_474, %mul3A_478 : vector<16x4096xf32>
    %slice3A_480 = vector.extract_strided_slice %convert_element_type3A_17 {offsets = [93, 0], sizes = [1, 4096], strides = [1, 1]} : vector<128x4096xf32> to vector<1x4096xf32>
    %slice3A_481 = vector.extract_strided_slice %convert_element_type3A_12 {offsets = [1488, 0], sizes = [16, 4096], strides = [1, 1]} : vector<2048x4096xf32> to vector<16x4096xf32>
    %mul3A_482 = vector.broadcast %slice3A_480 : vector<1x4096xf32> to vector<16x4096xf32>
    %mul3A_483 = arith.mulf %mul3A_482, %slice3A_481 : vector<16x4096xf32>
    %add3A_484 = arith.addf %add3A_479, %mul3A_483 : vector<16x4096xf32>
    %slice3A_485 = vector.extract_strided_slice %convert_element_type3A_17 {offsets = [94, 0], sizes = [1, 4096], strides = [1, 1]} : vector<128x4096xf32> to vector<1x4096xf32>
    %slice3A_486 = vector.extract_strided_slice %convert_element_type3A_12 {offsets = [1504, 0], sizes = [16, 4096], strides = [1, 1]} : vector<2048x4096xf32> to vector<16x4096xf32>
    %mul3A_487 = vector.broadcast %slice3A_485 : vector<1x4096xf32> to vector<16x4096xf32>
    %mul3A_488 = arith.mulf %mul3A_487, %slice3A_486 : vector<16x4096xf32>
    %add3A_489 = arith.addf %add3A_484, %mul3A_488 : vector<16x4096xf32>
    %slice3A_490 = vector.extract_strided_slice %convert_element_type3A_17 {offsets = [95, 0], sizes = [1, 4096], strides = [1, 1]} : vector<128x4096xf32> to vector<1x4096xf32>
    %slice3A_491 = vector.extract_strided_slice %convert_element_type3A_12 {offsets = [1520, 0], sizes = [16, 4096], strides = [1, 1]} : vector<2048x4096xf32> to vector<16x4096xf32>
    %mul3A_492 = vector.broadcast %slice3A_490 : vector<1x4096xf32> to vector<16x4096xf32>
    %mul3A_493 = arith.mulf %mul3A_492, %slice3A_491 : vector<16x4096xf32>
    %add3A_494 = arith.addf %add3A_489, %mul3A_493 : vector<16x4096xf32>
    %slice3A_495 = vector.extract_strided_slice %convert_element_type3A_17 {offsets = [96, 0], sizes = [1, 4096], strides = [1, 1]} : vector<128x4096xf32> to vector<1x4096xf32>
    %slice3A_496 = vector.extract_strided_slice %convert_element_type3A_12 {offsets = [1536, 0], sizes = [16, 4096], strides = [1, 1]} : vector<2048x4096xf32> to vector<16x4096xf32>
    %mul3A_497 = vector.broadcast %slice3A_495 : vector<1x4096xf32> to vector<16x4096xf32>
    %mul3A_498 = arith.mulf %mul3A_497, %slice3A_496 : vector<16x4096xf32>
    %add3A_499 = arith.addf %add3A_494, %mul3A_498 : vector<16x4096xf32>
    %slice3A_500 = vector.extract_strided_slice %convert_element_type3A_17 {offsets = [97, 0], sizes = [1, 4096], strides = [1, 1]} : vector<128x4096xf32> to vector<1x4096xf32>
    %slice3A_501 = vector.extract_strided_slice %convert_element_type3A_12 {offsets = [1552, 0], sizes = [16, 4096], strides = [1, 1]} : vector<2048x4096xf32> to vector<16x4096xf32>
    %mul3A_502 = vector.broadcast %slice3A_500 : vector<1x4096xf32> to vector<16x4096xf32>
    %mul3A_503 = arith.mulf %mul3A_502, %slice3A_501 : vector<16x4096xf32>
    %add3A_504 = arith.addf %add3A_499, %mul3A_503 : vector<16x4096xf32>
    %slice3A_505 = vector.extract_strided_slice %convert_element_type3A_17 {offsets = [98, 0], sizes = [1, 4096], strides = [1, 1]} : vector<128x4096xf32> to vector<1x4096xf32>
    %slice3A_506 = vector.extract_strided_slice %convert_element_type3A_12 {offsets = [1568, 0], sizes = [16, 4096], strides = [1, 1]} : vector<2048x4096xf32> to vector<16x4096xf32>
    %mul3A_507 = vector.broadcast %slice3A_505 : vector<1x4096xf32> to vector<16x4096xf32>
    %mul3A_508 = arith.mulf %mul3A_507, %slice3A_506 : vector<16x4096xf32>
    %add3A_509 = arith.addf %add3A_504, %mul3A_508 : vector<16x4096xf32>
    %slice3A_510 = vector.extract_strided_slice %convert_element_type3A_17 {offsets = [99, 0], sizes = [1, 4096], strides = [1, 1]} : vector<128x4096xf32> to vector<1x4096xf32>
    %slice3A_511 = vector.extract_strided_slice %convert_element_type3A_12 {offsets = [1584, 0], sizes = [16, 4096], strides = [1, 1]} : vector<2048x4096xf32> to vector<16x4096xf32>
    %mul3A_512 = vector.broadcast %slice3A_510 : vector<1x4096xf32> to vector<16x4096xf32>
    %mul3A_513 = arith.mulf %mul3A_512, %slice3A_511 : vector<16x4096xf32>
    %add3A_514 = arith.addf %add3A_509, %mul3A_513 : vector<16x4096xf32>
    %slice3A_515 = vector.extract_strided_slice %convert_element_type3A_17 {offsets = [100, 0], sizes = [1, 4096], strides = [1, 1]} : vector<128x4096xf32> to vector<1x4096xf32>
    %slice3A_516 = vector.extract_strided_slice %convert_element_type3A_12 {offsets = [1600, 0], sizes = [16, 4096], strides = [1, 1]} : vector<2048x4096xf32> to vector<16x4096xf32>
    %mul3A_517 = vector.broadcast %slice3A_515 : vector<1x4096xf32> to vector<16x4096xf32>
    %mul3A_518 = arith.mulf %mul3A_517, %slice3A_516 : vector<16x4096xf32>
    %add3A_519 = arith.addf %add3A_514, %mul3A_518 : vector<16x4096xf32>
    %slice3A_520 = vector.extract_strided_slice %convert_element_type3A_17 {offsets = [101, 0], sizes = [1, 4096], strides = [1, 1]} : vector<128x4096xf32> to vector<1x4096xf32>
    %slice3A_521 = vector.extract_strided_slice %convert_element_type3A_12 {offsets = [1616, 0], sizes = [16, 4096], strides = [1, 1]} : vector<2048x4096xf32> to vector<16x4096xf32>
    %mul3A_522 = vector.broadcast %slice3A_520 : vector<1x4096xf32> to vector<16x4096xf32>
    %mul3A_523 = arith.mulf %mul3A_522, %slice3A_521 : vector<16x4096xf32>
    %add3A_524 = arith.addf %add3A_519, %mul3A_523 : vector<16x4096xf32>
    %slice3A_525 = vector.extract_strided_slice %convert_element_type3A_17 {offsets = [102, 0], sizes = [1, 4096], strides = [1, 1]} : vector<128x4096xf32> to vector<1x4096xf32>
    %slice3A_526 = vector.extract_strided_slice %convert_element_type3A_12 {offsets = [1632, 0], sizes = [16, 4096], strides = [1, 1]} : vector<2048x4096xf32> to vector<16x4096xf32>
    %mul3A_527 = vector.broadcast %slice3A_525 : vector<1x4096xf32> to vector<16x4096xf32>
    %mul3A_528 = arith.mulf %mul3A_527, %slice3A_526 : vector<16x4096xf32>
    %add3A_529 = arith.addf %add3A_524, %mul3A_528 : vector<16x4096xf32>
    %slice3A_530 = vector.extract_strided_slice %convert_element_type3A_17 {offsets = [103, 0], sizes = [1, 4096], strides = [1, 1]} : vector<128x4096xf32> to vector<1x4096xf32>
    %slice3A_531 = vector.extract_strided_slice %convert_element_type3A_12 {offsets = [1648, 0], sizes = [16, 4096], strides = [1, 1]} : vector<2048x4096xf32> to vector<16x4096xf32>
    %mul3A_532 = vector.broadcast %slice3A_530 : vector<1x4096xf32> to vector<16x4096xf32>
    %mul3A_533 = arith.mulf %mul3A_532, %slice3A_531 : vector<16x4096xf32>
    %add3A_534 = arith.addf %add3A_529, %mul3A_533 : vector<16x4096xf32>
    %slice3A_535 = vector.extract_strided_slice %convert_element_type3A_17 {offsets = [104, 0], sizes = [1, 4096], strides = [1, 1]} : vector<128x4096xf32> to vector<1x4096xf32>
    %slice3A_536 = vector.extract_strided_slice %convert_element_type3A_12 {offsets = [1664, 0], sizes = [16, 4096], strides = [1, 1]} : vector<2048x4096xf32> to vector<16x4096xf32>
    %mul3A_537 = vector.broadcast %slice3A_535 : vector<1x4096xf32> to vector<16x4096xf32>
    %mul3A_538 = arith.mulf %mul3A_537, %slice3A_536 : vector<16x4096xf32>
    %add3A_539 = arith.addf %add3A_534, %mul3A_538 : vector<16x4096xf32>
    %slice3A_540 = vector.extract_strided_slice %convert_element_type3A_17 {offsets = [105, 0], sizes = [1, 4096], strides = [1, 1]} : vector<128x4096xf32> to vector<1x4096xf32>
    %slice3A_541 = vector.extract_strided_slice %convert_element_type3A_12 {offsets = [1680, 0], sizes = [16, 4096], strides = [1, 1]} : vector<2048x4096xf32> to vector<16x4096xf32>
    %mul3A_542 = vector.broadcast %slice3A_540 : vector<1x4096xf32> to vector<16x4096xf32>
    %mul3A_543 = arith.mulf %mul3A_542, %slice3A_541 : vector<16x4096xf32>
    %add3A_544 = arith.addf %add3A_539, %mul3A_543 : vector<16x4096xf32>
    %slice3A_545 = vector.extract_strided_slice %convert_element_type3A_17 {offsets = [106, 0], sizes = [1, 4096], strides = [1, 1]} : vector<128x4096xf32> to vector<1x4096xf32>
    %slice3A_546 = vector.extract_strided_slice %convert_element_type3A_12 {offsets = [1696, 0], sizes = [16, 4096], strides = [1, 1]} : vector<2048x4096xf32> to vector<16x4096xf32>
    %mul3A_547 = vector.broadcast %slice3A_545 : vector<1x4096xf32> to vector<16x4096xf32>
    %mul3A_548 = arith.mulf %mul3A_547, %slice3A_546 : vector<16x4096xf32>
    %add3A_549 = arith.addf %add3A_544, %mul3A_548 : vector<16x4096xf32>
    %slice3A_550 = vector.extract_strided_slice %convert_element_type3A_17 {offsets = [107, 0], sizes = [1, 4096], strides = [1, 1]} : vector<128x4096xf32> to vector<1x4096xf32>
    %slice3A_551 = vector.extract_strided_slice %convert_element_type3A_12 {offsets = [1712, 0], sizes = [16, 4096], strides = [1, 1]} : vector<2048x4096xf32> to vector<16x4096xf32>
    %mul3A_552 = vector.broadcast %slice3A_550 : vector<1x4096xf32> to vector<16x4096xf32>
    %mul3A_553 = arith.mulf %mul3A_552, %slice3A_551 : vector<16x4096xf32>
    %add3A_554 = arith.addf %add3A_549, %mul3A_553 : vector<16x4096xf32>
    %slice3A_555 = vector.extract_strided_slice %convert_element_type3A_17 {offsets = [108, 0], sizes = [1, 4096], strides = [1, 1]} : vector<128x4096xf32> to vector<1x4096xf32>
    %slice3A_556 = vector.extract_strided_slice %convert_element_type3A_12 {offsets = [1728, 0], sizes = [16, 4096], strides = [1, 1]} : vector<2048x4096xf32> to vector<16x4096xf32>
    %mul3A_557 = vector.broadcast %slice3A_555 : vector<1x4096xf32> to vector<16x4096xf32>
    %mul3A_558 = arith.mulf %mul3A_557, %slice3A_556 : vector<16x4096xf32>
    %add3A_559 = arith.addf %add3A_554, %mul3A_558 : vector<16x4096xf32>
    %slice3A_560 = vector.extract_strided_slice %convert_element_type3A_17 {offsets = [109, 0], sizes = [1, 4096], strides = [1, 1]} : vector<128x4096xf32> to vector<1x4096xf32>
    %slice3A_561 = vector.extract_strided_slice %convert_element_type3A_12 {offsets = [1744, 0], sizes = [16, 4096], strides = [1, 1]} : vector<2048x4096xf32> to vector<16x4096xf32>
    %mul3A_562 = vector.broadcast %slice3A_560 : vector<1x4096xf32> to vector<16x4096xf32>
    %mul3A_563 = arith.mulf %mul3A_562, %slice3A_561 : vector<16x4096xf32>
    %add3A_564 = arith.addf %add3A_559, %mul3A_563 : vector<16x4096xf32>
    %slice3A_565 = vector.extract_strided_slice %convert_element_type3A_17 {offsets = [110, 0], sizes = [1, 4096], strides = [1, 1]} : vector<128x4096xf32> to vector<1x4096xf32>
    %slice3A_566 = vector.extract_strided_slice %convert_element_type3A_12 {offsets = [1760, 0], sizes = [16, 4096], strides = [1, 1]} : vector<2048x4096xf32> to vector<16x4096xf32>
    %mul3A_567 = vector.broadcast %slice3A_565 : vector<1x4096xf32> to vector<16x4096xf32>
    %mul3A_568 = arith.mulf %mul3A_567, %slice3A_566 : vector<16x4096xf32>
    %add3A_569 = arith.addf %add3A_564, %mul3A_568 : vector<16x4096xf32>
    %slice3A_570 = vector.extract_strided_slice %convert_element_type3A_17 {offsets = [111, 0], sizes = [1, 4096], strides = [1, 1]} : vector<128x4096xf32> to vector<1x4096xf32>
    %slice3A_571 = vector.extract_strided_slice %convert_element_type3A_12 {offsets = [1776, 0], sizes = [16, 4096], strides = [1, 1]} : vector<2048x4096xf32> to vector<16x4096xf32>
    %mul3A_572 = vector.broadcast %slice3A_570 : vector<1x4096xf32> to vector<16x4096xf32>
    %mul3A_573 = arith.mulf %mul3A_572, %slice3A_571 : vector<16x4096xf32>
    %add3A_574 = arith.addf %add3A_569, %mul3A_573 : vector<16x4096xf32>
    %slice3A_575 = vector.extract_strided_slice %convert_element_type3A_17 {offsets = [112, 0], sizes = [1, 4096], strides = [1, 1]} : vector<128x4096xf32> to vector<1x4096xf32>
    %slice3A_576 = vector.extract_strided_slice %convert_element_type3A_12 {offsets = [1792, 0], sizes = [16, 4096], strides = [1, 1]} : vector<2048x4096xf32> to vector<16x4096xf32>
    %mul3A_577 = vector.broadcast %slice3A_575 : vector<1x4096xf32> to vector<16x4096xf32>
    %mul3A_578 = arith.mulf %mul3A_577, %slice3A_576 : vector<16x4096xf32>
    %add3A_579 = arith.addf %add3A_574, %mul3A_578 : vector<16x4096xf32>
    %slice3A_580 = vector.extract_strided_slice %convert_element_type3A_17 {offsets = [113, 0], sizes = [1, 4096], strides = [1, 1]} : vector<128x4096xf32> to vector<1x4096xf32>
    %slice3A_581 = vector.extract_strided_slice %convert_element_type3A_12 {offsets = [1808, 0], sizes = [16, 4096], strides = [1, 1]} : vector<2048x4096xf32> to vector<16x4096xf32>
    %mul3A_582 = vector.broadcast %slice3A_580 : vector<1x4096xf32> to vector<16x4096xf32>
    %mul3A_583 = arith.mulf %mul3A_582, %slice3A_581 : vector<16x4096xf32>
    %add3A_584 = arith.addf %add3A_579, %mul3A_583 : vector<16x4096xf32>
    %slice3A_585 = vector.extract_strided_slice %convert_element_type3A_17 {offsets = [114, 0], sizes = [1, 4096], strides = [1, 1]} : vector<128x4096xf32> to vector<1x4096xf32>
    %slice3A_586 = vector.extract_strided_slice %convert_element_type3A_12 {offsets = [1824, 0], sizes = [16, 4096], strides = [1, 1]} : vector<2048x4096xf32> to vector<16x4096xf32>
    %mul3A_587 = vector.broadcast %slice3A_585 : vector<1x4096xf32> to vector<16x4096xf32>
    %mul3A_588 = arith.mulf %mul3A_587, %slice3A_586 : vector<16x4096xf32>
    %add3A_589 = arith.addf %add3A_584, %mul3A_588 : vector<16x4096xf32>
    %slice3A_590 = vector.extract_strided_slice %convert_element_type3A_17 {offsets = [115, 0], sizes = [1, 4096], strides = [1, 1]} : vector<128x4096xf32> to vector<1x4096xf32>
    %slice3A_591 = vector.extract_strided_slice %convert_element_type3A_12 {offsets = [1840, 0], sizes = [16, 4096], strides = [1, 1]} : vector<2048x4096xf32> to vector<16x4096xf32>
    %mul3A_592 = vector.broadcast %slice3A_590 : vector<1x4096xf32> to vector<16x4096xf32>
    %mul3A_593 = arith.mulf %mul3A_592, %slice3A_591 : vector<16x4096xf32>
    %add3A_594 = arith.addf %add3A_589, %mul3A_593 : vector<16x4096xf32>
    %slice3A_595 = vector.extract_strided_slice %convert_element_type3A_17 {offsets = [116, 0], sizes = [1, 4096], strides = [1, 1]} : vector<128x4096xf32> to vector<1x4096xf32>
    %slice3A_596 = vector.extract_strided_slice %convert_element_type3A_12 {offsets = [1856, 0], sizes = [16, 4096], strides = [1, 1]} : vector<2048x4096xf32> to vector<16x4096xf32>
    %mul3A_597 = vector.broadcast %slice3A_595 : vector<1x4096xf32> to vector<16x4096xf32>
    %mul3A_598 = arith.mulf %mul3A_597, %slice3A_596 : vector<16x4096xf32>
    %add3A_599 = arith.addf %add3A_594, %mul3A_598 : vector<16x4096xf32>
    %slice3A_600 = vector.extract_strided_slice %convert_element_type3A_17 {offsets = [117, 0], sizes = [1, 4096], strides = [1, 1]} : vector<128x4096xf32> to vector<1x4096xf32>
    %slice3A_601 = vector.extract_strided_slice %convert_element_type3A_12 {offsets = [1872, 0], sizes = [16, 4096], strides = [1, 1]} : vector<2048x4096xf32> to vector<16x4096xf32>
    %mul3A_602 = vector.broadcast %slice3A_600 : vector<1x4096xf32> to vector<16x4096xf32>
    %mul3A_603 = arith.mulf %mul3A_602, %slice3A_601 : vector<16x4096xf32>
    %add3A_604 = arith.addf %add3A_599, %mul3A_603 : vector<16x4096xf32>
    %slice3A_605 = vector.extract_strided_slice %convert_element_type3A_17 {offsets = [118, 0], sizes = [1, 4096], strides = [1, 1]} : vector<128x4096xf32> to vector<1x4096xf32>
    %slice3A_606 = vector.extract_strided_slice %convert_element_type3A_12 {offsets = [1888, 0], sizes = [16, 4096], strides = [1, 1]} : vector<2048x4096xf32> to vector<16x4096xf32>
    %mul3A_607 = vector.broadcast %slice3A_605 : vector<1x4096xf32> to vector<16x4096xf32>
    %mul3A_608 = arith.mulf %mul3A_607, %slice3A_606 : vector<16x4096xf32>
    %add3A_609 = arith.addf %add3A_604, %mul3A_608 : vector<16x4096xf32>
    %slice3A_610 = vector.extract_strided_slice %convert_element_type3A_17 {offsets = [119, 0], sizes = [1, 4096], strides = [1, 1]} : vector<128x4096xf32> to vector<1x4096xf32>
    %slice3A_611 = vector.extract_strided_slice %convert_element_type3A_12 {offsets = [1904, 0], sizes = [16, 4096], strides = [1, 1]} : vector<2048x4096xf32> to vector<16x4096xf32>
    %mul3A_612 = vector.broadcast %slice3A_610 : vector<1x4096xf32> to vector<16x4096xf32>
    %mul3A_613 = arith.mulf %mul3A_612, %slice3A_611 : vector<16x4096xf32>
    %add3A_614 = arith.addf %add3A_609, %mul3A_613 : vector<16x4096xf32>
    %slice3A_615 = vector.extract_strided_slice %convert_element_type3A_17 {offsets = [120, 0], sizes = [1, 4096], strides = [1, 1]} : vector<128x4096xf32> to vector<1x4096xf32>
    %slice3A_616 = vector.extract_strided_slice %convert_element_type3A_12 {offsets = [1920, 0], sizes = [16, 4096], strides = [1, 1]} : vector<2048x4096xf32> to vector<16x4096xf32>
    %mul3A_617 = vector.broadcast %slice3A_615 : vector<1x4096xf32> to vector<16x4096xf32>
    %mul3A_618 = arith.mulf %mul3A_617, %slice3A_616 : vector<16x4096xf32>
    %add3A_619 = arith.addf %add3A_614, %mul3A_618 : vector<16x4096xf32>
    %slice3A_620 = vector.extract_strided_slice %convert_element_type3A_17 {offsets = [121, 0], sizes = [1, 4096], strides = [1, 1]} : vector<128x4096xf32> to vector<1x4096xf32>
    %slice3A_621 = vector.extract_strided_slice %convert_element_type3A_12 {offsets = [1936, 0], sizes = [16, 4096], strides = [1, 1]} : vector<2048x4096xf32> to vector<16x4096xf32>
    %mul3A_622 = vector.broadcast %slice3A_620 : vector<1x4096xf32> to vector<16x4096xf32>
    %mul3A_623 = arith.mulf %mul3A_622, %slice3A_621 : vector<16x4096xf32>
    %add3A_624 = arith.addf %add3A_619, %mul3A_623 : vector<16x4096xf32>
    %slice3A_625 = vector.extract_strided_slice %convert_element_type3A_17 {offsets = [122, 0], sizes = [1, 4096], strides = [1, 1]} : vector<128x4096xf32> to vector<1x4096xf32>
    %slice3A_626 = vector.extract_strided_slice %convert_element_type3A_12 {offsets = [1952, 0], sizes = [16, 4096], strides = [1, 1]} : vector<2048x4096xf32> to vector<16x4096xf32>
    %mul3A_627 = vector.broadcast %slice3A_625 : vector<1x4096xf32> to vector<16x4096xf32>
    %mul3A_628 = arith.mulf %mul3A_627, %slice3A_626 : vector<16x4096xf32>
    %add3A_629 = arith.addf %add3A_624, %mul3A_628 : vector<16x4096xf32>
    %slice3A_630 = vector.extract_strided_slice %convert_element_type3A_17 {offsets = [123, 0], sizes = [1, 4096], strides = [1, 1]} : vector<128x4096xf32> to vector<1x4096xf32>
    %slice3A_631 = vector.extract_strided_slice %convert_element_type3A_12 {offsets = [1968, 0], sizes = [16, 4096], strides = [1, 1]} : vector<2048x4096xf32> to vector<16x4096xf32>
    %mul3A_632 = vector.broadcast %slice3A_630 : vector<1x4096xf32> to vector<16x4096xf32>
    %mul3A_633 = arith.mulf %mul3A_632, %slice3A_631 : vector<16x4096xf32>
    %add3A_634 = arith.addf %add3A_629, %mul3A_633 : vector<16x4096xf32>
    %slice3A_635 = vector.extract_strided_slice %convert_element_type3A_17 {offsets = [124, 0], sizes = [1, 4096], strides = [1, 1]} : vector<128x4096xf32> to vector<1x4096xf32>
    %slice3A_636 = vector.extract_strided_slice %convert_element_type3A_12 {offsets = [1984, 0], sizes = [16, 4096], strides = [1, 1]} : vector<2048x4096xf32> to vector<16x4096xf32>
    %mul3A_637 = vector.broadcast %slice3A_635 : vector<1x4096xf32> to vector<16x4096xf32>
    %mul3A_638 = arith.mulf %mul3A_637, %slice3A_636 : vector<16x4096xf32>
    %add3A_639 = arith.addf %add3A_634, %mul3A_638 : vector<16x4096xf32>
    %slice3A_640 = vector.extract_strided_slice %convert_element_type3A_17 {offsets = [125, 0], sizes = [1, 4096], strides = [1, 1]} : vector<128x4096xf32> to vector<1x4096xf32>
    %slice3A_641 = vector.extract_strided_slice %convert_element_type3A_12 {offsets = [2000, 0], sizes = [16, 4096], strides = [1, 1]} : vector<2048x4096xf32> to vector<16x4096xf32>
    %mul3A_642 = vector.broadcast %slice3A_640 : vector<1x4096xf32> to vector<16x4096xf32>
    %mul3A_643 = arith.mulf %mul3A_642, %slice3A_641 : vector<16x4096xf32>
    %add3A_644 = arith.addf %add3A_639, %mul3A_643 : vector<16x4096xf32>
    %slice3A_645 = vector.extract_strided_slice %convert_element_type3A_17 {offsets = [126, 0], sizes = [1, 4096], strides = [1, 1]} : vector<128x4096xf32> to vector<1x4096xf32>
    %slice3A_646 = vector.extract_strided_slice %convert_element_type3A_12 {offsets = [2016, 0], sizes = [16, 4096], strides = [1, 1]} : vector<2048x4096xf32> to vector<16x4096xf32>
    %mul3A_647 = vector.broadcast %slice3A_645 : vector<1x4096xf32> to vector<16x4096xf32>
    %mul3A_648 = arith.mulf %mul3A_647, %slice3A_646 : vector<16x4096xf32>
    %add3A_649 = arith.addf %add3A_644, %mul3A_648 : vector<16x4096xf32>
    %slice3A_650 = vector.extract_strided_slice %convert_element_type3A_17 {offsets = [127, 0], sizes = [1, 4096], strides = [1, 1]} : vector<128x4096xf32> to vector<1x4096xf32>
    %slice3A_651 = vector.extract_strided_slice %convert_element_type3A_12 {offsets = [2032, 0], sizes = [16, 4096], strides = [1, 1]} : vector<2048x4096xf32> to vector<16x4096xf32>
    %mul3A_652 = vector.broadcast %slice3A_650 : vector<1x4096xf32> to vector<16x4096xf32>
    %mul3A_653 = arith.mulf %mul3A_652, %slice3A_651 : vector<16x4096xf32>
    %add3A_654 = arith.addf %add3A_649, %mul3A_653 : vector<16x4096xf32>
    %transpose3A_655 = tpu.transpose %add3A_654, [1, 0] : vector<16x4096xf32> -> vector<4096x16xf32>
    %swap3A = arith.constant 0 : index
    %swap3A_656 = arith.constant 0 : index
    %swap3A_657 = vector.load %arg5[%swap3A, %swap3A_656] : memref<4096x16xf32, #tpu.memory_space<vmem>>, vector<4096x16xf32>
    tpu.vector_store %arg5[%swap3A, %swap3A_656], %transpose3A_655 {strides = array<i32>} : memref<4096x16xf32, #tpu.memory_space<vmem>>, vector<4096x16xf32>,
    return
  }
  func.func @transform_0(%arg0: i32) -> (i32, i32) {
    %c0_i32 = arith.constant 0 : i32
    %c0_i32_0 = arith.constant 0 : i32
    return %arg0, %c0_i32 : i32, i32
  }
  func.func @transform_1(%arg0: i32) -> (i32, i32) {
    %c0_i32 = arith.constant 0 : i32
    %c0_i32_0 = arith.constant 0 : i32
    return %c0_i32, %arg0 : i32, i32
  }
  func.func @transform_2(%arg0: i32) -> (i32, i32) {
    %c0_i32 = arith.constant 0 : i32
    %c0_i32_0 = arith.constant 0 : i32
    %c0_i32_1 = arith.constant 0 : i32
    return %c0_i32, %c0_i32_0 : i32, i32
  }
  func.func @transform_3(%arg0: i32) -> (i32, i32) {
    %c0_i32 = arith.constant 0 : i32
    %c0_i32_0 = arith.constant 0 : i32
    %c0_i32_1 = arith.constant 0 : i32
    return %c0_i32, %c0_i32_0 : i32, i32
  }
  func.func @transform_4(%arg0: i32) -> (i32, i32) {
    %c0_i32 = arith.constant 0 : i32
    %c0_i32_0 = arith.constant 0 : i32
    return %arg0, %c0_i32 : i32, i32
  }
}

module attributes {stable_mosaic.version = 14 : i64} {
  func.func @_node_body(%arg0: memref<2x10112x16xf32, #tpu.memory_space<vmem>>, %arg1: memref<10000x128xf32, #tpu.memory_space<vmem>>, %arg2: memref<128x16xf32, #tpu.memory_space<vmem>>, %arg3: memref<1x16xf32, #tpu.memory_space<vmem>>, %arg4: memref<10000x16xf32, #tpu.memory_space<vmem>>) attributes {dimension_semantics = [], scalar_prefetch = 0 : i64, scratch_operands = 0 : i64, tpu.core_type = #tpu.core_type<tc>} {
    %get3A = arith.constant 0 : index
    %get3A_0 = arith.constant 0 : index
    %get3A_1 = arith.constant 0 : index
    %get3A_2 = vector.load %arg0[%get3A, %get3A_0, %get3A_1] : memref<2x10112x16xf32, #tpu.memory_space<vmem>>, vector<1x10000x16xf32>
    %get3A_3 = vector.shape_cast %get3A_2 : vector<1x10000x16xf32> to vector<10000x16xf32>
    %get3A_4 = arith.constant 1 : index
    %get3A_5 = arith.constant 0 : index
    %get3A_6 = arith.constant 0 : index
    %get3A_7 = vector.load %arg0[%get3A_4, %get3A_5, %get3A_6] : memref<2x10112x16xf32, #tpu.memory_space<vmem>>, vector<1x10000x16xf32>
    %get3A_8 = vector.shape_cast %get3A_7 : vector<1x10000x16xf32> to vector<10000x16xf32>
    %add3A = arith.addf %get3A_3, %get3A_8 : vector<10000x16xf32>
    %get3A_9 = arith.constant 0 : index
    %get3A_10 = arith.constant 0 : index
    %get3A_11 = vector.load %arg1[%get3A_9, %get3A_10] : memref<10000x128xf32, #tpu.memory_space<vmem>>, vector<10000x128xf32>
    %get3A_12 = arith.constant 0 : index
    %get3A_13 = arith.constant 0 : index
    %get3A_14 = vector.load %arg2[%get3A_12, %get3A_13] : memref<128x16xf32, #tpu.memory_space<vmem>>, vector<128x16xf32>
    %convert_element_type3A = arith.truncf %get3A_11 : vector<10000x128xf32> to vector<10000x128xbf16>
    %convert_element_type3A_15 = arith.truncf %get3A_14 : vector<128x16xf32> to vector<128x16xbf16>
    %dot_general3A = arith.constant dense<0.000000e+00> : vector<10000x16xf32>
    %dot_general3A_16 = tpu.matmul %convert_element_type3A, %convert_element_type3A_15, %dot_general3A {dimension_numbers = #tpu.dot_dimension_numbers<[1], [0], [0], [1], [0, 0, 1, 1], [], []>, transpose_lhs_hint = false} : vector<10000x128xbf16>, vector<128x16xbf16>, vector<10000x16xf32> -> vector<10000x16xf32>
    %add3A_17 = arith.addf %add3A, %dot_general3A_16 : vector<10000x16xf32>
    %get3A_18 = arith.constant 0 : index
    %get3A_19 = arith.constant 0 : index
    %get3A_20 = vector.load %arg3[%get3A_18, %get3A_19] : memref<1x16xf32, #tpu.memory_space<vmem>>, vector<1x16xf32>
    %add3A_21 = vector.broadcast %get3A_20 : vector<1x16xf32> to vector<10000x16xf32>
    %add3A_22 = arith.addf %add3A_17, %add3A_21 : vector<10000x16xf32>
    %max3A = arith.constant 0.000000e+00 : f32
    %max3A_23 = vector.broadcast %max3A : f32 to vector<10000x16xf32>
    %max3A_24 = arith.maximumf %add3A_22, %max3A_23 : vector<10000x16xf32>
    %convert_element_type3A_25 = arith.truncf %max3A_24 : vector<10000x16xf32> to vector<10000x16xbf16>
    %convert_element_type3A_26 = arith.extf %convert_element_type3A_25 : vector<10000x16xbf16> to vector<10000x16xf32>
    %swap3A = arith.constant 0 : index
    %swap3A_27 = arith.constant 0 : index
    %swap3A_28 = vector.load %arg4[%swap3A, %swap3A_27] : memref<10000x16xf32, #tpu.memory_space<vmem>>, vector<10000x16xf32>
    tpu.vector_store %arg4[%swap3A, %swap3A_27], %convert_element_type3A_26 {strides = array<i32>} : memref<10000x16xf32, #tpu.memory_space<vmem>>, vector<10000x16xf32>,
    return
  }
}

module attributes {stable_mosaic.version = 14 : i64} {
  func.func @_einsum_body(%arg0: i32, %arg1: memref<4096x16xf32, #tpu.memory_space<vmem>>, %arg2: memref<16x4096xf32, #tpu.memory_space<vmem>>, %arg3: memref<256x16xf32, #tpu.memory_space<vmem>>, %arg4: memref<256x8xf32, #tpu.memory_space<vmem>>, %arg5: memref<4096x16xf32, #tpu.memory_space<vmem>>) attributes {dimension_semantics = [#tpu.dimension_semantics<arbitrary>], iteration_bounds = array<i64: 40>, scalar_prefetch = 0 : i64, scratch_operands = 0 : i64, tpu.core_type = #tpu.core_type<tc>, window_params = [{transform_indices = @transform_0, window_bounds = array<i64: 4096, 16>}, {transform_indices = @transform_1, window_bounds = array<i64: 16, 4096>}, {pipeline_mode = #tpu.pipeline_mode<synchronous>, transform_indices = @transform_2, window_bounds = array<i64: 256, 16>}, {pipeline_mode = #tpu.pipeline_mode<synchronous>, transform_indices = @transform_3, window_bounds = array<i64: 256, 8>}, {transform_indices = @transform_4, window_bounds = array<i64: 4096, 16>}]} {
    %get3A = arith.constant 0 : index
    %get3A_0 = arith.constant 0 : index
    %get3A_1 = vector.load %arg3[%get3A, %get3A_0] : memref<256x16xf32, #tpu.memory_space<vmem>>, vector<256x16xf32>
    %get3A_2 = arith.constant 0 : index
    %get3A_3 = arith.constant 0 : index
    %get3A_4 = vector.load %arg2[%get3A_2, %get3A_3] : memref<16x4096xf32, #tpu.memory_space<vmem>>, vector<16x4096xf32>
    %convert_element_type3A = arith.truncf %get3A_1 : vector<256x16xf32> to vector<256x16xbf16>
    %convert_element_type3A_5 = arith.truncf %get3A_4 : vector<16x4096xf32> to vector<16x4096xbf16>
    %dot_general3A = arith.constant dense<0.000000e+00> : vector<256x4096xf32>
    %dot_general3A_6 = tpu.matmul %convert_element_type3A, %convert_element_type3A_5, %dot_general3A {dimension_numbers = #tpu.dot_dimension_numbers<[1], [0], [0], [1], [0, 0, 1, 1], [], []>, transpose_lhs_hint = false} : vector<256x16xbf16>, vector<16x4096xbf16>, vector<256x4096xf32> -> vector<256x4096xf32>
    %get3A_7 = arith.constant 0 : index
    %get3A_8 = arith.constant 0 : index
    %get3A_9 = vector.load %arg4[%get3A_7, %get3A_8] : memref<256x8xf32, #tpu.memory_space<vmem>>, vector<256x1xf32>
    %add3A = vector.broadcast %get3A_9 : vector<256x1xf32> to vector<256x4096xf32>
    %add3A_10 = arith.addf %dot_general3A_6, %add3A : vector<256x4096xf32>
    %convert_element_type3A_11 = arith.truncf %add3A_10 : vector<256x4096xf32> to vector<256x4096xbf16>
    %convert_element_type3A_12 = arith.extf %convert_element_type3A_11 : vector<256x4096xbf16> to vector<256x4096xf32>
    %get3A_13 = arith.constant 0 : index
    %get3A_14 = arith.constant 0 : index
    %get3A_15 = vector.load %arg1[%get3A_13, %get3A_14] : memref<4096x16xf32, #tpu.memory_space<vmem>>, vector<4096x16xf32>
    %transpose3A = tpu.transpose %get3A_15, [1, 0] : vector<4096x16xf32> -> vector<16x4096xf32>
    %convert_element_type3A_16 = arith.truncf %transpose3A : vector<16x4096xf32> to vector<16x4096xbf16>
    %convert_element_type3A_17 = arith.extf %convert_element_type3A_16 : vector<16x4096xbf16> to vector<16x4096xf32>
    %slice3A = vector.extract_strided_slice %convert_element_type3A_17 {offsets = [0, 0], sizes = [1, 4096], strides = [1, 1]} : vector<16x4096xf32> to vector<1x4096xf32>
    %slice3A_18 = vector.extract_strided_slice %convert_element_type3A_12 {offsets = [0, 0], sizes = [16, 4096], strides = [1, 1]} : vector<256x4096xf32> to vector<16x4096xf32>
    %mul3A = vector.broadcast %slice3A : vector<1x4096xf32> to vector<16x4096xf32>
    %mul3A_19 = arith.mulf %mul3A, %slice3A_18 : vector<16x4096xf32>
    %slice3A_20 = vector.extract_strided_slice %convert_element_type3A_17 {offsets = [1, 0], sizes = [1, 4096], strides = [1, 1]} : vector<16x4096xf32> to vector<1x4096xf32>
    %slice3A_21 = vector.extract_strided_slice %convert_element_type3A_12 {offsets = [16, 0], sizes = [16, 4096], strides = [1, 1]} : vector<256x4096xf32> to vector<16x4096xf32>
    %mul3A_22 = vector.broadcast %slice3A_20 : vector<1x4096xf32> to vector<16x4096xf32>
    %mul3A_23 = arith.mulf %mul3A_22, %slice3A_21 : vector<16x4096xf32>
    %add3A_24 = arith.addf %mul3A_19, %mul3A_23 : vector<16x4096xf32>
    %slice3A_25 = vector.extract_strided_slice %convert_element_type3A_17 {offsets = [2, 0], sizes = [1, 4096], strides = [1, 1]} : vector<16x4096xf32> to vector<1x4096xf32>
    %slice3A_26 = vector.extract_strided_slice %convert_element_type3A_12 {offsets = [32, 0], sizes = [16, 4096], strides = [1, 1]} : vector<256x4096xf32> to vector<16x4096xf32>
    %mul3A_27 = vector.broadcast %slice3A_25 : vector<1x4096xf32> to vector<16x4096xf32>
    %mul3A_28 = arith.mulf %mul3A_27, %slice3A_26 : vector<16x4096xf32>
    %add3A_29 = arith.addf %add3A_24, %mul3A_28 : vector<16x4096xf32>
    %slice3A_30 = vector.extract_strided_slice %convert_element_type3A_17 {offsets = [3, 0], sizes = [1, 4096], strides = [1, 1]} : vector<16x4096xf32> to vector<1x4096xf32>
    %slice3A_31 = vector.extract_strided_slice %convert_element_type3A_12 {offsets = [48, 0], sizes = [16, 4096], strides = [1, 1]} : vector<256x4096xf32> to vector<16x4096xf32>
    %mul3A_32 = vector.broadcast %slice3A_30 : vector<1x4096xf32> to vector<16x4096xf32>
    %mul3A_33 = arith.mulf %mul3A_32, %slice3A_31 : vector<16x4096xf32>
    %add3A_34 = arith.addf %add3A_29, %mul3A_33 : vector<16x4096xf32>
    %slice3A_35 = vector.extract_strided_slice %convert_element_type3A_17 {offsets = [4, 0], sizes = [1, 4096], strides = [1, 1]} : vector<16x4096xf32> to vector<1x4096xf32>
    %slice3A_36 = vector.extract_strided_slice %convert_element_type3A_12 {offsets = [64, 0], sizes = [16, 4096], strides = [1, 1]} : vector<256x4096xf32> to vector<16x4096xf32>
    %mul3A_37 = vector.broadcast %slice3A_35 : vector<1x4096xf32> to vector<16x4096xf32>
    %mul3A_38 = arith.mulf %mul3A_37, %slice3A_36 : vector<16x4096xf32>
    %add3A_39 = arith.addf %add3A_34, %mul3A_38 : vector<16x4096xf32>
    %slice3A_40 = vector.extract_strided_slice %convert_element_type3A_17 {offsets = [5, 0], sizes = [1, 4096], strides = [1, 1]} : vector<16x4096xf32> to vector<1x4096xf32>
    %slice3A_41 = vector.extract_strided_slice %convert_element_type3A_12 {offsets = [80, 0], sizes = [16, 4096], strides = [1, 1]} : vector<256x4096xf32> to vector<16x4096xf32>
    %mul3A_42 = vector.broadcast %slice3A_40 : vector<1x4096xf32> to vector<16x4096xf32>
    %mul3A_43 = arith.mulf %mul3A_42, %slice3A_41 : vector<16x4096xf32>
    %add3A_44 = arith.addf %add3A_39, %mul3A_43 : vector<16x4096xf32>
    %slice3A_45 = vector.extract_strided_slice %convert_element_type3A_17 {offsets = [6, 0], sizes = [1, 4096], strides = [1, 1]} : vector<16x4096xf32> to vector<1x4096xf32>
    %slice3A_46 = vector.extract_strided_slice %convert_element_type3A_12 {offsets = [96, 0], sizes = [16, 4096], strides = [1, 1]} : vector<256x4096xf32> to vector<16x4096xf32>
    %mul3A_47 = vector.broadcast %slice3A_45 : vector<1x4096xf32> to vector<16x4096xf32>
    %mul3A_48 = arith.mulf %mul3A_47, %slice3A_46 : vector<16x4096xf32>
    %add3A_49 = arith.addf %add3A_44, %mul3A_48 : vector<16x4096xf32>
    %slice3A_50 = vector.extract_strided_slice %convert_element_type3A_17 {offsets = [7, 0], sizes = [1, 4096], strides = [1, 1]} : vector<16x4096xf32> to vector<1x4096xf32>
    %slice3A_51 = vector.extract_strided_slice %convert_element_type3A_12 {offsets = [112, 0], sizes = [16, 4096], strides = [1, 1]} : vector<256x4096xf32> to vector<16x4096xf32>
    %mul3A_52 = vector.broadcast %slice3A_50 : vector<1x4096xf32> to vector<16x4096xf32>
    %mul3A_53 = arith.mulf %mul3A_52, %slice3A_51 : vector<16x4096xf32>
    %add3A_54 = arith.addf %add3A_49, %mul3A_53 : vector<16x4096xf32>
    %slice3A_55 = vector.extract_strided_slice %convert_element_type3A_17 {offsets = [8, 0], sizes = [1, 4096], strides = [1, 1]} : vector<16x4096xf32> to vector<1x4096xf32>
    %slice3A_56 = vector.extract_strided_slice %convert_element_type3A_12 {offsets = [128, 0], sizes = [16, 4096], strides = [1, 1]} : vector<256x4096xf32> to vector<16x4096xf32>
    %mul3A_57 = vector.broadcast %slice3A_55 : vector<1x4096xf32> to vector<16x4096xf32>
    %mul3A_58 = arith.mulf %mul3A_57, %slice3A_56 : vector<16x4096xf32>
    %add3A_59 = arith.addf %add3A_54, %mul3A_58 : vector<16x4096xf32>
    %slice3A_60 = vector.extract_strided_slice %convert_element_type3A_17 {offsets = [9, 0], sizes = [1, 4096], strides = [1, 1]} : vector<16x4096xf32> to vector<1x4096xf32>
    %slice3A_61 = vector.extract_strided_slice %convert_element_type3A_12 {offsets = [144, 0], sizes = [16, 4096], strides = [1, 1]} : vector<256x4096xf32> to vector<16x4096xf32>
    %mul3A_62 = vector.broadcast %slice3A_60 : vector<1x4096xf32> to vector<16x4096xf32>
    %mul3A_63 = arith.mulf %mul3A_62, %slice3A_61 : vector<16x4096xf32>
    %add3A_64 = arith.addf %add3A_59, %mul3A_63 : vector<16x4096xf32>
    %slice3A_65 = vector.extract_strided_slice %convert_element_type3A_17 {offsets = [10, 0], sizes = [1, 4096], strides = [1, 1]} : vector<16x4096xf32> to vector<1x4096xf32>
    %slice3A_66 = vector.extract_strided_slice %convert_element_type3A_12 {offsets = [160, 0], sizes = [16, 4096], strides = [1, 1]} : vector<256x4096xf32> to vector<16x4096xf32>
    %mul3A_67 = vector.broadcast %slice3A_65 : vector<1x4096xf32> to vector<16x4096xf32>
    %mul3A_68 = arith.mulf %mul3A_67, %slice3A_66 : vector<16x4096xf32>
    %add3A_69 = arith.addf %add3A_64, %mul3A_68 : vector<16x4096xf32>
    %slice3A_70 = vector.extract_strided_slice %convert_element_type3A_17 {offsets = [11, 0], sizes = [1, 4096], strides = [1, 1]} : vector<16x4096xf32> to vector<1x4096xf32>
    %slice3A_71 = vector.extract_strided_slice %convert_element_type3A_12 {offsets = [176, 0], sizes = [16, 4096], strides = [1, 1]} : vector<256x4096xf32> to vector<16x4096xf32>
    %mul3A_72 = vector.broadcast %slice3A_70 : vector<1x4096xf32> to vector<16x4096xf32>
    %mul3A_73 = arith.mulf %mul3A_72, %slice3A_71 : vector<16x4096xf32>
    %add3A_74 = arith.addf %add3A_69, %mul3A_73 : vector<16x4096xf32>
    %slice3A_75 = vector.extract_strided_slice %convert_element_type3A_17 {offsets = [12, 0], sizes = [1, 4096], strides = [1, 1]} : vector<16x4096xf32> to vector<1x4096xf32>
    %slice3A_76 = vector.extract_strided_slice %convert_element_type3A_12 {offsets = [192, 0], sizes = [16, 4096], strides = [1, 1]} : vector<256x4096xf32> to vector<16x4096xf32>
    %mul3A_77 = vector.broadcast %slice3A_75 : vector<1x4096xf32> to vector<16x4096xf32>
    %mul3A_78 = arith.mulf %mul3A_77, %slice3A_76 : vector<16x4096xf32>
    %add3A_79 = arith.addf %add3A_74, %mul3A_78 : vector<16x4096xf32>
    %slice3A_80 = vector.extract_strided_slice %convert_element_type3A_17 {offsets = [13, 0], sizes = [1, 4096], strides = [1, 1]} : vector<16x4096xf32> to vector<1x4096xf32>
    %slice3A_81 = vector.extract_strided_slice %convert_element_type3A_12 {offsets = [208, 0], sizes = [16, 4096], strides = [1, 1]} : vector<256x4096xf32> to vector<16x4096xf32>
    %mul3A_82 = vector.broadcast %slice3A_80 : vector<1x4096xf32> to vector<16x4096xf32>
    %mul3A_83 = arith.mulf %mul3A_82, %slice3A_81 : vector<16x4096xf32>
    %add3A_84 = arith.addf %add3A_79, %mul3A_83 : vector<16x4096xf32>
    %slice3A_85 = vector.extract_strided_slice %convert_element_type3A_17 {offsets = [14, 0], sizes = [1, 4096], strides = [1, 1]} : vector<16x4096xf32> to vector<1x4096xf32>
    %slice3A_86 = vector.extract_strided_slice %convert_element_type3A_12 {offsets = [224, 0], sizes = [16, 4096], strides = [1, 1]} : vector<256x4096xf32> to vector<16x4096xf32>
    %mul3A_87 = vector.broadcast %slice3A_85 : vector<1x4096xf32> to vector<16x4096xf32>
    %mul3A_88 = arith.mulf %mul3A_87, %slice3A_86 : vector<16x4096xf32>
    %add3A_89 = arith.addf %add3A_84, %mul3A_88 : vector<16x4096xf32>
    %slice3A_90 = vector.extract_strided_slice %convert_element_type3A_17 {offsets = [15, 0], sizes = [1, 4096], strides = [1, 1]} : vector<16x4096xf32> to vector<1x4096xf32>
    %slice3A_91 = vector.extract_strided_slice %convert_element_type3A_12 {offsets = [240, 0], sizes = [16, 4096], strides = [1, 1]} : vector<256x4096xf32> to vector<16x4096xf32>
    %mul3A_92 = vector.broadcast %slice3A_90 : vector<1x4096xf32> to vector<16x4096xf32>
    %mul3A_93 = arith.mulf %mul3A_92, %slice3A_91 : vector<16x4096xf32>
    %add3A_94 = arith.addf %add3A_89, %mul3A_93 : vector<16x4096xf32>
    %transpose3A_95 = tpu.transpose %add3A_94, [1, 0] : vector<16x4096xf32> -> vector<4096x16xf32>
    %swap3A = arith.constant 0 : index
    %swap3A_96 = arith.constant 0 : index
    %swap3A_97 = vector.load %arg5[%swap3A, %swap3A_96] : memref<4096x16xf32, #tpu.memory_space<vmem>>, vector<4096x16xf32>
    tpu.vector_store %arg5[%swap3A, %swap3A_96], %transpose3A_95 {strides = array<i32>} : memref<4096x16xf32, #tpu.memory_space<vmem>>, vector<4096x16xf32>,
    return
  }
  func.func @transform_0(%arg0: i32) -> (i32, i32) {
    %c0_i32 = arith.constant 0 : i32
    %c0_i32_0 = arith.constant 0 : i32
    return %arg0, %c0_i32 : i32, i32
  }
  func.func @transform_1(%arg0: i32) -> (i32, i32) {
    %c0_i32 = arith.constant 0 : i32
    %c0_i32_0 = arith.constant 0 : i32
    return %c0_i32, %arg0 : i32, i32
  }
  func.func @transform_2(%arg0: i32) -> (i32, i32) {
    %c0_i32 = arith.constant 0 : i32
    %c0_i32_0 = arith.constant 0 : i32
    %c0_i32_1 = arith.constant 0 : i32
    return %c0_i32, %c0_i32_0 : i32, i32
  }
  func.func @transform_3(%arg0: i32) -> (i32, i32) {
    %c0_i32 = arith.constant 0 : i32
    %c0_i32_0 = arith.constant 0 : i32
    %c0_i32_1 = arith.constant 0 : i32
    return %c0_i32, %c0_i32_0 : i32, i32
  }
  func.func @transform_4(%arg0: i32) -> (i32, i32) {
    %c0_i32 = arith.constant 0 : i32
    %c0_i32_0 = arith.constant 0 : i32
    return %arg0, %c0_i32 : i32, i32
  }
}

module attributes {stable_mosaic.version = 14 : i64} {
  func.func @_node_body(%arg0: memref<2x10112x16xf32, #tpu.memory_space<vmem>>, %arg1: memref<10000x16xf32, #tpu.memory_space<vmem>>, %arg2: memref<16x16xf32, #tpu.memory_space<vmem>>, %arg3: memref<1x16xf32, #tpu.memory_space<vmem>>, %arg4: memref<10000x16xf32, #tpu.memory_space<vmem>>) attributes {dimension_semantics = [], scalar_prefetch = 0 : i64, scratch_operands = 0 : i64, tpu.core_type = #tpu.core_type<tc>} {
    %get3A = arith.constant 0 : index
    %get3A_0 = arith.constant 0 : index
    %get3A_1 = arith.constant 0 : index
    %get3A_2 = vector.load %arg0[%get3A, %get3A_0, %get3A_1] : memref<2x10112x16xf32, #tpu.memory_space<vmem>>, vector<1x10000x16xf32>
    %get3A_3 = vector.shape_cast %get3A_2 : vector<1x10000x16xf32> to vector<10000x16xf32>
    %get3A_4 = arith.constant 1 : index
    %get3A_5 = arith.constant 0 : index
    %get3A_6 = arith.constant 0 : index
    %get3A_7 = vector.load %arg0[%get3A_4, %get3A_5, %get3A_6] : memref<2x10112x16xf32, #tpu.memory_space<vmem>>, vector<1x10000x16xf32>
    %get3A_8 = vector.shape_cast %get3A_7 : vector<1x10000x16xf32> to vector<10000x16xf32>
    %add3A = arith.addf %get3A_3, %get3A_8 : vector<10000x16xf32>
    %get3A_9 = arith.constant 0 : index
    %get3A_10 = arith.constant 0 : index
    %get3A_11 = vector.load %arg1[%get3A_9, %get3A_10] : memref<10000x16xf32, #tpu.memory_space<vmem>>, vector<10000x16xf32>
    %get3A_12 = arith.constant 0 : index
    %get3A_13 = arith.constant 0 : index
    %get3A_14 = vector.load %arg2[%get3A_12, %get3A_13] : memref<16x16xf32, #tpu.memory_space<vmem>>, vector<16x16xf32>
    %convert_element_type3A = arith.truncf %get3A_11 : vector<10000x16xf32> to vector<10000x16xbf16>
    %convert_element_type3A_15 = arith.truncf %get3A_14 : vector<16x16xf32> to vector<16x16xbf16>
    %dot_general3A = arith.constant dense<0.000000e+00> : vector<10000x16xf32>
    %dot_general3A_16 = tpu.matmul %convert_element_type3A, %convert_element_type3A_15, %dot_general3A {dimension_numbers = #tpu.dot_dimension_numbers<[1], [0], [0], [1], [0, 0, 1, 1], [], []>, transpose_lhs_hint = false} : vector<10000x16xbf16>, vector<16x16xbf16>, vector<10000x16xf32> -> vector<10000x16xf32>
    %add3A_17 = arith.addf %add3A, %dot_general3A_16 : vector<10000x16xf32>
    %get3A_18 = arith.constant 0 : index
    %get3A_19 = arith.constant 0 : index
    %get3A_20 = vector.load %arg3[%get3A_18, %get3A_19] : memref<1x16xf32, #tpu.memory_space<vmem>>, vector<1x16xf32>
    %add3A_21 = vector.broadcast %get3A_20 : vector<1x16xf32> to vector<10000x16xf32>
    %add3A_22 = arith.addf %add3A_17, %add3A_21 : vector<10000x16xf32>
    %max3A = arith.constant 0.000000e+00 : f32
    %max3A_23 = vector.broadcast %max3A : f32 to vector<10000x16xf32>
    %max3A_24 = arith.maximumf %add3A_22, %max3A_23 : vector<10000x16xf32>
    %convert_element_type3A_25 = arith.truncf %max3A_24 : vector<10000x16xf32> to vector<10000x16xbf16>
    %convert_element_type3A_26 = arith.extf %convert_element_type3A_25 : vector<10000x16xbf16> to vector<10000x16xf32>
    %swap3A = arith.constant 0 : index
    %swap3A_27 = arith.constant 0 : index
    %swap3A_28 = vector.load %arg4[%swap3A, %swap3A_27] : memref<10000x16xf32, #tpu.memory_space<vmem>>, vector<10000x16xf32>
    tpu.vector_store %arg4[%swap3A, %swap3A_27], %convert_element_type3A_26 {strides = array<i32>} : memref<10000x16xf32, #tpu.memory_space<vmem>>, vector<10000x16xf32>,
    return
  }
}

module attributes {stable_mosaic.version = 14 : i64} {
  func.func @_node_body(%arg0: memref<2x10112x16xf32, #tpu.memory_space<vmem>>, %arg1: memref<10000x16xf32, #tpu.memory_space<vmem>>, %arg2: memref<16x16xf32, #tpu.memory_space<vmem>>, %arg3: memref<1x16xf32, #tpu.memory_space<vmem>>, %arg4: memref<10000x16xf32, #tpu.memory_space<vmem>>) attributes {dimension_semantics = [], scalar_prefetch = 0 : i64, scratch_operands = 0 : i64, tpu.core_type = #tpu.core_type<tc>} {
    %get3A = arith.constant 0 : index
    %get3A_0 = arith.constant 0 : index
    %get3A_1 = arith.constant 0 : index
    %get3A_2 = vector.load %arg0[%get3A, %get3A_0, %get3A_1] : memref<2x10112x16xf32, #tpu.memory_space<vmem>>, vector<1x10000x16xf32>
    %get3A_3 = vector.shape_cast %get3A_2 : vector<1x10000x16xf32> to vector<10000x16xf32>
    %get3A_4 = arith.constant 1 : index
    %get3A_5 = arith.constant 0 : index
    %get3A_6 = arith.constant 0 : index
    %get3A_7 = vector.load %arg0[%get3A_4, %get3A_5, %get3A_6] : memref<2x10112x16xf32, #tpu.memory_space<vmem>>, vector<1x10000x16xf32>
    %get3A_8 = vector.shape_cast %get3A_7 : vector<1x10000x16xf32> to vector<10000x16xf32>
    %add3A = arith.addf %get3A_3, %get3A_8 : vector<10000x16xf32>
    %get3A_9 = arith.constant 0 : index
    %get3A_10 = arith.constant 0 : index
    %get3A_11 = vector.load %arg1[%get3A_9, %get3A_10] : memref<10000x16xf32, #tpu.memory_space<vmem>>, vector<10000x16xf32>
    %get3A_12 = arith.constant 0 : index
    %get3A_13 = arith.constant 0 : index
    %get3A_14 = vector.load %arg2[%get3A_12, %get3A_13] : memref<16x16xf32, #tpu.memory_space<vmem>>, vector<16x16xf32>
    %convert_element_type3A = arith.truncf %get3A_11 : vector<10000x16xf32> to vector<10000x16xbf16>
    %convert_element_type3A_15 = arith.truncf %get3A_14 : vector<16x16xf32> to vector<16x16xbf16>
    %dot_general3A = arith.constant dense<0.000000e+00> : vector<10000x16xf32>
    %dot_general3A_16 = tpu.matmul %convert_element_type3A, %convert_element_type3A_15, %dot_general3A {dimension_numbers = #tpu.dot_dimension_numbers<[1], [0], [0], [1], [0, 0, 1, 1], [], []>, transpose_lhs_hint = false} : vector<10000x16xbf16>, vector<16x16xbf16>, vector<10000x16xf32> -> vector<10000x16xf32>
    %add3A_17 = arith.addf %add3A, %dot_general3A_16 : vector<10000x16xf32>
    %get3A_18 = arith.constant 0 : index
    %get3A_19 = arith.constant 0 : index
    %get3A_20 = vector.load %arg3[%get3A_18, %get3A_19] : memref<1x16xf32, #tpu.memory_space<vmem>>, vector<1x16xf32>
    %add3A_21 = vector.broadcast %get3A_20 : vector<1x16xf32> to vector<10000x16xf32>
    %add3A_22 = arith.addf %add3A_17, %add3A_21 : vector<10000x16xf32>
    %max3A = arith.constant 0.000000e+00 : f32
    %max3A_23 = vector.broadcast %max3A : f32 to vector<10000x16xf32>
    %max3A_24 = arith.maximumf %add3A_22, %max3A_23 : vector<10000x16xf32>
    %swap3A = arith.constant 0 : index
    %swap3A_25 = arith.constant 0 : index
    %swap3A_26 = vector.load %arg4[%swap3A, %swap3A_25] : memref<10000x16xf32, #tpu.memory_space<vmem>>, vector<10000x16xf32>
    tpu.vector_store %arg4[%swap3A, %swap3A_25], %max3A_24 {strides = array<i32>} : memref<10000x16xf32, #tpu.memory_space<vmem>>, vector<10000x16xf32>,
    return
  }
}

module attributes {stable_mosaic.version = 14 : i64} {
  func.func @_final_body(%arg0: memref<10000x16xf32, #tpu.memory_space<vmem>>, %arg1: memref<1x10000xi32, #tpu.memory_space<vmem>>, %arg2: memref<16x64xf32, #tpu.memory_space<vmem>>, %arg3: memref<1x64xf32, #tpu.memory_space<vmem>>, %arg4: memref<64x32xf32, #tpu.memory_space<vmem>>, %arg5: memref<1x32xf32, #tpu.memory_space<vmem>>, %arg6: memref<32x16xf32, #tpu.memory_space<vmem>>, %arg7: memref<1x16xf32, #tpu.memory_space<vmem>>, %arg8: memref<16x8xf32, #tpu.memory_space<vmem>>, %arg9: memref<1x8xf32, #tpu.memory_space<vmem>>, %arg10: memref<64x8xf32, #tpu.memory_space<vmem>>) attributes {dimension_semantics = [], scalar_prefetch = 0 : i64, scratch_operands = 0 : i64, tpu.core_type = #tpu.core_type<tc>} {
    %iota3A = tpu.iota {dimensions = array<i32: 0>} : vector<64x10000xi32>
    %get3A = arith.constant 0 : index
    %get3A_0 = arith.constant 0 : index
    %get3A_1 = vector.load %arg1[%get3A, %get3A_0] : memref<1x10000xi32, #tpu.memory_space<vmem>>, vector<1x10000xi32>
    %get3A_2 = vector.shape_cast %get3A_1 : vector<1x10000xi32> to vector<10000xi32>
    %broadcast_in_dim3A = vector.shape_cast %get3A_2 : vector<10000xi32> to vector<1x10000xi32>
    %eq3A = vector.broadcast %broadcast_in_dim3A : vector<1x10000xi32> to vector<64x10000xi32>
    %eq3A_3 = arith.cmpi eq, %iota3A, %eq3A : vector<64x10000xi32>
    %convert_element_type3A = arith.extui %eq3A_3 : vector<64x10000xi1> to vector<64x10000xi32>
    %convert_element_type3A_4 = arith.sitofp %convert_element_type3A : vector<64x10000xi32> to vector<64x10000xf32>
    %get3A_5 = arith.constant 0 : index
    %get3A_6 = arith.constant 0 : index
    %get3A_7 = vector.load %arg0[%get3A_5, %get3A_6] : memref<10000x16xf32, #tpu.memory_space<vmem>>, vector<10000x16xf32>
    %dot_general3A = arith.constant dense<0.000000e+00> : vector<64x16xf32>
    %dot_general3A_8 = tpu.matmul %convert_element_type3A_4, %get3A_7, %dot_general3A {dimension_numbers = #tpu.dot_dimension_numbers<[1], [0], [0], [1], [0, 0, 1, 1], [], []>, precision = #tpu.contract_precision<fp32>, transpose_lhs_hint = false} : vector<64x10000xf32>, vector<10000x16xf32>, vector<64x16xf32> -> vector<64x16xf32>
    %get3A_9 = arith.constant 0 : index
    %get3A_10 = arith.constant 0 : index
    %get3A_11 = vector.load %arg2[%get3A_9, %get3A_10] : memref<16x64xf32, #tpu.memory_space<vmem>>, vector<16x64xf32>
    %convert_element_type3A_12 = arith.truncf %dot_general3A_8 : vector<64x16xf32> to vector<64x16xbf16>
    %convert_element_type3A_13 = arith.truncf %get3A_11 : vector<16x64xf32> to vector<16x64xbf16>
    %dot_general3A_14 = arith.constant dense<0.000000e+00> : vector<64x64xf32>
    %dot_general3A_15 = tpu.matmul %convert_element_type3A_12, %convert_element_type3A_13, %dot_general3A_14 {dimension_numbers = #tpu.dot_dimension_numbers<[1], [0], [0], [1], [0, 0, 1, 1], [], []>, transpose_lhs_hint = false} : vector<64x16xbf16>, vector<16x64xbf16>, vector<64x64xf32> -> vector<64x64xf32>
    %get3A_16 = arith.constant 0 : index
    %get3A_17 = arith.constant 0 : index
    %get3A_18 = vector.load %arg3[%get3A_16, %get3A_17] : memref<1x64xf32, #tpu.memory_space<vmem>>, vector<1x64xf32>
    %add3A = vector.broadcast %get3A_18 : vector<1x64xf32> to vector<64x64xf32>
    %add3A_19 = arith.addf %dot_general3A_15, %add3A : vector<64x64xf32>
    %max3A = arith.constant 0.000000e+00 : f32
    %max3A_20 = vector.broadcast %max3A : f32 to vector<64x64xf32>
    %max3A_21 = arith.maximumf %add3A_19, %max3A_20 : vector<64x64xf32>
    %get3A_22 = arith.constant 0 : index
    %get3A_23 = arith.constant 0 : index
    %get3A_24 = vector.load %arg4[%get3A_22, %get3A_23] : memref<64x32xf32, #tpu.memory_space<vmem>>, vector<64x32xf32>
    %convert_element_type3A_25 = arith.truncf %max3A_21 : vector<64x64xf32> to vector<64x64xbf16>
    %convert_element_type3A_26 = arith.truncf %get3A_24 : vector<64x32xf32> to vector<64x32xbf16>
    %dot_general3A_27 = arith.constant dense<0.000000e+00> : vector<64x32xf32>
    %dot_general3A_28 = tpu.matmul %convert_element_type3A_25, %convert_element_type3A_26, %dot_general3A_27 {dimension_numbers = #tpu.dot_dimension_numbers<[1], [0], [0], [1], [0, 0, 1, 1], [], []>, transpose_lhs_hint = false} : vector<64x64xbf16>, vector<64x32xbf16>, vector<64x32xf32> -> vector<64x32xf32>
    %get3A_29 = arith.constant 0 : index
    %get3A_30 = arith.constant 0 : index
    %get3A_31 = vector.load %arg5[%get3A_29, %get3A_30] : memref<1x32xf32, #tpu.memory_space<vmem>>, vector<1x32xf32>
    %add3A_32 = vector.broadcast %get3A_31 : vector<1x32xf32> to vector<64x32xf32>
    %add3A_33 = arith.addf %dot_general3A_28, %add3A_32 : vector<64x32xf32>
    %max3A_34 = arith.constant 0.000000e+00 : f32
    %max3A_35 = vector.broadcast %max3A_34 : f32 to vector<64x32xf32>
    %max3A_36 = arith.maximumf %add3A_33, %max3A_35 : vector<64x32xf32>
    %get3A_37 = arith.constant 0 : index
    %get3A_38 = arith.constant 0 : index
    %get3A_39 = vector.load %arg6[%get3A_37, %get3A_38] : memref<32x16xf32, #tpu.memory_space<vmem>>, vector<32x16xf32>
    %convert_element_type3A_40 = arith.truncf %max3A_36 : vector<64x32xf32> to vector<64x32xbf16>
    %convert_element_type3A_41 = arith.truncf %get3A_39 : vector<32x16xf32> to vector<32x16xbf16>
    %dot_general3A_42 = arith.constant dense<0.000000e+00> : vector<64x16xf32>
    %dot_general3A_43 = tpu.matmul %convert_element_type3A_40, %convert_element_type3A_41, %dot_general3A_42 {dimension_numbers = #tpu.dot_dimension_numbers<[1], [0], [0], [1], [0, 0, 1, 1], [], []>, transpose_lhs_hint = false} : vector<64x32xbf16>, vector<32x16xbf16>, vector<64x16xf32> -> vector<64x16xf32>
    %get3A_44 = arith.constant 0 : index
    %get3A_45 = arith.constant 0 : index
    %get3A_46 = vector.load %arg7[%get3A_44, %get3A_45] : memref<1x16xf32, #tpu.memory_space<vmem>>, vector<1x16xf32>
    %add3A_47 = vector.broadcast %get3A_46 : vector<1x16xf32> to vector<64x16xf32>
    %add3A_48 = arith.addf %dot_general3A_43, %add3A_47 : vector<64x16xf32>
    %max3A_49 = arith.constant 0.000000e+00 : f32
    %max3A_50 = vector.broadcast %max3A_49 : f32 to vector<64x16xf32>
    %max3A_51 = arith.maximumf %add3A_48, %max3A_50 : vector<64x16xf32>
    %get3A_52 = arith.constant 0 : index
    %get3A_53 = arith.constant 0 : index
    %get3A_54 = vector.load %arg8[%get3A_52, %get3A_53] : memref<16x8xf32, #tpu.memory_space<vmem>>, vector<16x8xf32>
    %convert_element_type3A_55 = arith.truncf %max3A_51 : vector<64x16xf32> to vector<64x16xbf16>
    %convert_element_type3A_56 = arith.truncf %get3A_54 : vector<16x8xf32> to vector<16x8xbf16>
    %dot_general3A_57 = arith.constant dense<0.000000e+00> : vector<64x8xf32>
    %dot_general3A_58 = tpu.matmul %convert_element_type3A_55, %convert_element_type3A_56, %dot_general3A_57 {dimension_numbers = #tpu.dot_dimension_numbers<[1], [0], [0], [1], [0, 0, 1, 1], [], []>, transpose_lhs_hint = false} : vector<64x16xbf16>, vector<16x8xbf16>, vector<64x8xf32> -> vector<64x8xf32>
    %get3A_59 = arith.constant 0 : index
    %get3A_60 = arith.constant 0 : index
    %get3A_61 = vector.load %arg9[%get3A_59, %get3A_60] : memref<1x8xf32, #tpu.memory_space<vmem>>, vector<1x8xf32>
    %add3A_62 = vector.broadcast %get3A_61 : vector<1x8xf32> to vector<64x8xf32>
    %add3A_63 = arith.addf %dot_general3A_58, %add3A_62 : vector<64x8xf32>
    %swap3A = arith.constant 0 : index
    %swap3A_64 = arith.constant 0 : index
    %swap3A_65 = vector.load %arg10[%swap3A, %swap3A_64] : memref<64x8xf32, #tpu.memory_space<vmem>>, vector<64x8xf32>
    tpu.vector_store %arg10[%swap3A, %swap3A_64], %add3A_63 {strides = array<i32>} : memref<64x8xf32, #tpu.memory_space<vmem>>, vector<64x8xf32>,
    return
  }
}

</mosaic_0001>

<sc_bundles>
// kernel: kernel.15.cloned.1.call-start
scs
__scs_entry_jumppad:
0x0: {  	(pc) =	sbr.rel $0x88, $3  }
0x1: {  	(tag) =	ssettag $0x0;
	lr =	simm.s32 $0x1  }
0x2: {  	[smem:$0x3F89] =	sst lr;
	_ =	strace $0xD0000000  }
0x3: {  	_ = 	snop  }
0x4: {  	_ = 	snop  }
0x5: {  	_ = 	snop  }
0x6: {  	_ = 	snop  }
0x7: {  	_ = 	snop  }
__scs_overlays_trampoline_lowered:
0x8: {  	[smem:$0x3F98] =	sst s0  }
0x9: {  	[smem:$0x3F99] =	sst s1  }
0xa: {  	[smem:$0x3F9A] =	sst s2  }
0xb: {  	[smem:$0x3F9B] =	sst s3  }
0xc: {  	[smem:$0x3F9C] =	sst s4  }
0xd: {  	[smem:$0x3F9D] =	sst s5  }
0xe: {  	[smem:$0x3F9E] =	sst s6  }
0xf: {  	[smem:$0x3F9F] =	sst s7  }
0x10: {  	[smem:$0x3FA0] =	sst s8  }
0x11: {  	[smem:$0x3FA1] =	sst s9;
	s0 =	simm.s32 @!p0 $0x0  }
0x12: {  	s1 =	sld [smem:$0x3F87];
	s0 =	simm.s32 @p0 $0x1  }
0x13: {  	[smem:$0x3FA2] =	sst s0;
	s0 =	simm.s32 @!p1 $0x0  }
0x14: {  	s2 =	sld [smem:$0x3F86];
	s0 =	simm.s32 @p1 $0x1  }
0x15: {  	[smem:$0x3FA3] =	sst s0;
	s0 =	simm.s32 @!p2 $0x0  }
0x16: {  	s3 =	sld [smem:$0x3FDB];
	s0 =	simm.s32 @p2 $0x1  }
0x17: {  	s4 =	simm.s32 $0x1BF5;
	[smem:$0x3FA5] =	sst s0  }
0x18: {  	s0 =	sld [smem:$0x3F88];
	_ =	swait.ge [sflag:s4], $0x0  }
0x19: {  	s7 =	sld [smem:$0x3F89]  }
0x1a: {  	s8 =	sadd.s32 $0xFFFFE003, lr  }
0x1b: {  	s9 =	sadd.s32 $0xFFFFFEF7, lr;
	s5 =	simm.s32 $0xFFFFFFFF;
	p2 =	slt.u32 s8, $0xFFFFF086  }
0x1c: {  	p1 =	slt.u32 s9, $0xF7A;
	s5 =	simm.s32 @!p2 $0x0  }
0x1d: {  	s5 =	simm.s32 @p1 $0x1;
	p0 =	seq.s32 s7, s2  }
0x1e: {  	s7 =	smul.u32 @!p0 $0xF7A, s2;
	p2 =	seq.s32 @!p0 s5, $0x0  }
0x1f: {  	s9 =	smul.u32 $0xF7A, s1;
	s8 =	simm.s32 @!p0 $0x1BF5;
	p2 =	por !p2, p0  }
0x20: {  	[sflag:s8] =	ssyncset.s32 @!p0 $0xFFFFF086;
	s6 =	sadd.s32 @!p0 s3, s7;
	s7 =	simm.s32 @!p0 $0x108  }
0x21: {  	s3 =	sadd.s32 s3, s9;
	s6 =	sadd.s32 @!p0 $0x88, s6;
	s7 =	simm.s32 @p2 $0x1082  }
0x22: {  	[simem:s7], [sflag:s8] =	dma.local @!p0 [hbm:s6], $0xF7A  }
0x23: {  	s9 =	sor.u32 $0xD0000000, s2;
	s6 =	simm.s32 $0x108;
	_ =	swait.ge @!p0 [sflag:s8], $0x0  }
0x24: {  	s3 =	sadd.s32 $0x88, s3;
	s6 =	simm.s32 @!p1 $0x1082;
	[sflag:s4] =	ssyncset.s32 $0xFFFFF086  }
0x25: {  	[simem:s6], [sflag:s4] =	dma.local [hbm:s3], $0xF7A  }
0x26: {  	[smem:$0x3F89] =	sst s1;
	(tag) =	ssettag s2;
	_ =	strace s9  }
0x27: {  	s1 =	sld [smem:$0x3F99]  }
0x28: {  	s2 =	sld [smem:$0x3F9A]  }
0x29: {  	s4 =	sld [smem:$0x3F9C]  }
0x2a: {  	p0 =	seq.s32 s5, $0x0;
	s5 =	sld [smem:$0x3F9D]  }
0x2b: {  	s6 =	sld [smem:$0x3F9E]  }
0x2c: {  	s7 =	sld [smem:$0x3F9F]  }
0x2d: {  	s3 =	simm.s32 $0x108;
	s8 =	sld [smem:$0x3FA0]  }
0x2e: {  	s3 =	simm.s32 @!p0 $0x1082;
	s9 =	sld [smem:$0x3FA1]  }
0x2f: {  	lr =	sadd.s32 s0, s3;
	s0 =	sld [smem:$0x3F98]  }
0x30: {  	s3 =	sld [smem:$0x3F9B]  }
0x31: {  	[smem:$0x3FA4] =	sst s10  }
0x32: {  	s10 =	sld [smem:$0x3FA2];
	_ =	sdelay $0x3  }
0x33: {  	p0 =	seq.s32 s10, $0x1;
	s10 =	sld [smem:$0x3FA4];
	_ =	sdelay $0x3  }
0x34: {  	[smem:$0x3FA4] =	sst s10  }
0x35: {  	s10 =	sld [smem:$0x3FA3];
	_ =	sdelay $0x3  }
0x36: {  	p1 =	seq.s32 s10, $0x1;
	s10 =	sld [smem:$0x3FA4];
	_ =	sdelay $0x3  }
0x37: {  	[smem:$0x3FA4] =	sst s10  }
0x38: {  	s10 =	sld [smem:$0x3FA5]  }
0x39: {  	_ = 	snop;
	(pc) =	sbr.ind lr, $3  }
0x3a: {  	_ = 	snop  }
0x3b: {  	_ = 	snop  }
0x3c: {  	p2 =	seq.s32 s10, $0x1;
	s10 =	sld [smem:$0x3FA4]  }
0x3d: {  	_ =	shalt  }
0x3e: {  	_ =	shalt  }
0x3f: {  	_ =	shalt  }
0x40: {  	_ =	shalt  }
0x41: {  	_ =	shalt  }
0x42: {  	_ =	shalt  }
0x43: {  	_ =	shalt  }
0x44: {  	_ =	shalt  }
0x45: {  	_ =	shalt  }
0x46: {  	_ =	shalt  }
0x47: {  	_ =	shalt  }
0x48: {  	_ =	shalt  }
0x49: {  	_ =	shalt  }
0x4a: {  	_ =	shalt  }
0x4b: {  	_ =	shalt  }
0x4c: {  	_ =	shalt  }
0x4d: {  	_ =	shalt  }
0x4e: {  	_ =	shalt  }
0x4f: {  	_ =	shalt  }
0x50: {  	_ =	shalt  }
0x51: {  	_ =	shalt  }
0x52: {  	_ =	shalt  }
0x53: {  	_ =	shalt  }
0x54: {  	_ =	shalt  }
0x55: {  	_ =	shalt  }
0x56: {  	_ =	shalt  }
0x57: {  	_ =	shalt  }
0x58: {  	_ =	shalt  }
0x59: {  	_ =	shalt  }
0x5a: {  	_ =	shalt  }
0x5b: {  	_ =	shalt  }
0x5c: {  	_ =	shalt  }
0x5d: {  	_ =	shalt  }
0x5e: {  	_ =	shalt  }
0x5f: {  	_ =	shalt  }
0x60: {  	_ =	shalt  }
0x61: {  	_ =	shalt  }
0x62: {  	_ =	shalt  }
0x63: {  	_ =	shalt  }
0x64: {  	_ =	shalt  }
0x65: {  	_ =	shalt  }
0x66: {  	_ =	shalt  }
0x67: {  	_ =	shalt  }
0x68: {  	_ =	shalt  }
0x69: {  	_ =	shalt  }
0x6a: {  	_ =	shalt  }
0x6b: {  	_ =	shalt  }
0x6c: {  	_ =	shalt  }
0x6d: {  	_ =	shalt  }
0x6e: {  	_ =	shalt  }
0x6f: {  	_ =	shalt  }
0x70: {  	_ =	shalt  }
0x71: {  	_ =	shalt  }
0x72: {  	_ =	shalt  }
0x73: {  	_ =	shalt  }
0x74: {  	_ =	shalt  }
0x75: {  	_ =	shalt  }
0x76: {  	_ =	shalt  }
0x77: {  	_ =	shalt  }
0x78: {  	_ =	shalt  }
0x79: {  	_ =	shalt  }
0x7a: {  	_ =	shalt  }
0x7b: {  	_ =	shalt  }
0x7c: {  	_ =	shalt  }
0x7d: {  	_ =	shalt  }
0x7e: {  	_ =	shalt  }
0x7f: {  	_ =	shalt  }
0x80: {  	_ =	shalt  }
0x81: {  	_ =	shalt  }
0x82: {  	_ =	shalt  }
0x83: {  	_ =	shalt  }
0x84: {  	_ =	shalt  }
0x85: {  	_ =	shalt  }
0x86: {  	_ =	shalt  }
0x87: {  	_ =	shalt  }
.Lfunc_end0:
.L_simem_size_0:
called_computation_lowered:
.L_overlay_start_0:
0x88: {  	s2 =	sld [smem:$0x3FD9]  }
0x89: {  	s3 =	sld [smem:$0x3FFE];
	_ =	sdelay $0x1  }
0x8a: {  	s1 =	srdreg.scid  }
0x8b: {  	s0 =	sand.u32 $0x1, s1  }
0x8c: {  	s17 =	sshll.u32 s0, $0xA;
	s2 =	sadd.s32 s3, s2  }
0x8d: {  	s2 =	sadd.s32 s2, s17  }
0x8e: {  	[smem:$0x3FB0] =	sst s2  }
0x8f: {  	_ = 	snop  }
0x90: {  	s2 =	sld [smem:$0x3FC9];
	(tm) =	ssettm $0x1  }
0x91: {  	s18 =	sld [smem:$0x3FFB];
	_ =	sdelay $0x3  }
0x92: {  	_ =	strace s18  }
0x93: {  	s3 =	sld [smem:$0x3FFC];
	_ =	sdelay $0x3  }
0x94: {  	_ =	strace s3  }
0x95: {  	s3 =	sld [smem:$0x3FFD];
	_ =	sdelay $0x3  }
0x96: {  	_ =	strace s3  }
0x97: {  	_ =	strace $0x8FFFFFFF  }
0x98: {  	s19 =	sld [smem:$0x3FDB];
	_ =	sdelay $0x1  }
0x99: {  	s4 =	simm.s32 $_scs_section_size  }
0x9a: {  	s5 =	simm.s32 $_size__tile_overlayer_lowered;
	s6 =	simm.s32 $_tile_overlayer_lowered  }
0x9b: {  	s22 =	simm.s32 $0x1BFF;
	s21 =	sshll.u32 s6, $0x1;
	s3 =	sadd.s32 s4, s19  }
0x9c: {  	s7 =	simm.s32 $0x0;
	s20 =	sshll.u32 s5, $0x1;
	s5 =	sadd.s32 s21, s3  }
0x9d: {  	[timem:s7], [sflag:s22] =	dma.local [hbm:s5], s20  }
0x9e: {  	_ =	swait.ge [sflag:s22], s20  }
0x9f: {  	s4 =	ssub.s32 $0x0, s20;
	[sflag:s22] =	ssyncset.done $0x0  }
0xa0: {  	[sflag:s22] =	ssyncadd.s32 s4;
	_ =	sdelay $0x1  }
0xa1: {  	s23 =	simm.s32 $0x1B8B  }
0xa2: {  	_ =	swait.ge [sflag:s23], $0x1  }
0xa3: {  	[sflag:s23] =	ssyncset.done $0x0  }
0xa4: {  	s25 =	simm.s32 $0x1B8E;
	s24 =	sld [smem:$0x3FFE];
	[sflag:s23] =	ssyncadd.s32 $0xFFFFFFFF  }
0xa5: {  	s26 =	simm.s32 $execute0_lowered;
	[smem:$0x3FD2] =	sst s25  }
0xa6: {  	s5 =	sshll.u32 s26, $0x1;
	_ =	strace $0x80000046;
	[dreg:$0x1] =	wrdreg $0xFFFFFFFF  }
0xa7: {  	s28 =	simm.s32 $_size_execute0_lowered;
	s3 =	sadd.s32 s3, s5;
	[dreg:$0x0] =	wrdreg $0x0  }
0xa8: {  	s5 =	sshll.u32 s28, $0x1;
	[dreg:$0x2] =	wrdreg s3  }
0xa9: {  	[dreg:$0x3] =	wrdreg s5  }
0xaa: {  	[dreg:$0x4] =	wrdreg $0xC0  }
0xab: {  	_ =	task [dreg:s7], $0x5FFFF  }
0xac: {  	[dreg:$0x1] =	wrdreg $0xFFFFFFFF  }
0xad: {  	[dreg:$0x0] =	wrdreg $0x60  }
0xae: {  	[dreg:$0x2] =	wrdreg s2  }
0xaf: {  	[dreg:$0x3] =	wrdreg s24  }
0xb0: {  	[dreg:$0x4] =	wrdreg $0x9  }
0xb1: {  	_ =	task.clear_ibuf [dreg:s7], $0x5FFFF;
	_ =	strace $0x90000046  }
0xb2: {  	s29 =	simm.s32 $0x9;
	_ =	strace $0x80000048  }
0xb3: {  	_ =	swait.ge [sflag:s29], $0x1  }
0xb4: {  	[sflag:s29] =	ssyncadd.s32 $0xFFFFFFFF  }
0xb5: {  	_ =	strace $0x90000048  }
0xb6: {  	_ =	sfence  }
0xb7: {  	s30 =	sld [smem:$0x0];
	_ =	sdelay $0x2  }
0xb8: {  	s31 =	sshll.u32 s1, $0xD;
	s1 =	sshrl.u32 s1, $0x2  }
0xb9: {  	s3 =	sand.u32 $0x4000, s31;
	s1 =	sadd.s32 s1, s30  }
0xba: {  	s0 =	sor.u32 s3, s0;
	s1 =	sshll.u32 s1, $0x11  }
0xbb: {  	s0 =	sor.u32 s1, s0  }
0xbc: {  	s0 =	sadd.s32 $0x8F2B, s0  }
0xbd: {  	[sflag:s0] =	ssyncadd.remote.s32 $0x1  }
0xbe: {  	_ =	sfence.sel $0xFFFF  }
0xbf: {  	[dreg:$0x0] =	wrdreg $0xFFFFFFFF;
	(pc) =	sbr.abs _section_cstart, $3  }
0xc0: {  	[dreg:$0x1] =	wrdreg $0xFFFFFFFF  }
0xc1: {  	_ =	task.clear_ibuf [dreg:s7], $0x2FFFF;
	_ =	strace $0x9FFFFFFF  }
0xc2: {  	(tm) =	ssettm $0x7FFFFFFF  }
0xc3: {  	_ =	shalt  }
tec
execute0_lowered:
.L_overlay_start_1:
0x0: {  	(tag) =	ssettag $0x1  }
0x1: {  	s0 =	srdreg.scid;
	s2 =	rddreg [dreg:$0x0]  }
0x2: {  	s1 =	rddreg [dreg:$0x1];
	s11 =	stileid.u32;
	s3 =	simm.s32 $0x0  }
0x3: {  	s13 =	simm.s32 $0x9;
	s14 =	simm.s32 $0x80;
	s15 =	simm.s32 $0x1400  }
0x4: {  	s16 =	simm.s32 $0x5400;
	s18 =	simm.s32 $0x9400;
	s20 =	simm.s32 $0xD400  }
0x5: {  	s21 =	simm.s32 $0x1;
	s22 =	simm.s32 $0x2;
	s23 =	simm.s32 $0x3  }
0x6: {  	s24 =	simm.s32 $0x4;
	s28 =	simm.s32 $0x7;
	s9 =	smul.u32 $0x28, s11  }
0x7: {  	s29 =	simm.s32 $0x8;
	s0 =	sand.u32 $0x1, s0;
	s12 =	smul.u32 $0x14000, s11  }
0x8: {  	[smem:$0x7FF] =	sst s3;
	s4 =	sshll.u32 s0, $0x4;
	s7 =	smul.u32 $0x280, s0  }
0x9: {  	s26 =	ssub.s32 $0x2, s0;
	s0 =	smul.u32 $0x140000, s0;
	s4 =	sor.u32 s11, s4  }
0xa: {  	s30 =	simm.s32 $0x0;
	_ =	strace $0x80000047;
	s5 =	smul.u32 $0x280, s4  }
0xb: {  	s8 =	sshrl.u32 s26, $0x1;
	s6 =	smul.u32 $0x14000, s4;
	s31 =	sadd.s32 s9, s7  }
0xc: {  	s9 =	sshll.u32 s31, $0xB;
	s25 =	sadd.s32 s5, s1;
	s1 =	sadd.s32 $0xAA00, s1  }
0xd: {  	s5 =	ssub.s32 s26, s8;
	s26 =	simm.s32 $0x6;
	s4 =	sadd.s32 $0x5A00, s25  }
0xe: {  	s10 =	sadd.s32 s1, s6;
	s5 =	smax.u32 s5, $0x1;
	s9 =	sadd.s32 s9, s1  }
0xf: {  	s0 =	sadd.s32 s0, s1;
	s25 =	simm.s32 $0x5;
	[dreg:$0x3] =	wrdreg s4  }
0x10: {  	s6 =	sadd.s32 $0x12000, s10;
	s7 =	sadd.s32 $0x12800, s10;
	s8 =	sadd.s32 $0x13000, s10  }
0x11: {  	s10 =	sadd.s32 $0x13800, s10;
	s11 =	sadd.s32 $0x1000, s9;
	s12 =	sadd.s32 s12, s0  }
.LBB2_1:
0x12: {  	s0 =	rddreg [dreg:$0x3]  }
0x13: {  	[tilespmem:s3], [sflag:$0x9] =	stream.linear.gather [hbm4b:s0+s3], $0x1400, $0x38;
	[tilespmem:$0x11400] =	vst v63  }
0x14: {  	_ =	swait.ge [sflag:s13], $0x1400  }
0x15: {  	[sflag:s13] =	ssyncset.done $0x0  }
0x16: {  	[sflag:s13] =	ssyncadd.s32 $0xFFFFEC00  }
0x17: {  	[tilespmem:s15], [sflag:$0x1] =	stream.indirect.gather [hbm4b:s2+s14], $0x80, s3, s14, $0xb8;
	[tilespmem:$0x11400] =	vst v63  }
0x18: {  	_ = 	snop  }
0x19: {  	[tilespmem:s16], [sflag:$0x2] =	stream.indirect.gather [hbm4b:s2+s14], $0x80, s14, s14, $0xb8;
	[tilespmem:$0x11400] =	vst v63  }
0x1a: {  	s19 =	simm.s32 $0x100  }
0x1b: {  	[tilespmem:s18], [sflag:$0x3] =	stream.indirect.gather [hbm4b:s2+s14], $0x80, s19, s14, $0xb8;
	[tilespmem:$0x11400] =	vst v63  }
0x1c: {  	s1 =	simm.s32 $0x180  }
0x1d: {  	[tilespmem:s20], [sflag:$0x4] =	stream.indirect.gather [hbm4b:s2+s14], $0x80, s1, s14, $0xb8;
	[tilespmem:$0x11400] =	vst v63  }
0x1e: {  	_ =	swait.ge [sflag:s21], $0x4000  }
0x1f: {  	[sflag:s21] =	ssyncset.done $0x0  }
0x20: {  	s4 =	sadd.s32 $0x0, s12;
	[sflag:s21] =	ssyncadd.s32 $0xFFFFC000  }
0x21: {  	[hbm4b:s4+s3] =	stream.linear.scatter [tilespmem:s15], [sflag:$0x5], $0x4000, $0x38;
	[tilespmem:$0x11400] =	vst v63  }
0x22: {  	_ =	swait.ge [sflag:s22], $0x4000  }
0x23: {  	s17 =	sadd.s32 $0x0, s9;
	[sflag:s22] =	ssyncset.done $0x0  }
0x24: {  	s1 =	sadd.s32 $0x800, s17;
	[sflag:s22] =	ssyncadd.s32 $0xFFFFC000  }
0x25: {  	[hbm4b:s1+s3] =	stream.linear.scatter [tilespmem:s16], [sflag:$0x6], $0x4000, $0x38;
	[tilespmem:$0x11400] =	vst v63  }
0x26: {  	_ =	swait.ge [sflag:s23], $0x4000  }
0x27: {  	[sflag:s23] =	ssyncset.done $0x0  }
0x28: {  	s19 =	sadd.s32 $0x0, s11;
	[sflag:s23] =	ssyncadd.s32 $0xFFFFC000  }
0x29: {  	[hbm4b:s19+s3] =	stream.linear.scatter [tilespmem:s18], [sflag:$0x7], $0x4000, $0x38;
	[tilespmem:$0x11400] =	vst v63  }
0x2a: {  	_ =	swait.ge [sflag:s24], $0x4000  }
0x2b: {  	[sflag:s24] =	ssyncset.done $0x0  }
0x2c: {  	s0 =	sadd.s32 $0x1800, s17;
	[sflag:s24] =	ssyncadd.s32 $0xFFFFC000  }
0x2d: {  	[hbm4b:s0+s3] =	stream.linear.scatter [tilespmem:s20], [sflag:$0x8], $0x4000, $0x38;
	[tilespmem:$0x11400] =	vst v63  }
0x2e: {  	_ =	swait.ge [sflag:s25], $0x4000  }
0x2f: {  	[sflag:s25] =	ssyncset.done $0x0  }
0x30: {  	s4 =	simm.s32 $0x200;
	[sflag:s25] =	ssyncadd.s32 $0xFFFFC000  }
0x31: {  	[tilespmem:s15], [sflag:$0x1] =	stream.indirect.gather [hbm4b:s2+s14], $0x80, s4, s14, $0xb8;
	[tilespmem:$0x11400] =	vst v63  }
0x32: {  	_ =	swait.ge [sflag:s26], $0x4000  }
0x33: {  	[sflag:s26] =	ssyncset.done $0x0  }
0x34: {  	s17 =	simm.s32 $0x280;
	[sflag:s26] =	ssyncadd.s32 $0xFFFFC000  }
0x35: {  	[tilespmem:s16], [sflag:$0x2] =	stream.indirect.gather [hbm4b:s2+s14], $0x80, s17, s14, $0xb8;
	[tilespmem:$0x11400] =	vst v63  }
0x36: {  	_ =	swait.ge [sflag:s28], $0x4000  }
0x37: {  	[sflag:s28] =	ssyncset.done $0x0  }
0x38: {  	s19 =	simm.s32 $0x300;
	[sflag:s28] =	ssyncadd.s32 $0xFFFFC000  }
0x39: {  	[tilespmem:s18], [sflag:$0x3] =	stream.indirect.gather [hbm4b:s2+s14], $0x80, s19, s14, $0xb8;
	[tilespmem:$0x11400] =	vst v63  }
0x3a: {  	_ =	swait.ge [sflag:s29], $0x4000  }
0x3b: {  	s31 =	simm.s32 $0x380;
	[sflag:s29] =	ssyncset.done $0x0  }
0x3c: {  	s1 =	simm.s32 $0x580;
	s0 =	simm.s32 $0x2000;
	[sflag:s29] =	ssyncadd.s32 $0xFFFFC000  }
.LBB2_2:
0x3d: {  	[tilespmem:s20], [sflag:$0x4] =	stream.indirect.gather [hbm4b:s2+s14], $0x80, s31, s14, $0xb8;
	[tilespmem:$0x11400] =	vst v63  }
0x3e: {  	s17 =	smov.u32 s0;
	s31 =	smov.u32 s1  }
0x3f: {  	p0 =	sne.s32 s0, $0x10000;
	s0 =	sadd.s32 $0x2000, s0;
	_ =	swait.ge [sflag:s21], $0x4000  }
0x40: {  	[sflag:s21] =	ssyncset.done $0x0  }
0x41: {  	s19 =	sadd.s32 s17, s12;
	[sflag:s21] =	ssyncadd.s32 $0xFFFFC000  }
0x42: {  	[hbm4b:s19+s3] =	stream.linear.scatter [tilespmem:s15], [sflag:$0x5], $0x4000, $0x38;
	[tilespmem:$0x11400] =	vst v63  }
0x43: {  	_ =	swait.ge [sflag:s22], $0x4000  }
0x44: {  	s19 =	sadd.s32 s17, s9;
	[sflag:s22] =	ssyncset.done $0x0  }
0x45: {  	s4 =	sadd.s32 $0x800, s19;
	[sflag:s22] =	ssyncadd.s32 $0xFFFFC000  }
0x46: {  	[hbm4b:s4+s3] =	stream.linear.scatter [tilespmem:s16], [sflag:$0x6], $0x4000, $0x38;
	[tilespmem:$0x11400] =	vst v63  }
0x47: {  	_ =	swait.ge [sflag:s23], $0x4000  }
0x48: {  	[sflag:s23] =	ssyncset.done $0x0  }
0x49: {  	s4 =	sadd.s32 s17, s11;
	[sflag:s23] =	ssyncadd.s32 $0xFFFFC000  }
0x4a: {  	[hbm4b:s4+s3] =	stream.linear.scatter [tilespmem:s18], [sflag:$0x7], $0x4000, $0x38;
	[tilespmem:$0x11400] =	vst v63  }
0x4b: {  	_ =	swait.ge [sflag:s24], $0x4000  }
0x4c: {  	[sflag:s24] =	ssyncset.done $0x0  }
0x4d: {  	s4 =	sadd.s32 $0x1800, s19;
	[sflag:s24] =	ssyncadd.s32 $0xFFFFC000  }
0x4e: {  	[hbm4b:s4+s3] =	stream.linear.scatter [tilespmem:s20], [sflag:$0x8], $0x4000, $0x38;
	[tilespmem:$0x11400] =	vst v63  }
0x4f: {  	_ =	swait.ge [sflag:s25], $0x4000  }
0x50: {  	[sflag:s25] =	ssyncset.done $0x0  }
0x51: {  	s4 =	sadd.s32 $0xFFFFFE80, s1;
	[sflag:s25] =	ssyncadd.s32 $0xFFFFC000  }
0x52: {  	[tilespmem:s15], [sflag:$0x1] =	stream.indirect.gather [hbm4b:s2+s14], $0x80, s4, s14, $0xb8;
	[tilespmem:$0x11400] =	vst v63  }
0x53: {  	_ =	swait.ge [sflag:s26], $0x4000  }
0x54: {  	[sflag:s26] =	ssyncset.done $0x0  }
0x55: {  	s4 =	sadd.s32 $0xFFFFFF00, s1;
	[sflag:s26] =	ssyncadd.s32 $0xFFFFC000  }
0x56: {  	[tilespmem:s16], [sflag:$0x2] =	stream.indirect.gather [hbm4b:s2+s14], $0x80, s4, s14, $0xb8;
	[tilespmem:$0x11400] =	vst v63  }
0x57: {  	_ =	swait.ge [sflag:s28], $0x4000  }
0x58: {  	[sflag:s28] =	ssyncset.done $0x0  }
.Ltmp0:
0x59: {  	s4 =	sadd.s32 $0xFFFFFF80, s1;
	[sflag:s28] =	ssyncadd.s32 $0xFFFFC000;
	(pc) =	sbr.rel @p0 .LBB2_2-.Ltmp0, $4  }
0x5a: {  	[tilespmem:s18], [sflag:$0x3] =	stream.indirect.gather [hbm4b:s2+s14], $0x80, s4, s14, $0xb8;
	[tilespmem:$0x11400] =	vst v63  }
0x5b: {  	_ =	swait.ge [sflag:s29], $0x4000  }
0x5c: {  	[sflag:s29] =	ssyncset.done $0x0  }
0x5d: {  	s1 =	sadd.s32 $0x200, s1;
	[sflag:s29] =	ssyncadd.s32 $0xFFFFC000  }
0x5e: {  	[tilespmem:s20], [sflag:$0x4] =	stream.indirect.gather [hbm4b:s2+s14], $0x80, s31, s14, $0xb8;
	[tilespmem:$0x11400] =	vst v63  }
0x5f: {  	_ =	swait.ge [sflag:s21], $0x4000  }
0x60: {  	[sflag:s21] =	ssyncset.done $0x0  }
0x61: {  	[sflag:s21] =	ssyncadd.s32 $0xFFFFC000  }
0x62: {  	[hbm4b:s6+s3] =	stream.linear.scatter [tilespmem:s15], [sflag:$0x5], $0x4000, $0x38;
	[tilespmem:$0x11400] =	vst v63  }
0x63: {  	_ =	swait.ge [sflag:s22], $0x4000  }
0x64: {  	[sflag:s22] =	ssyncset.done $0x0  }
0x65: {  	[sflag:s22] =	ssyncadd.s32 $0xFFFFC000  }
0x66: {  	[hbm4b:s7+s3] =	stream.linear.scatter [tilespmem:s16], [sflag:$0x6], $0x4000, $0x38;
	[tilespmem:$0x11400] =	vst v63  }
0x67: {  	_ =	swait.ge [sflag:s23], $0x4000  }
0x68: {  	[sflag:s23] =	ssyncset.done $0x0  }
0x69: {  	[sflag:s23] =	ssyncadd.s32 $0xFFFFC000  }
0x6a: {  	[hbm4b:s8+s3] =	stream.linear.scatter [tilespmem:s18], [sflag:$0x7], $0x4000, $0x38;
	[tilespmem:$0x11400] =	vst v63  }
0x6b: {  	_ =	swait.ge [sflag:s24], $0x4000  }
0x6c: {  	[sflag:s24] =	ssyncset.done $0x0  }
0x6d: {  	[sflag:s24] =	ssyncadd.s32 $0xFFFFC000  }
0x6e: {  	[hbm4b:s10+s3] =	stream.linear.scatter [tilespmem:s20], [sflag:$0x8], $0x4000, $0x38;
	[tilespmem:$0x11400] =	vst v63  }
0x6f: {  	_ =	swait.ge [sflag:s25], $0x4000  }
0x70: {  	[sflag:s25] =	ssyncset.done $0x0  }
0x71: {  	[sflag:s25] =	ssyncadd.s32 $0xFFFFC000  }
0x72: {  	_ =	swait.ge [sflag:s26], $0x4000  }
0x73: {  	[sflag:s26] =	ssyncset.done $0x0  }
0x74: {  	s30 =	sadd.s32 $0x1, s30;
	[sflag:s26] =	ssyncadd.s32 $0xFFFFC000  }
0x75: {  	p0 =	sne.s32 s30, s5;
	_ =	swait.ge [sflag:s28], $0x4000  }
.Ltmp1:
0x76: {  	[sflag:s28] =	ssyncset.done $0x0;
	(pc) =	sbr.rel @p0 .LBB2_1-.Ltmp1, $4  }
0x77: {  	[sflag:s28] =	ssyncadd.s32 $0xFFFFC000  }
0x78: {  	_ =	swait.ge [sflag:s29], $0x4000  }
0x79: {  	[sflag:s29] =	ssyncset.done $0x0  }
0x7a: {  	[sflag:s29] =	ssyncadd.s32 $0xFFFFC000  }
0x7b: {  	_ =	sfence.sel $0x180000  }
0x7c: {  	[bflag:$0x0] =	sbarrier.arrive $0xFFFF  }
0x7d: {  	_ =	strace $0x90000047  }
0x7e: {  	s0 =	stileid.u32;
	[bflag:$0x2] =	sbarrier.arrive $0xFFFF  }
0x7f: {  	p0 =	sne.s32 s0, $0x0;
	s0 =	rddreg [dreg:$0x2]  }
0x80: {  	s0 =	sadd.s32 @!p0 $0x100000, s0  }
0x81: {  	[sflag:s0] =	ssyncadd.tile.s32 @!p0 $0x1;
	_ =	shalt  }
.Lfunc_end2:
_tile_overlayer_lowered:
.L_overlay_start_2:
0x82: {  	(tag) =	ssettag $0x2  }
0x83: {  	s0 =	rddreg [dreg:$0x0];
	s2 =	stileid.u32  }
0x84: {  	s1 =	rddreg [dreg:$0x1];
	p0 =	sne.s32 s2, $0x0  }
0x85: {  	s3 =	rddreg [dreg:$0x2];
	[bflag:$0x3] =	sbarrier.arrive $0xFFFF;
	s2 =	simm.s32 @!p0 $0x1C09  }
0x86: {  	[timem:s3], [sflag:s2] =	dma.local @!p0 [hbm:s0], s1  }
0x87: {  	s0 =	simm.s32 @!p0 $0x9  }
0x88: {  	_ =	swait.ge @!p0 [sflag:s0], s1  }
0x89: {  	s1 =	ssub.s32 @!p0 $0x0, s1;
	[sflag:s0] =	ssyncset.done @!p0 $0x0  }
0x8a: {  	[sflag:s0] =	ssyncadd.s32 @!p0 s1  }
0x8b: {  	[bflag:$0x3] =	sbarrier.arrive $0xFFFF  }
0x8c: {  	_ =	shalt  }

// kernel: kernel.18.cloned.1.call-start
scs
__scs_entry_jumppad:
0x0: {  	(pc) =	sbr.rel $0x88, $3  }
0x1: {  	(tag) =	ssettag $0x0;
	lr =	simm.s32 $0x1  }
0x2: {  	[smem:$0x3F89] =	sst lr;
	_ =	strace $0xD0000000  }
0x3: {  	_ = 	snop  }
0x4: {  	_ = 	snop  }
0x5: {  	_ = 	snop  }
0x6: {  	_ = 	snop  }
0x7: {  	_ = 	snop  }
__scs_overlays_trampoline_lowered:
0x8: {  	[smem:$0x3F98] =	sst s0  }
0x9: {  	[smem:$0x3F99] =	sst s1  }
0xa: {  	[smem:$0x3F9A] =	sst s2  }
0xb: {  	[smem:$0x3F9B] =	sst s3  }
0xc: {  	[smem:$0x3F9C] =	sst s4  }
0xd: {  	[smem:$0x3F9D] =	sst s5  }
0xe: {  	[smem:$0x3F9E] =	sst s6  }
0xf: {  	[smem:$0x3F9F] =	sst s7  }
0x10: {  	[smem:$0x3FA0] =	sst s8  }
0x11: {  	[smem:$0x3FA1] =	sst s9;
	s0 =	simm.s32 @!p0 $0x0  }
0x12: {  	s1 =	sld [smem:$0x3F87];
	s0 =	simm.s32 @p0 $0x1  }
0x13: {  	[smem:$0x3FA2] =	sst s0;
	s0 =	simm.s32 @!p1 $0x0  }
0x14: {  	s2 =	sld [smem:$0x3F86];
	s0 =	simm.s32 @p1 $0x1  }
0x15: {  	[smem:$0x3FA3] =	sst s0;
	s0 =	simm.s32 @!p2 $0x0  }
0x16: {  	s3 =	sld [smem:$0x3FDB];
	s0 =	simm.s32 @p2 $0x1  }
0x17: {  	s4 =	simm.s32 $0x1BF5;
	[smem:$0x3FA5] =	sst s0  }
0x18: {  	s0 =	sld [smem:$0x3F88];
	_ =	swait.ge [sflag:s4], $0x0  }
0x19: {  	s7 =	sld [smem:$0x3F89]  }
0x1a: {  	s8 =	sadd.s32 $0xFFFFE003, lr  }
0x1b: {  	s9 =	sadd.s32 $0xFFFFFEF7, lr;
	s5 =	simm.s32 $0xFFFFFFFF;
	p2 =	slt.u32 s8, $0xFFFFF086  }
0x1c: {  	p1 =	slt.u32 s9, $0xF7A;
	s5 =	simm.s32 @!p2 $0x0  }
0x1d: {  	s5 =	simm.s32 @p1 $0x1;
	p0 =	seq.s32 s7, s2  }
0x1e: {  	s7 =	smul.u32 @!p0 $0xF7A, s2;
	p2 =	seq.s32 @!p0 s5, $0x0  }
0x1f: {  	s9 =	smul.u32 $0xF7A, s1;
	s8 =	simm.s32 @!p0 $0x1BF5;
	p2 =	por !p2, p0  }
0x20: {  	[sflag:s8] =	ssyncset.s32 @!p0 $0xFFFFF086;
	s6 =	sadd.s32 @!p0 s3, s7;
	s7 =	simm.s32 @!p0 $0x108  }
0x21: {  	s3 =	sadd.s32 s3, s9;
	s6 =	sadd.s32 @!p0 $0x88, s6;
	s7 =	simm.s32 @p2 $0x1082  }
0x22: {  	[simem:s7], [sflag:s8] =	dma.local @!p0 [hbm:s6], $0xF7A  }
0x23: {  	s9 =	sor.u32 $0xD0000000, s2;
	s6 =	simm.s32 $0x108;
	_ =	swait.ge @!p0 [sflag:s8], $0x0  }
0x24: {  	s3 =	sadd.s32 $0x88, s3;
	s6 =	simm.s32 @!p1 $0x1082;
	[sflag:s4] =	ssyncset.s32 $0xFFFFF086  }
0x25: {  	[simem:s6], [sflag:s4] =	dma.local [hbm:s3], $0xF7A  }
0x26: {  	[smem:$0x3F89] =	sst s1;
	(tag) =	ssettag s2;
	_ =	strace s9  }
0x27: {  	s1 =	sld [smem:$0x3F99]  }
0x28: {  	s2 =	sld [smem:$0x3F9A]  }
0x29: {  	s4 =	sld [smem:$0x3F9C]  }
0x2a: {  	p0 =	seq.s32 s5, $0x0;
	s5 =	sld [smem:$0x3F9D]  }
0x2b: {  	s6 =	sld [smem:$0x3F9E]  }
0x2c: {  	s7 =	sld [smem:$0x3F9F]  }
0x2d: {  	s3 =	simm.s32 $0x108;
	s8 =	sld [smem:$0x3FA0]  }
0x2e: {  	s3 =	simm.s32 @!p0 $0x1082;
	s9 =	sld [smem:$0x3FA1]  }
0x2f: {  	lr =	sadd.s32 s0, s3;
	s0 =	sld [smem:$0x3F98]  }
0x30: {  	s3 =	sld [smem:$0x3F9B]  }
0x31: {  	[smem:$0x3FA4] =	sst s10  }
0x32: {  	s10 =	sld [smem:$0x3FA2];
	_ =	sdelay $0x3  }
0x33: {  	p0 =	seq.s32 s10, $0x1;
	s10 =	sld [smem:$0x3FA4];
	_ =	sdelay $0x3  }
0x34: {  	[smem:$0x3FA4] =	sst s10  }
0x35: {  	s10 =	sld [smem:$0x3FA3];
	_ =	sdelay $0x3  }
0x36: {  	p1 =	seq.s32 s10, $0x1;
	s10 =	sld [smem:$0x3FA4];
	_ =	sdelay $0x3  }
0x37: {  	[smem:$0x3FA4] =	sst s10  }
0x38: {  	s10 =	sld [smem:$0x3FA5]  }
0x39: {  	_ = 	snop;
	(pc) =	sbr.ind lr, $3  }
0x3a: {  	_ = 	snop  }
0x3b: {  	_ = 	snop  }
0x3c: {  	p2 =	seq.s32 s10, $0x1;
	s10 =	sld [smem:$0x3FA4]  }
0x3d: {  	_ =	shalt  }
0x3e: {  	_ =	shalt  }
0x3f: {  	_ =	shalt  }
0x40: {  	_ =	shalt  }
0x41: {  	_ =	shalt  }
0x42: {  	_ =	shalt  }
0x43: {  	_ =	shalt  }
0x44: {  	_ =	shalt  }
0x45: {  	_ =	shalt  }
0x46: {  	_ =	shalt  }
0x47: {  	_ =	shalt  }
0x48: {  	_ =	shalt  }
0x49: {  	_ =	shalt  }
0x4a: {  	_ =	shalt  }
0x4b: {  	_ =	shalt  }
0x4c: {  	_ =	shalt  }
0x4d: {  	_ =	shalt  }
0x4e: {  	_ =	shalt  }
0x4f: {  	_ =	shalt  }
0x50: {  	_ =	shalt  }
0x51: {  	_ =	shalt  }
0x52: {  	_ =	shalt  }
0x53: {  	_ =	shalt  }
0x54: {  	_ =	shalt  }
0x55: {  	_ =	shalt  }
0x56: {  	_ =	shalt  }
0x57: {  	_ =	shalt  }
0x58: {  	_ =	shalt  }
0x59: {  	_ =	shalt  }
0x5a: {  	_ =	shalt  }
0x5b: {  	_ =	shalt  }
0x5c: {  	_ =	shalt  }
0x5d: {  	_ =	shalt  }
0x5e: {  	_ =	shalt  }
0x5f: {  	_ =	shalt  }
0x60: {  	_ =	shalt  }
0x61: {  	_ =	shalt  }
0x62: {  	_ =	shalt  }
0x63: {  	_ =	shalt  }
0x64: {  	_ =	shalt  }
0x65: {  	_ =	shalt  }
0x66: {  	_ =	shalt  }
0x67: {  	_ =	shalt  }
0x68: {  	_ =	shalt  }
0x69: {  	_ =	shalt  }
0x6a: {  	_ =	shalt  }
0x6b: {  	_ =	shalt  }
0x6c: {  	_ =	shalt  }
0x6d: {  	_ =	shalt  }
0x6e: {  	_ =	shalt  }
0x6f: {  	_ =	shalt  }
0x70: {  	_ =	shalt  }
0x71: {  	_ =	shalt  }
0x72: {  	_ =	shalt  }
0x73: {  	_ =	shalt  }
0x74: {  	_ =	shalt  }
0x75: {  	_ =	shalt  }
0x76: {  	_ =	shalt  }
0x77: {  	_ =	shalt  }
0x78: {  	_ =	shalt  }
0x79: {  	_ =	shalt  }
0x7a: {  	_ =	shalt  }
0x7b: {  	_ =	shalt  }
0x7c: {  	_ =	shalt  }
0x7d: {  	_ =	shalt  }
0x7e: {  	_ =	shalt  }
0x7f: {  	_ =	shalt  }
0x80: {  	_ =	shalt  }
0x81: {  	_ =	shalt  }
0x82: {  	_ =	shalt  }
0x83: {  	_ =	shalt  }
0x84: {  	_ =	shalt  }
0x85: {  	_ =	shalt  }
0x86: {  	_ =	shalt  }
0x87: {  	_ =	shalt  }
.Lfunc_end0:
.L_simem_size_0:
called_computation.1_lowered:
.L_overlay_start_0:
0x88: {  	s2 =	sld [smem:$0x3FD9]  }
0x89: {  	s3 =	sld [smem:$0x3FFE];
	_ =	sdelay $0x1  }
0x8a: {  	s1 =	srdreg.scid  }
0x8b: {  	s0 =	sand.u32 $0x1, s1  }
0x8c: {  	s16 =	sshll.u32 s0, $0xA;
	s2 =	sadd.s32 s3, s2  }
0x8d: {  	s2 =	sadd.s32 s2, s16  }
0x8e: {  	[smem:$0x3FB0] =	sst s2  }
0x8f: {  	_ = 	snop  }
0x90: {  	(tm) =	ssettm $0x1  }
0x91: {  	s17 =	sld [smem:$0x3FFB];
	_ =	sdelay $0x3  }
0x92: {  	_ =	strace s17  }
0x93: {  	s2 =	sld [smem:$0x3FFC];
	_ =	sdelay $0x3  }
0x94: {  	_ =	strace s2  }
0x95: {  	s2 =	sld [smem:$0x3FFD];
	_ =	sdelay $0x3  }
0x96: {  	_ =	strace s2  }
0x97: {  	_ =	strace $0x8FFFFFFF  }
0x98: {  	s18 =	sld [smem:$0x3FDB];
	_ =	sdelay $0x1  }
0x99: {  	s19 =	simm.s32 $_scs_section_size  }
0x9a: {  	s4 =	simm.s32 $_size__tile_overlayer_lowered;
	s5 =	simm.s32 $_tile_overlayer_lowered  }
0x9b: {  	s22 =	simm.s32 $0x1BFF;
	s21 =	sshll.u32 s5, $0x1;
	s2 =	sadd.s32 s19, s18  }
0x9c: {  	s6 =	simm.s32 $0x0;
	s20 =	sshll.u32 s4, $0x1;
	s4 =	sadd.s32 s21, s2  }
0x9d: {  	[timem:s6], [sflag:s22] =	dma.local [hbm:s4], s20  }
0x9e: {  	_ =	swait.ge [sflag:s22], s20  }
0x9f: {  	s3 =	ssub.s32 $0x0, s20;
	[sflag:s22] =	ssyncset.done $0x0  }
0xa0: {  	[sflag:s22] =	ssyncadd.s32 s3;
	_ =	sdelay $0x1  }
0xa1: {  	s23 =	simm.s32 $0x1B8B  }
0xa2: {  	_ =	swait.ge [sflag:s23], $0x1  }
0xa3: {  	[sflag:s23] =	ssyncset.done $0x0  }
0xa4: {  	s25 =	simm.s32 $0x1B8E;
	s24 =	sld [smem:$0x3FFE];
	[sflag:s23] =	ssyncadd.s32 $0xFFFFFFFF  }
0xa5: {  	s26 =	simm.s32 $execute0_lowered;
	[smem:$0x3FD2] =	sst s25  }
0xa6: {  	s4 =	sshll.u32 s26, $0x1;
	_ =	strace $0x80000049;
	[dreg:$0x1] =	wrdreg $0xFFFFFFFF  }
0xa7: {  	s28 =	simm.s32 $_size_execute0_lowered;
	s2 =	sadd.s32 s2, s4;
	[dreg:$0x0] =	wrdreg $0x0  }
0xa8: {  	s4 =	sshll.u32 s28, $0x1;
	[dreg:$0x2] =	wrdreg s2  }
0xa9: {  	[dreg:$0x3] =	wrdreg s4  }
0xaa: {  	[dreg:$0x4] =	wrdreg $0xC0  }
0xab: {  	_ =	task [dreg:s6], $0x5FFFF  }
0xac: {  	[dreg:$0x1] =	wrdreg $0xFFFFFFFF  }
0xad: {  	[dreg:$0x0] =	wrdreg $0x60  }
0xae: {  	[dreg:$0x2] =	wrdreg s24  }
0xaf: {  	[dreg:$0x3] =	wrdreg $0x4B800  }
0xb0: {  	[dreg:$0x4] =	wrdreg $0x9  }
0xb1: {  	_ =	task.clear_ibuf [dreg:s6], $0x5FFFF;
	_ =	strace $0x90000049  }
0xb2: {  	s29 =	simm.s32 $0x9;
	_ =	strace $0x8000004B  }
0xb3: {  	_ =	swait.ge [sflag:s29], $0x1  }
0xb4: {  	[sflag:s29] =	ssyncadd.s32 $0xFFFFFFFF  }
0xb5: {  	_ =	strace $0x9000004B  }
0xb6: {  	_ =	sfence  }
0xb7: {  	s30 =	sld [smem:$0x0];
	_ =	sdelay $0x2  }
0xb8: {  	s31 =	sshll.u32 s1, $0xD;
	s1 =	sshrl.u32 s1, $0x2  }
0xb9: {  	s3 =	sand.u32 $0x4000, s31;
	s1 =	sadd.s32 s1, s30  }
0xba: {  	s0 =	sor.u32 s3, s0;
	s1 =	sshll.u32 s1, $0x11  }
0xbb: {  	s0 =	sor.u32 s1, s0  }
0xbc: {  	s0 =	sadd.s32 $0x8F2B, s0  }
0xbd: {  	[sflag:s0] =	ssyncadd.remote.s32 $0x1  }
0xbe: {  	_ =	sfence.sel $0xFFFF  }
0xbf: {  	[dreg:$0x0] =	wrdreg $0xFFFFFFFF;
	(pc) =	sbr.abs _section_cstart, $3  }
0xc0: {  	[dreg:$0x1] =	wrdreg $0xFFFFFFFF  }
0xc1: {  	_ =	task.clear_ibuf [dreg:s6], $0x2FFFF;
	_ =	strace $0x9FFFFFFF  }
0xc2: {  	(tm) =	ssettm $0x7FFFFFFF  }
0xc3: {  	_ =	shalt  }
tec
execute0_lowered:
.L_overlay_start_1:
0x0: {  	(tag) =	ssettag $0x1  }
0x1: {  	s5 =	rddreg [dreg:$0x0]  }
0x2: {  	s0 =	srdreg.scid;
	s2 =	rddreg [dreg:$0x1]  }
0x3: {  	s3 =	simm.s32 $0x0;
	s14 =	simm.s32 $0x1C00;
	s15 =	simm.s32 $0x2400  }
0x4: {  	s16 =	simm.s32 $0x1;
	s17 =	simm.s32 $0x80;
	s18 =	simm.s32 $0x2  }
0x5: {  	s19 =	simm.s32 $0x3;
	s4 =	sand.u32 $0x1, s0;
	s0 =	stileid.u32  }
0x6: {  	s20 =	simm.s32 $0x4;
	s21 =	simm.s32 $0x1300;
	s8 =	smul.u32 $0x2780, s0  }
0x7: {  	s22 =	simm.s32 $0x1380;
	s23 =	simm.s32 $0x0;
	s9 =	smul.u32 $0x27800, s4  }
0x8: {  	[smem:$0x7FF] =	sst s3;
	s1 =	sshll.u32 s4, $0x4;
	s11 =	smul.u32 $0x280, s4  }
0x9: {  	s10 =	sadd.s32 $0xAA00, s5;
	s12 =	smul.u32 $0x28, s0;
	s6 =	sor.u32 s0, s1  }
0xa: {  	s4 =	ssub.s32 $0x2, s4;
	s1 =	rddreg [dreg:$0x2];
	s7 =	smul.u32 $0x280, s6  }
0xb: {  	_ =	strace $0x8000004A;
	s31 =	sshrl.u32 s4, $0x1;
	s6 =	smul.u32 $0x2800, s6  }
0xc: {  	s9 =	sadd.s32 s8, s9;
	s13 =	ssub.s32 s4, s31;
	s11 =	sadd.s32 s12, s11  }
0xd: {  	s12 =	simm.s32 $0x5;
	s9 =	sshrl.u32 s9, $0x3;
	s11 =	sshll.u32 s11, $0x8  }
0xe: {  	s7 =	sadd.s32 s7, s5;
	s9 =	sadd.s32 s9, s5;
	s4 =	sadd.s32 s10, s6  }
0xf: {  	s11 =	sadd.s32 s11, s10;
	s5 =	sadd.s32 $0x28AA00, s7;
	s6 =	sadd.s32 $0x100, s4  }
0x10: {  	s7 =	sadd.s32 s8, s2;
	s8 =	sadd.s32 $0x5AA00, s9;
	s9 =	smax.u32 s13, $0x1  }
0x11: {  	v0 =	vimm.f32 $0.0e+00;
	s10 =	sadd.s32 $0x300, s11;
	s11 =	sadd.s32 $0x200, s11;
	s13 =	simm.s32 $0x1400  }
.LBB2_1:
0x12: {  	[tilespmem:s3], [sflag:$0x5] =	stream.linear.gather [hbm4b:s5+s3], $0x1400, $0x38;
	[tilespmem:$0x7300] =	vst v63  }
0x13: {  	_ =	swait.ge [sflag:s12], $0x1400  }
0x14: {  	[sflag:s12] =	ssyncset.done $0x0  }
0x15: {  	[sflag:s12] =	ssyncadd.s32 $0xFFFFEC00  }
0x16: {  	[tilespmem:s13], [sflag:$0x1] =	stream.linear.gather [hbm4b:s4+s3], $0x800, $0x38;
	[tilespmem:$0x7300] =	vst v63  }
0x17: {  	s24 =	simm.s32 $0x40;
	s25 =	simm.s32 $0x0  }
0x18: {  	[tilespmem:s14], [sflag:$0x2] =	stream.linear.gather [hbm4b:s6+s3], $0x800, $0x38;
	[tilespmem:$0x7300] =	vst v63  }
.LBB2_2:
0x19: {  	p0 =	sne.s32 s24, $0x9DC0;
	[tilespmem:s25+$0x2400] =	vst v0;
	s25 =	smov.u32 s24;
	s24 =	sadd.s32 $0x40, s24  }
.Ltmp0:
0x1a: {  	(pc) =	sbr.rel @p0 .LBB2_2-.Ltmp0, $2  }
0x1b: {  	_ =	sdelay $0x2  }
0x1c: {  	s25 =	sshra.s32 s25, $0x2  }
0x1d: {  	[tilespmem:s25+$0x2400] =	vst v0  }
0x1e: {  	[spmem:s7] =	stream.linear.scatter [tilespmem:s15], [sflag:$0x5], $0x2780, $0x38;
	[tilespmem:$0x7300] =	vst v63  }
0x1f: {  	_ =	swait.ge [sflag:s12], $0x2780  }
0x20: {  	[sflag:s12] =	ssyncset.done $0x0  }
0x21: {  	[sflag:s12] =	ssyncadd.s32 $0xFFFFD880  }
0x22: {  	[bflag:$0x0] =	sbarrier.arrive $0xFFFF  }
0x23: {  	_ =	swait.ge [sflag:s16], $0x800  }
0x24: {  	[sflag:s16] =	ssyncset.done $0x0  }
0x25: {  	s24 =	simm.s32 $0x0;
	[sflag:s16] =	ssyncadd.s32 $0xFFFFF800  }
0x26: {  	[spmem:s2] =	stream.indirect.scatter.add.f32 [tilespmem:s13], [sflag:$0x3], $0x10, s24, s17, $0xb8;
	[tilespmem:$0x7300] =	vst v63  }
0x27: {  	_ =	swait.ge [sflag:s18], $0x800  }
0x28: {  	[sflag:s18] =	ssyncset.done $0x0  }
0x29: {  	s30 =	simm.s32 $0x80;
	[sflag:s18] =	ssyncadd.s32 $0xFFFFF800  }
0x2a: {  	[spmem:s2] =	stream.indirect.scatter.add.f32 [tilespmem:s14], [sflag:$0x4], $0x10, s30, s17, $0xb8;
	[tilespmem:$0x7300] =	vst v63  }
0x2b: {  	_ =	swait.ge [sflag:s19], $0x800  }
0x2c: {  	[sflag:s19] =	ssyncset.done $0x0  }
0x2d: {  	s31 =	sadd.s32 $0x0, s11;
	[sflag:s19] =	ssyncadd.s32 $0xFFFFF800  }
0x2e: {  	[tilespmem:s13], [sflag:$0x1] =	stream.linear.gather [hbm4b:s31+s3], $0x800, $0x38;
	[tilespmem:$0x7300] =	vst v63  }
0x2f: {  	_ =	swait.ge [sflag:s20], $0x800  }
0x30: {  	s26 =	sadd.s32 $0x0, s10;
	[sflag:s20] =	ssyncset.done $0x0  }
0x31: {  	s25 =	simm.s32 $0x180;
	s24 =	simm.s32 $0x200;
	[sflag:s20] =	ssyncadd.s32 $0xFFFFF800  }
.LBB2_4:
0x32: {  	[tilespmem:s14], [sflag:$0x2] =	stream.linear.gather [hbm4b:s26+s3], $0x800, $0x38;
	[tilespmem:$0x7300] =	vst v63  }
0x33: {  	s26 =	smov.u32 s24  }
0x34: {  	p0 =	sne.s32 s24, $0x2400;
	s24 =	sadd.s32 $0x200, s24;
	_ =	swait.ge [sflag:s16], $0x800  }
0x35: {  	[sflag:s16] =	ssyncset.done $0x0  }
0x36: {  	s28 =	sadd.s32 $0xFFFFFF80, s25;
	[sflag:s16] =	ssyncadd.s32 $0xFFFFF800  }
0x37: {  	[spmem:s2] =	stream.indirect.scatter.add.f32 [tilespmem:s13], [sflag:$0x3], $0x10, s28, s17, $0xb8;
	[tilespmem:$0x7300] =	vst v63  }
0x38: {  	_ =	swait.ge [sflag:s18], $0x800  }
0x39: {  	[sflag:s18] =	ssyncset.done $0x0  }
0x3a: {  	[sflag:s18] =	ssyncadd.s32 $0xFFFFF800  }
0x3b: {  	[spmem:s2] =	stream.indirect.scatter.add.f32 [tilespmem:s14], [sflag:$0x4], $0x10, s25, s17, $0xb8;
	[tilespmem:$0x7300] =	vst v63  }
0x3c: {  	_ =	swait.ge [sflag:s19], $0x800  }
0x3d: {  	[sflag:s19] =	ssyncset.done $0x0  }
.Ltmp1:
0x3e: {  	s28 =	sadd.s32 s26, s11;
	[sflag:s19] =	ssyncadd.s32 $0xFFFFF800;
	(pc) =	sbr.rel @p0 .LBB2_4-.Ltmp1, $4  }
0x3f: {  	[tilespmem:s13], [sflag:$0x1] =	stream.linear.gather [hbm4b:s28+s3], $0x800, $0x38;
	[tilespmem:$0x7300] =	vst v63  }
0x40: {  	_ =	swait.ge [sflag:s20], $0x800  }
0x41: {  	[sflag:s20] =	ssyncset.done $0x0  }
0x42: {  	s26 =	sadd.s32 s26, s10;
	s25 =	sadd.s32 $0x100, s25;
	[sflag:s20] =	ssyncadd.s32 $0xFFFFF800  }
0x43: {  	[tilespmem:s14], [sflag:$0x2] =	stream.linear.gather [hbm4b:s26+s3], $0x800, $0x38;
	[tilespmem:$0x7300] =	vst v63  }
0x44: {  	_ =	swait.ge [sflag:s16], $0x800  }
0x45: {  	[sflag:s16] =	ssyncset.done $0x0  }
0x46: {  	[sflag:s16] =	ssyncadd.s32 $0xFFFFF800  }
0x47: {  	[spmem:s2] =	stream.indirect.scatter.add.f32 [tilespmem:s13], [sflag:$0x3], $0x10, s21, s17, $0xb8;
	[tilespmem:$0x7300] =	vst v63  }
0x48: {  	_ =	swait.ge [sflag:s18], $0x800  }
0x49: {  	[sflag:s18] =	ssyncset.done $0x0  }
0x4a: {  	[sflag:s18] =	ssyncadd.s32 $0xFFFFF800  }
0x4b: {  	[spmem:s2] =	stream.indirect.scatter.add.f32 [tilespmem:s14], [sflag:$0x4], $0x10, s22, s17, $0xb8;
	[tilespmem:$0x7300] =	vst v63  }
0x4c: {  	_ =	swait.ge [sflag:s19], $0x800  }
0x4d: {  	[sflag:s19] =	ssyncset.done $0x0  }
0x4e: {  	[sflag:s19] =	ssyncadd.s32 $0xFFFFF800  }
0x4f: {  	_ =	swait.ge [sflag:s20], $0x800  }
0x50: {  	[sflag:s20] =	ssyncset.done $0x0  }
0x51: {  	[sflag:s20] =	ssyncadd.s32 $0xFFFFF800  }
0x52: {  	[bflag:$0x0] =	sbarrier.arrive $0xFFFF  }
0x53: {  	[tilespmem:s15], [sflag:$0x5] =	stream.linear.gather [spmem:s7], $0x2780, $0x38;
	[tilespmem:$0x7300] =	vst v63  }
0x54: {  	s23 =	sadd.s32 $0x1, s23;
	_ =	swait.ge [sflag:s12], $0x2780  }
0x55: {  	p0 =	sne.s32 s23, s9;
	[sflag:s12] =	ssyncset.done $0x0  }
.Ltmp2:
0x56: {  	[sflag:s12] =	ssyncadd.s32 $0xFFFFD880;
	(pc) =	sbr.rel @p0 .LBB2_1-.Ltmp2, $4  }
0x57: {  	[hbm4b:s8+s3] =	stream.linear.scatter [tilespmem:s15], [sflag:$0x5], $0x2780, $0x38;
	[tilespmem:$0x7300] =	vst v63  }
0x58: {  	_ =	swait.ge [sflag:s12], $0x2780  }
0x59: {  	[sflag:s12] =	ssyncset.done $0x0  }
0x5a: {  	[sflag:s12] =	ssyncadd.s32 $0xFFFFD880  }
0x5b: {  	_ =	sfence.sel $0x180000  }
0x5c: {  	[bflag:$0x0] =	sbarrier.arrive $0xFFFF  }
0x5d: {  	p0 =	sne.s32 s0, $0x0;
	_ =	strace $0x9000004A  }
0x5e: {  	s0 =	sadd.s32 @!p0 $0x100000, s1;
	[bflag:$0x2] =	sbarrier.arrive $0xFFFF  }
0x5f: {  	[sflag:s0] =	ssyncadd.tile.s32 @!p0 $0x1;
	_ =	shalt  }
.Lfunc_end2:
_tile_overlayer_lowered:
.L_overlay_start_2:
0x60: {  	(tag) =	ssettag $0x2  }
0x61: {  	s0 =	rddreg [dreg:$0x0];
	s2 =	stileid.u32  }
0x62: {  	s1 =	rddreg [dreg:$0x1];
	p0 =	sne.s32 s2, $0x0  }
0x63: {  	s3 =	rddreg [dreg:$0x2];
	[bflag:$0x3] =	sbarrier.arrive $0xFFFF;
	s2 =	simm.s32 @!p0 $0x1C05  }
0x64: {  	[timem:s3], [sflag:s2] =	dma.local @!p0 [hbm:s0], s1  }
0x65: {  	s0 =	simm.s32 @!p0 $0x5  }
0x66: {  	_ =	swait.ge @!p0 [sflag:s0], s1  }
0x67: {  	s1 =	ssub.s32 @!p0 $0x0, s1;
	[sflag:s0] =	ssyncset.done @!p0 $0x0  }
0x68: {  	[sflag:s0] =	ssyncadd.s32 @!p0 s1  }
0x69: {  	[bflag:$0x3] =	sbarrier.arrive $0xFFFF  }
0x6a: {  	_ =	shalt  }

// kernel: kernel.21.cloned.1.call-start
scs
__scs_entry_jumppad:
0x0: {  	(pc) =	sbr.rel $0x88, $3  }
0x1: {  	(tag) =	ssettag $0x0;
	lr =	simm.s32 $0x1  }
0x2: {  	[smem:$0x3F89] =	sst lr;
	_ =	strace $0xD0000000  }
0x3: {  	_ = 	snop  }
0x4: {  	_ = 	snop  }
0x5: {  	_ = 	snop  }
0x6: {  	_ = 	snop  }
0x7: {  	_ = 	snop  }
__scs_overlays_trampoline_lowered:
0x8: {  	[smem:$0x3F98] =	sst s0  }
0x9: {  	[smem:$0x3F99] =	sst s1  }
0xa: {  	[smem:$0x3F9A] =	sst s2  }
0xb: {  	[smem:$0x3F9B] =	sst s3  }
0xc: {  	[smem:$0x3F9C] =	sst s4  }
0xd: {  	[smem:$0x3F9D] =	sst s5  }
0xe: {  	[smem:$0x3F9E] =	sst s6  }
0xf: {  	[smem:$0x3F9F] =	sst s7  }
0x10: {  	[smem:$0x3FA0] =	sst s8  }
0x11: {  	[smem:$0x3FA1] =	sst s9;
	s0 =	simm.s32 @!p0 $0x0  }
0x12: {  	s1 =	sld [smem:$0x3F87];
	s0 =	simm.s32 @p0 $0x1  }
0x13: {  	[smem:$0x3FA2] =	sst s0;
	s0 =	simm.s32 @!p1 $0x0  }
0x14: {  	s2 =	sld [smem:$0x3F86];
	s0 =	simm.s32 @p1 $0x1  }
0x15: {  	[smem:$0x3FA3] =	sst s0;
	s0 =	simm.s32 @!p2 $0x0  }
0x16: {  	s3 =	sld [smem:$0x3FDB];
	s0 =	simm.s32 @p2 $0x1  }
0x17: {  	s4 =	simm.s32 $0x1BF5;
	[smem:$0x3FA5] =	sst s0  }
0x18: {  	s0 =	sld [smem:$0x3F88];
	_ =	swait.ge [sflag:s4], $0x0  }
0x19: {  	s7 =	sld [smem:$0x3F89]  }
0x1a: {  	s8 =	sadd.s32 $0xFFFFE003, lr  }
0x1b: {  	s9 =	sadd.s32 $0xFFFFFEF7, lr;
	s5 =	simm.s32 $0xFFFFFFFF;
	p2 =	slt.u32 s8, $0xFFFFF086  }
0x1c: {  	p1 =	slt.u32 s9, $0xF7A;
	s5 =	simm.s32 @!p2 $0x0  }
0x1d: {  	s5 =	simm.s32 @p1 $0x1;
	p0 =	seq.s32 s7, s2  }
0x1e: {  	s7 =	smul.u32 @!p0 $0xF7A, s2;
	p2 =	seq.s32 @!p0 s5, $0x0  }
0x1f: {  	s9 =	smul.u32 $0xF7A, s1;
	s8 =	simm.s32 @!p0 $0x1BF5;
	p2 =	por !p2, p0  }
0x20: {  	[sflag:s8] =	ssyncset.s32 @!p0 $0xFFFFF086;
	s6 =	sadd.s32 @!p0 s3, s7;
	s7 =	simm.s32 @!p0 $0x108  }
0x21: {  	s3 =	sadd.s32 s3, s9;
	s6 =	sadd.s32 @!p0 $0x88, s6;
	s7 =	simm.s32 @p2 $0x1082  }
0x22: {  	[simem:s7], [sflag:s8] =	dma.local @!p0 [hbm:s6], $0xF7A  }
0x23: {  	s9 =	sor.u32 $0xD0000000, s2;
	s6 =	simm.s32 $0x108;
	_ =	swait.ge @!p0 [sflag:s8], $0x0  }
0x24: {  	s3 =	sadd.s32 $0x88, s3;
	s6 =	simm.s32 @!p1 $0x1082;
	[sflag:s4] =	ssyncset.s32 $0xFFFFF086  }
0x25: {  	[simem:s6], [sflag:s4] =	dma.local [hbm:s3], $0xF7A  }
0x26: {  	[smem:$0x3F89] =	sst s1;
	(tag) =	ssettag s2;
	_ =	strace s9  }
0x27: {  	s1 =	sld [smem:$0x3F99]  }
0x28: {  	s2 =	sld [smem:$0x3F9A]  }
0x29: {  	s4 =	sld [smem:$0x3F9C]  }
0x2a: {  	p0 =	seq.s32 s5, $0x0;
	s5 =	sld [smem:$0x3F9D]  }
0x2b: {  	s6 =	sld [smem:$0x3F9E]  }
0x2c: {  	s7 =	sld [smem:$0x3F9F]  }
0x2d: {  	s3 =	simm.s32 $0x108;
	s8 =	sld [smem:$0x3FA0]  }
0x2e: {  	s3 =	simm.s32 @!p0 $0x1082;
	s9 =	sld [smem:$0x3FA1]  }
0x2f: {  	lr =	sadd.s32 s0, s3;
	s0 =	sld [smem:$0x3F98]  }
0x30: {  	s3 =	sld [smem:$0x3F9B]  }
0x31: {  	[smem:$0x3FA4] =	sst s10  }
0x32: {  	s10 =	sld [smem:$0x3FA2];
	_ =	sdelay $0x3  }
0x33: {  	p0 =	seq.s32 s10, $0x1;
	s10 =	sld [smem:$0x3FA4];
	_ =	sdelay $0x3  }
0x34: {  	[smem:$0x3FA4] =	sst s10  }
0x35: {  	s10 =	sld [smem:$0x3FA3];
	_ =	sdelay $0x3  }
0x36: {  	p1 =	seq.s32 s10, $0x1;
	s10 =	sld [smem:$0x3FA4];
	_ =	sdelay $0x3  }
0x37: {  	[smem:$0x3FA4] =	sst s10  }
0x38: {  	s10 =	sld [smem:$0x3FA5]  }
0x39: {  	_ = 	snop;
	(pc) =	sbr.ind lr, $3  }
0x3a: {  	_ = 	snop  }
0x3b: {  	_ = 	snop  }
0x3c: {  	p2 =	seq.s32 s10, $0x1;
	s10 =	sld [smem:$0x3FA4]  }
0x3d: {  	_ =	shalt  }
0x3e: {  	_ =	shalt  }
0x3f: {  	_ =	shalt  }
0x40: {  	_ =	shalt  }
0x41: {  	_ =	shalt  }
0x42: {  	_ =	shalt  }
0x43: {  	_ =	shalt  }
0x44: {  	_ =	shalt  }
0x45: {  	_ =	shalt  }
0x46: {  	_ =	shalt  }
0x47: {  	_ =	shalt  }
0x48: {  	_ =	shalt  }
0x49: {  	_ =	shalt  }
0x4a: {  	_ =	shalt  }
0x4b: {  	_ =	shalt  }
0x4c: {  	_ =	shalt  }
0x4d: {  	_ =	shalt  }
0x4e: {  	_ =	shalt  }
0x4f: {  	_ =	shalt  }
0x50: {  	_ =	shalt  }
0x51: {  	_ =	shalt  }
0x52: {  	_ =	shalt  }
0x53: {  	_ =	shalt  }
0x54: {  	_ =	shalt  }
0x55: {  	_ =	shalt  }
0x56: {  	_ =	shalt  }
0x57: {  	_ =	shalt  }
0x58: {  	_ =	shalt  }
0x59: {  	_ =	shalt  }
0x5a: {  	_ =	shalt  }
0x5b: {  	_ =	shalt  }
0x5c: {  	_ =	shalt  }
0x5d: {  	_ =	shalt  }
0x5e: {  	_ =	shalt  }
0x5f: {  	_ =	shalt  }
0x60: {  	_ =	shalt  }
0x61: {  	_ =	shalt  }
0x62: {  	_ =	shalt  }
0x63: {  	_ =	shalt  }
0x64: {  	_ =	shalt  }
0x65: {  	_ =	shalt  }
0x66: {  	_ =	shalt  }
0x67: {  	_ =	shalt  }
0x68: {  	_ =	shalt  }
0x69: {  	_ =	shalt  }
0x6a: {  	_ =	shalt  }
0x6b: {  	_ =	shalt  }
0x6c: {  	_ =	shalt  }
0x6d: {  	_ =	shalt  }
0x6e: {  	_ =	shalt  }
0x6f: {  	_ =	shalt  }
0x70: {  	_ =	shalt  }
0x71: {  	_ =	shalt  }
0x72: {  	_ =	shalt  }
0x73: {  	_ =	shalt  }
0x74: {  	_ =	shalt  }
0x75: {  	_ =	shalt  }
0x76: {  	_ =	shalt  }
0x77: {  	_ =	shalt  }
0x78: {  	_ =	shalt  }
0x79: {  	_ =	shalt  }
0x7a: {  	_ =	shalt  }
0x7b: {  	_ =	shalt  }
0x7c: {  	_ =	shalt  }
0x7d: {  	_ =	shalt  }
0x7e: {  	_ =	shalt  }
0x7f: {  	_ =	shalt  }
0x80: {  	_ =	shalt  }
0x81: {  	_ =	shalt  }
0x82: {  	_ =	shalt  }
0x83: {  	_ =	shalt  }
0x84: {  	_ =	shalt  }
0x85: {  	_ =	shalt  }
0x86: {  	_ =	shalt  }
0x87: {  	_ =	shalt  }
.Lfunc_end0:
.L_simem_size_0:
called_computation.2_lowered:
.L_overlay_start_0:
0x88: {  	s2 =	sld [smem:$0x3FD9]  }
0x89: {  	s3 =	sld [smem:$0x3FFE];
	_ =	sdelay $0x1  }
0x8a: {  	s1 =	srdreg.scid  }
0x8b: {  	s0 =	sand.u32 $0x1, s1  }
0x8c: {  	s16 =	sshll.u32 s0, $0xA;
	s2 =	sadd.s32 s3, s2  }
0x8d: {  	s2 =	sadd.s32 s2, s16  }
0x8e: {  	[smem:$0x3FB0] =	sst s2  }
0x8f: {  	_ = 	snop  }
0x90: {  	(tm) =	ssettm $0x1  }
0x91: {  	s17 =	sld [smem:$0x3FFB];
	_ =	sdelay $0x3  }
0x92: {  	_ =	strace s17  }
0x93: {  	s2 =	sld [smem:$0x3FFC];
	_ =	sdelay $0x3  }
0x94: {  	_ =	strace s2  }
0x95: {  	s2 =	sld [smem:$0x3FFD];
	_ =	sdelay $0x3  }
0x96: {  	_ =	strace s2  }
0x97: {  	_ =	strace $0x8FFFFFFF  }
0x98: {  	s18 =	sld [smem:$0x3FDB];
	_ =	sdelay $0x1  }
0x99: {  	s19 =	simm.s32 $_scs_section_size  }
0x9a: {  	s4 =	simm.s32 $_size__tile_overlayer_lowered;
	s5 =	simm.s32 $_tile_overlayer_lowered  }
0x9b: {  	s22 =	simm.s32 $0x1BFF;
	s21 =	sshll.u32 s5, $0x1;
	s2 =	sadd.s32 s19, s18  }
0x9c: {  	s6 =	simm.s32 $0x0;
	s20 =	sshll.u32 s4, $0x1;
	s4 =	sadd.s32 s21, s2  }
0x9d: {  	[timem:s6], [sflag:s22] =	dma.local [hbm:s4], s20  }
0x9e: {  	_ =	swait.ge [sflag:s22], s20  }
0x9f: {  	s3 =	ssub.s32 $0x0, s20;
	[sflag:s22] =	ssyncset.done $0x0  }
0xa0: {  	[sflag:s22] =	ssyncadd.s32 s3;
	_ =	sdelay $0x1  }
0xa1: {  	s23 =	simm.s32 $0x1B8B  }
0xa2: {  	_ =	swait.ge [sflag:s23], $0x1  }
0xa3: {  	[sflag:s23] =	ssyncset.done $0x0  }
0xa4: {  	s25 =	simm.s32 $0x1B8E;
	s24 =	sld [smem:$0x3FFE];
	[sflag:s23] =	ssyncadd.s32 $0xFFFFFFFF  }
0xa5: {  	s26 =	simm.s32 $execute0_lowered;
	[smem:$0x3FD2] =	sst s25  }
0xa6: {  	s4 =	sshll.u32 s26, $0x1;
	_ =	strace $0x8000004C;
	[dreg:$0x1] =	wrdreg $0xFFFFFFFF  }
0xa7: {  	s28 =	simm.s32 $_size_execute0_lowered;
	s2 =	sadd.s32 s2, s4;
	[dreg:$0x0] =	wrdreg $0x0  }
0xa8: {  	s4 =	sshll.u32 s28, $0x1;
	[dreg:$0x2] =	wrdreg s2  }
0xa9: {  	[dreg:$0x3] =	wrdreg s4  }
0xaa: {  	[dreg:$0x4] =	wrdreg $0xC0  }
0xab: {  	_ =	task [dreg:s6], $0x5FFFF  }
0xac: {  	[dreg:$0x1] =	wrdreg $0xFFFFFFFF  }
0xad: {  	[dreg:$0x0] =	wrdreg $0x60  }
0xae: {  	[dreg:$0x2] =	wrdreg s24  }
0xaf: {  	[dreg:$0x3] =	wrdreg $0x9  }
0xb0: {  	_ =	task.clear_ibuf [dreg:s6], $0x4FFFF;
	_ =	strace $0x9000004C  }
0xb1: {  	s29 =	simm.s32 $0x9;
	_ =	strace $0x8000004E  }
0xb2: {  	_ =	swait.ge [sflag:s29], $0x1  }
0xb3: {  	[sflag:s29] =	ssyncadd.s32 $0xFFFFFFFF  }
0xb4: {  	_ =	strace $0x9000004E  }
0xb5: {  	_ =	sfence  }
0xb6: {  	s30 =	sld [smem:$0x0];
	_ =	sdelay $0x2  }
0xb7: {  	s31 =	sshll.u32 s1, $0xD;
	s1 =	sshrl.u32 s1, $0x2  }
0xb8: {  	s3 =	sand.u32 $0x4000, s31;
	s1 =	sadd.s32 s1, s30  }
0xb9: {  	s0 =	sor.u32 s3, s0;
	s1 =	sshll.u32 s1, $0x11  }
0xba: {  	s0 =	sor.u32 s1, s0  }
0xbb: {  	s0 =	sadd.s32 $0x8F2B, s0  }
0xbc: {  	[sflag:s0] =	ssyncadd.remote.s32 $0x1  }
0xbd: {  	_ =	sfence.sel $0xFFFF  }
0xbe: {  	[dreg:$0x0] =	wrdreg $0xFFFFFFFF;
	(pc) =	sbr.abs _section_cstart, $3  }
0xbf: {  	[dreg:$0x1] =	wrdreg $0xFFFFFFFF  }
0xc0: {  	_ =	task.clear_ibuf [dreg:s6], $0x2FFFF;
	_ =	strace $0x9FFFFFFF  }
0xc1: {  	(tm) =	ssettm $0x7FFFFFFF  }
tec
execute0_lowered:
.L_overlay_start_1:
0x0: {  	(tag) =	ssettag $0x1  }
0x1: {  	s0 =	srdreg.scid;
	s1 =	rddreg [dreg:$0x0]  }
0x2: {  	s11 =	stileid.u32;
	s2 =	simm.s32 $0x0;
	s13 =	simm.s32 $0x9  }
0x3: {  	s14 =	simm.s32 $0x80;
	s15 =	simm.s32 $0x1400;
	s16 =	simm.s32 $0x1C00  }
0x4: {  	s18 =	simm.s32 $0x2400;
	s20 =	simm.s32 $0x2C00;
	s21 =	simm.s32 $0x1  }
0x5: {  	s22 =	simm.s32 $0x2;
	s23 =	simm.s32 $0x3;
	s24 =	simm.s32 $0x4  }
0x6: {  	s28 =	simm.s32 $0x7;
	s29 =	simm.s32 $0x8;
	s9 =	smul.u32 $0x28, s11  }
0x7: {  	s30 =	simm.s32 $0x0;
	s0 =	sand.u32 $0x1, s0;
	s12 =	smul.u32 $0x2800, s11  }
0x8: {  	[smem:$0x7FF] =	sst s2;
	s3 =	sshll.u32 s0, $0x4;
	s7 =	smul.u32 $0x280, s0  }
0x9: {  	s26 =	ssub.s32 $0x2, s0;
	s0 =	smul.u32 $0x28000, s0;
	s4 =	sor.u32 s11, s3  }
0xa: {  	_ =	strace $0x8000004D;
	s3 =	sadd.s32 $0x31C00, s1;
	s5 =	smul.u32 $0x280, s4  }
0xb: {  	s8 =	sshrl.u32 s26, $0x1;
	s6 =	smul.u32 $0x2800, s4;
	s31 =	sadd.s32 s9, s7  }
0xc: {  	s9 =	sshll.u32 s31, $0x8;
	s25 =	sadd.s32 s5, s1;
	s1 =	sadd.s32 $0x36C00, s1  }
0xd: {  	s5 =	ssub.s32 s26, s8;
	s26 =	simm.s32 $0x6;
	s4 =	sadd.s32 $0x5A00, s25  }
0xe: {  	s10 =	sadd.s32 s1, s6;
	s5 =	smax.u32 s5, $0x1;
	s9 =	sadd.s32 s9, s1  }
0xf: {  	s0 =	sadd.s32 s0, s1;
	s25 =	simm.s32 $0x5;
	[dreg:$0x2] =	wrdreg s4  }
0x10: {  	s6 =	sadd.s32 $0x2400, s10;
	s7 =	sadd.s32 $0x2500, s10;
	s8 =	sadd.s32 $0x2600, s10  }
0x11: {  	s10 =	sadd.s32 $0x2700, s10;
	s11 =	sadd.s32 $0x200, s9;
	s12 =	sadd.s32 s12, s0  }
.LBB2_1:
0x12: {  	s0 =	rddreg [dreg:$0x2]  }
0x13: {  	[tilespmem:s2], [sflag:$0x9] =	stream.linear.gather [hbm4b:s0+s2], $0x1400, $0x38;
	[tilespmem:$0x3400] =	vst v63  }
0x14: {  	_ =	swait.ge [sflag:s13], $0x1400  }
0x15: {  	[sflag:s13] =	ssyncset.done $0x0  }
0x16: {  	[sflag:s13] =	ssyncadd.s32 $0xFFFFEC00  }
0x17: {  	[tilespmem:s15], [sflag:$0x1] =	stream.indirect.gather [hbm4b:s3+s14], $0x10, s2, s14, $0xb8;
	[tilespmem:$0x3400] =	vst v63  }
0x18: {  	_ = 	snop  }
0x19: {  	[tilespmem:s16], [sflag:$0x2] =	stream.indirect.gather [hbm4b:s3+s14], $0x10, s14, s14, $0xb8;
	[tilespmem:$0x3400] =	vst v63  }
0x1a: {  	s19 =	simm.s32 $0x100  }
0x1b: {  	[tilespmem:s18], [sflag:$0x3] =	stream.indirect.gather [hbm4b:s3+s14], $0x10, s19, s14, $0xb8;
	[tilespmem:$0x3400] =	vst v63  }
0x1c: {  	s1 =	simm.s32 $0x180  }
0x1d: {  	[tilespmem:s20], [sflag:$0x4] =	stream.indirect.gather [hbm4b:s3+s14], $0x10, s1, s14, $0xb8;
	[tilespmem:$0x3400] =	vst v63  }
0x1e: {  	_ =	swait.ge [sflag:s21], $0x800  }
0x1f: {  	[sflag:s21] =	ssyncset.done $0x0  }
0x20: {  	s4 =	sadd.s32 $0x0, s12;
	[sflag:s21] =	ssyncadd.s32 $0xFFFFF800  }
0x21: {  	[hbm4b:s4+s2] =	stream.linear.scatter [tilespmem:s15], [sflag:$0x5], $0x800, $0x38;
	[tilespmem:$0x3400] =	vst v63  }
0x22: {  	_ =	swait.ge [sflag:s22], $0x800  }
0x23: {  	s17 =	sadd.s32 $0x0, s9;
	[sflag:s22] =	ssyncset.done $0x0  }
0x24: {  	s1 =	sadd.s32 $0x100, s17;
	[sflag:s22] =	ssyncadd.s32 $0xFFFFF800  }
0x25: {  	[hbm4b:s1+s2] =	stream.linear.scatter [tilespmem:s16], [sflag:$0x6], $0x800, $0x38;
	[tilespmem:$0x3400] =	vst v63  }
0x26: {  	_ =	swait.ge [sflag:s23], $0x800  }
0x27: {  	[sflag:s23] =	ssyncset.done $0x0  }
0x28: {  	s19 =	sadd.s32 $0x0, s11;
	[sflag:s23] =	ssyncadd.s32 $0xFFFFF800  }
0x29: {  	[hbm4b:s19+s2] =	stream.linear.scatter [tilespmem:s18], [sflag:$0x7], $0x800, $0x38;
	[tilespmem:$0x3400] =	vst v63  }
0x2a: {  	_ =	swait.ge [sflag:s24], $0x800  }
0x2b: {  	[sflag:s24] =	ssyncset.done $0x0  }
0x2c: {  	s0 =	sadd.s32 $0x300, s17;
	[sflag:s24] =	ssyncadd.s32 $0xFFFFF800  }
0x2d: {  	[hbm4b:s0+s2] =	stream.linear.scatter [tilespmem:s20], [sflag:$0x8], $0x800, $0x38;
	[tilespmem:$0x3400] =	vst v63  }
0x2e: {  	_ =	swait.ge [sflag:s25], $0x800  }
0x2f: {  	[sflag:s25] =	ssyncset.done $0x0  }
0x30: {  	s4 =	simm.s32 $0x200;
	[sflag:s25] =	ssyncadd.s32 $0xFFFFF800  }
0x31: {  	[tilespmem:s15], [sflag:$0x1] =	stream.indirect.gather [hbm4b:s3+s14], $0x10, s4, s14, $0xb8;
	[tilespmem:$0x3400] =	vst v63  }
0x32: {  	_ =	swait.ge [sflag:s26], $0x800  }
0x33: {  	[sflag:s26] =	ssyncset.done $0x0  }
0x34: {  	s17 =	simm.s32 $0x280;
	[sflag:s26] =	ssyncadd.s32 $0xFFFFF800  }
0x35: {  	[tilespmem:s16], [sflag:$0x2] =	stream.indirect.gather [hbm4b:s3+s14], $0x10, s17, s14, $0xb8;
	[tilespmem:$0x3400] =	vst v63  }
0x36: {  	_ =	swait.ge [sflag:s28], $0x800  }
0x37: {  	[sflag:s28] =	ssyncset.done $0x0  }
0x38: {  	s19 =	simm.s32 $0x300;
	[sflag:s28] =	ssyncadd.s32 $0xFFFFF800  }
0x39: {  	[tilespmem:s18], [sflag:$0x3] =	stream.indirect.gather [hbm4b:s3+s14], $0x10, s19, s14, $0xb8;
	[tilespmem:$0x3400] =	vst v63  }
0x3a: {  	_ =	swait.ge [sflag:s29], $0x800  }
0x3b: {  	s31 =	simm.s32 $0x380;
	[sflag:s29] =	ssyncset.done $0x0  }
0x3c: {  	s1 =	simm.s32 $0x580;
	s0 =	simm.s32 $0x400;
	[sflag:s29] =	ssyncadd.s32 $0xFFFFF800  }
.LBB2_2:
0x3d: {  	[tilespmem:s20], [sflag:$0x4] =	stream.indirect.gather [hbm4b:s3+s14], $0x10, s31, s14, $0xb8;
	[tilespmem:$0x3400] =	vst v63  }
0x3e: {  	s17 =	smov.u32 s0;
	s31 =	smov.u32 s1  }
0x3f: {  	p0 =	sne.s32 s0, $0x2000;
	s0 =	sadd.s32 $0x400, s0;
	_ =	swait.ge [sflag:s21], $0x800  }
0x40: {  	[sflag:s21] =	ssyncset.done $0x0  }
0x41: {  	s19 =	sadd.s32 s17, s12;
	[sflag:s21] =	ssyncadd.s32 $0xFFFFF800  }
0x42: {  	[hbm4b:s19+s2] =	stream.linear.scatter [tilespmem:s15], [sflag:$0x5], $0x800, $0x38;
	[tilespmem:$0x3400] =	vst v63  }
0x43: {  	_ =	swait.ge [sflag:s22], $0x800  }
0x44: {  	s19 =	sadd.s32 s17, s9;
	[sflag:s22] =	ssyncset.done $0x0  }
0x45: {  	s4 =	sadd.s32 $0x100, s19;
	[sflag:s22] =	ssyncadd.s32 $0xFFFFF800  }
0x46: {  	[hbm4b:s4+s2] =	stream.linear.scatter [tilespmem:s16], [sflag:$0x6], $0x800, $0x38;
	[tilespmem:$0x3400] =	vst v63  }
0x47: {  	_ =	swait.ge [sflag:s23], $0x800  }
0x48: {  	[sflag:s23] =	ssyncset.done $0x0  }
0x49: {  	s4 =	sadd.s32 s17, s11;
	[sflag:s23] =	ssyncadd.s32 $0xFFFFF800  }
0x4a: {  	[hbm4b:s4+s2] =	stream.linear.scatter [tilespmem:s18], [sflag:$0x7], $0x800, $0x38;
	[tilespmem:$0x3400] =	vst v63  }
0x4b: {  	_ =	swait.ge [sflag:s24], $0x800  }
0x4c: {  	[sflag:s24] =	ssyncset.done $0x0  }
0x4d: {  	s4 =	sadd.s32 $0x300, s19;
	[sflag:s24] =	ssyncadd.s32 $0xFFFFF800  }
0x4e: {  	[hbm4b:s4+s2] =	stream.linear.scatter [tilespmem:s20], [sflag:$0x8], $0x800, $0x38;
	[tilespmem:$0x3400] =	vst v63  }
0x4f: {  	_ =	swait.ge [sflag:s25], $0x800  }
0x50: {  	[sflag:s25] =	ssyncset.done $0x0  }
0x51: {  	s4 =	sadd.s32 $0xFFFFFE80, s1;
	[sflag:s25] =	ssyncadd.s32 $0xFFFFF800  }
0x52: {  	[tilespmem:s15], [sflag:$0x1] =	stream.indirect.gather [hbm4b:s3+s14], $0x10, s4, s14, $0xb8;
	[tilespmem:$0x3400] =	vst v63  }
0x53: {  	_ =	swait.ge [sflag:s26], $0x800  }
0x54: {  	[sflag:s26] =	ssyncset.done $0x0  }
0x55: {  	s4 =	sadd.s32 $0xFFFFFF00, s1;
	[sflag:s26] =	ssyncadd.s32 $0xFFFFF800  }
0x56: {  	[tilespmem:s16], [sflag:$0x2] =	stream.indirect.gather [hbm4b:s3+s14], $0x10, s4, s14, $0xb8;
	[tilespmem:$0x3400] =	vst v63  }
0x57: {  	_ =	swait.ge [sflag:s28], $0x800  }
0x58: {  	[sflag:s28] =	ssyncset.done $0x0  }
.Ltmp0:
0x59: {  	s4 =	sadd.s32 $0xFFFFFF80, s1;
	[sflag:s28] =	ssyncadd.s32 $0xFFFFF800;
	(pc) =	sbr.rel @p0 .LBB2_2-.Ltmp0, $4  }
0x5a: {  	[tilespmem:s18], [sflag:$0x3] =	stream.indirect.gather [hbm4b:s3+s14], $0x10, s4, s14, $0xb8;
	[tilespmem:$0x3400] =	vst v63  }
0x5b: {  	_ =	swait.ge [sflag:s29], $0x800  }
0x5c: {  	[sflag:s29] =	ssyncset.done $0x0  }
0x5d: {  	s1 =	sadd.s32 $0x200, s1;
	[sflag:s29] =	ssyncadd.s32 $0xFFFFF800  }
0x5e: {  	[tilespmem:s20], [sflag:$0x4] =	stream.indirect.gather [hbm4b:s3+s14], $0x10, s31, s14, $0xb8;
	[tilespmem:$0x3400] =	vst v63  }
0x5f: {  	_ =	swait.ge [sflag:s21], $0x800  }
0x60: {  	[sflag:s21] =	ssyncset.done $0x0  }
0x61: {  	[sflag:s21] =	ssyncadd.s32 $0xFFFFF800  }
0x62: {  	[hbm4b:s6+s2] =	stream.linear.scatter [tilespmem:s15], [sflag:$0x5], $0x800, $0x38;
	[tilespmem:$0x3400] =	vst v63  }
0x63: {  	_ =	swait.ge [sflag:s22], $0x800  }
0x64: {  	[sflag:s22] =	ssyncset.done $0x0  }
0x65: {  	[sflag:s22] =	ssyncadd.s32 $0xFFFFF800  }
0x66: {  	[hbm4b:s7+s2] =	stream.linear.scatter [tilespmem:s16], [sflag:$0x6], $0x800, $0x38;
	[tilespmem:$0x3400] =	vst v63  }
0x67: {  	_ =	swait.ge [sflag:s23], $0x800  }
0x68: {  	[sflag:s23] =	ssyncset.done $0x0  }
0x69: {  	[sflag:s23] =	ssyncadd.s32 $0xFFFFF800  }
0x6a: {  	[hbm4b:s8+s2] =	stream.linear.scatter [tilespmem:s18], [sflag:$0x7], $0x800, $0x38;
	[tilespmem:$0x3400] =	vst v63  }
0x6b: {  	_ =	swait.ge [sflag:s24], $0x800  }
0x6c: {  	[sflag:s24] =	ssyncset.done $0x0  }
0x6d: {  	[sflag:s24] =	ssyncadd.s32 $0xFFFFF800  }
0x6e: {  	[hbm4b:s10+s2] =	stream.linear.scatter [tilespmem:s20], [sflag:$0x8], $0x800, $0x38;
	[tilespmem:$0x3400] =	vst v63  }
0x6f: {  	_ =	swait.ge [sflag:s25], $0x800  }
0x70: {  	[sflag:s25] =	ssyncset.done $0x0  }
0x71: {  	[sflag:s25] =	ssyncadd.s32 $0xFFFFF800  }
0x72: {  	_ =	swait.ge [sflag:s26], $0x800  }
0x73: {  	[sflag:s26] =	ssyncset.done $0x0  }
0x74: {  	s30 =	sadd.s32 $0x1, s30;
	[sflag:s26] =	ssyncadd.s32 $0xFFFFF800  }
0x75: {  	p0 =	sne.s32 s30, s5;
	_ =	swait.ge [sflag:s28], $0x800  }
.Ltmp1:
0x76: {  	[sflag:s28] =	ssyncset.done $0x0;
	(pc) =	sbr.rel @p0 .LBB2_1-.Ltmp1, $4  }
0x77: {  	[sflag:s28] =	ssyncadd.s32 $0xFFFFF800  }
0x78: {  	_ =	swait.ge [sflag:s29], $0x800  }
0x79: {  	[sflag:s29] =	ssyncset.done $0x0  }
0x7a: {  	[sflag:s29] =	ssyncadd.s32 $0xFFFFF800  }
0x7b: {  	_ =	sfence.sel $0x180000  }
0x7c: {  	[bflag:$0x0] =	sbarrier.arrive $0xFFFF  }
0x7d: {  	_ =	strace $0x9000004D  }
0x7e: {  	s0 =	stileid.u32;
	[bflag:$0x2] =	sbarrier.arrive $0xFFFF  }
0x7f: {  	p0 =	sne.s32 s0, $0x0;
	s0 =	rddreg [dreg:$0x1]  }
0x80: {  	s0 =	sadd.s32 @!p0 $0x100000, s0  }
0x81: {  	[sflag:s0] =	ssyncadd.tile.s32 @!p0 $0x1;
	_ =	shalt  }
.Lfunc_end2:
_tile_overlayer_lowered:
.L_overlay_start_2:
0x82: {  	(tag) =	ssettag $0x2  }
0x83: {  	s0 =	rddreg [dreg:$0x0];
	s2 =	stileid.u32  }
0x84: {  	s1 =	rddreg [dreg:$0x1];
	p0 =	sne.s32 s2, $0x0  }
0x85: {  	s3 =	rddreg [dreg:$0x2];
	[bflag:$0x3] =	sbarrier.arrive $0xFFFF;
	s2 =	simm.s32 @!p0 $0x1C09  }
0x86: {  	[timem:s3], [sflag:s2] =	dma.local @!p0 [hbm:s0], s1  }
0x87: {  	s0 =	simm.s32 @!p0 $0x9  }
0x88: {  	_ =	swait.ge @!p0 [sflag:s0], s1  }
0x89: {  	s1 =	ssub.s32 @!p0 $0x0, s1;
	[sflag:s0] =	ssyncset.done @!p0 $0x0  }
0x8a: {  	[sflag:s0] =	ssyncadd.s32 @!p0 s1  }
0x8b: {  	[bflag:$0x3] =	sbarrier.arrive $0xFFFF  }
0x8c: {  	_ =	shalt  }

// kernel: kernel.24.cloned.1.call-start
scs
__scs_entry_jumppad:
0x0: {  	(pc) =	sbr.rel $0x88, $3  }
0x1: {  	(tag) =	ssettag $0x0;
	lr =	simm.s32 $0x1  }
0x2: {  	[smem:$0x3F89] =	sst lr;
	_ =	strace $0xD0000000  }
0x3: {  	_ = 	snop  }
0x4: {  	_ = 	snop  }
0x5: {  	_ = 	snop  }
0x6: {  	_ = 	snop  }
0x7: {  	_ = 	snop  }
__scs_overlays_trampoline_lowered:
0x8: {  	[smem:$0x3F98] =	sst s0  }
0x9: {  	[smem:$0x3F99] =	sst s1  }
0xa: {  	[smem:$0x3F9A] =	sst s2  }
0xb: {  	[smem:$0x3F9B] =	sst s3  }
0xc: {  	[smem:$0x3F9C] =	sst s4  }
0xd: {  	[smem:$0x3F9D] =	sst s5  }
0xe: {  	[smem:$0x3F9E] =	sst s6  }
0xf: {  	[smem:$0x3F9F] =	sst s7  }
0x10: {  	[smem:$0x3FA0] =	sst s8  }
0x11: {  	[smem:$0x3FA1] =	sst s9;
	s0 =	simm.s32 @!p0 $0x0  }
0x12: {  	s1 =	sld [smem:$0x3F87];
	s0 =	simm.s32 @p0 $0x1  }
0x13: {  	[smem:$0x3FA2] =	sst s0;
	s0 =	simm.s32 @!p1 $0x0  }
0x14: {  	s2 =	sld [smem:$0x3F86];
	s0 =	simm.s32 @p1 $0x1  }
0x15: {  	[smem:$0x3FA3] =	sst s0;
	s0 =	simm.s32 @!p2 $0x0  }
0x16: {  	s3 =	sld [smem:$0x3FDB];
	s0 =	simm.s32 @p2 $0x1  }
0x17: {  	s4 =	simm.s32 $0x1BF5;
	[smem:$0x3FA5] =	sst s0  }
0x18: {  	s0 =	sld [smem:$0x3F88];
	_ =	swait.ge [sflag:s4], $0x0  }
0x19: {  	s7 =	sld [smem:$0x3F89]  }
0x1a: {  	s8 =	sadd.s32 $0xFFFFE003, lr  }
0x1b: {  	s9 =	sadd.s32 $0xFFFFFEF7, lr;
	s5 =	simm.s32 $0xFFFFFFFF;
	p2 =	slt.u32 s8, $0xFFFFF086  }
0x1c: {  	p1 =	slt.u32 s9, $0xF7A;
	s5 =	simm.s32 @!p2 $0x0  }
0x1d: {  	s5 =	simm.s32 @p1 $0x1;
	p0 =	seq.s32 s7, s2  }
0x1e: {  	s7 =	smul.u32 @!p0 $0xF7A, s2;
	p2 =	seq.s32 @!p0 s5, $0x0  }
0x1f: {  	s9 =	smul.u32 $0xF7A, s1;
	s8 =	simm.s32 @!p0 $0x1BF5;
	p2 =	por !p2, p0  }
0x20: {  	[sflag:s8] =	ssyncset.s32 @!p0 $0xFFFFF086;
	s6 =	sadd.s32 @!p0 s3, s7;
	s7 =	simm.s32 @!p0 $0x108  }
0x21: {  	s3 =	sadd.s32 s3, s9;
	s6 =	sadd.s32 @!p0 $0x88, s6;
	s7 =	simm.s32 @p2 $0x1082  }
0x22: {  	[simem:s7], [sflag:s8] =	dma.local @!p0 [hbm:s6], $0xF7A  }
0x23: {  	s9 =	sor.u32 $0xD0000000, s2;
	s6 =	simm.s32 $0x108;
	_ =	swait.ge @!p0 [sflag:s8], $0x0  }
0x24: {  	s3 =	sadd.s32 $0x88, s3;
	s6 =	simm.s32 @!p1 $0x1082;
	[sflag:s4] =	ssyncset.s32 $0xFFFFF086  }
0x25: {  	[simem:s6], [sflag:s4] =	dma.local [hbm:s3], $0xF7A  }
0x26: {  	[smem:$0x3F89] =	sst s1;
	(tag) =	ssettag s2;
	_ =	strace s9  }
0x27: {  	s1 =	sld [smem:$0x3F99]  }
0x28: {  	s2 =	sld [smem:$0x3F9A]  }
0x29: {  	s4 =	sld [smem:$0x3F9C]  }
0x2a: {  	p0 =	seq.s32 s5, $0x0;
	s5 =	sld [smem:$0x3F9D]  }
0x2b: {  	s6 =	sld [smem:$0x3F9E]  }
0x2c: {  	s7 =	sld [smem:$0x3F9F]  }
0x2d: {  	s3 =	simm.s32 $0x108;
	s8 =	sld [smem:$0x3FA0]  }
0x2e: {  	s3 =	simm.s32 @!p0 $0x1082;
	s9 =	sld [smem:$0x3FA1]  }
0x2f: {  	lr =	sadd.s32 s0, s3;
	s0 =	sld [smem:$0x3F98]  }
0x30: {  	s3 =	sld [smem:$0x3F9B]  }
0x31: {  	[smem:$0x3FA4] =	sst s10  }
0x32: {  	s10 =	sld [smem:$0x3FA2];
	_ =	sdelay $0x3  }
0x33: {  	p0 =	seq.s32 s10, $0x1;
	s10 =	sld [smem:$0x3FA4];
	_ =	sdelay $0x3  }
0x34: {  	[smem:$0x3FA4] =	sst s10  }
0x35: {  	s10 =	sld [smem:$0x3FA3];
	_ =	sdelay $0x3  }
0x36: {  	p1 =	seq.s32 s10, $0x1;
	s10 =	sld [smem:$0x3FA4];
	_ =	sdelay $0x3  }
0x37: {  	[smem:$0x3FA4] =	sst s10  }
0x38: {  	s10 =	sld [smem:$0x3FA5]  }
0x39: {  	_ = 	snop;
	(pc) =	sbr.ind lr, $3  }
0x3a: {  	_ = 	snop  }
0x3b: {  	_ = 	snop  }
0x3c: {  	p2 =	seq.s32 s10, $0x1;
	s10 =	sld [smem:$0x3FA4]  }
0x3d: {  	_ =	shalt  }
0x3e: {  	_ =	shalt  }
0x3f: {  	_ =	shalt  }
0x40: {  	_ =	shalt  }
0x41: {  	_ =	shalt  }
0x42: {  	_ =	shalt  }
0x43: {  	_ =	shalt  }
0x44: {  	_ =	shalt  }
0x45: {  	_ =	shalt  }
0x46: {  	_ =	shalt  }
0x47: {  	_ =	shalt  }
0x48: {  	_ =	shalt  }
0x49: {  	_ =	shalt  }
0x4a: {  	_ =	shalt  }
0x4b: {  	_ =	shalt  }
0x4c: {  	_ =	shalt  }
0x4d: {  	_ =	shalt  }
0x4e: {  	_ =	shalt  }
0x4f: {  	_ =	shalt  }
0x50: {  	_ =	shalt  }
0x51: {  	_ =	shalt  }
0x52: {  	_ =	shalt  }
0x53: {  	_ =	shalt  }
0x54: {  	_ =	shalt  }
0x55: {  	_ =	shalt  }
0x56: {  	_ =	shalt  }
0x57: {  	_ =	shalt  }
0x58: {  	_ =	shalt  }
0x59: {  	_ =	shalt  }
0x5a: {  	_ =	shalt  }
0x5b: {  	_ =	shalt  }
0x5c: {  	_ =	shalt  }
0x5d: {  	_ =	shalt  }
0x5e: {  	_ =	shalt  }
0x5f: {  	_ =	shalt  }
0x60: {  	_ =	shalt  }
0x61: {  	_ =	shalt  }
0x62: {  	_ =	shalt  }
0x63: {  	_ =	shalt  }
0x64: {  	_ =	shalt  }
0x65: {  	_ =	shalt  }
0x66: {  	_ =	shalt  }
0x67: {  	_ =	shalt  }
0x68: {  	_ =	shalt  }
0x69: {  	_ =	shalt  }
0x6a: {  	_ =	shalt  }
0x6b: {  	_ =	shalt  }
0x6c: {  	_ =	shalt  }
0x6d: {  	_ =	shalt  }
0x6e: {  	_ =	shalt  }
0x6f: {  	_ =	shalt  }
0x70: {  	_ =	shalt  }
0x71: {  	_ =	shalt  }
0x72: {  	_ =	shalt  }
0x73: {  	_ =	shalt  }
0x74: {  	_ =	shalt  }
0x75: {  	_ =	shalt  }
0x76: {  	_ =	shalt  }
0x77: {  	_ =	shalt  }
0x78: {  	_ =	shalt  }
0x79: {  	_ =	shalt  }
0x7a: {  	_ =	shalt  }
0x7b: {  	_ =	shalt  }
0x7c: {  	_ =	shalt  }
0x7d: {  	_ =	shalt  }
0x7e: {  	_ =	shalt  }
0x7f: {  	_ =	shalt  }
0x80: {  	_ =	shalt  }
0x81: {  	_ =	shalt  }
0x82: {  	_ =	shalt  }
0x83: {  	_ =	shalt  }
0x84: {  	_ =	shalt  }
0x85: {  	_ =	shalt  }
0x86: {  	_ =	shalt  }
0x87: {  	_ =	shalt  }
.Lfunc_end0:
.L_simem_size_0:
called_computation.3_lowered:
.L_overlay_start_0:
0x88: {  	s2 =	sld [smem:$0x3FD9]  }
0x89: {  	s3 =	sld [smem:$0x3FFE];
	_ =	sdelay $0x1  }
0x8a: {  	s1 =	srdreg.scid  }
0x8b: {  	s0 =	sand.u32 $0x1, s1  }
0x8c: {  	s16 =	sshll.u32 s0, $0xA;
	s2 =	sadd.s32 s3, s2  }
0x8d: {  	s2 =	sadd.s32 s2, s16  }
0x8e: {  	[smem:$0x3FB0] =	sst s2  }
0x8f: {  	_ = 	snop  }
0x90: {  	(tm) =	ssettm $0x1  }
0x91: {  	s17 =	sld [smem:$0x3FFB];
	_ =	sdelay $0x3  }
0x92: {  	_ =	strace s17  }
0x93: {  	s2 =	sld [smem:$0x3FFC];
	_ =	sdelay $0x3  }
0x94: {  	_ =	strace s2  }
0x95: {  	s2 =	sld [smem:$0x3FFD];
	_ =	sdelay $0x3  }
0x96: {  	_ =	strace s2  }
0x97: {  	_ =	strace $0x8FFFFFFF  }
0x98: {  	s18 =	sld [smem:$0x3FDB];
	_ =	sdelay $0x1  }
0x99: {  	s19 =	simm.s32 $_scs_section_size  }
0x9a: {  	s4 =	simm.s32 $_size__tile_overlayer_lowered;
	s5 =	simm.s32 $_tile_overlayer_lowered  }
0x9b: {  	s22 =	simm.s32 $0x1BFF;
	s21 =	sshll.u32 s5, $0x1;
	s2 =	sadd.s32 s19, s18  }
0x9c: {  	s6 =	simm.s32 $0x0;
	s20 =	sshll.u32 s4, $0x1;
	s4 =	sadd.s32 s21, s2  }
0x9d: {  	[timem:s6], [sflag:s22] =	dma.local [hbm:s4], s20  }
0x9e: {  	_ =	swait.ge [sflag:s22], s20  }
0x9f: {  	s3 =	ssub.s32 $0x0, s20;
	[sflag:s22] =	ssyncset.done $0x0  }
0xa0: {  	[sflag:s22] =	ssyncadd.s32 s3;
	_ =	sdelay $0x1  }
0xa1: {  	s23 =	simm.s32 $0x1B8B  }
0xa2: {  	_ =	swait.ge [sflag:s23], $0x1  }
0xa3: {  	[sflag:s23] =	ssyncset.done $0x0  }
0xa4: {  	s25 =	simm.s32 $0x1B8E;
	s24 =	sld [smem:$0x3FFE];
	[sflag:s23] =	ssyncadd.s32 $0xFFFFFFFF  }
0xa5: {  	s26 =	simm.s32 $execute0_lowered;
	[smem:$0x3FD2] =	sst s25  }
0xa6: {  	s4 =	sshll.u32 s26, $0x1;
	_ =	strace $0x8000004F;
	[dreg:$0x1] =	wrdreg $0xFFFFFFFF  }
0xa7: {  	s28 =	simm.s32 $_size_execute0_lowered;
	s2 =	sadd.s32 s2, s4;
	[dreg:$0x0] =	wrdreg $0x0  }
0xa8: {  	s4 =	sshll.u32 s28, $0x1;
	[dreg:$0x2] =	wrdreg s2  }
0xa9: {  	[dreg:$0x3] =	wrdreg s4  }
0xaa: {  	[dreg:$0x4] =	wrdreg $0xC0  }
0xab: {  	_ =	task [dreg:s6], $0x5FFFF  }
0xac: {  	[dreg:$0x1] =	wrdreg $0xFFFFFFFF  }
0xad: {  	[dreg:$0x0] =	wrdreg $0x60  }
0xae: {  	[dreg:$0x2] =	wrdreg s24  }
0xaf: {  	[dreg:$0x3] =	wrdreg $0x4B800  }
0xb0: {  	[dreg:$0x4] =	wrdreg $0x9  }
0xb1: {  	_ =	task.clear_ibuf [dreg:s6], $0x5FFFF;
	_ =	strace $0x9000004F  }
0xb2: {  	s29 =	simm.s32 $0x9;
	_ =	strace $0x80000051  }
0xb3: {  	_ =	swait.ge [sflag:s29], $0x1  }
0xb4: {  	[sflag:s29] =	ssyncadd.s32 $0xFFFFFFFF  }
0xb5: {  	_ =	strace $0x90000051  }
0xb6: {  	_ =	sfence  }
0xb7: {  	s30 =	sld [smem:$0x0];
	_ =	sdelay $0x2  }
0xb8: {  	s31 =	sshll.u32 s1, $0xD;
	s1 =	sshrl.u32 s1, $0x2  }
0xb9: {  	s3 =	sand.u32 $0x4000, s31;
	s1 =	sadd.s32 s1, s30  }
0xba: {  	s0 =	sor.u32 s3, s0;
	s1 =	sshll.u32 s1, $0x11  }
0xbb: {  	s0 =	sor.u32 s1, s0  }
0xbc: {  	s0 =	sadd.s32 $0x8F2B, s0  }
0xbd: {  	[sflag:s0] =	ssyncadd.remote.s32 $0x1  }
0xbe: {  	_ =	sfence.sel $0xFFFF  }
0xbf: {  	[dreg:$0x0] =	wrdreg $0xFFFFFFFF;
	(pc) =	sbr.abs _section_cstart, $3  }
0xc0: {  	[dreg:$0x1] =	wrdreg $0xFFFFFFFF  }
0xc1: {  	_ =	task.clear_ibuf [dreg:s6], $0x2FFFF;
	_ =	strace $0x9FFFFFFF  }
0xc2: {  	(tm) =	ssettm $0x7FFFFFFF  }
0xc3: {  	_ =	shalt  }
tec
execute0_lowered:
.L_overlay_start_1:
0x0: {  	(tag) =	ssettag $0x1  }
0x1: {  	s5 =	rddreg [dreg:$0x0]  }
0x2: {  	s0 =	srdreg.scid;
	s2 =	rddreg [dreg:$0x1]  }
0x3: {  	s3 =	simm.s32 $0x0;
	s14 =	simm.s32 $0x1C00;
	s15 =	simm.s32 $0x2400  }
0x4: {  	s16 =	simm.s32 $0x1;
	s17 =	simm.s32 $0x80;
	s18 =	simm.s32 $0x2  }
0x5: {  	s19 =	simm.s32 $0x3;
	s4 =	sand.u32 $0x1, s0;
	s0 =	stileid.u32  }
0x6: {  	s20 =	simm.s32 $0x4;
	s21 =	simm.s32 $0x1300;
	s8 =	smul.u32 $0x2780, s0  }
0x7: {  	s22 =	simm.s32 $0x1380;
	s23 =	simm.s32 $0x0;
	s9 =	smul.u32 $0x27800, s4  }
0x8: {  	[smem:$0x7FF] =	sst s3;
	s1 =	sshll.u32 s4, $0x4;
	s11 =	smul.u32 $0x280, s4  }
0x9: {  	s10 =	sadd.s32 $0x31C00, s5;
	s12 =	smul.u32 $0x28, s0;
	s6 =	sor.u32 s0, s1  }
0xa: {  	s4 =	ssub.s32 $0x2, s4;
	s1 =	rddreg [dreg:$0x2];
	s7 =	smul.u32 $0x280, s6  }
0xb: {  	_ =	strace $0x80000050;
	s31 =	sshrl.u32 s4, $0x1;
	s6 =	smul.u32 $0x2800, s6  }
0xc: {  	s9 =	sadd.s32 s8, s9;
	s13 =	ssub.s32 s4, s31;
	s11 =	sadd.s32 s12, s11  }
0xd: {  	s12 =	simm.s32 $0x5;
	s9 =	sshrl.u32 s9, $0x3;
	s11 =	sshll.u32 s11, $0x8  }
0xe: {  	s7 =	sadd.s32 s7, s5;
	s9 =	sadd.s32 s9, s5;
	s4 =	sadd.s32 s10, s6  }
0xf: {  	s11 =	sadd.s32 s11, s10;
	s5 =	sadd.s32 $0x28AA00, s7;
	s6 =	sadd.s32 $0x100, s4  }
0x10: {  	s7 =	sadd.s32 s8, s2;
	s8 =	sadd.s32 $0x81C00, s9;
	s9 =	smax.u32 s13, $0x1  }
0x11: {  	v0 =	vimm.f32 $0.0e+00;
	s10 =	sadd.s32 $0x300, s11;
	s11 =	sadd.s32 $0x200, s11;
	s13 =	simm.s32 $0x1400  }
.LBB2_1:
0x12: {  	[tilespmem:s3], [sflag:$0x5] =	stream.linear.gather [hbm4b:s5+s3], $0x1400, $0x38;
	[tilespmem:$0x7300] =	vst v63  }
0x13: {  	_ =	swait.ge [sflag:s12], $0x1400  }
0x14: {  	[sflag:s12] =	ssyncset.done $0x0  }
0x15: {  	[sflag:s12] =	ssyncadd.s32 $0xFFFFEC00  }
0x16: {  	[tilespmem:s13], [sflag:$0x1] =	stream.linear.gather [hbm4b:s4+s3], $0x800, $0x38;
	[tilespmem:$0x7300] =	vst v63  }
0x17: {  	s24 =	simm.s32 $0x40;
	s25 =	simm.s32 $0x0  }
0x18: {  	[tilespmem:s14], [sflag:$0x2] =	stream.linear.gather [hbm4b:s6+s3], $0x800, $0x38;
	[tilespmem:$0x7300] =	vst v63  }
.LBB2_2:
0x19: {  	p0 =	sne.s32 s24, $0x9DC0;
	[tilespmem:s25+$0x2400] =	vst v0;
	s25 =	smov.u32 s24;
	s24 =	sadd.s32 $0x40, s24  }
.Ltmp0:
0x1a: {  	(pc) =	sbr.rel @p0 .LBB2_2-.Ltmp0, $2  }
0x1b: {  	_ =	sdelay $0x2  }
0x1c: {  	s25 =	sshra.s32 s25, $0x2  }
0x1d: {  	[tilespmem:s25+$0x2400] =	vst v0  }
0x1e: {  	[spmem:s7] =	stream.linear.scatter [tilespmem:s15], [sflag:$0x5], $0x2780, $0x38;
	[tilespmem:$0x7300] =	vst v63  }
0x1f: {  	_ =	swait.ge [sflag:s12], $0x2780  }
0x20: {  	[sflag:s12] =	ssyncset.done $0x0  }
0x21: {  	[sflag:s12] =	ssyncadd.s32 $0xFFFFD880  }
0x22: {  	[bflag:$0x0] =	sbarrier.arrive $0xFFFF  }
0x23: {  	_ =	swait.ge [sflag:s16], $0x800  }
0x24: {  	[sflag:s16] =	ssyncset.done $0x0  }
0x25: {  	s24 =	simm.s32 $0x0;
	[sflag:s16] =	ssyncadd.s32 $0xFFFFF800  }
0x26: {  	[spmem:s2] =	stream.indirect.scatter.add.f32 [tilespmem:s13], [sflag:$0x3], $0x10, s24, s17, $0xb8;
	[tilespmem:$0x7300] =	vst v63  }
0x27: {  	_ =	swait.ge [sflag:s18], $0x800  }
0x28: {  	[sflag:s18] =	ssyncset.done $0x0  }
0x29: {  	s30 =	simm.s32 $0x80;
	[sflag:s18] =	ssyncadd.s32 $0xFFFFF800  }
0x2a: {  	[spmem:s2] =	stream.indirect.scatter.add.f32 [tilespmem:s14], [sflag:$0x4], $0x10, s30, s17, $0xb8;
	[tilespmem:$0x7300] =	vst v63  }
0x2b: {  	_ =	swait.ge [sflag:s19], $0x800  }
0x2c: {  	[sflag:s19] =	ssyncset.done $0x0  }
0x2d: {  	s31 =	sadd.s32 $0x0, s11;
	[sflag:s19] =	ssyncadd.s32 $0xFFFFF800  }
0x2e: {  	[tilespmem:s13], [sflag:$0x1] =	stream.linear.gather [hbm4b:s31+s3], $0x800, $0x38;
	[tilespmem:$0x7300] =	vst v63  }
0x2f: {  	_ =	swait.ge [sflag:s20], $0x800  }
0x30: {  	s26 =	sadd.s32 $0x0, s10;
	[sflag:s20] =	ssyncset.done $0x0  }
0x31: {  	s25 =	simm.s32 $0x180;
	s24 =	simm.s32 $0x200;
	[sflag:s20] =	ssyncadd.s32 $0xFFFFF800  }
.LBB2_4:
0x32: {  	[tilespmem:s14], [sflag:$0x2] =	stream.linear.gather [hbm4b:s26+s3], $0x800, $0x38;
	[tilespmem:$0x7300] =	vst v63  }
0x33: {  	s26 =	smov.u32 s24  }
0x34: {  	p0 =	sne.s32 s24, $0x2400;
	s24 =	sadd.s32 $0x200, s24;
	_ =	swait.ge [sflag:s16], $0x800  }
0x35: {  	[sflag:s16] =	ssyncset.done $0x0  }
0x36: {  	s28 =	sadd.s32 $0xFFFFFF80, s25;
	[sflag:s16] =	ssyncadd.s32 $0xFFFFF800  }
0x37: {  	[spmem:s2] =	stream.indirect.scatter.add.f32 [tilespmem:s13], [sflag:$0x3], $0x10, s28, s17, $0xb8;
	[tilespmem:$0x7300] =	vst v63  }
0x38: {  	_ =	swait.ge [sflag:s18], $0x800  }
0x39: {  	[sflag:s18] =	ssyncset.done $0x0  }
0x3a: {  	[sflag:s18] =	ssyncadd.s32 $0xFFFFF800  }
0x3b: {  	[spmem:s2] =	stream.indirect.scatter.add.f32 [tilespmem:s14], [sflag:$0x4], $0x10, s25, s17, $0xb8;
	[tilespmem:$0x7300] =	vst v63  }
0x3c: {  	_ =	swait.ge [sflag:s19], $0x800  }
0x3d: {  	[sflag:s19] =	ssyncset.done $0x0  }
.Ltmp1:
0x3e: {  	s28 =	sadd.s32 s26, s11;
	[sflag:s19] =	ssyncadd.s32 $0xFFFFF800;
	(pc) =	sbr.rel @p0 .LBB2_4-.Ltmp1, $4  }
0x3f: {  	[tilespmem:s13], [sflag:$0x1] =	stream.linear.gather [hbm4b:s28+s3], $0x800, $0x38;
	[tilespmem:$0x7300] =	vst v63  }
0x40: {  	_ =	swait.ge [sflag:s20], $0x800  }
0x41: {  	[sflag:s20] =	ssyncset.done $0x0  }
0x42: {  	s26 =	sadd.s32 s26, s10;
	s25 =	sadd.s32 $0x100, s25;
	[sflag:s20] =	ssyncadd.s32 $0xFFFFF800  }
0x43: {  	[tilespmem:s14], [sflag:$0x2] =	stream.linear.gather [hbm4b:s26+s3], $0x800, $0x38;
	[tilespmem:$0x7300] =	vst v63  }
0x44: {  	_ =	swait.ge [sflag:s16], $0x800  }
0x45: {  	[sflag:s16] =	ssyncset.done $0x0  }
0x46: {  	[sflag:s16] =	ssyncadd.s32 $0xFFFFF800  }
0x47: {  	[spmem:s2] =	stream.indirect.scatter.add.f32 [tilespmem:s13], [sflag:$0x3], $0x10, s21, s17, $0xb8;
	[tilespmem:$0x7300] =	vst v63  }
0x48: {  	_ =	swait.ge [sflag:s18], $0x800  }
0x49: {  	[sflag:s18] =	ssyncset.done $0x0  }
0x4a: {  	[sflag:s18] =	ssyncadd.s32 $0xFFFFF800  }
0x4b: {  	[spmem:s2] =	stream.indirect.scatter.add.f32 [tilespmem:s14], [sflag:$0x4], $0x10, s22, s17, $0xb8;
	[tilespmem:$0x7300] =	vst v63  }
0x4c: {  	_ =	swait.ge [sflag:s19], $0x800  }
0x4d: {  	[sflag:s19] =	ssyncset.done $0x0  }
0x4e: {  	[sflag:s19] =	ssyncadd.s32 $0xFFFFF800  }
0x4f: {  	_ =	swait.ge [sflag:s20], $0x800  }
0x50: {  	[sflag:s20] =	ssyncset.done $0x0  }
0x51: {  	[sflag:s20] =	ssyncadd.s32 $0xFFFFF800  }
0x52: {  	[bflag:$0x0] =	sbarrier.arrive $0xFFFF  }
0x53: {  	[tilespmem:s15], [sflag:$0x5] =	stream.linear.gather [spmem:s7], $0x2780, $0x38;
	[tilespmem:$0x7300] =	vst v63  }
0x54: {  	s23 =	sadd.s32 $0x1, s23;
	_ =	swait.ge [sflag:s12], $0x2780  }
0x55: {  	p0 =	sne.s32 s23, s9;
	[sflag:s12] =	ssyncset.done $0x0  }
.Ltmp2:
0x56: {  	[sflag:s12] =	ssyncadd.s32 $0xFFFFD880;
	(pc) =	sbr.rel @p0 .LBB2_1-.Ltmp2, $4  }
0x57: {  	[hbm4b:s8+s3] =	stream.linear.scatter [tilespmem:s15], [sflag:$0x5], $0x2780, $0x38;
	[tilespmem:$0x7300] =	vst v63  }
0x58: {  	_ =	swait.ge [sflag:s12], $0x2780  }
0x59: {  	[sflag:s12] =	ssyncset.done $0x0  }
0x5a: {  	[sflag:s12] =	ssyncadd.s32 $0xFFFFD880  }
0x5b: {  	_ =	sfence.sel $0x180000  }
0x5c: {  	[bflag:$0x0] =	sbarrier.arrive $0xFFFF  }
0x5d: {  	p0 =	sne.s32 s0, $0x0;
	_ =	strace $0x90000050  }
0x5e: {  	s0 =	sadd.s32 @!p0 $0x100000, s1;
	[bflag:$0x2] =	sbarrier.arrive $0xFFFF  }
0x5f: {  	[sflag:s0] =	ssyncadd.tile.s32 @!p0 $0x1;
	_ =	shalt  }
.Lfunc_end2:
_tile_overlayer_lowered:
.L_overlay_start_2:
0x60: {  	(tag) =	ssettag $0x2  }
0x61: {  	s0 =	rddreg [dreg:$0x0];
	s2 =	stileid.u32  }
0x62: {  	s1 =	rddreg [dreg:$0x1];
	p0 =	sne.s32 s2, $0x0  }
0x63: {  	s3 =	rddreg [dreg:$0x2];
	[bflag:$0x3] =	sbarrier.arrive $0xFFFF;
	s2 =	simm.s32 @!p0 $0x1C05  }
0x64: {  	[timem:s3], [sflag:s2] =	dma.local @!p0 [hbm:s0], s1  }
0x65: {  	s0 =	simm.s32 @!p0 $0x5  }
0x66: {  	_ =	swait.ge @!p0 [sflag:s0], s1  }
0x67: {  	s1 =	ssub.s32 @!p0 $0x0, s1;
	[sflag:s0] =	ssyncset.done @!p0 $0x0  }
0x68: {  	[sflag:s0] =	ssyncadd.s32 @!p0 s1  }
0x69: {  	[bflag:$0x3] =	sbarrier.arrive $0xFFFF  }
0x6a: {  	_ =	shalt  }

// kernel: kernel.27.cloned.1.call-start
scs
__scs_entry_jumppad:
0x0: {  	(pc) =	sbr.rel $0x88, $3  }
0x1: {  	(tag) =	ssettag $0x0;
	lr =	simm.s32 $0x1  }
0x2: {  	[smem:$0x3F89] =	sst lr;
	_ =	strace $0xD0000000  }
0x3: {  	_ = 	snop  }
0x4: {  	_ = 	snop  }
0x5: {  	_ = 	snop  }
0x6: {  	_ = 	snop  }
0x7: {  	_ = 	snop  }
__scs_overlays_trampoline_lowered:
0x8: {  	[smem:$0x3F98] =	sst s0  }
0x9: {  	[smem:$0x3F99] =	sst s1  }
0xa: {  	[smem:$0x3F9A] =	sst s2  }
0xb: {  	[smem:$0x3F9B] =	sst s3  }
0xc: {  	[smem:$0x3F9C] =	sst s4  }
0xd: {  	[smem:$0x3F9D] =	sst s5  }
0xe: {  	[smem:$0x3F9E] =	sst s6  }
0xf: {  	[smem:$0x3F9F] =	sst s7  }
0x10: {  	[smem:$0x3FA0] =	sst s8  }
0x11: {  	[smem:$0x3FA1] =	sst s9;
	s0 =	simm.s32 @!p0 $0x0  }
0x12: {  	s1 =	sld [smem:$0x3F87];
	s0 =	simm.s32 @p0 $0x1  }
0x13: {  	[smem:$0x3FA2] =	sst s0;
	s0 =	simm.s32 @!p1 $0x0  }
0x14: {  	s2 =	sld [smem:$0x3F86];
	s0 =	simm.s32 @p1 $0x1  }
0x15: {  	[smem:$0x3FA3] =	sst s0;
	s0 =	simm.s32 @!p2 $0x0  }
0x16: {  	s3 =	sld [smem:$0x3FDB];
	s0 =	simm.s32 @p2 $0x1  }
0x17: {  	s4 =	simm.s32 $0x1BF5;
	[smem:$0x3FA5] =	sst s0  }
0x18: {  	s0 =	sld [smem:$0x3F88];
	_ =	swait.ge [sflag:s4], $0x0  }
0x19: {  	s7 =	sld [smem:$0x3F89]  }
0x1a: {  	s8 =	sadd.s32 $0xFFFFE003, lr  }
0x1b: {  	s9 =	sadd.s32 $0xFFFFFEF7, lr;
	s5 =	simm.s32 $0xFFFFFFFF;
	p2 =	slt.u32 s8, $0xFFFFF086  }
0x1c: {  	p1 =	slt.u32 s9, $0xF7A;
	s5 =	simm.s32 @!p2 $0x0  }
0x1d: {  	s5 =	simm.s32 @p1 $0x1;
	p0 =	seq.s32 s7, s2  }
0x1e: {  	s7 =	smul.u32 @!p0 $0xF7A, s2;
	p2 =	seq.s32 @!p0 s5, $0x0  }
0x1f: {  	s9 =	smul.u32 $0xF7A, s1;
	s8 =	simm.s32 @!p0 $0x1BF5;
	p2 =	por !p2, p0  }
0x20: {  	[sflag:s8] =	ssyncset.s32 @!p0 $0xFFFFF086;
	s6 =	sadd.s32 @!p0 s3, s7;
	s7 =	simm.s32 @!p0 $0x108  }
0x21: {  	s3 =	sadd.s32 s3, s9;
	s6 =	sadd.s32 @!p0 $0x88, s6;
	s7 =	simm.s32 @p2 $0x1082  }
0x22: {  	[simem:s7], [sflag:s8] =	dma.local @!p0 [hbm:s6], $0xF7A  }
0x23: {  	s9 =	sor.u32 $0xD0000000, s2;
	s6 =	simm.s32 $0x108;
	_ =	swait.ge @!p0 [sflag:s8], $0x0  }
0x24: {  	s3 =	sadd.s32 $0x88, s3;
	s6 =	simm.s32 @!p1 $0x1082;
	[sflag:s4] =	ssyncset.s32 $0xFFFFF086  }
0x25: {  	[simem:s6], [sflag:s4] =	dma.local [hbm:s3], $0xF7A  }
0x26: {  	[smem:$0x3F89] =	sst s1;
	(tag) =	ssettag s2;
	_ =	strace s9  }
0x27: {  	s1 =	sld [smem:$0x3F99]  }
0x28: {  	s2 =	sld [smem:$0x3F9A]  }
0x29: {  	s4 =	sld [smem:$0x3F9C]  }
0x2a: {  	p0 =	seq.s32 s5, $0x0;
	s5 =	sld [smem:$0x3F9D]  }
0x2b: {  	s6 =	sld [smem:$0x3F9E]  }
0x2c: {  	s7 =	sld [smem:$0x3F9F]  }
0x2d: {  	s3 =	simm.s32 $0x108;
	s8 =	sld [smem:$0x3FA0]  }
0x2e: {  	s3 =	simm.s32 @!p0 $0x1082;
	s9 =	sld [smem:$0x3FA1]  }
0x2f: {  	lr =	sadd.s32 s0, s3;
	s0 =	sld [smem:$0x3F98]  }
0x30: {  	s3 =	sld [smem:$0x3F9B]  }
0x31: {  	[smem:$0x3FA4] =	sst s10  }
0x32: {  	s10 =	sld [smem:$0x3FA2];
	_ =	sdelay $0x3  }
0x33: {  	p0 =	seq.s32 s10, $0x1;
	s10 =	sld [smem:$0x3FA4];
	_ =	sdelay $0x3  }
0x34: {  	[smem:$0x3FA4] =	sst s10  }
0x35: {  	s10 =	sld [smem:$0x3FA3];
	_ =	sdelay $0x3  }
0x36: {  	p1 =	seq.s32 s10, $0x1;
	s10 =	sld [smem:$0x3FA4];
	_ =	sdelay $0x3  }
0x37: {  	[smem:$0x3FA4] =	sst s10  }
0x38: {  	s10 =	sld [smem:$0x3FA5]  }
0x39: {  	_ = 	snop;
	(pc) =	sbr.ind lr, $3  }
0x3a: {  	_ = 	snop  }
0x3b: {  	_ = 	snop  }
0x3c: {  	p2 =	seq.s32 s10, $0x1;
	s10 =	sld [smem:$0x3FA4]  }
0x3d: {  	_ =	shalt  }
0x3e: {  	_ =	shalt  }
0x3f: {  	_ =	shalt  }
0x40: {  	_ =	shalt  }
0x41: {  	_ =	shalt  }
0x42: {  	_ =	shalt  }
0x43: {  	_ =	shalt  }
0x44: {  	_ =	shalt  }
0x45: {  	_ =	shalt  }
0x46: {  	_ =	shalt  }
0x47: {  	_ =	shalt  }
0x48: {  	_ =	shalt  }
0x49: {  	_ =	shalt  }
0x4a: {  	_ =	shalt  }
0x4b: {  	_ =	shalt  }
0x4c: {  	_ =	shalt  }
0x4d: {  	_ =	shalt  }
0x4e: {  	_ =	shalt  }
0x4f: {  	_ =	shalt  }
0x50: {  	_ =	shalt  }
0x51: {  	_ =	shalt  }
0x52: {  	_ =	shalt  }
0x53: {  	_ =	shalt  }
0x54: {  	_ =	shalt  }
0x55: {  	_ =	shalt  }
0x56: {  	_ =	shalt  }
0x57: {  	_ =	shalt  }
0x58: {  	_ =	shalt  }
0x59: {  	_ =	shalt  }
0x5a: {  	_ =	shalt  }
0x5b: {  	_ =	shalt  }
0x5c: {  	_ =	shalt  }
0x5d: {  	_ =	shalt  }
0x5e: {  	_ =	shalt  }
0x5f: {  	_ =	shalt  }
0x60: {  	_ =	shalt  }
0x61: {  	_ =	shalt  }
0x62: {  	_ =	shalt  }
0x63: {  	_ =	shalt  }
0x64: {  	_ =	shalt  }
0x65: {  	_ =	shalt  }
0x66: {  	_ =	shalt  }
0x67: {  	_ =	shalt  }
0x68: {  	_ =	shalt  }
0x69: {  	_ =	shalt  }
0x6a: {  	_ =	shalt  }
0x6b: {  	_ =	shalt  }
0x6c: {  	_ =	shalt  }
0x6d: {  	_ =	shalt  }
0x6e: {  	_ =	shalt  }
0x6f: {  	_ =	shalt  }
0x70: {  	_ =	shalt  }
0x71: {  	_ =	shalt  }
0x72: {  	_ =	shalt  }
0x73: {  	_ =	shalt  }
0x74: {  	_ =	shalt  }
0x75: {  	_ =	shalt  }
0x76: {  	_ =	shalt  }
0x77: {  	_ =	shalt  }
0x78: {  	_ =	shalt  }
0x79: {  	_ =	shalt  }
0x7a: {  	_ =	shalt  }
0x7b: {  	_ =	shalt  }
0x7c: {  	_ =	shalt  }
0x7d: {  	_ =	shalt  }
0x7e: {  	_ =	shalt  }
0x7f: {  	_ =	shalt  }
0x80: {  	_ =	shalt  }
0x81: {  	_ =	shalt  }
0x82: {  	_ =	shalt  }
0x83: {  	_ =	shalt  }
0x84: {  	_ =	shalt  }
0x85: {  	_ =	shalt  }
0x86: {  	_ =	shalt  }
0x87: {  	_ =	shalt  }
.Lfunc_end0:
.L_simem_size_0:
called_computation.4_lowered:
.L_overlay_start_0:
0x88: {  	s2 =	sld [smem:$0x3FD9]  }
0x89: {  	s3 =	sld [smem:$0x3FFE];
	_ =	sdelay $0x1  }
0x8a: {  	s1 =	srdreg.scid  }
0x8b: {  	s0 =	sand.u32 $0x1, s1  }
0x8c: {  	s16 =	sshll.u32 s0, $0xA;
	s2 =	sadd.s32 s3, s2  }
0x8d: {  	s2 =	sadd.s32 s2, s16  }
0x8e: {  	[smem:$0x3FB0] =	sst s2  }
0x8f: {  	_ = 	snop  }
0x90: {  	(tm) =	ssettm $0x1  }
0x91: {  	s17 =	sld [smem:$0x3FFB];
	_ =	sdelay $0x3  }
0x92: {  	_ =	strace s17  }
0x93: {  	s2 =	sld [smem:$0x3FFC];
	_ =	sdelay $0x3  }
0x94: {  	_ =	strace s2  }
0x95: {  	s2 =	sld [smem:$0x3FFD];
	_ =	sdelay $0x3  }
0x96: {  	_ =	strace s2  }
0x97: {  	_ =	strace $0x8FFFFFFF  }
0x98: {  	s18 =	sld [smem:$0x3FDB];
	_ =	sdelay $0x1  }
0x99: {  	s19 =	simm.s32 $_scs_section_size  }
0x9a: {  	s4 =	simm.s32 $_size__tile_overlayer_lowered;
	s5 =	simm.s32 $_tile_overlayer_lowered  }
0x9b: {  	s22 =	simm.s32 $0x1BFF;
	s21 =	sshll.u32 s5, $0x1;
	s2 =	sadd.s32 s19, s18  }
0x9c: {  	s6 =	simm.s32 $0x0;
	s20 =	sshll.u32 s4, $0x1;
	s4 =	sadd.s32 s21, s2  }
0x9d: {  	[timem:s6], [sflag:s22] =	dma.local [hbm:s4], s20  }
0x9e: {  	_ =	swait.ge [sflag:s22], s20  }
0x9f: {  	s3 =	ssub.s32 $0x0, s20;
	[sflag:s22] =	ssyncset.done $0x0  }
0xa0: {  	[sflag:s22] =	ssyncadd.s32 s3;
	_ =	sdelay $0x1  }
0xa1: {  	s23 =	simm.s32 $0x1B8B  }
0xa2: {  	_ =	swait.ge [sflag:s23], $0x1  }
0xa3: {  	[sflag:s23] =	ssyncset.done $0x0  }
0xa4: {  	s25 =	simm.s32 $0x1B8E;
	s24 =	sld [smem:$0x3FFE];
	[sflag:s23] =	ssyncadd.s32 $0xFFFFFFFF  }
0xa5: {  	s26 =	simm.s32 $execute0_lowered;
	[smem:$0x3FD2] =	sst s25  }
0xa6: {  	s4 =	sshll.u32 s26, $0x1;
	_ =	strace $0x80000052;
	[dreg:$0x1] =	wrdreg $0xFFFFFFFF  }
0xa7: {  	s28 =	simm.s32 $_size_execute0_lowered;
	s2 =	sadd.s32 s2, s4;
	[dreg:$0x0] =	wrdreg $0x0  }
0xa8: {  	s4 =	sshll.u32 s28, $0x1;
	[dreg:$0x2] =	wrdreg s2  }
0xa9: {  	[dreg:$0x3] =	wrdreg s4  }
0xaa: {  	[dreg:$0x4] =	wrdreg $0xC0  }
0xab: {  	_ =	task [dreg:s6], $0x5FFFF  }
0xac: {  	[dreg:$0x1] =	wrdreg $0xFFFFFFFF  }
0xad: {  	[dreg:$0x0] =	wrdreg $0x60  }
0xae: {  	[dreg:$0x2] =	wrdreg s24  }
0xaf: {  	[dreg:$0x3] =	wrdreg $0x9  }
0xb0: {  	_ =	task.clear_ibuf [dreg:s6], $0x4FFFF;
	_ =	strace $0x90000052  }
0xb1: {  	s29 =	simm.s32 $0x9;
	_ =	strace $0x80000054  }
0xb2: {  	_ =	swait.ge [sflag:s29], $0x1  }
0xb3: {  	[sflag:s29] =	ssyncadd.s32 $0xFFFFFFFF  }
0xb4: {  	_ =	strace $0x90000054  }
0xb5: {  	_ =	sfence  }
0xb6: {  	s30 =	sld [smem:$0x0];
	_ =	sdelay $0x2  }
0xb7: {  	s31 =	sshll.u32 s1, $0xD;
	s1 =	sshrl.u32 s1, $0x2  }
0xb8: {  	s3 =	sand.u32 $0x4000, s31;
	s1 =	sadd.s32 s1, s30  }
0xb9: {  	s0 =	sor.u32 s3, s0;
	s1 =	sshll.u32 s1, $0x11  }
0xba: {  	s0 =	sor.u32 s1, s0  }
0xbb: {  	s0 =	sadd.s32 $0x8F2B, s0  }
0xbc: {  	[sflag:s0] =	ssyncadd.remote.s32 $0x1  }
0xbd: {  	_ =	sfence.sel $0xFFFF  }
0xbe: {  	[dreg:$0x0] =	wrdreg $0xFFFFFFFF;
	(pc) =	sbr.abs _section_cstart, $3  }
0xbf: {  	[dreg:$0x1] =	wrdreg $0xFFFFFFFF  }
0xc0: {  	_ =	task.clear_ibuf [dreg:s6], $0x2FFFF;
	_ =	strace $0x9FFFFFFF  }
0xc1: {  	(tm) =	ssettm $0x7FFFFFFF  }
tec
execute0_lowered:
.L_overlay_start_1:
0x0: {  	(tag) =	ssettag $0x1  }
0x1: {  	s0 =	srdreg.scid;
	s1 =	rddreg [dreg:$0x0]  }
0x2: {  	s11 =	stileid.u32;
	s2 =	simm.s32 $0x0;
	s13 =	simm.s32 $0x9  }
0x3: {  	s14 =	simm.s32 $0x80;
	s15 =	simm.s32 $0x1400;
	s16 =	simm.s32 $0x1C00  }
0x4: {  	s18 =	simm.s32 $0x2400;
	s20 =	simm.s32 $0x2C00;
	s21 =	simm.s32 $0x1  }
0x5: {  	s22 =	simm.s32 $0x2;
	s23 =	simm.s32 $0x3;
	s24 =	simm.s32 $0x4  }
0x6: {  	s28 =	simm.s32 $0x7;
	s29 =	simm.s32 $0x8;
	s9 =	smul.u32 $0x28, s11  }
0x7: {  	s30 =	simm.s32 $0x0;
	s0 =	sand.u32 $0x1, s0;
	s12 =	smul.u32 $0x2800, s11  }
0x8: {  	[smem:$0x7FF] =	sst s2;
	s3 =	sshll.u32 s0, $0x4;
	s7 =	smul.u32 $0x280, s0  }
0x9: {  	s26 =	ssub.s32 $0x2, s0;
	s0 =	smul.u32 $0x28000, s0;
	s4 =	sor.u32 s11, s3  }
0xa: {  	_ =	strace $0x80000053;
	s3 =	sadd.s32 $0x31C00, s1;
	s5 =	smul.u32 $0x280, s4  }
0xb: {  	s8 =	sshrl.u32 s26, $0x1;
	s6 =	smul.u32 $0x2800, s4;
	s31 =	sadd.s32 s9, s7  }
0xc: {  	s9 =	sshll.u32 s31, $0x8;
	s25 =	sadd.s32 s5, s1;
	s1 =	sadd.s32 $0x36C00, s1  }
0xd: {  	s5 =	ssub.s32 s26, s8;
	s26 =	simm.s32 $0x6;
	s4 =	sadd.s32 $0x5A00, s25  }
0xe: {  	s10 =	sadd.s32 s1, s6;
	s5 =	smax.u32 s5, $0x1;
	s9 =	sadd.s32 s9, s1  }
0xf: {  	s0 =	sadd.s32 s0, s1;
	s25 =	simm.s32 $0x5;
	[dreg:$0x2] =	wrdreg s4  }
0x10: {  	s6 =	sadd.s32 $0x2400, s10;
	s7 =	sadd.s32 $0x2500, s10;
	s8 =	sadd.s32 $0x2600, s10  }
0x11: {  	s10 =	sadd.s32 $0x2700, s10;
	s11 =	sadd.s32 $0x200, s9;
	s12 =	sadd.s32 s12, s0  }
.LBB2_1:
0x12: {  	s0 =	rddreg [dreg:$0x2]  }
0x13: {  	[tilespmem:s2], [sflag:$0x9] =	stream.linear.gather [hbm4b:s0+s2], $0x1400, $0x38;
	[tilespmem:$0x3400] =	vst v63  }
0x14: {  	_ =	swait.ge [sflag:s13], $0x1400  }
0x15: {  	[sflag:s13] =	ssyncset.done $0x0  }
0x16: {  	[sflag:s13] =	ssyncadd.s32 $0xFFFFEC00  }
0x17: {  	[tilespmem:s15], [sflag:$0x1] =	stream.indirect.gather [hbm4b:s3+s14], $0x10, s2, s14, $0xb8;
	[tilespmem:$0x3400] =	vst v63  }
0x18: {  	_ = 	snop  }
0x19: {  	[tilespmem:s16], [sflag:$0x2] =	stream.indirect.gather [hbm4b:s3+s14], $0x10, s14, s14, $0xb8;
	[tilespmem:$0x3400] =	vst v63  }
0x1a: {  	s19 =	simm.s32 $0x100  }
0x1b: {  	[tilespmem:s18], [sflag:$0x3] =	stream.indirect.gather [hbm4b:s3+s14], $0x10, s19, s14, $0xb8;
	[tilespmem:$0x3400] =	vst v63  }
0x1c: {  	s1 =	simm.s32 $0x180  }
0x1d: {  	[tilespmem:s20], [sflag:$0x4] =	stream.indirect.gather [hbm4b:s3+s14], $0x10, s1, s14, $0xb8;
	[tilespmem:$0x3400] =	vst v63  }
0x1e: {  	_ =	swait.ge [sflag:s21], $0x800  }
0x1f: {  	[sflag:s21] =	ssyncset.done $0x0  }
0x20: {  	s4 =	sadd.s32 $0x0, s12;
	[sflag:s21] =	ssyncadd.s32 $0xFFFFF800  }
0x21: {  	[hbm4b:s4+s2] =	stream.linear.scatter [tilespmem:s15], [sflag:$0x5], $0x800, $0x38;
	[tilespmem:$0x3400] =	vst v63  }
0x22: {  	_ =	swait.ge [sflag:s22], $0x800  }
0x23: {  	s17 =	sadd.s32 $0x0, s9;
	[sflag:s22] =	ssyncset.done $0x0  }
0x24: {  	s1 =	sadd.s32 $0x100, s17;
	[sflag:s22] =	ssyncadd.s32 $0xFFFFF800  }
0x25: {  	[hbm4b:s1+s2] =	stream.linear.scatter [tilespmem:s16], [sflag:$0x6], $0x800, $0x38;
	[tilespmem:$0x3400] =	vst v63  }
0x26: {  	_ =	swait.ge [sflag:s23], $0x800  }
0x27: {  	[sflag:s23] =	ssyncset.done $0x0  }
0x28: {  	s19 =	sadd.s32 $0x0, s11;
	[sflag:s23] =	ssyncadd.s32 $0xFFFFF800  }
0x29: {  	[hbm4b:s19+s2] =	stream.linear.scatter [tilespmem:s18], [sflag:$0x7], $0x800, $0x38;
	[tilespmem:$0x3400] =	vst v63  }
0x2a: {  	_ =	swait.ge [sflag:s24], $0x800  }
0x2b: {  	[sflag:s24] =	ssyncset.done $0x0  }
0x2c: {  	s0 =	sadd.s32 $0x300, s17;
	[sflag:s24] =	ssyncadd.s32 $0xFFFFF800  }
0x2d: {  	[hbm4b:s0+s2] =	stream.linear.scatter [tilespmem:s20], [sflag:$0x8], $0x800, $0x38;
	[tilespmem:$0x3400] =	vst v63  }
0x2e: {  	_ =	swait.ge [sflag:s25], $0x800  }
0x2f: {  	[sflag:s25] =	ssyncset.done $0x0  }
0x30: {  	s4 =	simm.s32 $0x200;
	[sflag:s25] =	ssyncadd.s32 $0xFFFFF800  }
0x31: {  	[tilespmem:s15], [sflag:$0x1] =	stream.indirect.gather [hbm4b:s3+s14], $0x10, s4, s14, $0xb8;
	[tilespmem:$0x3400] =	vst v63  }
0x32: {  	_ =	swait.ge [sflag:s26], $0x800  }
0x33: {  	[sflag:s26] =	ssyncset.done $0x0  }
0x34: {  	s17 =	simm.s32 $0x280;
	[sflag:s26] =	ssyncadd.s32 $0xFFFFF800  }
0x35: {  	[tilespmem:s16], [sflag:$0x2] =	stream.indirect.gather [hbm4b:s3+s14], $0x10, s17, s14, $0xb8;
	[tilespmem:$0x3400] =	vst v63  }
0x36: {  	_ =	swait.ge [sflag:s28], $0x800  }
0x37: {  	[sflag:s28] =	ssyncset.done $0x0  }
0x38: {  	s19 =	simm.s32 $0x300;
	[sflag:s28] =	ssyncadd.s32 $0xFFFFF800  }
0x39: {  	[tilespmem:s18], [sflag:$0x3] =	stream.indirect.gather [hbm4b:s3+s14], $0x10, s19, s14, $0xb8;
	[tilespmem:$0x3400] =	vst v63  }
0x3a: {  	_ =	swait.ge [sflag:s29], $0x800  }
0x3b: {  	s31 =	simm.s32 $0x380;
	[sflag:s29] =	ssyncset.done $0x0  }
0x3c: {  	s1 =	simm.s32 $0x580;
	s0 =	simm.s32 $0x400;
	[sflag:s29] =	ssyncadd.s32 $0xFFFFF800  }
.LBB2_2:
0x3d: {  	[tilespmem:s20], [sflag:$0x4] =	stream.indirect.gather [hbm4b:s3+s14], $0x10, s31, s14, $0xb8;
	[tilespmem:$0x3400] =	vst v63  }
0x3e: {  	s17 =	smov.u32 s0;
	s31 =	smov.u32 s1  }
0x3f: {  	p0 =	sne.s32 s0, $0x2000;
	s0 =	sadd.s32 $0x400, s0;
	_ =	swait.ge [sflag:s21], $0x800  }
0x40: {  	[sflag:s21] =	ssyncset.done $0x0  }
0x41: {  	s19 =	sadd.s32 s17, s12;
	[sflag:s21] =	ssyncadd.s32 $0xFFFFF800  }
0x42: {  	[hbm4b:s19+s2] =	stream.linear.scatter [tilespmem:s15], [sflag:$0x5], $0x800, $0x38;
	[tilespmem:$0x3400] =	vst v63  }
0x43: {  	_ =	swait.ge [sflag:s22], $0x800  }
0x44: {  	s19 =	sadd.s32 s17, s9;
	[sflag:s22] =	ssyncset.done $0x0  }
0x45: {  	s4 =	sadd.s32 $0x100, s19;
	[sflag:s22] =	ssyncadd.s32 $0xFFFFF800  }
0x46: {  	[hbm4b:s4+s2] =	stream.linear.scatter [tilespmem:s16], [sflag:$0x6], $0x800, $0x38;
	[tilespmem:$0x3400] =	vst v63  }
0x47: {  	_ =	swait.ge [sflag:s23], $0x800  }
0x48: {  	[sflag:s23] =	ssyncset.done $0x0  }
0x49: {  	s4 =	sadd.s32 s17, s11;
	[sflag:s23] =	ssyncadd.s32 $0xFFFFF800  }
0x4a: {  	[hbm4b:s4+s2] =	stream.linear.scatter [tilespmem:s18], [sflag:$0x7], $0x800, $0x38;
	[tilespmem:$0x3400] =	vst v63  }
0x4b: {  	_ =	swait.ge [sflag:s24], $0x800  }
0x4c: {  	[sflag:s24] =	ssyncset.done $0x0  }
0x4d: {  	s4 =	sadd.s32 $0x300, s19;
	[sflag:s24] =	ssyncadd.s32 $0xFFFFF800  }
0x4e: {  	[hbm4b:s4+s2] =	stream.linear.scatter [tilespmem:s20], [sflag:$0x8], $0x800, $0x38;
	[tilespmem:$0x3400] =	vst v63  }
0x4f: {  	_ =	swait.ge [sflag:s25], $0x800  }
0x50: {  	[sflag:s25] =	ssyncset.done $0x0  }
0x51: {  	s4 =	sadd.s32 $0xFFFFFE80, s1;
	[sflag:s25] =	ssyncadd.s32 $0xFFFFF800  }
0x52: {  	[tilespmem:s15], [sflag:$0x1] =	stream.indirect.gather [hbm4b:s3+s14], $0x10, s4, s14, $0xb8;
	[tilespmem:$0x3400] =	vst v63  }
0x53: {  	_ =	swait.ge [sflag:s26], $0x800  }
0x54: {  	[sflag:s26] =	ssyncset.done $0x0  }
0x55: {  	s4 =	sadd.s32 $0xFFFFFF00, s1;
	[sflag:s26] =	ssyncadd.s32 $0xFFFFF800  }
0x56: {  	[tilespmem:s16], [sflag:$0x2] =	stream.indirect.gather [hbm4b:s3+s14], $0x10, s4, s14, $0xb8;
	[tilespmem:$0x3400] =	vst v63  }
0x57: {  	_ =	swait.ge [sflag:s28], $0x800  }
0x58: {  	[sflag:s28] =	ssyncset.done $0x0  }
.Ltmp0:
0x59: {  	s4 =	sadd.s32 $0xFFFFFF80, s1;
	[sflag:s28] =	ssyncadd.s32 $0xFFFFF800;
	(pc) =	sbr.rel @p0 .LBB2_2-.Ltmp0, $4  }
0x5a: {  	[tilespmem:s18], [sflag:$0x3] =	stream.indirect.gather [hbm4b:s3+s14], $0x10, s4, s14, $0xb8;
	[tilespmem:$0x3400] =	vst v63  }
0x5b: {  	_ =	swait.ge [sflag:s29], $0x800  }
0x5c: {  	[sflag:s29] =	ssyncset.done $0x0  }
0x5d: {  	s1 =	sadd.s32 $0x200, s1;
	[sflag:s29] =	ssyncadd.s32 $0xFFFFF800  }
0x5e: {  	[tilespmem:s20], [sflag:$0x4] =	stream.indirect.gather [hbm4b:s3+s14], $0x10, s31, s14, $0xb8;
	[tilespmem:$0x3400] =	vst v63  }
0x5f: {  	_ =	swait.ge [sflag:s21], $0x800  }
0x60: {  	[sflag:s21] =	ssyncset.done $0x0  }
0x61: {  	[sflag:s21] =	ssyncadd.s32 $0xFFFFF800  }
0x62: {  	[hbm4b:s6+s2] =	stream.linear.scatter [tilespmem:s15], [sflag:$0x5], $0x800, $0x38;
	[tilespmem:$0x3400] =	vst v63  }
0x63: {  	_ =	swait.ge [sflag:s22], $0x800  }
0x64: {  	[sflag:s22] =	ssyncset.done $0x0  }
0x65: {  	[sflag:s22] =	ssyncadd.s32 $0xFFFFF800  }
0x66: {  	[hbm4b:s7+s2] =	stream.linear.scatter [tilespmem:s16], [sflag:$0x6], $0x800, $0x38;
	[tilespmem:$0x3400] =	vst v63  }
0x67: {  	_ =	swait.ge [sflag:s23], $0x800  }
0x68: {  	[sflag:s23] =	ssyncset.done $0x0  }
0x69: {  	[sflag:s23] =	ssyncadd.s32 $0xFFFFF800  }
0x6a: {  	[hbm4b:s8+s2] =	stream.linear.scatter [tilespmem:s18], [sflag:$0x7], $0x800, $0x38;
	[tilespmem:$0x3400] =	vst v63  }
0x6b: {  	_ =	swait.ge [sflag:s24], $0x800  }
0x6c: {  	[sflag:s24] =	ssyncset.done $0x0  }
0x6d: {  	[sflag:s24] =	ssyncadd.s32 $0xFFFFF800  }
0x6e: {  	[hbm4b:s10+s2] =	stream.linear.scatter [tilespmem:s20], [sflag:$0x8], $0x800, $0x38;
	[tilespmem:$0x3400] =	vst v63  }
0x6f: {  	_ =	swait.ge [sflag:s25], $0x800  }
0x70: {  	[sflag:s25] =	ssyncset.done $0x0  }
0x71: {  	[sflag:s25] =	ssyncadd.s32 $0xFFFFF800  }
0x72: {  	_ =	swait.ge [sflag:s26], $0x800  }
0x73: {  	[sflag:s26] =	ssyncset.done $0x0  }
0x74: {  	s30 =	sadd.s32 $0x1, s30;
	[sflag:s26] =	ssyncadd.s32 $0xFFFFF800  }
0x75: {  	p0 =	sne.s32 s30, s5;
	_ =	swait.ge [sflag:s28], $0x800  }
.Ltmp1:
0x76: {  	[sflag:s28] =	ssyncset.done $0x0;
	(pc) =	sbr.rel @p0 .LBB2_1-.Ltmp1, $4  }
0x77: {  	[sflag:s28] =	ssyncadd.s32 $0xFFFFF800  }
0x78: {  	_ =	swait.ge [sflag:s29], $0x800  }
0x79: {  	[sflag:s29] =	ssyncset.done $0x0  }
0x7a: {  	[sflag:s29] =	ssyncadd.s32 $0xFFFFF800  }
0x7b: {  	_ =	sfence.sel $0x180000  }
0x7c: {  	[bflag:$0x0] =	sbarrier.arrive $0xFFFF  }
0x7d: {  	_ =	strace $0x90000053  }
0x7e: {  	s0 =	stileid.u32;
	[bflag:$0x2] =	sbarrier.arrive $0xFFFF  }
0x7f: {  	p0 =	sne.s32 s0, $0x0;
	s0 =	rddreg [dreg:$0x1]  }
0x80: {  	s0 =	sadd.s32 @!p0 $0x100000, s0  }
0x81: {  	[sflag:s0] =	ssyncadd.tile.s32 @!p0 $0x1;
	_ =	shalt  }
.Lfunc_end2:
_tile_overlayer_lowered:
.L_overlay_start_2:
0x82: {  	(tag) =	ssettag $0x2  }
0x83: {  	s0 =	rddreg [dreg:$0x0];
	s2 =	stileid.u32  }
0x84: {  	s1 =	rddreg [dreg:$0x1];
	p0 =	sne.s32 s2, $0x0  }
0x85: {  	s3 =	rddreg [dreg:$0x2];
	[bflag:$0x3] =	sbarrier.arrive $0xFFFF;
	s2 =	simm.s32 @!p0 $0x1C09  }
0x86: {  	[timem:s3], [sflag:s2] =	dma.local @!p0 [hbm:s0], s1  }
0x87: {  	s0 =	simm.s32 @!p0 $0x9  }
0x88: {  	_ =	swait.ge @!p0 [sflag:s0], s1  }
0x89: {  	s1 =	ssub.s32 @!p0 $0x0, s1;
	[sflag:s0] =	ssyncset.done @!p0 $0x0  }
0x8a: {  	[sflag:s0] =	ssyncadd.s32 @!p0 s1  }
0x8b: {  	[bflag:$0x3] =	sbarrier.arrive $0xFFFF  }
0x8c: {  	_ =	shalt  }

// kernel: kernel.30.cloned.1.call-start
scs
__scs_entry_jumppad:
0x0: {  	(pc) =	sbr.rel $0x88, $3  }
0x1: {  	(tag) =	ssettag $0x0;
	lr =	simm.s32 $0x1  }
0x2: {  	[smem:$0x3F89] =	sst lr;
	_ =	strace $0xD0000000  }
0x3: {  	_ = 	snop  }
0x4: {  	_ = 	snop  }
0x5: {  	_ = 	snop  }
0x6: {  	_ = 	snop  }
0x7: {  	_ = 	snop  }
__scs_overlays_trampoline_lowered:
0x8: {  	[smem:$0x3F98] =	sst s0  }
0x9: {  	[smem:$0x3F99] =	sst s1  }
0xa: {  	[smem:$0x3F9A] =	sst s2  }
0xb: {  	[smem:$0x3F9B] =	sst s3  }
0xc: {  	[smem:$0x3F9C] =	sst s4  }
0xd: {  	[smem:$0x3F9D] =	sst s5  }
0xe: {  	[smem:$0x3F9E] =	sst s6  }
0xf: {  	[smem:$0x3F9F] =	sst s7  }
0x10: {  	[smem:$0x3FA0] =	sst s8  }
0x11: {  	[smem:$0x3FA1] =	sst s9;
	s0 =	simm.s32 @!p0 $0x0  }
0x12: {  	s1 =	sld [smem:$0x3F87];
	s0 =	simm.s32 @p0 $0x1  }
0x13: {  	[smem:$0x3FA2] =	sst s0;
	s0 =	simm.s32 @!p1 $0x0  }
0x14: {  	s2 =	sld [smem:$0x3F86];
	s0 =	simm.s32 @p1 $0x1  }
0x15: {  	[smem:$0x3FA3] =	sst s0;
	s0 =	simm.s32 @!p2 $0x0  }
0x16: {  	s3 =	sld [smem:$0x3FDB];
	s0 =	simm.s32 @p2 $0x1  }
0x17: {  	s4 =	simm.s32 $0x1BF5;
	[smem:$0x3FA5] =	sst s0  }
0x18: {  	s0 =	sld [smem:$0x3F88];
	_ =	swait.ge [sflag:s4], $0x0  }
0x19: {  	s7 =	sld [smem:$0x3F89]  }
0x1a: {  	s8 =	sadd.s32 $0xFFFFE003, lr  }
0x1b: {  	s9 =	sadd.s32 $0xFFFFFEF7, lr;
	s5 =	simm.s32 $0xFFFFFFFF;
	p2 =	slt.u32 s8, $0xFFFFF086  }
0x1c: {  	p1 =	slt.u32 s9, $0xF7A;
	s5 =	simm.s32 @!p2 $0x0  }
0x1d: {  	s5 =	simm.s32 @p1 $0x1;
	p0 =	seq.s32 s7, s2  }
0x1e: {  	s7 =	smul.u32 @!p0 $0xF7A, s2;
	p2 =	seq.s32 @!p0 s5, $0x0  }
0x1f: {  	s9 =	smul.u32 $0xF7A, s1;
	s8 =	simm.s32 @!p0 $0x1BF5;
	p2 =	por !p2, p0  }
0x20: {  	[sflag:s8] =	ssyncset.s32 @!p0 $0xFFFFF086;
	s6 =	sadd.s32 @!p0 s3, s7;
	s7 =	simm.s32 @!p0 $0x108  }
0x21: {  	s3 =	sadd.s32 s3, s9;
	s6 =	sadd.s32 @!p0 $0x88, s6;
	s7 =	simm.s32 @p2 $0x1082  }
0x22: {  	[simem:s7], [sflag:s8] =	dma.local @!p0 [hbm:s6], $0xF7A  }
0x23: {  	s9 =	sor.u32 $0xD0000000, s2;
	s6 =	simm.s32 $0x108;
	_ =	swait.ge @!p0 [sflag:s8], $0x0  }
0x24: {  	s3 =	sadd.s32 $0x88, s3;
	s6 =	simm.s32 @!p1 $0x1082;
	[sflag:s4] =	ssyncset.s32 $0xFFFFF086  }
0x25: {  	[simem:s6], [sflag:s4] =	dma.local [hbm:s3], $0xF7A  }
0x26: {  	[smem:$0x3F89] =	sst s1;
	(tag) =	ssettag s2;
	_ =	strace s9  }
0x27: {  	s1 =	sld [smem:$0x3F99]  }
0x28: {  	s2 =	sld [smem:$0x3F9A]  }
0x29: {  	s4 =	sld [smem:$0x3F9C]  }
0x2a: {  	p0 =	seq.s32 s5, $0x0;
	s5 =	sld [smem:$0x3F9D]  }
0x2b: {  	s6 =	sld [smem:$0x3F9E]  }
0x2c: {  	s7 =	sld [smem:$0x3F9F]  }
0x2d: {  	s3 =	simm.s32 $0x108;
	s8 =	sld [smem:$0x3FA0]  }
0x2e: {  	s3 =	simm.s32 @!p0 $0x1082;
	s9 =	sld [smem:$0x3FA1]  }
0x2f: {  	lr =	sadd.s32 s0, s3;
	s0 =	sld [smem:$0x3F98]  }
0x30: {  	s3 =	sld [smem:$0x3F9B]  }
0x31: {  	[smem:$0x3FA4] =	sst s10  }
0x32: {  	s10 =	sld [smem:$0x3FA2];
	_ =	sdelay $0x3  }
0x33: {  	p0 =	seq.s32 s10, $0x1;
	s10 =	sld [smem:$0x3FA4];
	_ =	sdelay $0x3  }
0x34: {  	[smem:$0x3FA4] =	sst s10  }
0x35: {  	s10 =	sld [smem:$0x3FA3];
	_ =	sdelay $0x3  }
0x36: {  	p1 =	seq.s32 s10, $0x1;
	s10 =	sld [smem:$0x3FA4];
	_ =	sdelay $0x3  }
0x37: {  	[smem:$0x3FA4] =	sst s10  }
0x38: {  	s10 =	sld [smem:$0x3FA5]  }
0x39: {  	_ = 	snop;
	(pc) =	sbr.ind lr, $3  }
0x3a: {  	_ = 	snop  }
0x3b: {  	_ = 	snop  }
0x3c: {  	p2 =	seq.s32 s10, $0x1;
	s10 =	sld [smem:$0x3FA4]  }
0x3d: {  	_ =	shalt  }
0x3e: {  	_ =	shalt  }
0x3f: {  	_ =	shalt  }
0x40: {  	_ =	shalt  }
0x41: {  	_ =	shalt  }
0x42: {  	_ =	shalt  }
0x43: {  	_ =	shalt  }
0x44: {  	_ =	shalt  }
0x45: {  	_ =	shalt  }
0x46: {  	_ =	shalt  }
0x47: {  	_ =	shalt  }
0x48: {  	_ =	shalt  }
0x49: {  	_ =	shalt  }
0x4a: {  	_ =	shalt  }
0x4b: {  	_ =	shalt  }
0x4c: {  	_ =	shalt  }
0x4d: {  	_ =	shalt  }
0x4e: {  	_ =	shalt  }
0x4f: {  	_ =	shalt  }
0x50: {  	_ =	shalt  }
0x51: {  	_ =	shalt  }
0x52: {  	_ =	shalt  }
0x53: {  	_ =	shalt  }
0x54: {  	_ =	shalt  }
0x55: {  	_ =	shalt  }
0x56: {  	_ =	shalt  }
0x57: {  	_ =	shalt  }
0x58: {  	_ =	shalt  }
0x59: {  	_ =	shalt  }
0x5a: {  	_ =	shalt  }
0x5b: {  	_ =	shalt  }
0x5c: {  	_ =	shalt  }
0x5d: {  	_ =	shalt  }
0x5e: {  	_ =	shalt  }
0x5f: {  	_ =	shalt  }
0x60: {  	_ =	shalt  }
0x61: {  	_ =	shalt  }
0x62: {  	_ =	shalt  }
0x63: {  	_ =	shalt  }
0x64: {  	_ =	shalt  }
0x65: {  	_ =	shalt  }
0x66: {  	_ =	shalt  }
0x67: {  	_ =	shalt  }
0x68: {  	_ =	shalt  }
0x69: {  	_ =	shalt  }
0x6a: {  	_ =	shalt  }
0x6b: {  	_ =	shalt  }
0x6c: {  	_ =	shalt  }
0x6d: {  	_ =	shalt  }
0x6e: {  	_ =	shalt  }
0x6f: {  	_ =	shalt  }
0x70: {  	_ =	shalt  }
0x71: {  	_ =	shalt  }
0x72: {  	_ =	shalt  }
0x73: {  	_ =	shalt  }
0x74: {  	_ =	shalt  }
0x75: {  	_ =	shalt  }
0x76: {  	_ =	shalt  }
0x77: {  	_ =	shalt  }
0x78: {  	_ =	shalt  }
0x79: {  	_ =	shalt  }
0x7a: {  	_ =	shalt  }
0x7b: {  	_ =	shalt  }
0x7c: {  	_ =	shalt  }
0x7d: {  	_ =	shalt  }
0x7e: {  	_ =	shalt  }
0x7f: {  	_ =	shalt  }
0x80: {  	_ =	shalt  }
0x81: {  	_ =	shalt  }
0x82: {  	_ =	shalt  }
0x83: {  	_ =	shalt  }
0x84: {  	_ =	shalt  }
0x85: {  	_ =	shalt  }
0x86: {  	_ =	shalt  }
0x87: {  	_ =	shalt  }
.Lfunc_end0:
.L_simem_size_0:
called_computation.5_lowered:
.L_overlay_start_0:
0x88: {  	s2 =	sld [smem:$0x3FD9]  }
0x89: {  	s3 =	sld [smem:$0x3FFE];
	_ =	sdelay $0x1  }
0x8a: {  	s1 =	srdreg.scid  }
0x8b: {  	s0 =	sand.u32 $0x1, s1  }
0x8c: {  	s16 =	sshll.u32 s0, $0xA;
	s2 =	sadd.s32 s3, s2  }
0x8d: {  	s2 =	sadd.s32 s2, s16  }
0x8e: {  	[smem:$0x3FB0] =	sst s2  }
0x8f: {  	_ = 	snop  }
0x90: {  	(tm) =	ssettm $0x1  }
0x91: {  	s17 =	sld [smem:$0x3FFB];
	_ =	sdelay $0x3  }
0x92: {  	_ =	strace s17  }
0x93: {  	s2 =	sld [smem:$0x3FFC];
	_ =	sdelay $0x3  }
0x94: {  	_ =	strace s2  }
0x95: {  	s2 =	sld [smem:$0x3FFD];
	_ =	sdelay $0x3  }
0x96: {  	_ =	strace s2  }
0x97: {  	_ =	strace $0x8FFFFFFF  }
0x98: {  	s18 =	sld [smem:$0x3FDB];
	_ =	sdelay $0x1  }
0x99: {  	s19 =	simm.s32 $_scs_section_size  }
0x9a: {  	s4 =	simm.s32 $_size__tile_overlayer_lowered;
	s5 =	simm.s32 $_tile_overlayer_lowered  }
0x9b: {  	s22 =	simm.s32 $0x1BFF;
	s21 =	sshll.u32 s5, $0x1;
	s2 =	sadd.s32 s19, s18  }
0x9c: {  	s6 =	simm.s32 $0x0;
	s20 =	sshll.u32 s4, $0x1;
	s4 =	sadd.s32 s21, s2  }
0x9d: {  	[timem:s6], [sflag:s22] =	dma.local [hbm:s4], s20  }
0x9e: {  	_ =	swait.ge [sflag:s22], s20  }
0x9f: {  	s3 =	ssub.s32 $0x0, s20;
	[sflag:s22] =	ssyncset.done $0x0  }
0xa0: {  	[sflag:s22] =	ssyncadd.s32 s3;
	_ =	sdelay $0x1  }
0xa1: {  	s23 =	simm.s32 $0x1B8B  }
0xa2: {  	_ =	swait.ge [sflag:s23], $0x1  }
0xa3: {  	[sflag:s23] =	ssyncset.done $0x0  }
0xa4: {  	s25 =	simm.s32 $0x1B8E;
	s24 =	sld [smem:$0x3FFE];
	[sflag:s23] =	ssyncadd.s32 $0xFFFFFFFF  }
0xa5: {  	s26 =	simm.s32 $execute0_lowered;
	[smem:$0x3FD2] =	sst s25  }
0xa6: {  	s4 =	sshll.u32 s26, $0x1;
	_ =	strace $0x80000055;
	[dreg:$0x1] =	wrdreg $0xFFFFFFFF  }
0xa7: {  	s28 =	simm.s32 $_size_execute0_lowered;
	s2 =	sadd.s32 s2, s4;
	[dreg:$0x0] =	wrdreg $0x0  }
0xa8: {  	s4 =	sshll.u32 s28, $0x1;
	[dreg:$0x2] =	wrdreg s2  }
0xa9: {  	[dreg:$0x3] =	wrdreg s4  }
0xaa: {  	[dreg:$0x4] =	wrdreg $0xC0  }
0xab: {  	_ =	task [dreg:s6], $0x5FFFF  }
0xac: {  	[dreg:$0x1] =	wrdreg $0xFFFFFFFF  }
0xad: {  	[dreg:$0x0] =	wrdreg $0x60  }
0xae: {  	[dreg:$0x2] =	wrdreg s24  }
0xaf: {  	[dreg:$0x3] =	wrdreg $0x4B800  }
0xb0: {  	[dreg:$0x4] =	wrdreg $0x9  }
0xb1: {  	_ =	task.clear_ibuf [dreg:s6], $0x5FFFF;
	_ =	strace $0x90000055  }
0xb2: {  	s29 =	simm.s32 $0x9;
	_ =	strace $0x80000057  }
0xb3: {  	_ =	swait.ge [sflag:s29], $0x1  }
0xb4: {  	[sflag:s29] =	ssyncadd.s32 $0xFFFFFFFF  }
0xb5: {  	_ =	strace $0x90000057  }
0xb6: {  	_ =	sfence  }
0xb7: {  	s30 =	sld [smem:$0x0];
	_ =	sdelay $0x2  }
0xb8: {  	s31 =	sshll.u32 s1, $0xD;
	s1 =	sshrl.u32 s1, $0x2  }
0xb9: {  	s3 =	sand.u32 $0x4000, s31;
	s1 =	sadd.s32 s1, s30  }
0xba: {  	s0 =	sor.u32 s3, s0;
	s1 =	sshll.u32 s1, $0x11  }
0xbb: {  	s0 =	sor.u32 s1, s0  }
0xbc: {  	s0 =	sadd.s32 $0x8F2B, s0  }
0xbd: {  	[sflag:s0] =	ssyncadd.remote.s32 $0x1  }
0xbe: {  	_ =	sfence.sel $0xFFFF  }
0xbf: {  	[dreg:$0x0] =	wrdreg $0xFFFFFFFF;
	(pc) =	sbr.abs _section_cstart, $3  }
0xc0: {  	[dreg:$0x1] =	wrdreg $0xFFFFFFFF  }
0xc1: {  	_ =	task.clear_ibuf [dreg:s6], $0x2FFFF;
	_ =	strace $0x9FFFFFFF  }
0xc2: {  	(tm) =	ssettm $0x7FFFFFFF  }
0xc3: {  	_ =	shalt  }
tec
execute0_lowered:
.L_overlay_start_1:
0x0: {  	(tag) =	ssettag $0x1  }
0x1: {  	s5 =	rddreg [dreg:$0x0]  }
0x2: {  	s0 =	srdreg.scid;
	s2 =	rddreg [dreg:$0x1]  }
0x3: {  	s3 =	simm.s32 $0x0;
	s14 =	simm.s32 $0x1C00;
	s15 =	simm.s32 $0x2400  }
0x4: {  	s16 =	simm.s32 $0x1;
	s17 =	simm.s32 $0x80;
	s18 =	simm.s32 $0x2  }
0x5: {  	s19 =	simm.s32 $0x3;
	s4 =	sand.u32 $0x1, s0;
	s0 =	stileid.u32  }
0x6: {  	s20 =	simm.s32 $0x4;
	s21 =	simm.s32 $0x1300;
	s8 =	smul.u32 $0x2780, s0  }
0x7: {  	s22 =	simm.s32 $0x1380;
	s23 =	simm.s32 $0x0;
	s9 =	smul.u32 $0x27800, s4  }
0x8: {  	[smem:$0x7FF] =	sst s3;
	s1 =	sshll.u32 s4, $0x4;
	s11 =	smul.u32 $0x280, s4  }
0x9: {  	s10 =	sadd.s32 $0x31C00, s5;
	s12 =	smul.u32 $0x28, s0;
	s6 =	sor.u32 s0, s1  }
0xa: {  	s4 =	ssub.s32 $0x2, s4;
	s1 =	rddreg [dreg:$0x2];
	s7 =	smul.u32 $0x280, s6  }
0xb: {  	_ =	strace $0x80000056;
	s31 =	sshrl.u32 s4, $0x1;
	s6 =	smul.u32 $0x2800, s6  }
0xc: {  	s9 =	sadd.s32 s8, s9;
	s13 =	ssub.s32 s4, s31;
	s11 =	sadd.s32 s12, s11  }
0xd: {  	s12 =	simm.s32 $0x5;
	s9 =	sshrl.u32 s9, $0x3;
	s11 =	sshll.u32 s11, $0x8  }
0xe: {  	s7 =	sadd.s32 s7, s5;
	s9 =	sadd.s32 s9, s5;
	s4 =	sadd.s32 s10, s6  }
0xf: {  	s11 =	sadd.s32 s11, s10;
	s5 =	sadd.s32 $0x28AA00, s7;
	s6 =	sadd.s32 $0x100, s4  }
0x10: {  	s7 =	sadd.s32 s8, s2;
	s8 =	sadd.s32 $0x81C00, s9;
	s9 =	smax.u32 s13, $0x1  }
0x11: {  	v0 =	vimm.f32 $0.0e+00;
	s10 =	sadd.s32 $0x300, s11;
	s11 =	sadd.s32 $0x200, s11;
	s13 =	simm.s32 $0x1400  }
.LBB2_1:
0x12: {  	[tilespmem:s3], [sflag:$0x5] =	stream.linear.gather [hbm4b:s5+s3], $0x1400, $0x38;
	[tilespmem:$0x7300] =	vst v63  }
0x13: {  	_ =	swait.ge [sflag:s12], $0x1400  }
0x14: {  	[sflag:s12] =	ssyncset.done $0x0  }
0x15: {  	[sflag:s12] =	ssyncadd.s32 $0xFFFFEC00  }
0x16: {  	[tilespmem:s13], [sflag:$0x1] =	stream.linear.gather [hbm4b:s4+s3], $0x800, $0x38;
	[tilespmem:$0x7300] =	vst v63  }
0x17: {  	s24 =	simm.s32 $0x40;
	s25 =	simm.s32 $0x0  }
0x18: {  	[tilespmem:s14], [sflag:$0x2] =	stream.linear.gather [hbm4b:s6+s3], $0x800, $0x38;
	[tilespmem:$0x7300] =	vst v63  }
.LBB2_2:
0x19: {  	p0 =	sne.s32 s24, $0x9DC0;
	[tilespmem:s25+$0x2400] =	vst v0;
	s25 =	smov.u32 s24;
	s24 =	sadd.s32 $0x40, s24  }
.Ltmp0:
0x1a: {  	(pc) =	sbr.rel @p0 .LBB2_2-.Ltmp0, $2  }
0x1b: {  	_ =	sdelay $0x2  }
0x1c: {  	s25 =	sshra.s32 s25, $0x2  }
0x1d: {  	[tilespmem:s25+$0x2400] =	vst v0  }
0x1e: {  	[spmem:s7] =	stream.linear.scatter [tilespmem:s15], [sflag:$0x5], $0x2780, $0x38;
	[tilespmem:$0x7300] =	vst v63  }
0x1f: {  	_ =	swait.ge [sflag:s12], $0x2780  }
0x20: {  	[sflag:s12] =	ssyncset.done $0x0  }
0x21: {  	[sflag:s12] =	ssyncadd.s32 $0xFFFFD880  }
0x22: {  	[bflag:$0x0] =	sbarrier.arrive $0xFFFF  }
0x23: {  	_ =	swait.ge [sflag:s16], $0x800  }
0x24: {  	[sflag:s16] =	ssyncset.done $0x0  }
0x25: {  	s24 =	simm.s32 $0x0;
	[sflag:s16] =	ssyncadd.s32 $0xFFFFF800  }
0x26: {  	[spmem:s2] =	stream.indirect.scatter.add.f32 [tilespmem:s13], [sflag:$0x3], $0x10, s24, s17, $0xb8;
	[tilespmem:$0x7300] =	vst v63  }
0x27: {  	_ =	swait.ge [sflag:s18], $0x800  }
0x28: {  	[sflag:s18] =	ssyncset.done $0x0  }
0x29: {  	s30 =	simm.s32 $0x80;
	[sflag:s18] =	ssyncadd.s32 $0xFFFFF800  }
0x2a: {  	[spmem:s2] =	stream.indirect.scatter.add.f32 [tilespmem:s14], [sflag:$0x4], $0x10, s30, s17, $0xb8;
	[tilespmem:$0x7300] =	vst v63  }
0x2b: {  	_ =	swait.ge [sflag:s19], $0x800  }
0x2c: {  	[sflag:s19] =	ssyncset.done $0x0  }
0x2d: {  	s31 =	sadd.s32 $0x0, s11;
	[sflag:s19] =	ssyncadd.s32 $0xFFFFF800  }
0x2e: {  	[tilespmem:s13], [sflag:$0x1] =	stream.linear.gather [hbm4b:s31+s3], $0x800, $0x38;
	[tilespmem:$0x7300] =	vst v63  }
0x2f: {  	_ =	swait.ge [sflag:s20], $0x800  }
0x30: {  	s26 =	sadd.s32 $0x0, s10;
	[sflag:s20] =	ssyncset.done $0x0  }
0x31: {  	s25 =	simm.s32 $0x180;
	s24 =	simm.s32 $0x200;
	[sflag:s20] =	ssyncadd.s32 $0xFFFFF800  }
.LBB2_4:
0x32: {  	[tilespmem:s14], [sflag:$0x2] =	stream.linear.gather [hbm4b:s26+s3], $0x800, $0x38;
	[tilespmem:$0x7300] =	vst v63  }
0x33: {  	s26 =	smov.u32 s24  }
0x34: {  	p0 =	sne.s32 s24, $0x2400;
	s24 =	sadd.s32 $0x200, s24;
	_ =	swait.ge [sflag:s16], $0x800  }
0x35: {  	[sflag:s16] =	ssyncset.done $0x0  }
0x36: {  	s28 =	sadd.s32 $0xFFFFFF80, s25;
	[sflag:s16] =	ssyncadd.s32 $0xFFFFF800  }
0x37: {  	[spmem:s2] =	stream.indirect.scatter.add.f32 [tilespmem:s13], [sflag:$0x3], $0x10, s28, s17, $0xb8;
	[tilespmem:$0x7300] =	vst v63  }
0x38: {  	_ =	swait.ge [sflag:s18], $0x800  }
0x39: {  	[sflag:s18] =	ssyncset.done $0x0  }
0x3a: {  	[sflag:s18] =	ssyncadd.s32 $0xFFFFF800  }
0x3b: {  	[spmem:s2] =	stream.indirect.scatter.add.f32 [tilespmem:s14], [sflag:$0x4], $0x10, s25, s17, $0xb8;
	[tilespmem:$0x7300] =	vst v63  }
0x3c: {  	_ =	swait.ge [sflag:s19], $0x800  }
0x3d: {  	[sflag:s19] =	ssyncset.done $0x0  }
.Ltmp1:
0x3e: {  	s28 =	sadd.s32 s26, s11;
	[sflag:s19] =	ssyncadd.s32 $0xFFFFF800;
	(pc) =	sbr.rel @p0 .LBB2_4-.Ltmp1, $4  }
0x3f: {  	[tilespmem:s13], [sflag:$0x1] =	stream.linear.gather [hbm4b:s28+s3], $0x800, $0x38;
	[tilespmem:$0x7300] =	vst v63  }
0x40: {  	_ =	swait.ge [sflag:s20], $0x800  }
0x41: {  	[sflag:s20] =	ssyncset.done $0x0  }
0x42: {  	s26 =	sadd.s32 s26, s10;
	s25 =	sadd.s32 $0x100, s25;
	[sflag:s20] =	ssyncadd.s32 $0xFFFFF800  }
0x43: {  	[tilespmem:s14], [sflag:$0x2] =	stream.linear.gather [hbm4b:s26+s3], $0x800, $0x38;
	[tilespmem:$0x7300] =	vst v63  }
0x44: {  	_ =	swait.ge [sflag:s16], $0x800  }
0x45: {  	[sflag:s16] =	ssyncset.done $0x0  }
0x46: {  	[sflag:s16] =	ssyncadd.s32 $0xFFFFF800  }
0x47: {  	[spmem:s2] =	stream.indirect.scatter.add.f32 [tilespmem:s13], [sflag:$0x3], $0x10, s21, s17, $0xb8;
	[tilespmem:$0x7300] =	vst v63  }
0x48: {  	_ =	swait.ge [sflag:s18], $0x800  }
0x49: {  	[sflag:s18] =	ssyncset.done $0x0  }
0x4a: {  	[sflag:s18] =	ssyncadd.s32 $0xFFFFF800  }
0x4b: {  	[spmem:s2] =	stream.indirect.scatter.add.f32 [tilespmem:s14], [sflag:$0x4], $0x10, s22, s17, $0xb8;
	[tilespmem:$0x7300] =	vst v63  }
0x4c: {  	_ =	swait.ge [sflag:s19], $0x800  }
0x4d: {  	[sflag:s19] =	ssyncset.done $0x0  }
0x4e: {  	[sflag:s19] =	ssyncadd.s32 $0xFFFFF800  }
0x4f: {  	_ =	swait.ge [sflag:s20], $0x800  }
0x50: {  	[sflag:s20] =	ssyncset.done $0x0  }
0x51: {  	[sflag:s20] =	ssyncadd.s32 $0xFFFFF800  }
0x52: {  	[bflag:$0x0] =	sbarrier.arrive $0xFFFF  }
0x53: {  	[tilespmem:s15], [sflag:$0x5] =	stream.linear.gather [spmem:s7], $0x2780, $0x38;
	[tilespmem:$0x7300] =	vst v63  }
0x54: {  	s23 =	sadd.s32 $0x1, s23;
	_ =	swait.ge [sflag:s12], $0x2780  }
0x55: {  	p0 =	sne.s32 s23, s9;
	[sflag:s12] =	ssyncset.done $0x0  }
.Ltmp2:
0x56: {  	[sflag:s12] =	ssyncadd.s32 $0xFFFFD880;
	(pc) =	sbr.rel @p0 .LBB2_1-.Ltmp2, $4  }
0x57: {  	[hbm4b:s8+s3] =	stream.linear.scatter [tilespmem:s15], [sflag:$0x5], $0x2780, $0x38;
	[tilespmem:$0x7300] =	vst v63  }
0x58: {  	_ =	swait.ge [sflag:s12], $0x2780  }
0x59: {  	[sflag:s12] =	ssyncset.done $0x0  }
0x5a: {  	[sflag:s12] =	ssyncadd.s32 $0xFFFFD880  }
0x5b: {  	_ =	sfence.sel $0x180000  }
0x5c: {  	[bflag:$0x0] =	sbarrier.arrive $0xFFFF  }
0x5d: {  	p0 =	sne.s32 s0, $0x0;
	_ =	strace $0x90000056  }
0x5e: {  	s0 =	sadd.s32 @!p0 $0x100000, s1;
	[bflag:$0x2] =	sbarrier.arrive $0xFFFF  }
0x5f: {  	[sflag:s0] =	ssyncadd.tile.s32 @!p0 $0x1;
	_ =	shalt  }
.Lfunc_end2:
_tile_overlayer_lowered:
.L_overlay_start_2:
0x60: {  	(tag) =	ssettag $0x2  }
0x61: {  	s0 =	rddreg [dreg:$0x0];
	s2 =	stileid.u32  }
0x62: {  	s1 =	rddreg [dreg:$0x1];
	p0 =	sne.s32 s2, $0x0  }
0x63: {  	s3 =	rddreg [dreg:$0x2];
	[bflag:$0x3] =	sbarrier.arrive $0xFFFF;
	s2 =	simm.s32 @!p0 $0x1C05  }
0x64: {  	[timem:s3], [sflag:s2] =	dma.local @!p0 [hbm:s0], s1  }
0x65: {  	s0 =	simm.s32 @!p0 $0x5  }
0x66: {  	_ =	swait.ge @!p0 [sflag:s0], s1  }
0x67: {  	s1 =	ssub.s32 @!p0 $0x0, s1;
	[sflag:s0] =	ssyncset.done @!p0 $0x0  }
0x68: {  	[sflag:s0] =	ssyncadd.s32 @!p0 s1  }
0x69: {  	[bflag:$0x3] =	sbarrier.arrive $0xFFFF  }
0x6a: {  	_ =	shalt  }

</sc_bundles>
